<compile_context>
chip_gen: v7x
topology: tpu7x:2x2x1
jax: 0.10.2.dev20260603
libtpu: 0.0.44.dev20260713+nightly
codegen_flags: <defaults>
</compile_context>

<pallas_src>
import functools

import jax
import jax.numpy as jnp
from jax import lax
from jax.experimental import pallas as pl
from jax.experimental.pallas import tpu as pltpu
from jax.experimental.pallas import tpu_sc as plsc

_NC = 2
_NS = 16
_NW = _NC * _NS
_LANES = 16


def _sc_embed_ln(ids3d, bias, gb, table, B, L, D):
    n_tokens = B * L
    chunk = 128
    per_w = n_tokens // _NW
    n_chunks = per_w // chunk
    pairs = chunk // 2
    nk = D // _LANES

    mesh = plsc.VectorSubcoreMesh(core_axis_name="c", subcore_axis_name="s")

    def lane_sum(v):
        dnums = lax.GatherDimensionNumbers(
            offset_dims=(), collapsed_slice_dims=(0,), start_index_map=(0,))
        for step in (8, 4, 2, 1):
            idx = jnp.arange(16, dtype=jnp.int32) ^ step
            v = v + lax.gather(
                v, idx[:, None], dnums, slice_sizes=(1,),
                mode=lax.GatherScatterMode.PROMISE_IN_BOUNDS)
        return v

    NG = 4
    NS = 2

    @functools.partial(
        pl.kernel,
        mesh=mesh,
        compiler_params=pltpu.CompilerParams(use_tc_tiling_on_sc=False),
        out_type=jax.ShapeDtypeStruct((n_tokens * D // 128, 128), jnp.float32),
        scratch_types=(
            [
                pltpu.VMEM((n_chunks, chunk), jnp.int32),
                pltpu.VMEM((L, D), jnp.float32),
                pltpu.VMEM((2, D), jnp.float32),
            ]
            + [pltpu.VMEM((chunk, D), jnp.float32)] * NG
            + [pltpu.VMEM((pairs, 2 * D), jnp.float32)] * NS
            + [pltpu.SemaphoreType.DMA] * (NG + NS)
        ),
    )
    def k(ids_hbm, bias_hbm, gb_hbm, table_hbm, out_hbm, idx_v, bias_v, gb_v,
          *scr):
        gbufs = scr[:NG]
        sbufs = scr[NG:NG + NS]
        gsems = scr[NG + NS:2 * NG + NS]
        ssems = scr[2 * NG + NS:]
        cid = lax.axis_index("c")
        sid = lax.axis_index("s")
        wid = sid * _NC + cid
        pltpu.sync_copy(ids_hbm.at[wid], idx_v)
        pltpu.sync_copy(bias_hbm, bias_v)
        pltpu.sync_copy(gb_hbm, gb_v)

        gam = [gb_v[0, pl.ds(16 * j, 16)] for j in range(nk)]
        bet = [gb_v[1, pl.ds(16 * j, 16)] for j in range(nk)]

        out_rows_per_chunk = chunk * D // 128

        def gstart(c, buf, gsem):
            pltpu.make_async_copy(table_hbm.at[idx_v.at[c]], buf, gsem).start()

        def gwait(buf, gsem):
            pltpu.make_async_copy(table_hbm.at[idx_v.at[0]], buf, gsem).wait()

        def sstart(c, buf, ssem):
            dst = out_hbm.at[pl.ds((wid * n_chunks + c) * out_rows_per_chunk,
                                   out_rows_per_chunk)]
            pltpu.make_async_copy(buf, dst, ssem).start()

        def swait(buf, ssem):
            dst = out_hbm.at[pl.ds(0, out_rows_per_chunk)]
            pltpu.make_async_copy(buf, dst, ssem).wait()

        def ln_one(x, bias_l):
            y = [x[j] + bias_l[j] for j in range(nk)]
            s = (y[0] + y[1]) + (y[2] + y[3])
            sq = (y[0] * y[0] + y[1] * y[1]) + (y[2] * y[2] + y[3] * y[3])
            tot_v = lane_sum(s)
            tot2_v = lane_sum(sq)
            mean = tot_v * (1.0 / D)
            var = tot2_v * (1.0 / D) - mean * mean
            xin = var + 1e-12
            i32 = lax.bitcast_convert_type(xin, jnp.int32)
            r = lax.bitcast_convert_type(
                jnp.int32(0x5F3759DF) - (i32 >> 1), jnp.float32)
            xh = xin * 0.5
            for _ in range(2):
                r = r * (1.5 - xh * r * r)
            return [(y[j] - mean) * (r * gam[j]) + bet[j] for j in range(nk)]

        def compute(c, gbuf, sbuf):
            base_l = lax.rem(c * chunk, L)

            def pair_body(g, l0):
                l1 = l0 + 1
                l1 = lax.select(l1 == L, 0, l1)
                t0 = 2 * g
                t1 = t0 + 1
                x0 = [gbuf[t0, pl.ds(16 * j, 16)] for j in range(nk)]
                x1 = [gbuf[t1, pl.ds(16 * j, 16)] for j in range(nk)]
                b0 = [bias_v[l0, pl.ds(16 * j, 16)] for j in range(nk)]
                b1 = [bias_v[l1, pl.ds(16 * j, 16)] for j in range(nk)]
                o0 = ln_one(x0, b0)
                o1 = ln_one(x1, b1)
                for j in range(nk):
                    sbuf[g, pl.ds(16 * j, 16)] = o0[j]
                    sbuf[g, pl.ds(D + 16 * j, 16)] = o1[j]
                l2 = l1 + 1
                return lax.select(l2 == L, 0, l2)

            lax.fori_loop(0, pairs, pair_body, base_l, unroll=2)

        gb = tuple(zip(gbufs, gsems))
        sb = tuple(zip(sbufs, ssems))
        for p in range(NG - 1):
            gstart(p, *gb[p])

        def ring_body(q, carry):
            for b in range(NG):
                c = NG * q + b

                @pl.when(c >= NS)
                def _():
                    swait(*sb[b % NS])

                @pl.when(c + NG - 1 < n_chunks)
                def _():
                    gstart(c + NG - 1, *gb[(b + NG - 1) % NG])

                gwait(*gb[b])
                compute(c, gb[b][0], sb[b % NS][0])
                sstart(c, *sb[b % NS])
            return carry

        lax.fori_loop(0, n_chunks // NG, ring_body, 0)
        for c in range(n_chunks - n_chunks % NG, n_chunks):
            swait(*sb[c % NS])
            gwait(*gb[c % NG])
            compute(c, gb[c % NG][0], sb[c % NS][0])
            sstart(c, *sb[c % NS])
        for i in range(NS):
            swait(*sb[i])

    return k(ids3d, bias, gb, table)


def kernel(input_ids, word_embeddings, position_embeddings, segment_embeddings,
           ln_gamma, ln_beta):
    B, L = input_ids.shape
    V, D = word_embeddings.shape
    ids = input_ids.astype(jnp.int32).reshape(_NW, B * L // (128 * _NW), 128)
    bias = position_embeddings[:L] + segment_embeddings[0][None, :]
    gb = jnp.stack([ln_gamma, ln_beta])
    out = _sc_embed_ln(ids, bias, gb, word_embeddings, B, L, D)
    return out.reshape(B, L, D)

# --- scband reference (transcript-rebuilt; emitter-appended) ---
"""Pipeline reference for scband-input-embeddings-12756052869150 (READ-ONLY COPY).

The authoritative reference and input builder live on the scoring server;
editing this copy changes nothing except your own understanding.
"""

import jax, jax.numpy as jnp
import numpy as np

VOCAB = 100000
D_MODEL = 64
MAX_POS = 512
SEG_VOCAB = 2
EPS = 1e-12
B = 1024
L = 200


def setup_inputs(seed: int = 0) -> dict:
    key = jax.random.key(seed)
    k1, k2, k3, k4 = jax.random.split(key, 4)
    input_ids = jax.random.randint(k1, (B, L), 0, VOCAB, dtype=jnp.int64 if jax.config.jax_enable_x64 else jnp.int32)
    word_embeddings = jax.random.normal(k2, (VOCAB, D_MODEL), dtype=jnp.float32) * 0.02
    position_embeddings = jax.random.normal(k3, (MAX_POS, D_MODEL), dtype=jnp.float32) * 0.02
    segment_embeddings = jax.random.normal(k4, (SEG_VOCAB, D_MODEL), dtype=jnp.float32) * 0.02
    ln_gamma = jnp.ones((D_MODEL,), dtype=jnp.float32)
    ln_beta = jnp.zeros((D_MODEL,), dtype=jnp.float32)
    return {
        "input_ids": input_ids,
        "word_embeddings": word_embeddings,
        "position_embeddings": position_embeddings,
        "segment_embeddings": segment_embeddings,
        "ln_gamma": ln_gamma,
        "ln_beta": ln_beta,
    }


def _layernorm(x, gamma, beta):
    mu = jnp.mean(x, axis=-1, keepdims=True)
    var = jnp.mean((x - mu) ** 2, axis=-1, keepdims=True)
    xhat = (x - mu) / jnp.sqrt(var + EPS)
    return xhat * gamma + beta


def reference(input_ids, word_embeddings, position_embeddings, segment_embeddings, ln_gamma, ln_beta):
    batch_size, seq_length = input_ids.shape
    # word embedding lookup (gather)
    input_embeds = jnp.take(word_embeddings, input_ids, axis=0)
    # default position ids: arange, expanded over batch
    position_ids = jnp.arange(seq_length, dtype=jnp.int32)
    pos_emb = jnp.take(position_embeddings, position_ids, axis=0)[None, :, :]
    # default segment ids: zeros
    segment_ids = jnp.zeros((batch_size, seq_length), dtype=jnp.int32)
    seg_emb = jnp.take(segment_embeddings, segment_ids, axis=0)
    embeddings = input_embeds + seg_emb + pos_emb
    embeddings = _layernorm(embeddings, ln_gamma, ln_beta)
    # dropout is identity in eval mode
    return embeddings

if __name__ == "__main__":
    import jax
    _d = setup_inputs()
    print(jax.jit(kernel)(*tuple(_d.values())))

</pallas_src>

<mosaic_0001>
#map = affine_map<(d0, d1) -> (0, 0, 0)>
#map1 = affine_map<(d0, d1) -> (0, 0)>
module attributes {stable_mosaic.version = 14 : i64} {
  func.func @k(%arg0: i32, %arg1: i32, %arg2: memref<32x50x128xi32, #tpu.memory_space<hbm>>, %arg3: memref<200x64xf32, #tpu.memory_space<hbm>>, %arg4: memref<2x64xf32, #tpu.memory_space<hbm>>, %arg5: memref<100000x64xf32, #tpu.memory_space<hbm>>, %arg6: memref<102400x128xf32, #tpu.memory_space<hbm>>, %arg7: memref<50x128xi32, #tpu.memory_space<vmem>>, %arg8: memref<200x64xf32, #tpu.memory_space<vmem>>, %arg9: memref<2x64xf32, #tpu.memory_space<vmem>>, %arg10: memref<128x64xf32, #tpu.memory_space<vmem>>, %arg11: memref<128x64xf32, #tpu.memory_space<vmem>>, %arg12: memref<128x64xf32, #tpu.memory_space<vmem>>, %arg13: memref<128x64xf32, #tpu.memory_space<vmem>>, %arg14: memref<64x128xf32, #tpu.memory_space<vmem>>, %arg15: memref<64x128xf32, #tpu.memory_space<vmem>>, %arg16: memref<!tpu.dma_semaphore, #tpu.memory_space<semaphore_mem>>, %arg17: memref<!tpu.dma_semaphore, #tpu.memory_space<semaphore_mem>>, %arg18: memref<!tpu.dma_semaphore, #tpu.memory_space<semaphore_mem>>, %arg19: memref<!tpu.dma_semaphore, #tpu.memory_space<semaphore_mem>>, %arg20: memref<!tpu.dma_semaphore, #tpu.memory_space<semaphore_mem>>, %arg21: memref<!tpu.dma_semaphore, #tpu.memory_space<semaphore_mem>>) attributes {dimension_semantics = [#tpu.dimension_semantics<core_parallel>, #tpu.dimension_semantics<subcore_parallel>], iteration_bounds = array<i64: 2, 16>, scalar_prefetch = 0 : i64, scratch_operands = 15 : i64, tpu.core_type = #tpu.core_type<sc_vector_subcore>, window_params = [{transform_indices = #map}, {transform_indices = #map1}, {transform_indices = #map1}, {transform_indices = #map1}, {transform_indices = #map1}]} {
    %mul3A = arith.constant 2 : i32
    %mul3A_0 = arith.muli %arg1, %mul3A : i32
    %add3A = arith.addi %mul3A_0, %arg0 : i32
    "tpu.region"() ({
      %run_scoped3A = tpu.sem_alloc : memref<!tpu.dma_semaphore, #tpu.memory_space<semaphore_mem>>
      %dma_start3A_139 = arith.constant 0 : i32
      %dma_start3A_140 = arith.constant 0 : i32
      %dma_start3A_141 = tpu.memref_slice %arg2[%add3A, %dma_start3A_139, %dma_start3A_140] : memref<32x50x128xi32, #tpu.memory_space<hbm>> -> memref<1x50x128xi32, #tpu.memory_space<hbm>>
      %dma_start3A_142 = tpu.memref_squeeze %dma_start3A_141 : memref<1x50x128xi32, #tpu.memory_space<hbm>> -> memref<50x128xi32, #tpu.memory_space<hbm>>
      %dma_start3A_143 = arith.constant 0 : i32
      %dma_start3A_144 = arith.constant 0 : i32
      %dma_start3A_145 = tpu.memref_slice %arg2[%add3A, %dma_start3A_143, %dma_start3A_144] : memref<32x50x128xi32, #tpu.memory_space<hbm>> -> memref<1x50x128xi32, #tpu.memory_space<hbm>>
      %dma_start3A_146 = tpu.memref_squeeze %dma_start3A_145 : memref<1x50x128xi32, #tpu.memory_space<hbm>> -> memref<50x128xi32, #tpu.memory_space<hbm>>
      tpu.enqueue_dma source(%dma_start3A_146 : memref<50x128xi32, #tpu.memory_space<hbm>>) target(%arg7 : memref<50x128xi32, #tpu.memory_space<vmem>>) target_semaphore(%run_scoped3A : memref<!tpu.dma_semaphore, #tpu.memory_space<semaphore_mem>>)
      %dma_wait3A_147 = arith.constant 0 : i32
      %dma_wait3A_148 = arith.constant 0 : i32
      %dma_wait3A_149 = tpu.memref_slice %arg2[%add3A, %dma_wait3A_147, %dma_wait3A_148] : memref<32x50x128xi32, #tpu.memory_space<hbm>> -> memref<1x50x128xi32, #tpu.memory_space<hbm>>
      %dma_wait3A_150 = tpu.memref_squeeze %dma_wait3A_149 : memref<1x50x128xi32, #tpu.memory_space<hbm>> -> memref<50x128xi32, #tpu.memory_space<hbm>>
      %dma_wait3A_151 = arith.constant 0 : i32
      %dma_wait3A_152 = arith.constant 0 : i32
      %dma_wait3A_153 = tpu.memref_slice %arg2[%add3A, %dma_wait3A_151, %dma_wait3A_152] : memref<32x50x128xi32, #tpu.memory_space<hbm>> -> memref<1x50x128xi32, #tpu.memory_space<hbm>>
      %dma_wait3A_154 = tpu.memref_squeeze %dma_wait3A_153 : memref<1x50x128xi32, #tpu.memory_space<hbm>> -> memref<50x128xi32, #tpu.memory_space<hbm>>
      tpu.wait_dma2 semaphore(%run_scoped3A : memref<!tpu.dma_semaphore, #tpu.memory_space<semaphore_mem>>) src(%dma_wait3A_154 : memref<50x128xi32, #tpu.memory_space<hbm>>) dst(%arg7 : memref<50x128xi32, #tpu.memory_space<vmem>>)
      tpu.yield
    }) : () -> ()
    "tpu.region"() ({
      %run_scoped3A = tpu.sem_alloc : memref<!tpu.dma_semaphore, #tpu.memory_space<semaphore_mem>>
      tpu.enqueue_dma source(%arg3 : memref<200x64xf32, #tpu.memory_space<hbm>>) target(%arg8 : memref<200x64xf32, #tpu.memory_space<vmem>>) target_semaphore(%run_scoped3A : memref<!tpu.dma_semaphore, #tpu.memory_space<semaphore_mem>>)
      tpu.wait_dma2 semaphore(%run_scoped3A : memref<!tpu.dma_semaphore, #tpu.memory_space<semaphore_mem>>) src(%arg3 : memref<200x64xf32, #tpu.memory_space<hbm>>) dst(%arg8 : memref<200x64xf32, #tpu.memory_space<vmem>>)
      tpu.yield
    }) : () -> ()
    "tpu.region"() ({
      %run_scoped3A = tpu.sem_alloc : memref<!tpu.dma_semaphore, #tpu.memory_space<semaphore_mem>>
      tpu.enqueue_dma source(%arg4 : memref<2x64xf32, #tpu.memory_space<hbm>>) target(%arg9 : memref<2x64xf32, #tpu.memory_space<vmem>>) target_semaphore(%run_scoped3A : memref<!tpu.dma_semaphore, #tpu.memory_space<semaphore_mem>>)
      tpu.wait_dma2 semaphore(%run_scoped3A : memref<!tpu.dma_semaphore, #tpu.memory_space<semaphore_mem>>) src(%arg4 : memref<2x64xf32, #tpu.memory_space<hbm>>) dst(%arg9 : memref<2x64xf32, #tpu.memory_space<vmem>>)
      tpu.yield
    }) : () -> ()
    %get3A = arith.constant 0 : i32
    %get3A_1 = arith.index_cast %get3A : i32 to index
    %get3A_2 = arith.constant 0 : index
    %get3A_3 = tpu.vector_load %arg9[%get3A_1, %get3A_2] {strides = array<i32>} : memref<2x64xf32, #tpu.memory_space<vmem>>, vector<1x16xf32>,
    %get3A_4 = vector.shape_cast %get3A_3 : vector<1x16xf32> to vector<16xf32>
    %get3A_5 = arith.constant 0 : i32
    %get3A_6 = arith.index_cast %get3A_5 : i32 to index
    %get3A_7 = arith.constant 16 : index
    %get3A_8 = tpu.vector_load %arg9[%get3A_6, %get3A_7] {strides = array<i32>} : memref<2x64xf32, #tpu.memory_space<vmem>>, vector<1x16xf32>,
    %get3A_9 = vector.shape_cast %get3A_8 : vector<1x16xf32> to vector<16xf32>
    %get3A_10 = arith.constant 0 : i32
    %get3A_11 = arith.index_cast %get3A_10 : i32 to index
    %get3A_12 = arith.constant 32 : index
    %get3A_13 = tpu.vector_load %arg9[%get3A_11, %get3A_12] {strides = array<i32>} : memref<2x64xf32, #tpu.memory_space<vmem>>, vector<1x16xf32>,
    %get3A_14 = vector.shape_cast %get3A_13 : vector<1x16xf32> to vector<16xf32>
    %get3A_15 = arith.constant 0 : i32
    %get3A_16 = arith.index_cast %get3A_15 : i32 to index
    %get3A_17 = arith.constant 48 : index
    %get3A_18 = tpu.vector_load %arg9[%get3A_16, %get3A_17] {strides = array<i32>} : memref<2x64xf32, #tpu.memory_space<vmem>>, vector<1x16xf32>,
    %get3A_19 = vector.shape_cast %get3A_18 : vector<1x16xf32> to vector<16xf32>
    %get3A_20 = arith.constant 1 : i32
    %get3A_21 = arith.index_cast %get3A_20 : i32 to index
    %get3A_22 = arith.constant 0 : index
    %get3A_23 = tpu.vector_load %arg9[%get3A_21, %get3A_22] {strides = array<i32>} : memref<2x64xf32, #tpu.memory_space<vmem>>, vector<1x16xf32>,
    %get3A_24 = vector.shape_cast %get3A_23 : vector<1x16xf32> to vector<16xf32>
    %get3A_25 = arith.constant 1 : i32
    %get3A_26 = arith.index_cast %get3A_25 : i32 to index
    %get3A_27 = arith.constant 16 : index
    %get3A_28 = tpu.vector_load %arg9[%get3A_26, %get3A_27] {strides = array<i32>} : memref<2x64xf32, #tpu.memory_space<vmem>>, vector<1x16xf32>,
    %get3A_29 = vector.shape_cast %get3A_28 : vector<1x16xf32> to vector<16xf32>
    %get3A_30 = arith.constant 1 : i32
    %get3A_31 = arith.index_cast %get3A_30 : i32 to index
    %get3A_32 = arith.constant 32 : index
    %get3A_33 = tpu.vector_load %arg9[%get3A_31, %get3A_32] {strides = array<i32>} : memref<2x64xf32, #tpu.memory_space<vmem>>, vector<1x16xf32>,
    %get3A_34 = vector.shape_cast %get3A_33 : vector<1x16xf32> to vector<16xf32>
    %get3A_35 = arith.constant 1 : i32
    %get3A_36 = arith.index_cast %get3A_35 : i32 to index
    %get3A_37 = arith.constant 48 : index
    %get3A_38 = tpu.vector_load %arg9[%get3A_36, %get3A_37] {strides = array<i32>} : memref<2x64xf32, #tpu.memory_space<vmem>>, vector<1x16xf32>,
    %get3A_39 = vector.shape_cast %get3A_38 : vector<1x16xf32> to vector<16xf32>
    %dma_start3A = arith.constant 0 : i32
    %dma_start3A_40 = arith.constant 0 : i32
    %dma_start3A_41 = tpu.memref_slice %arg7[%dma_start3A, %dma_start3A_40] : memref<50x128xi32, #tpu.memory_space<vmem>> -> memref<1x128xi32, #tpu.memory_space<vmem>>
    %dma_start3A_42 = tpu.memref_squeeze %dma_start3A_41 : memref<1x128xi32, #tpu.memory_space<vmem>> -> memref<128xi32, #tpu.memory_space<vmem>>
    %dma_start3A_43 = arith.constant 0 : i32
    %dma_start3A_44 = arith.constant 0 : i32
    %dma_start3A_45 = tpu.memref_slice %arg5[%dma_start3A_43, %dma_start3A_44] : memref<100000x64xf32, #tpu.memory_space<hbm>> -> memref<100000x64xf32, #tpu.memory_space<hbm>>
    tpu.enqueue_indirect_dma source(%dma_start3A_45 : memref<100000x64xf32, #tpu.memory_space<hbm>>) target(%arg10 : memref<128x64xf32, #tpu.memory_space<vmem>>) offsets(%dma_start3A_42 : memref<128xi32, #tpu.memory_space<vmem>>) semaphore(%arg16 : memref<!tpu.dma_semaphore, #tpu.memory_space<semaphore_mem>>)
    %dma_start3A_46 = arith.constant 1 : i32
    %dma_start3A_47 = arith.constant 0 : i32
    %dma_start3A_48 = tpu.memref_slice %arg7[%dma_start3A_46, %dma_start3A_47] : memref<50x128xi32, #tpu.memory_space<vmem>> -> memref<1x128xi32, #tpu.memory_space<vmem>>
    %dma_start3A_49 = tpu.memref_squeeze %dma_start3A_48 : memref<1x128xi32, #tpu.memory_space<vmem>> -> memref<128xi32, #tpu.memory_space<vmem>>
    %dma_start3A_50 = arith.constant 0 : i32
    %dma_start3A_51 = arith.constant 0 : i32
    %dma_start3A_52 = tpu.memref_slice %arg5[%dma_start3A_50, %dma_start3A_51] : memref<100000x64xf32, #tpu.memory_space<hbm>> -> memref<100000x64xf32, #tpu.memory_space<hbm>>
    tpu.enqueue_indirect_dma source(%dma_start3A_52 : memref<100000x64xf32, #tpu.memory_space<hbm>>) target(%arg11 : memref<128x64xf32, #tpu.memory_space<vmem>>) offsets(%dma_start3A_49 : memref<128xi32, #tpu.memory_space<vmem>>) semaphore(%arg17 : memref<!tpu.dma_semaphore, #tpu.memory_space<semaphore_mem>>)
    %dma_start3A_53 = arith.constant 2 : i32
    %dma_start3A_54 = arith.constant 0 : i32
    %dma_start3A_55 = tpu.memref_slice %arg7[%dma_start3A_53, %dma_start3A_54] : memref<50x128xi32, #tpu.memory_space<vmem>> -> memref<1x128xi32, #tpu.memory_space<vmem>>
    %dma_start3A_56 = tpu.memref_squeeze %dma_start3A_55 : memref<1x128xi32, #tpu.memory_space<vmem>> -> memref<128xi32, #tpu.memory_space<vmem>>
    %dma_start3A_57 = arith.constant 0 : i32
    %dma_start3A_58 = arith.constant 0 : i32
    %dma_start3A_59 = tpu.memref_slice %arg5[%dma_start3A_57, %dma_start3A_58] : memref<100000x64xf32, #tpu.memory_space<hbm>> -> memref<100000x64xf32, #tpu.memory_space<hbm>>
    tpu.enqueue_indirect_dma source(%dma_start3A_59 : memref<100000x64xf32, #tpu.memory_space<hbm>>) target(%arg12 : memref<128x64xf32, #tpu.memory_space<vmem>>) offsets(%dma_start3A_56 : memref<128xi32, #tpu.memory_space<vmem>>) semaphore(%arg18 : memref<!tpu.dma_semaphore, #tpu.memory_space<semaphore_mem>>)
    %scan3A = arith.constant 0 : i32
    %scan3A_60 = arith.constant 0 : i32
    %scan3A_61 = arith.constant 12 : i32
    %scan3A_62 = arith.addi %scan3A_60, %scan3A_61 : i32
    %scan3A_63 = arith.constant 1 : i32
    scf.for %scan3A_139 = %scan3A_60 to %scan3A_62 step %scan3A_63  : i32 {
      %mul3A_140 = arith.constant 4 : i32
      %mul3A_141 = arith.muli %mul3A_140, %scan3A_139 : i32
      %add3A_142 = arith.constant 0 : i32
      %add3A_143 = arith.addi %mul3A_141, %add3A_142 : i32
      %ge3A = arith.constant 2 : i32
      %ge3A_144 = arith.cmpi sge, %add3A_143, %ge3A : i32
      %convert_element_type3A = arith.extui %ge3A_144 : i1 to i32
      %cond3A = arith.constant 0 : i32
      %cond3A_145 = arith.cmpi ne, %convert_element_type3A, %cond3A : i32
      scf.if %cond3A_145 {
        %dma_wait3A_311 = arith.constant 0 : i32
        %dma_wait3A_312 = arith.constant 0 : i32
        %dma_wait3A_313 = tpu.memref_slice %arg6[%dma_wait3A_311, %dma_wait3A_312] : memref<102400x128xf32, #tpu.memory_space<hbm>> -> memref<64x128xf32, #tpu.memory_space<hbm>>
        %dma_wait3A_314 = arith.constant 0 : i32
        %dma_wait3A_315 = arith.constant 0 : i32
        %dma_wait3A_316 = tpu.memref_slice %arg6[%dma_wait3A_314, %dma_wait3A_315] : memref<102400x128xf32, #tpu.memory_space<hbm>> -> memref<64x128xf32, #tpu.memory_space<hbm>>
        tpu.wait_dma2 semaphore(%arg20 : memref<!tpu.dma_semaphore, #tpu.memory_space<semaphore_mem>>) src(%arg14 : memref<64x128xf32, #tpu.memory_space<vmem>>) dst(%dma_wait3A_316 : memref<64x128xf32, #tpu.memory_space<hbm>>)
      } else {
      }
      %add3A_146 = arith.constant 4 : i32
      %add3A_147 = arith.addi %add3A_143, %add3A_146 : i32
      %sub3A = arith.constant 1 : i32
      %sub3A_148 = arith.subi %add3A_147, %sub3A : i32
      %lt3A = arith.constant 50 : i32
      %lt3A_149 = arith.cmpi slt, %sub3A_148, %lt3A : i32
      %convert_element_type3A_150 = arith.extui %lt3A_149 : i1 to i32
      %cond3A_151 = arith.constant 0 : i32
      %cond3A_152 = arith.cmpi ne, %convert_element_type3A_150, %cond3A_151 : i32
      scf.if %cond3A_152 {
        %add3A_311 = arith.constant 4 : i32
        %add3A_312 = arith.addi %add3A_143, %add3A_311 : i32
        %sub3A_313 = arith.constant 1 : i32
        %sub3A_314 = arith.subi %add3A_312, %sub3A_313 : i32
        %dma_start3A_315 = arith.constant 0 : i32
        %dma_start3A_316 = tpu.memref_slice %arg7[%sub3A_314, %dma_start3A_315] : memref<50x128xi32, #tpu.memory_space<vmem>> -> memref<1x128xi32, #tpu.memory_space<vmem>>
        %dma_start3A_317 = tpu.memref_squeeze %dma_start3A_316 : memref<1x128xi32, #tpu.memory_space<vmem>> -> memref<128xi32, #tpu.memory_space<vmem>>
        %dma_start3A_318 = arith.constant 0 : i32
        %dma_start3A_319 = arith.constant 0 : i32
        %dma_start3A_320 = tpu.memref_slice %arg5[%dma_start3A_318, %dma_start3A_319] : memref<100000x64xf32, #tpu.memory_space<hbm>> -> memref<100000x64xf32, #tpu.memory_space<hbm>>
        tpu.enqueue_indirect_dma source(%dma_start3A_320 : memref<100000x64xf32, #tpu.memory_space<hbm>>) target(%arg13 : memref<128x64xf32, #tpu.memory_space<vmem>>) offsets(%dma_start3A_317 : memref<128xi32, #tpu.memory_space<vmem>>) semaphore(%arg19 : memref<!tpu.dma_semaphore, #tpu.memory_space<semaphore_mem>>)
      } else {
      }
      %dma_wait3A_153 = arith.constant 0 : i32
      %dma_wait3A_154 = arith.constant 0 : i32
      %dma_wait3A_155 = tpu.memref_slice %arg7[%dma_wait3A_153, %dma_wait3A_154] : memref<50x128xi32, #tpu.memory_space<vmem>> -> memref<1x128xi32, #tpu.memory_space<vmem>>
      %dma_wait3A_156 = tpu.memref_squeeze %dma_wait3A_155 : memref<1x128xi32, #tpu.memory_space<vmem>> -> memref<128xi32, #tpu.memory_space<vmem>>
      %dma_wait3A_157 = arith.constant 0 : i32
      %dma_wait3A_158 = arith.constant 0 : i32
      %dma_wait3A_159 = tpu.memref_slice %arg5[%dma_wait3A_157, %dma_wait3A_158] : memref<100000x64xf32, #tpu.memory_space<hbm>> -> memref<100000x64xf32, #tpu.memory_space<hbm>>
      tpu.wait_indirect_dma semaphore(%arg16 : memref<!tpu.dma_semaphore, #tpu.memory_space<semaphore_mem>>) src(%dma_wait3A_159 : memref<100000x64xf32, #tpu.memory_space<hbm>>) dst(%arg10 : memref<128x64xf32, #tpu.memory_space<vmem>>)
      %mul3A_160 = arith.constant 128 : i32
      %mul3A_161 = arith.muli %add3A_143, %mul3A_160 : i32
      %rem3A_162 = arith.constant 200 : i32
      %rem3A_163 = arith.remsi %mul3A_161, %rem3A_162 : i32
      %scan3A_164 = arith.constant 0 : i32
      %scan3A_165 = arith.constant 64 : i32
      %scan3A_166 = arith.addi %scan3A_164, %scan3A_165 : i32
      %scan3A_167 = arith.constant 2 : i32
      %scan3A_168 = scf.for %scan3A_311 = %scan3A_164 to %scan3A_166 step %scan3A_167 iter_args(%scan3A_312 = %rem3A_163) -> (i32)  : i32 {
        %add3A_313 = arith.constant 1 : i32
        %add3A_314 = arith.addi %scan3A_312, %add3A_313 : i32
        %eq3A = arith.constant 200 : i32
        %eq3A_315 = arith.cmpi eq, %add3A_314, %eq3A : i32
        %select_n3A = arith.constant 0 : i32
        %select_n3A_316 = arith.select %eq3A_315, %select_n3A, %add3A_314 : i32
        %mul3A_317 = arith.constant 2 : i32
        %mul3A_318 = arith.muli %mul3A_317, %scan3A_311 : i32
        %add3A_319 = arith.constant 1 : i32
        %add3A_320 = arith.addi %mul3A_318, %add3A_319 : i32
        %get3A_321 = arith.index_cast %mul3A_318 : i32 to index
        %get3A_322 = arith.constant 0 : index
        %get3A_323 = tpu.vector_load %arg10[%get3A_321, %get3A_322] {strides = array<i32>} : memref<128x64xf32, #tpu.memory_space<vmem>>, vector<1x16xf32>,
        %get3A_324 = vector.shape_cast %get3A_323 : vector<1x16xf32> to vector<16xf32>
        %get3A_325 = arith.index_cast %mul3A_318 : i32 to index
        %get3A_326 = arith.constant 16 : index
        %get3A_327 = tpu.vector_load %arg10[%get3A_325, %get3A_326] {strides = array<i32>} : memref<128x64xf32, #tpu.memory_space<vmem>>, vector<1x16xf32>,
        %get3A_328 = vector.shape_cast %get3A_327 : vector<1x16xf32> to vector<16xf32>
        %get3A_329 = arith.index_cast %mul3A_318 : i32 to index
        %get3A_330 = arith.constant 32 : index
        %get3A_331 = tpu.vector_load %arg10[%get3A_329, %get3A_330] {strides = array<i32>} : memref<128x64xf32, #tpu.memory_space<vmem>>, vector<1x16xf32>,
        %get3A_332 = vector.shape_cast %get3A_331 : vector<1x16xf32> to vector<16xf32>
        %get3A_333 = arith.index_cast %mul3A_318 : i32 to index
        %get3A_334 = arith.constant 48 : index
        %get3A_335 = tpu.vector_load %arg10[%get3A_333, %get3A_334] {strides = array<i32>} : memref<128x64xf32, #tpu.memory_space<vmem>>, vector<1x16xf32>,
        %get3A_336 = vector.shape_cast %get3A_335 : vector<1x16xf32> to vector<16xf32>
        %get3A_337 = arith.index_cast %add3A_320 : i32 to index
        %get3A_338 = arith.constant 0 : index
        %get3A_339 = tpu.vector_load %arg10[%get3A_337, %get3A_338] {strides = array<i32>} : memref<128x64xf32, #tpu.memory_space<vmem>>, vector<1x16xf32>,
        %get3A_340 = vector.shape_cast %get3A_339 : vector<1x16xf32> to vector<16xf32>
        %get3A_341 = arith.index_cast %add3A_320 : i32 to index
        %get3A_342 = arith.constant 16 : index
        %get3A_343 = tpu.vector_load %arg10[%get3A_341, %get3A_342] {strides = array<i32>} : memref<128x64xf32, #tpu.memory_space<vmem>>, vector<1x16xf32>,
        %get3A_344 = vector.shape_cast %get3A_343 : vector<1x16xf32> to vector<16xf32>
        %get3A_345 = arith.index_cast %add3A_320 : i32 to index
        %get3A_346 = arith.constant 32 : index
        %get3A_347 = tpu.vector_load %arg10[%get3A_345, %get3A_346] {strides = array<i32>} : memref<128x64xf32, #tpu.memory_space<vmem>>, vector<1x16xf32>,
        %get3A_348 = vector.shape_cast %get3A_347 : vector<1x16xf32> to vector<16xf32>
        %get3A_349 = arith.index_cast %add3A_320 : i32 to index
        %get3A_350 = arith.constant 48 : index
        %get3A_351 = tpu.vector_load %arg10[%get3A_349, %get3A_350] {strides = array<i32>} : memref<128x64xf32, #tpu.memory_space<vmem>>, vector<1x16xf32>,
        %get3A_352 = vector.shape_cast %get3A_351 : vector<1x16xf32> to vector<16xf32>
        %get3A_353 = arith.index_cast %scan3A_312 : i32 to index
        %get3A_354 = arith.constant 0 : index
        %get3A_355 = tpu.vector_load %arg8[%get3A_353, %get3A_354] {strides = array<i32>} : memref<200x64xf32, #tpu.memory_space<vmem>>, vector<1x16xf32>,
        %get3A_356 = vector.shape_cast %get3A_355 : vector<1x16xf32> to vector<16xf32>
        %get3A_357 = arith.index_cast %scan3A_312 : i32 to index
        %get3A_358 = arith.constant 16 : index
        %get3A_359 = tpu.vector_load %arg8[%get3A_357, %get3A_358] {strides = array<i32>} : memref<200x64xf32, #tpu.memory_space<vmem>>, vector<1x16xf32>,
        %get3A_360 = vector.shape_cast %get3A_359 : vector<1x16xf32> to vector<16xf32>
        %get3A_361 = arith.index_cast %scan3A_312 : i32 to index
        %get3A_362 = arith.constant 32 : index
        %get3A_363 = tpu.vector_load %arg8[%get3A_361, %get3A_362] {strides = array<i32>} : memref<200x64xf32, #tpu.memory_space<vmem>>, vector<1x16xf32>,
        %get3A_364 = vector.shape_cast %get3A_363 : vector<1x16xf32> to vector<16xf32>
        %get3A_365 = arith.index_cast %scan3A_312 : i32 to index
        %get3A_366 = arith.constant 48 : index
        %get3A_367 = tpu.vector_load %arg8[%get3A_365, %get3A_366] {strides = array<i32>} : memref<200x64xf32, #tpu.memory_space<vmem>>, vector<1x16xf32>,
        %get3A_368 = vector.shape_cast %get3A_367 : vector<1x16xf32> to vector<16xf32>
        %get3A_369 = arith.index_cast %select_n3A_316 : i32 to index
        %get3A_370 = arith.constant 0 : index
        %get3A_371 = tpu.vector_load %arg8[%get3A_369, %get3A_370] {strides = array<i32>} : memref<200x64xf32, #tpu.memory_space<vmem>>, vector<1x16xf32>,
        %get3A_372 = vector.shape_cast %get3A_371 : vector<1x16xf32> to vector<16xf32>
        %get3A_373 = arith.index_cast %select_n3A_316 : i32 to index
        %get3A_374 = arith.constant 16 : index
        %get3A_375 = tpu.vector_load %arg8[%get3A_373, %get3A_374] {strides = array<i32>} : memref<200x64xf32, #tpu.memory_space<vmem>>, vector<1x16xf32>,
        %get3A_376 = vector.shape_cast %get3A_375 : vector<1x16xf32> to vector<16xf32>
        %get3A_377 = arith.index_cast %select_n3A_316 : i32 to index
        %get3A_378 = arith.constant 32 : index
        %get3A_379 = tpu.vector_load %arg8[%get3A_377, %get3A_378] {strides = array<i32>} : memref<200x64xf32, #tpu.memory_space<vmem>>, vector<1x16xf32>,
        %get3A_380 = vector.shape_cast %get3A_379 : vector<1x16xf32> to vector<16xf32>
        %get3A_381 = arith.index_cast %select_n3A_316 : i32 to index
        %get3A_382 = arith.constant 48 : index
        %get3A_383 = tpu.vector_load %arg8[%get3A_381, %get3A_382] {strides = array<i32>} : memref<200x64xf32, #tpu.memory_space<vmem>>, vector<1x16xf32>,
        %get3A_384 = vector.shape_cast %get3A_383 : vector<1x16xf32> to vector<16xf32>
        %add3A_385 = arith.addf %get3A_324, %get3A_356 : vector<16xf32>
        %add3A_386 = arith.addf %get3A_328, %get3A_360 : vector<16xf32>
        %add3A_387 = arith.addf %get3A_332, %get3A_364 : vector<16xf32>
        %add3A_388 = arith.addf %get3A_336, %get3A_368 : vector<16xf32>
        %add3A_389 = arith.addf %add3A_385, %add3A_386 : vector<16xf32>
        %add3A_390 = arith.addf %add3A_387, %add3A_388 : vector<16xf32>
        %add3A_391 = arith.addf %add3A_389, %add3A_390 : vector<16xf32>
        %mul3A_392 = arith.mulf %add3A_385, %add3A_385 : vector<16xf32>
        %mul3A_393 = arith.mulf %add3A_386, %add3A_386 : vector<16xf32>
        %add3A_394 = arith.addf %mul3A_392, %mul3A_393 : vector<16xf32>
        %mul3A_395 = arith.mulf %add3A_387, %add3A_387 : vector<16xf32>
        %mul3A_396 = arith.mulf %add3A_388, %add3A_388 : vector<16xf32>
        %add3A_397 = arith.addf %mul3A_395, %mul3A_396 : vector<16xf32>
        %add3A_398 = arith.addf %add3A_394, %add3A_397 : vector<16xf32>
        %iota3A = tpu.iota {dimensions = array<i32: 0>} : vector<16xi32>
        %xor3A = arith.constant 8 : i32
        %xor3A_399 = vector.broadcast %xor3A : i32 to vector<16xi32>
        %xor3A_400 = arith.xori %iota3A, %xor3A_399 : vector<16xi32>
        %broadcast_in_dim3A = vector.shape_cast %xor3A_400 : vector<16xi32> to vector<16x1xi32>
        %gather3A = vector.shape_cast %broadcast_in_dim3A : vector<16x1xi32> to vector<16xi32>
        %gather3A_401 = tpu.dynamic_gather %add3A_391[%gather3A] in [0] : vector<16xf32>, vector<16xi32> -> vector<16xf32>
        %add3A_402 = arith.addf %add3A_391, %gather3A_401 : vector<16xf32>
        %iota3A_403 = tpu.iota {dimensions = array<i32: 0>} : vector<16xi32>
        %xor3A_404 = arith.constant 4 : i32
        %xor3A_405 = vector.broadcast %xor3A_404 : i32 to vector<16xi32>
        %xor3A_406 = arith.xori %iota3A_403, %xor3A_405 : vector<16xi32>
        %broadcast_in_dim3A_407 = vector.shape_cast %xor3A_406 : vector<16xi32> to vector<16x1xi32>
        %gather3A_408 = vector.shape_cast %broadcast_in_dim3A_407 : vector<16x1xi32> to vector<16xi32>
        %gather3A_409 = tpu.dynamic_gather %add3A_402[%gather3A_408] in [0] : vector<16xf32>, vector<16xi32> -> vector<16xf32>
        %add3A_410 = arith.addf %add3A_402, %gather3A_409 : vector<16xf32>
        %iota3A_411 = tpu.iota {dimensions = array<i32: 0>} : vector<16xi32>
        %xor3A_412 = arith.constant 2 : i32
        %xor3A_413 = vector.broadcast %xor3A_412 : i32 to vector<16xi32>
        %xor3A_414 = arith.xori %iota3A_411, %xor3A_413 : vector<16xi32>
        %broadcast_in_dim3A_415 = vector.shape_cast %xor3A_414 : vector<16xi32> to vector<16x1xi32>
        %gather3A_416 = vector.shape_cast %broadcast_in_dim3A_415 : vector<16x1xi32> to vector<16xi32>
        %gather3A_417 = tpu.dynamic_gather %add3A_410[%gather3A_416] in [0] : vector<16xf32>, vector<16xi32> -> vector<16xf32>
        %add3A_418 = arith.addf %add3A_410, %gather3A_417 : vector<16xf32>
        %iota3A_419 = tpu.iota {dimensions = array<i32: 0>} : vector<16xi32>
        %xor3A_420 = arith.constant 1 : i32
        %xor3A_421 = vector.broadcast %xor3A_420 : i32 to vector<16xi32>
        %xor3A_422 = arith.xori %iota3A_419, %xor3A_421 : vector<16xi32>
        %broadcast_in_dim3A_423 = vector.shape_cast %xor3A_422 : vector<16xi32> to vector<16x1xi32>
        %gather3A_424 = vector.shape_cast %broadcast_in_dim3A_423 : vector<16x1xi32> to vector<16xi32>
        %gather3A_425 = tpu.dynamic_gather %add3A_418[%gather3A_424] in [0] : vector<16xf32>, vector<16xi32> -> vector<16xf32>
        %add3A_426 = arith.addf %add3A_418, %gather3A_425 : vector<16xf32>
        %iota3A_427 = tpu.iota {dimensions = array<i32: 0>} : vector<16xi32>
        %xor3A_428 = arith.constant 8 : i32
        %xor3A_429 = vector.broadcast %xor3A_428 : i32 to vector<16xi32>
        %xor3A_430 = arith.xori %iota3A_427, %xor3A_429 : vector<16xi32>
        %broadcast_in_dim3A_431 = vector.shape_cast %xor3A_430 : vector<16xi32> to vector<16x1xi32>
        %gather3A_432 = vector.shape_cast %broadcast_in_dim3A_431 : vector<16x1xi32> to vector<16xi32>
        %gather3A_433 = tpu.dynamic_gather %add3A_398[%gather3A_432] in [0] : vector<16xf32>, vector<16xi32> -> vector<16xf32>
        %add3A_434 = arith.addf %add3A_398, %gather3A_433 : vector<16xf32>
        %iota3A_435 = tpu.iota {dimensions = array<i32: 0>} : vector<16xi32>
        %xor3A_436 = arith.constant 4 : i32
        %xor3A_437 = vector.broadcast %xor3A_436 : i32 to vector<16xi32>
        %xor3A_438 = arith.xori %iota3A_435, %xor3A_437 : vector<16xi32>
        %broadcast_in_dim3A_439 = vector.shape_cast %xor3A_438 : vector<16xi32> to vector<16x1xi32>
        %gather3A_440 = vector.shape_cast %broadcast_in_dim3A_439 : vector<16x1xi32> to vector<16xi32>
        %gather3A_441 = tpu.dynamic_gather %add3A_434[%gather3A_440] in [0] : vector<16xf32>, vector<16xi32> -> vector<16xf32>
        %add3A_442 = arith.addf %add3A_434, %gather3A_441 : vector<16xf32>
        %iota3A_443 = tpu.iota {dimensions = array<i32: 0>} : vector<16xi32>
        %xor3A_444 = arith.constant 2 : i32
        %xor3A_445 = vector.broadcast %xor3A_444 : i32 to vector<16xi32>
        %xor3A_446 = arith.xori %iota3A_443, %xor3A_445 : vector<16xi32>
        %broadcast_in_dim3A_447 = vector.shape_cast %xor3A_446 : vector<16xi32> to vector<16x1xi32>
        %gather3A_448 = vector.shape_cast %broadcast_in_dim3A_447 : vector<16x1xi32> to vector<16xi32>
        %gather3A_449 = tpu.dynamic_gather %add3A_442[%gather3A_448] in [0] : vector<16xf32>, vector<16xi32> -> vector<16xf32>
        %add3A_450 = arith.addf %add3A_442, %gather3A_449 : vector<16xf32>
        %iota3A_451 = tpu.iota {dimensions = array<i32: 0>} : vector<16xi32>
        %xor3A_452 = arith.constant 1 : i32
        %xor3A_453 = vector.broadcast %xor3A_452 : i32 to vector<16xi32>
        %xor3A_454 = arith.xori %iota3A_451, %xor3A_453 : vector<16xi32>
        %broadcast_in_dim3A_455 = vector.shape_cast %xor3A_454 : vector<16xi32> to vector<16x1xi32>
        %gather3A_456 = vector.shape_cast %broadcast_in_dim3A_455 : vector<16x1xi32> to vector<16xi32>
        %gather3A_457 = tpu.dynamic_gather %add3A_450[%gather3A_456] in [0] : vector<16xf32>, vector<16xi32> -> vector<16xf32>
        %add3A_458 = arith.addf %add3A_450, %gather3A_457 : vector<16xf32>
        %mul3A_459 = arith.constant 1.562500e-02 : f32
        %mul3A_460 = vector.broadcast %mul3A_459 : f32 to vector<16xf32>
        %mul3A_461 = arith.mulf %add3A_426, %mul3A_460 : vector<16xf32>
        %mul3A_462 = arith.constant 1.562500e-02 : f32
        %mul3A_463 = vector.broadcast %mul3A_462 : f32 to vector<16xf32>
        %mul3A_464 = arith.mulf %add3A_458, %mul3A_463 : vector<16xf32>
        %mul3A_465 = arith.mulf %mul3A_461, %mul3A_461 : vector<16xf32>
        %sub3A_466 = arith.subf %mul3A_464, %mul3A_465 : vector<16xf32>
        %add3A_467 = arith.constant 9.99999996E-13 : f32
        %add3A_468 = vector.broadcast %add3A_467 : f32 to vector<16xf32>
        %add3A_469 = arith.addf %sub3A_466, %add3A_468 : vector<16xf32>
        %bitcast_convert_type3A = tpu.bitcast %add3A_469 : vector<16xf32> -> vector<16xi32>
        %shift_right_arithmetic3A = arith.constant 1 : i32
        %shift_right_arithmetic3A_470 = vector.broadcast %shift_right_arithmetic3A : i32 to vector<16xi32>
        %shift_right_arithmetic3A_471 = arith.shrsi %bitcast_convert_type3A, %shift_right_arithmetic3A_470 : vector<16xi32>
        %sub3A_472 = arith.constant 1597463007 : i32
        %sub3A_473 = vector.broadcast %sub3A_472 : i32 to vector<16xi32>
        %sub3A_474 = arith.subi %sub3A_473, %shift_right_arithmetic3A_471 : vector<16xi32>
        %bitcast_convert_type3A_475 = tpu.bitcast %sub3A_474 : vector<16xi32> -> vector<16xf32>
        %mul3A_476 = arith.constant 5.000000e-01 : f32
        %mul3A_477 = vector.broadcast %mul3A_476 : f32 to vector<16xf32>
        %mul3A_478 = arith.mulf %add3A_469, %mul3A_477 : vector<16xf32>
        %mul3A_479 = arith.mulf %mul3A_478, %bitcast_convert_type3A_475 : vector<16xf32>
        %mul3A_480 = arith.mulf %mul3A_479, %bitcast_convert_type3A_475 : vector<16xf32>
        %sub3A_481 = arith.constant 1.500000e+00 : f32
        %sub3A_482 = vector.broadcast %sub3A_481 : f32 to vector<16xf32>
        %sub3A_483 = arith.subf %sub3A_482, %mul3A_480 : vector<16xf32>
        %mul3A_484 = arith.mulf %bitcast_convert_type3A_475, %sub3A_483 : vector<16xf32>
        %mul3A_485 = arith.mulf %mul3A_478, %mul3A_484 : vector<16xf32>
        %mul3A_486 = arith.mulf %mul3A_485, %mul3A_484 : vector<16xf32>
        %sub3A_487 = arith.constant 1.500000e+00 : f32
        %sub3A_488 = vector.broadcast %sub3A_487 : f32 to vector<16xf32>
        %sub3A_489 = arith.subf %sub3A_488, %mul3A_486 : vector<16xf32>
        %mul3A_490 = arith.mulf %mul3A_484, %sub3A_489 : vector<16xf32>
        %sub3A_491 = arith.subf %add3A_385, %mul3A_461 : vector<16xf32>
        %mul3A_492 = arith.mulf %mul3A_490, %get3A_4 : vector<16xf32>
        %mul3A_493 = arith.mulf %sub3A_491, %mul3A_492 : vector<16xf32>
        %add3A_494 = arith.addf %mul3A_493, %get3A_24 : vector<16xf32>
        %sub3A_495 = arith.subf %add3A_386, %mul3A_461 : vector<16xf32>
        %mul3A_496 = arith.mulf %mul3A_490, %get3A_9 : vector<16xf32>
        %mul3A_497 = arith.mulf %sub3A_495, %mul3A_496 : vector<16xf32>
        %add3A_498 = arith.addf %mul3A_497, %get3A_29 : vector<16xf32>
        %sub3A_499 = arith.subf %add3A_387, %mul3A_461 : vector<16xf32>
        %mul3A_500 = arith.mulf %mul3A_490, %get3A_14 : vector<16xf32>
        %mul3A_501 = arith.mulf %sub3A_499, %mul3A_500 : vector<16xf32>
        %add3A_502 = arith.addf %mul3A_501, %get3A_34 : vector<16xf32>
        %sub3A_503 = arith.subf %add3A_388, %mul3A_461 : vector<16xf32>
        %mul3A_504 = arith.mulf %mul3A_490, %get3A_19 : vector<16xf32>
        %mul3A_505 = arith.mulf %sub3A_503, %mul3A_504 : vector<16xf32>
        %add3A_506 = arith.addf %mul3A_505, %get3A_39 : vector<16xf32>
        %add3A_507 = arith.addf %get3A_340, %get3A_372 : vector<16xf32>
        %add3A_508 = arith.addf %get3A_344, %get3A_376 : vector<16xf32>
        %add3A_509 = arith.addf %get3A_348, %get3A_380 : vector<16xf32>
        %add3A_510 = arith.addf %get3A_352, %get3A_384 : vector<16xf32>
        %add3A_511 = arith.addf %add3A_507, %add3A_508 : vector<16xf32>
        %add3A_512 = arith.addf %add3A_509, %add3A_510 : vector<16xf32>
        %add3A_513 = arith.addf %add3A_511, %add3A_512 : vector<16xf32>
        %mul3A_514 = arith.mulf %add3A_507, %add3A_507 : vector<16xf32>
        %mul3A_515 = arith.mulf %add3A_508, %add3A_508 : vector<16xf32>
        %add3A_516 = arith.addf %mul3A_514, %mul3A_515 : vector<16xf32>
        %mul3A_517 = arith.mulf %add3A_509, %add3A_509 : vector<16xf32>
        %mul3A_518 = arith.mulf %add3A_510, %add3A_510 : vector<16xf32>
        %add3A_519 = arith.addf %mul3A_517, %mul3A_518 : vector<16xf32>
        %add3A_520 = arith.addf %add3A_516, %add3A_519 : vector<16xf32>
        %iota3A_521 = tpu.iota {dimensions = array<i32: 0>} : vector<16xi32>
        %xor3A_522 = arith.constant 8 : i32
        %xor3A_523 = vector.broadcast %xor3A_522 : i32 to vector<16xi32>
        %xor3A_524 = arith.xori %iota3A_521, %xor3A_523 : vector<16xi32>
        %broadcast_in_dim3A_525 = vector.shape_cast %xor3A_524 : vector<16xi32> to vector<16x1xi32>
        %gather3A_526 = vector.shape_cast %broadcast_in_dim3A_525 : vector<16x1xi32> to vector<16xi32>
        %gather3A_527 = tpu.dynamic_gather %add3A_513[%gather3A_526] in [0] : vector<16xf32>, vector<16xi32> -> vector<16xf32>
        %add3A_528 = arith.addf %add3A_513, %gather3A_527 : vector<16xf32>
        %iota3A_529 = tpu.iota {dimensions = array<i32: 0>} : vector<16xi32>
        %xor3A_530 = arith.constant 4 : i32
        %xor3A_531 = vector.broadcast %xor3A_530 : i32 to vector<16xi32>
        %xor3A_532 = arith.xori %iota3A_529, %xor3A_531 : vector<16xi32>
        %broadcast_in_dim3A_533 = vector.shape_cast %xor3A_532 : vector<16xi32> to vector<16x1xi32>
        %gather3A_534 = vector.shape_cast %broadcast_in_dim3A_533 : vector<16x1xi32> to vector<16xi32>
        %gather3A_535 = tpu.dynamic_gather %add3A_528[%gather3A_534] in [0] : vector<16xf32>, vector<16xi32> -> vector<16xf32>
        %add3A_536 = arith.addf %add3A_528, %gather3A_535 : vector<16xf32>
        %iota3A_537 = tpu.iota {dimensions = array<i32: 0>} : vector<16xi32>
        %xor3A_538 = arith.constant 2 : i32
        %xor3A_539 = vector.broadcast %xor3A_538 : i32 to vector<16xi32>
        %xor3A_540 = arith.xori %iota3A_537, %xor3A_539 : vector<16xi32>
        %broadcast_in_dim3A_541 = vector.shape_cast %xor3A_540 : vector<16xi32> to vector<16x1xi32>
        %gather3A_542 = vector.shape_cast %broadcast_in_dim3A_541 : vector<16x1xi32> to vector<16xi32>
        %gather3A_543 = tpu.dynamic_gather %add3A_536[%gather3A_542] in [0] : vector<16xf32>, vector<16xi32> -> vector<16xf32>
        %add3A_544 = arith.addf %add3A_536, %gather3A_543 : vector<16xf32>
        %iota3A_545 = tpu.iota {dimensions = array<i32: 0>} : vector<16xi32>
        %xor3A_546 = arith.constant 1 : i32
        %xor3A_547 = vector.broadcast %xor3A_546 : i32 to vector<16xi32>
        %xor3A_548 = arith.xori %iota3A_545, %xor3A_547 : vector<16xi32>
        %broadcast_in_dim3A_549 = vector.shape_cast %xor3A_548 : vector<16xi32> to vector<16x1xi32>
        %gather3A_550 = vector.shape_cast %broadcast_in_dim3A_549 : vector<16x1xi32> to vector<16xi32>
        %gather3A_551 = tpu.dynamic_gather %add3A_544[%gather3A_550] in [0] : vector<16xf32>, vector<16xi32> -> vector<16xf32>
        %add3A_552 = arith.addf %add3A_544, %gather3A_551 : vector<16xf32>
        %iota3A_553 = tpu.iota {dimensions = array<i32: 0>} : vector<16xi32>
        %xor3A_554 = arith.constant 8 : i32
        %xor3A_555 = vector.broadcast %xor3A_554 : i32 to vector<16xi32>
        %xor3A_556 = arith.xori %iota3A_553, %xor3A_555 : vector<16xi32>
        %broadcast_in_dim3A_557 = vector.shape_cast %xor3A_556 : vector<16xi32> to vector<16x1xi32>
        %gather3A_558 = vector.shape_cast %broadcast_in_dim3A_557 : vector<16x1xi32> to vector<16xi32>
        %gather3A_559 = tpu.dynamic_gather %add3A_520[%gather3A_558] in [0] : vector<16xf32>, vector<16xi32> -> vector<16xf32>
        %add3A_560 = arith.addf %add3A_520, %gather3A_559 : vector<16xf32>
        %iota3A_561 = tpu.iota {dimensions = array<i32: 0>} : vector<16xi32>
        %xor3A_562 = arith.constant 4 : i32
        %xor3A_563 = vector.broadcast %xor3A_562 : i32 to vector<16xi32>
        %xor3A_564 = arith.xori %iota3A_561, %xor3A_563 : vector<16xi32>
        %broadcast_in_dim3A_565 = vector.shape_cast %xor3A_564 : vector<16xi32> to vector<16x1xi32>
        %gather3A_566 = vector.shape_cast %broadcast_in_dim3A_565 : vector<16x1xi32> to vector<16xi32>
        %gather3A_567 = tpu.dynamic_gather %add3A_560[%gather3A_566] in [0] : vector<16xf32>, vector<16xi32> -> vector<16xf32>
        %add3A_568 = arith.addf %add3A_560, %gather3A_567 : vector<16xf32>
        %iota3A_569 = tpu.iota {dimensions = array<i32: 0>} : vector<16xi32>
        %xor3A_570 = arith.constant 2 : i32
        %xor3A_571 = vector.broadcast %xor3A_570 : i32 to vector<16xi32>
        %xor3A_572 = arith.xori %iota3A_569, %xor3A_571 : vector<16xi32>
        %broadcast_in_dim3A_573 = vector.shape_cast %xor3A_572 : vector<16xi32> to vector<16x1xi32>
        %gather3A_574 = vector.shape_cast %broadcast_in_dim3A_573 : vector<16x1xi32> to vector<16xi32>
        %gather3A_575 = tpu.dynamic_gather %add3A_568[%gather3A_574] in [0] : vector<16xf32>, vector<16xi32> -> vector<16xf32>
        %add3A_576 = arith.addf %add3A_568, %gather3A_575 : vector<16xf32>
        %iota3A_577 = tpu.iota {dimensions = array<i32: 0>} : vector<16xi32>
        %xor3A_578 = arith.constant 1 : i32
        %xor3A_579 = vector.broadcast %xor3A_578 : i32 to vector<16xi32>
        %xor3A_580 = arith.xori %iota3A_577, %xor3A_579 : vector<16xi32>
        %broadcast_in_dim3A_581 = vector.shape_cast %xor3A_580 : vector<16xi32> to vector<16x1xi32>
        %gather3A_582 = vector.shape_cast %broadcast_in_dim3A_581 : vector<16x1xi32> to vector<16xi32>
        %gather3A_583 = tpu.dynamic_gather %add3A_576[%gather3A_582] in [0] : vector<16xf32>, vector<16xi32> -> vector<16xf32>
        %add3A_584 = arith.addf %add3A_576, %gather3A_583 : vector<16xf32>
        %mul3A_585 = arith.constant 1.562500e-02 : f32
        %mul3A_586 = vector.broadcast %mul3A_585 : f32 to vector<16xf32>
        %mul3A_587 = arith.mulf %add3A_552, %mul3A_586 : vector<16xf32>
        %mul3A_588 = arith.constant 1.562500e-02 : f32
        %mul3A_589 = vector.broadcast %mul3A_588 : f32 to vector<16xf32>
        %mul3A_590 = arith.mulf %add3A_584, %mul3A_589 : vector<16xf32>
        %mul3A_591 = arith.mulf %mul3A_587, %mul3A_587 : vector<16xf32>
        %sub3A_592 = arith.subf %mul3A_590, %mul3A_591 : vector<16xf32>
        %add3A_593 = arith.constant 9.99999996E-13 : f32
        %add3A_594 = vector.broadcast %add3A_593 : f32 to vector<16xf32>
        %add3A_595 = arith.addf %sub3A_592, %add3A_594 : vector<16xf32>
        %bitcast_convert_type3A_596 = tpu.bitcast %add3A_595 : vector<16xf32> -> vector<16xi32>
        %shift_right_arithmetic3A_597 = arith.constant 1 : i32
        %shift_right_arithmetic3A_598 = vector.broadcast %shift_right_arithmetic3A_597 : i32 to vector<16xi32>
        %shift_right_arithmetic3A_599 = arith.shrsi %bitcast_convert_type3A_596, %shift_right_arithmetic3A_598 : vector<16xi32>
        %sub3A_600 = arith.constant 1597463007 : i32
        %sub3A_601 = vector.broadcast %sub3A_600 : i32 to vector<16xi32>
        %sub3A_602 = arith.subi %sub3A_601, %shift_right_arithmetic3A_599 : vector<16xi32>
        %bitcast_convert_type3A_603 = tpu.bitcast %sub3A_602 : vector<16xi32> -> vector<16xf32>
        %mul3A_604 = arith.constant 5.000000e-01 : f32
        %mul3A_605 = vector.broadcast %mul3A_604 : f32 to vector<16xf32>
        %mul3A_606 = arith.mulf %add3A_595, %mul3A_605 : vector<16xf32>
        %mul3A_607 = arith.mulf %mul3A_606, %bitcast_convert_type3A_603 : vector<16xf32>
        %mul3A_608 = arith.mulf %mul3A_607, %bitcast_convert_type3A_603 : vector<16xf32>
        %sub3A_609 = arith.constant 1.500000e+00 : f32
        %sub3A_610 = vector.broadcast %sub3A_609 : f32 to vector<16xf32>
        %sub3A_611 = arith.subf %sub3A_610, %mul3A_608 : vector<16xf32>
        %mul3A_612 = arith.mulf %bitcast_convert_type3A_603, %sub3A_611 : vector<16xf32>
        %mul3A_613 = arith.mulf %mul3A_606, %mul3A_612 : vector<16xf32>
        %mul3A_614 = arith.mulf %mul3A_613, %mul3A_612 : vector<16xf32>
        %sub3A_615 = arith.constant 1.500000e+00 : f32
        %sub3A_616 = vector.broadcast %sub3A_615 : f32 to vector<16xf32>
        %sub3A_617 = arith.subf %sub3A_616, %mul3A_614 : vector<16xf32>
        %mul3A_618 = arith.mulf %mul3A_612, %sub3A_617 : vector<16xf32>
        %sub3A_619 = arith.subf %add3A_507, %mul3A_587 : vector<16xf32>
        %mul3A_620 = arith.mulf %mul3A_618, %get3A_4 : vector<16xf32>
        %mul3A_621 = arith.mulf %sub3A_619, %mul3A_620 : vector<16xf32>
        %add3A_622 = arith.addf %mul3A_621, %get3A_24 : vector<16xf32>
        %sub3A_623 = arith.subf %add3A_508, %mul3A_587 : vector<16xf32>
        %mul3A_624 = arith.mulf %mul3A_618, %get3A_9 : vector<16xf32>
        %mul3A_625 = arith.mulf %sub3A_623, %mul3A_624 : vector<16xf32>
        %add3A_626 = arith.addf %mul3A_625, %get3A_29 : vector<16xf32>
        %sub3A_627 = arith.subf %add3A_509, %mul3A_587 : vector<16xf32>
        %mul3A_628 = arith.mulf %mul3A_618, %get3A_14 : vector<16xf32>
        %mul3A_629 = arith.mulf %sub3A_627, %mul3A_628 : vector<16xf32>
        %add3A_630 = arith.addf %mul3A_629, %get3A_34 : vector<16xf32>
        %sub3A_631 = arith.subf %add3A_510, %mul3A_587 : vector<16xf32>
        %mul3A_632 = arith.mulf %mul3A_618, %get3A_19 : vector<16xf32>
        %mul3A_633 = arith.mulf %sub3A_631, %mul3A_632 : vector<16xf32>
        %add3A_634 = arith.addf %mul3A_633, %get3A_39 : vector<16xf32>
        %swap3A = arith.index_cast %scan3A_311 : i32 to index
        %swap3A_635 = arith.constant 0 : index
        %swap3A_636 = tpu.vector_load %arg14[%swap3A, %swap3A_635] {strides = array<i32>} : memref<64x128xf32, #tpu.memory_space<vmem>>, vector<1x16xf32>,
        %swap3A_637 = vector.shape_cast %swap3A_636 : vector<1x16xf32> to vector<16xf32>
        %swap3A_638 = vector.shape_cast %add3A_494 : vector<16xf32> to vector<1x16xf32>
        tpu.vector_store %arg14[%swap3A, %swap3A_635], %swap3A_638 {strides = array<i32>} : memref<64x128xf32, #tpu.memory_space<vmem>>, vector<1x16xf32>,
        %swap3A_639 = arith.index_cast %scan3A_311 : i32 to index
        %swap3A_640 = arith.constant 64 : index
        %swap3A_641 = tpu.vector_load %arg14[%swap3A_639, %swap3A_640] {strides = array<i32>} : memref<64x128xf32, #tpu.memory_space<vmem>>, vector<1x16xf32>,
        %swap3A_642 = vector.shape_cast %swap3A_641 : vector<1x16xf32> to vector<16xf32>
        %swap3A_643 = vector.shape_cast %add3A_622 : vector<16xf32> to vector<1x16xf32>
        tpu.vector_store %arg14[%swap3A_639, %swap3A_640], %swap3A_643 {strides = array<i32>} : memref<64x128xf32, #tpu.memory_space<vmem>>, vector<1x16xf32>,
        %swap3A_644 = arith.index_cast %scan3A_311 : i32 to index
        %swap3A_645 = arith.constant 16 : index
        %swap3A_646 = tpu.vector_load %arg14[%swap3A_644, %swap3A_645] {strides = array<i32>} : memref<64x128xf32, #tpu.memory_space<vmem>>, vector<1x16xf32>,
        %swap3A_647 = vector.shape_cast %swap3A_646 : vector<1x16xf32> to vector<16xf32>
        %swap3A_648 = vector.shape_cast %add3A_498 : vector<16xf32> to vector<1x16xf32>
        tpu.vector_store %arg14[%swap3A_644, %swap3A_645], %swap3A_648 {strides = array<i32>} : memref<64x128xf32, #tpu.memory_space<vmem>>, vector<1x16xf32>,
        %swap3A_649 = arith.index_cast %scan3A_311 : i32 to index
        %swap3A_650 = arith.constant 80 : index
        %swap3A_651 = tpu.vector_load %arg14[%swap3A_649, %swap3A_650] {strides = array<i32>} : memref<64x128xf32, #tpu.memory_space<vmem>>, vector<1x16xf32>,
        %swap3A_652 = vector.shape_cast %swap3A_651 : vector<1x16xf32> to vector<16xf32>
        %swap3A_653 = vector.shape_cast %add3A_626 : vector<16xf32> to vector<1x16xf32>
        tpu.vector_store %arg14[%swap3A_649, %swap3A_650], %swap3A_653 {strides = array<i32>} : memref<64x128xf32, #tpu.memory_space<vmem>>, vector<1x16xf32>,
        %swap3A_654 = arith.index_cast %scan3A_311 : i32 to index
        %swap3A_655 = arith.constant 32 : index
        %swap3A_656 = tpu.vector_load %arg14[%swap3A_654, %swap3A_655] {strides = array<i32>} : memref<64x128xf32, #tpu.memory_space<vmem>>, vector<1x16xf32>,
        %swap3A_657 = vector.shape_cast %swap3A_656 : vector<1x16xf32> to vector<16xf32>
        %swap3A_658 = vector.shape_cast %add3A_502 : vector<16xf32> to vector<1x16xf32>
        tpu.vector_store %arg14[%swap3A_654, %swap3A_655], %swap3A_658 {strides = array<i32>} : memref<64x128xf32, #tpu.memory_space<vmem>>, vector<1x16xf32>,
        %swap3A_659 = arith.index_cast %scan3A_311 : i32 to index
        %swap3A_660 = arith.constant 96 : index
        %swap3A_661 = tpu.vector_load %arg14[%swap3A_659, %swap3A_660] {strides = array<i32>} : memref<64x128xf32, #tpu.memory_space<vmem>>, vector<1x16xf32>,
        %swap3A_662 = vector.shape_cast %swap3A_661 : vector<1x16xf32> to vector<16xf32>
        %swap3A_663 = vector.shape_cast %add3A_630 : vector<16xf32> to vector<1x16xf32>
        tpu.vector_store %arg14[%swap3A_659, %swap3A_660], %swap3A_663 {strides = array<i32>} : memref<64x128xf32, #tpu.memory_space<vmem>>, vector<1x16xf32>,
        %swap3A_664 = arith.index_cast %scan3A_311 : i32 to index
        %swap3A_665 = arith.constant 48 : index
        %swap3A_666 = tpu.vector_load %arg14[%swap3A_664, %swap3A_665] {strides = array<i32>} : memref<64x128xf32, #tpu.memory_space<vmem>>, vector<1x16xf32>,
        %swap3A_667 = vector.shape_cast %swap3A_666 : vector<1x16xf32> to vector<16xf32>
        %swap3A_668 = vector.shape_cast %add3A_506 : vector<16xf32> to vector<1x16xf32>
        tpu.vector_store %arg14[%swap3A_664, %swap3A_665], %swap3A_668 {strides = array<i32>} : memref<64x128xf32, #tpu.memory_space<vmem>>, vector<1x16xf32>,
        %swap3A_669 = arith.index_cast %scan3A_311 : i32 to index
        %swap3A_670 = arith.constant 112 : index
        %swap3A_671 = tpu.vector_load %arg14[%swap3A_669, %swap3A_670] {strides = array<i32>} : memref<64x128xf32, #tpu.memory_space<vmem>>, vector<1x16xf32>,
        %swap3A_672 = vector.shape_cast %swap3A_671 : vector<1x16xf32> to vector<16xf32>
        %swap3A_673 = vector.shape_cast %add3A_634 : vector<16xf32> to vector<1x16xf32>
        tpu.vector_store %arg14[%swap3A_669, %swap3A_670], %swap3A_673 {strides = array<i32>} : memref<64x128xf32, #tpu.memory_space<vmem>>, vector<1x16xf32>,
        %add3A_674 = arith.constant 1 : i32
        %add3A_675 = arith.addi %select_n3A_316, %add3A_674 : i32
        %eq3A_676 = arith.constant 200 : i32
        %eq3A_677 = arith.cmpi eq, %add3A_675, %eq3A_676 : i32
        %select_n3A_678 = arith.constant 0 : i32
        %select_n3A_679 = arith.select %eq3A_677, %select_n3A_678, %add3A_675 : i32
        %scan3A_680 = arith.constant 1 : i32
        %scan3A_681 = arith.addi %scan3A_311, %scan3A_680 : i32
        %add3A_682 = arith.constant 1 : i32
        %add3A_683 = arith.addi %select_n3A_679, %add3A_682 : i32
        %eq3A_684 = arith.constant 200 : i32
        %eq3A_685 = arith.cmpi eq, %add3A_683, %eq3A_684 : i32
        %select_n3A_686 = arith.constant 0 : i32
        %select_n3A_687 = arith.select %eq3A_685, %select_n3A_686, %add3A_683 : i32
        %mul3A_688 = arith.constant 2 : i32
        %mul3A_689 = arith.muli %mul3A_688, %scan3A_681 : i32
        %add3A_690 = arith.constant 1 : i32
        %add3A_691 = arith.addi %mul3A_689, %add3A_690 : i32
        %get3A_692 = arith.index_cast %mul3A_689 : i32 to index
        %get3A_693 = arith.constant 0 : index
        %get3A_694 = tpu.vector_load %arg10[%get3A_692, %get3A_693] {strides = array<i32>} : memref<128x64xf32, #tpu.memory_space<vmem>>, vector<1x16xf32>,
        %get3A_695 = vector.shape_cast %get3A_694 : vector<1x16xf32> to vector<16xf32>
        %get3A_696 = arith.index_cast %mul3A_689 : i32 to index
        %get3A_697 = arith.constant 16 : index
        %get3A_698 = tpu.vector_load %arg10[%get3A_696, %get3A_697] {strides = array<i32>} : memref<128x64xf32, #tpu.memory_space<vmem>>, vector<1x16xf32>,
        %get3A_699 = vector.shape_cast %get3A_698 : vector<1x16xf32> to vector<16xf32>
        %get3A_700 = arith.index_cast %mul3A_689 : i32 to index
        %get3A_701 = arith.constant 32 : index
        %get3A_702 = tpu.vector_load %arg10[%get3A_700, %get3A_701] {strides = array<i32>} : memref<128x64xf32, #tpu.memory_space<vmem>>, vector<1x16xf32>,
        %get3A_703 = vector.shape_cast %get3A_702 : vector<1x16xf32> to vector<16xf32>
        %get3A_704 = arith.index_cast %mul3A_689 : i32 to index
        %get3A_705 = arith.constant 48 : index
        %get3A_706 = tpu.vector_load %arg10[%get3A_704, %get3A_705] {strides = array<i32>} : memref<128x64xf32, #tpu.memory_space<vmem>>, vector<1x16xf32>,
        %get3A_707 = vector.shape_cast %get3A_706 : vector<1x16xf32> to vector<16xf32>
        %get3A_708 = arith.index_cast %add3A_691 : i32 to index
        %get3A_709 = arith.constant 0 : index
        %get3A_710 = tpu.vector_load %arg10[%get3A_708, %get3A_709] {strides = array<i32>} : memref<128x64xf32, #tpu.memory_space<vmem>>, vector<1x16xf32>,
        %get3A_711 = vector.shape_cast %get3A_710 : vector<1x16xf32> to vector<16xf32>
        %get3A_712 = arith.index_cast %add3A_691 : i32 to index
        %get3A_713 = arith.constant 16 : index
        %get3A_714 = tpu.vector_load %arg10[%get3A_712, %get3A_713] {strides = array<i32>} : memref<128x64xf32, #tpu.memory_space<vmem>>, vector<1x16xf32>,
        %get3A_715 = vector.shape_cast %get3A_714 : vector<1x16xf32> to vector<16xf32>
        %get3A_716 = arith.index_cast %add3A_691 : i32 to index
        %get3A_717 = arith.constant 32 : index
        %get3A_718 = tpu.vector_load %arg10[%get3A_716, %get3A_717] {strides = array<i32>} : memref<128x64xf32, #tpu.memory_space<vmem>>, vector<1x16xf32>,
        %get3A_719 = vector.shape_cast %get3A_718 : vector<1x16xf32> to vector<16xf32>
        %get3A_720 = arith.index_cast %add3A_691 : i32 to index
        %get3A_721 = arith.constant 48 : index
        %get3A_722 = tpu.vector_load %arg10[%get3A_720, %get3A_721] {strides = array<i32>} : memref<128x64xf32, #tpu.memory_space<vmem>>, vector<1x16xf32>,
        %get3A_723 = vector.shape_cast %get3A_722 : vector<1x16xf32> to vector<16xf32>
        %get3A_724 = arith.index_cast %select_n3A_679 : i32 to index
        %get3A_725 = arith.constant 0 : index
        %get3A_726 = tpu.vector_load %arg8[%get3A_724, %get3A_725] {strides = array<i32>} : memref<200x64xf32, #tpu.memory_space<vmem>>, vector<1x16xf32>,
        %get3A_727 = vector.shape_cast %get3A_726 : vector<1x16xf32> to vector<16xf32>
        %get3A_728 = arith.index_cast %select_n3A_679 : i32 to index
        %get3A_729 = arith.constant 16 : index
        %get3A_730 = tpu.vector_load %arg8[%get3A_728, %get3A_729] {strides = array<i32>} : memref<200x64xf32, #tpu.memory_space<vmem>>, vector<1x16xf32>,
        %get3A_731 = vector.shape_cast %get3A_730 : vector<1x16xf32> to vector<16xf32>
        %get3A_732 = arith.index_cast %select_n3A_679 : i32 to index
        %get3A_733 = arith.constant 32 : index
        %get3A_734 = tpu.vector_load %arg8[%get3A_732, %get3A_733] {strides = array<i32>} : memref<200x64xf32, #tpu.memory_space<vmem>>, vector<1x16xf32>,
        %get3A_735 = vector.shape_cast %get3A_734 : vector<1x16xf32> to vector<16xf32>
        %get3A_736 = arith.index_cast %select_n3A_679 : i32 to index
        %get3A_737 = arith.constant 48 : index
        %get3A_738 = tpu.vector_load %arg8[%get3A_736, %get3A_737] {strides = array<i32>} : memref<200x64xf32, #tpu.memory_space<vmem>>, vector<1x16xf32>,
        %get3A_739 = vector.shape_cast %get3A_738 : vector<1x16xf32> to vector<16xf32>
        %get3A_740 = arith.index_cast %select_n3A_687 : i32 to index
        %get3A_741 = arith.constant 0 : index
        %get3A_742 = tpu.vector_load %arg8[%get3A_740, %get3A_741] {strides = array<i32>} : memref<200x64xf32, #tpu.memory_space<vmem>>, vector<1x16xf32>,
        %get3A_743 = vector.shape_cast %get3A_742 : vector<1x16xf32> to vector<16xf32>
        %get3A_744 = arith.index_cast %select_n3A_687 : i32 to index
        %get3A_745 = arith.constant 16 : index
        %get3A_746 = tpu.vector_load %arg8[%get3A_744, %get3A_745] {strides = array<i32>} : memref<200x64xf32, #tpu.memory_space<vmem>>, vector<1x16xf32>,
        %get3A_747 = vector.shape_cast %get3A_746 : vector<1x16xf32> to vector<16xf32>
        %get3A_748 = arith.index_cast %select_n3A_687 : i32 to index
        %get3A_749 = arith.constant 32 : index
        %get3A_750 = tpu.vector_load %arg8[%get3A_748, %get3A_749] {strides = array<i32>} : memref<200x64xf32, #tpu.memory_space<vmem>>, vector<1x16xf32>,
        %get3A_751 = vector.shape_cast %get3A_750 : vector<1x16xf32> to vector<16xf32>
        %get3A_752 = arith.index_cast %select_n3A_687 : i32 to index
        %get3A_753 = arith.constant 48 : index
        %get3A_754 = tpu.vector_load %arg8[%get3A_752, %get3A_753] {strides = array<i32>} : memref<200x64xf32, #tpu.memory_space<vmem>>, vector<1x16xf32>,
        %get3A_755 = vector.shape_cast %get3A_754 : vector<1x16xf32> to vector<16xf32>
        %add3A_756 = arith.addf %get3A_695, %get3A_727 : vector<16xf32>
        %add3A_757 = arith.addf %get3A_699, %get3A_731 : vector<16xf32>
        %add3A_758 = arith.addf %get3A_703, %get3A_735 : vector<16xf32>
        %add3A_759 = arith.addf %get3A_707, %get3A_739 : vector<16xf32>
        %add3A_760 = arith.addf %add3A_756, %add3A_757 : vector<16xf32>
        %add3A_761 = arith.addf %add3A_758, %add3A_759 : vector<16xf32>
        %add3A_762 = arith.addf %add3A_760, %add3A_761 : vector<16xf32>
        %mul3A_763 = arith.mulf %add3A_756, %add3A_756 : vector<16xf32>
        %mul3A_764 = arith.mulf %add3A_757, %add3A_757 : vector<16xf32>
        %add3A_765 = arith.addf %mul3A_763, %mul3A_764 : vector<16xf32>
        %mul3A_766 = arith.mulf %add3A_758, %add3A_758 : vector<16xf32>
        %mul3A_767 = arith.mulf %add3A_759, %add3A_759 : vector<16xf32>
        %add3A_768 = arith.addf %mul3A_766, %mul3A_767 : vector<16xf32>
        %add3A_769 = arith.addf %add3A_765, %add3A_768 : vector<16xf32>
        %iota3A_770 = tpu.iota {dimensions = array<i32: 0>} : vector<16xi32>
        %xor3A_771 = arith.constant 8 : i32
        %xor3A_772 = vector.broadcast %xor3A_771 : i32 to vector<16xi32>
        %xor3A_773 = arith.xori %iota3A_770, %xor3A_772 : vector<16xi32>
        %broadcast_in_dim3A_774 = vector.shape_cast %xor3A_773 : vector<16xi32> to vector<16x1xi32>
        %gather3A_775 = vector.shape_cast %broadcast_in_dim3A_774 : vector<16x1xi32> to vector<16xi32>
        %gather3A_776 = tpu.dynamic_gather %add3A_762[%gather3A_775] in [0] : vector<16xf32>, vector<16xi32> -> vector<16xf32>
        %add3A_777 = arith.addf %add3A_762, %gather3A_776 : vector<16xf32>
        %iota3A_778 = tpu.iota {dimensions = array<i32: 0>} : vector<16xi32>
        %xor3A_779 = arith.constant 4 : i32
        %xor3A_780 = vector.broadcast %xor3A_779 : i32 to vector<16xi32>
        %xor3A_781 = arith.xori %iota3A_778, %xor3A_780 : vector<16xi32>
        %broadcast_in_dim3A_782 = vector.shape_cast %xor3A_781 : vector<16xi32> to vector<16x1xi32>
        %gather3A_783 = vector.shape_cast %broadcast_in_dim3A_782 : vector<16x1xi32> to vector<16xi32>
        %gather3A_784 = tpu.dynamic_gather %add3A_777[%gather3A_783] in [0] : vector<16xf32>, vector<16xi32> -> vector<16xf32>
        %add3A_785 = arith.addf %add3A_777, %gather3A_784 : vector<16xf32>
        %iota3A_786 = tpu.iota {dimensions = array<i32: 0>} : vector<16xi32>
        %xor3A_787 = arith.constant 2 : i32
        %xor3A_788 = vector.broadcast %xor3A_787 : i32 to vector<16xi32>
        %xor3A_789 = arith.xori %iota3A_786, %xor3A_788 : vector<16xi32>
        %broadcast_in_dim3A_790 = vector.shape_cast %xor3A_789 : vector<16xi32> to vector<16x1xi32>
        %gather3A_791 = vector.shape_cast %broadcast_in_dim3A_790 : vector<16x1xi32> to vector<16xi32>
        %gather3A_792 = tpu.dynamic_gather %add3A_785[%gather3A_791] in [0] : vector<16xf32>, vector<16xi32> -> vector<16xf32>
        %add3A_793 = arith.addf %add3A_785, %gather3A_792 : vector<16xf32>
        %iota3A_794 = tpu.iota {dimensions = array<i32: 0>} : vector<16xi32>
        %xor3A_795 = arith.constant 1 : i32
        %xor3A_796 = vector.broadcast %xor3A_795 : i32 to vector<16xi32>
        %xor3A_797 = arith.xori %iota3A_794, %xor3A_796 : vector<16xi32>
        %broadcast_in_dim3A_798 = vector.shape_cast %xor3A_797 : vector<16xi32> to vector<16x1xi32>
        %gather3A_799 = vector.shape_cast %broadcast_in_dim3A_798 : vector<16x1xi32> to vector<16xi32>
        %gather3A_800 = tpu.dynamic_gather %add3A_793[%gather3A_799] in [0] : vector<16xf32>, vector<16xi32> -> vector<16xf32>
        %add3A_801 = arith.addf %add3A_793, %gather3A_800 : vector<16xf32>
        %iota3A_802 = tpu.iota {dimensions = array<i32: 0>} : vector<16xi32>
        %xor3A_803 = arith.constant 8 : i32
        %xor3A_804 = vector.broadcast %xor3A_803 : i32 to vector<16xi32>
        %xor3A_805 = arith.xori %iota3A_802, %xor3A_804 : vector<16xi32>
        %broadcast_in_dim3A_806 = vector.shape_cast %xor3A_805 : vector<16xi32> to vector<16x1xi32>
        %gather3A_807 = vector.shape_cast %broadcast_in_dim3A_806 : vector<16x1xi32> to vector<16xi32>
        %gather3A_808 = tpu.dynamic_gather %add3A_769[%gather3A_807] in [0] : vector<16xf32>, vector<16xi32> -> vector<16xf32>
        %add3A_809 = arith.addf %add3A_769, %gather3A_808 : vector<16xf32>
        %iota3A_810 = tpu.iota {dimensions = array<i32: 0>} : vector<16xi32>
        %xor3A_811 = arith.constant 4 : i32
        %xor3A_812 = vector.broadcast %xor3A_811 : i32 to vector<16xi32>
        %xor3A_813 = arith.xori %iota3A_810, %xor3A_812 : vector<16xi32>
        %broadcast_in_dim3A_814 = vector.shape_cast %xor3A_813 : vector<16xi32> to vector<16x1xi32>
        %gather3A_815 = vector.shape_cast %broadcast_in_dim3A_814 : vector<16x1xi32> to vector<16xi32>
        %gather3A_816 = tpu.dynamic_gather %add3A_809[%gather3A_815] in [0] : vector<16xf32>, vector<16xi32> -> vector<16xf32>
        %add3A_817 = arith.addf %add3A_809, %gather3A_816 : vector<16xf32>
        %iota3A_818 = tpu.iota {dimensions = array<i32: 0>} : vector<16xi32>
        %xor3A_819 = arith.constant 2 : i32
        %xor3A_820 = vector.broadcast %xor3A_819 : i32 to vector<16xi32>
        %xor3A_821 = arith.xori %iota3A_818, %xor3A_820 : vector<16xi32>
        %broadcast_in_dim3A_822 = vector.shape_cast %xor3A_821 : vector<16xi32> to vector<16x1xi32>
        %gather3A_823 = vector.shape_cast %broadcast_in_dim3A_822 : vector<16x1xi32> to vector<16xi32>
        %gather3A_824 = tpu.dynamic_gather %add3A_817[%gather3A_823] in [0] : vector<16xf32>, vector<16xi32> -> vector<16xf32>
        %add3A_825 = arith.addf %add3A_817, %gather3A_824 : vector<16xf32>
        %iota3A_826 = tpu.iota {dimensions = array<i32: 0>} : vector<16xi32>
        %xor3A_827 = arith.constant 1 : i32
        %xor3A_828 = vector.broadcast %xor3A_827 : i32 to vector<16xi32>
        %xor3A_829 = arith.xori %iota3A_826, %xor3A_828 : vector<16xi32>
        %broadcast_in_dim3A_830 = vector.shape_cast %xor3A_829 : vector<16xi32> to vector<16x1xi32>
        %gather3A_831 = vector.shape_cast %broadcast_in_dim3A_830 : vector<16x1xi32> to vector<16xi32>
        %gather3A_832 = tpu.dynamic_gather %add3A_825[%gather3A_831] in [0] : vector<16xf32>, vector<16xi32> -> vector<16xf32>
        %add3A_833 = arith.addf %add3A_825, %gather3A_832 : vector<16xf32>
        %mul3A_834 = arith.constant 1.562500e-02 : f32
        %mul3A_835 = vector.broadcast %mul3A_834 : f32 to vector<16xf32>
        %mul3A_836 = arith.mulf %add3A_801, %mul3A_835 : vector<16xf32>
        %mul3A_837 = arith.constant 1.562500e-02 : f32
        %mul3A_838 = vector.broadcast %mul3A_837 : f32 to vector<16xf32>
        %mul3A_839 = arith.mulf %add3A_833, %mul3A_838 : vector<16xf32>
        %mul3A_840 = arith.mulf %mul3A_836, %mul3A_836 : vector<16xf32>
        %sub3A_841 = arith.subf %mul3A_839, %mul3A_840 : vector<16xf32>
        %add3A_842 = arith.constant 9.99999996E-13 : f32
        %add3A_843 = vector.broadcast %add3A_842 : f32 to vector<16xf32>
        %add3A_844 = arith.addf %sub3A_841, %add3A_843 : vector<16xf32>
        %bitcast_convert_type3A_845 = tpu.bitcast %add3A_844 : vector<16xf32> -> vector<16xi32>
        %shift_right_arithmetic3A_846 = arith.constant 1 : i32
        %shift_right_arithmetic3A_847 = vector.broadcast %shift_right_arithmetic3A_846 : i32 to vector<16xi32>
        %shift_right_arithmetic3A_848 = arith.shrsi %bitcast_convert_type3A_845, %shift_right_arithmetic3A_847 : vector<16xi32>
        %sub3A_849 = arith.constant 1597463007 : i32
        %sub3A_850 = vector.broadcast %sub3A_849 : i32 to vector<16xi32>
        %sub3A_851 = arith.subi %sub3A_850, %shift_right_arithmetic3A_848 : vector<16xi32>
        %bitcast_convert_type3A_852 = tpu.bitcast %sub3A_851 : vector<16xi32> -> vector<16xf32>
        %mul3A_853 = arith.constant 5.000000e-01 : f32
        %mul3A_854 = vector.broadcast %mul3A_853 : f32 to vector<16xf32>
        %mul3A_855 = arith.mulf %add3A_844, %mul3A_854 : vector<16xf32>
        %mul3A_856 = arith.mulf %mul3A_855, %bitcast_convert_type3A_852 : vector<16xf32>
        %mul3A_857 = arith.mulf %mul3A_856, %bitcast_convert_type3A_852 : vector<16xf32>
        %sub3A_858 = arith.constant 1.500000e+00 : f32
        %sub3A_859 = vector.broadcast %sub3A_858 : f32 to vector<16xf32>
        %sub3A_860 = arith.subf %sub3A_859, %mul3A_857 : vector<16xf32>
        %mul3A_861 = arith.mulf %bitcast_convert_type3A_852, %sub3A_860 : vector<16xf32>
        %mul3A_862 = arith.mulf %mul3A_855, %mul3A_861 : vector<16xf32>
        %mul3A_863 = arith.mulf %mul3A_862, %mul3A_861 : vector<16xf32>
        %sub3A_864 = arith.constant 1.500000e+00 : f32
        %sub3A_865 = vector.broadcast %sub3A_864 : f32 to vector<16xf32>
        %sub3A_866 = arith.subf %sub3A_865, %mul3A_863 : vector<16xf32>
        %mul3A_867 = arith.mulf %mul3A_861, %sub3A_866 : vector<16xf32>
        %sub3A_868 = arith.subf %add3A_756, %mul3A_836 : vector<16xf32>
        %mul3A_869 = arith.mulf %mul3A_867, %get3A_4 : vector<16xf32>
        %mul3A_870 = arith.mulf %sub3A_868, %mul3A_869 : vector<16xf32>
        %add3A_871 = arith.addf %mul3A_870, %get3A_24 : vector<16xf32>
        %sub3A_872 = arith.subf %add3A_757, %mul3A_836 : vector<16xf32>
        %mul3A_873 = arith.mulf %mul3A_867, %get3A_9 : vector<16xf32>
        %mul3A_874 = arith.mulf %sub3A_872, %mul3A_873 : vector<16xf32>
        %add3A_875 = arith.addf %mul3A_874, %get3A_29 : vector<16xf32>
        %sub3A_876 = arith.subf %add3A_758, %mul3A_836 : vector<16xf32>
        %mul3A_877 = arith.mulf %mul3A_867, %get3A_14 : vector<16xf32>
        %mul3A_878 = arith.mulf %sub3A_876, %mul3A_877 : vector<16xf32>
        %add3A_879 = arith.addf %mul3A_878, %get3A_34 : vector<16xf32>
        %sub3A_880 = arith.subf %add3A_759, %mul3A_836 : vector<16xf32>
        %mul3A_881 = arith.mulf %mul3A_867, %get3A_19 : vector<16xf32>
        %mul3A_882 = arith.mulf %sub3A_880, %mul3A_881 : vector<16xf32>
        %add3A_883 = arith.addf %mul3A_882, %get3A_39 : vector<16xf32>
        %add3A_884 = arith.addf %get3A_711, %get3A_743 : vector<16xf32>
        %add3A_885 = arith.addf %get3A_715, %get3A_747 : vector<16xf32>
        %add3A_886 = arith.addf %get3A_719, %get3A_751 : vector<16xf32>
        %add3A_887 = arith.addf %get3A_723, %get3A_755 : vector<16xf32>
        %add3A_888 = arith.addf %add3A_884, %add3A_885 : vector<16xf32>
        %add3A_889 = arith.addf %add3A_886, %add3A_887 : vector<16xf32>
        %add3A_890 = arith.addf %add3A_888, %add3A_889 : vector<16xf32>
        %mul3A_891 = arith.mulf %add3A_884, %add3A_884 : vector<16xf32>
        %mul3A_892 = arith.mulf %add3A_885, %add3A_885 : vector<16xf32>
        %add3A_893 = arith.addf %mul3A_891, %mul3A_892 : vector<16xf32>
        %mul3A_894 = arith.mulf %add3A_886, %add3A_886 : vector<16xf32>
        %mul3A_895 = arith.mulf %add3A_887, %add3A_887 : vector<16xf32>
        %add3A_896 = arith.addf %mul3A_894, %mul3A_895 : vector<16xf32>
        %add3A_897 = arith.addf %add3A_893, %add3A_896 : vector<16xf32>
        %iota3A_898 = tpu.iota {dimensions = array<i32: 0>} : vector<16xi32>
        %xor3A_899 = arith.constant 8 : i32
        %xor3A_900 = vector.broadcast %xor3A_899 : i32 to vector<16xi32>
        %xor3A_901 = arith.xori %iota3A_898, %xor3A_900 : vector<16xi32>
        %broadcast_in_dim3A_902 = vector.shape_cast %xor3A_901 : vector<16xi32> to vector<16x1xi32>
        %gather3A_903 = vector.shape_cast %broadcast_in_dim3A_902 : vector<16x1xi32> to vector<16xi32>
        %gather3A_904 = tpu.dynamic_gather %add3A_890[%gather3A_903] in [0] : vector<16xf32>, vector<16xi32> -> vector<16xf32>
        %add3A_905 = arith.addf %add3A_890, %gather3A_904 : vector<16xf32>
        %iota3A_906 = tpu.iota {dimensions = array<i32: 0>} : vector<16xi32>
        %xor3A_907 = arith.constant 4 : i32
        %xor3A_908 = vector.broadcast %xor3A_907 : i32 to vector<16xi32>
        %xor3A_909 = arith.xori %iota3A_906, %xor3A_908 : vector<16xi32>
        %broadcast_in_dim3A_910 = vector.shape_cast %xor3A_909 : vector<16xi32> to vector<16x1xi32>
        %gather3A_911 = vector.shape_cast %broadcast_in_dim3A_910 : vector<16x1xi32> to vector<16xi32>
        %gather3A_912 = tpu.dynamic_gather %add3A_905[%gather3A_911] in [0] : vector<16xf32>, vector<16xi32> -> vector<16xf32>
        %add3A_913 = arith.addf %add3A_905, %gather3A_912 : vector<16xf32>
        %iota3A_914 = tpu.iota {dimensions = array<i32: 0>} : vector<16xi32>
        %xor3A_915 = arith.constant 2 : i32
        %xor3A_916 = vector.broadcast %xor3A_915 : i32 to vector<16xi32>
        %xor3A_917 = arith.xori %iota3A_914, %xor3A_916 : vector<16xi32>
        %broadcast_in_dim3A_918 = vector.shape_cast %xor3A_917 : vector<16xi32> to vector<16x1xi32>
        %gather3A_919 = vector.shape_cast %broadcast_in_dim3A_918 : vector<16x1xi32> to vector<16xi32>
        %gather3A_920 = tpu.dynamic_gather %add3A_913[%gather3A_919] in [0] : vector<16xf32>, vector<16xi32> -> vector<16xf32>
        %add3A_921 = arith.addf %add3A_913, %gather3A_920 : vector<16xf32>
        %iota3A_922 = tpu.iota {dimensions = array<i32: 0>} : vector<16xi32>
        %xor3A_923 = arith.constant 1 : i32
        %xor3A_924 = vector.broadcast %xor3A_923 : i32 to vector<16xi32>
        %xor3A_925 = arith.xori %iota3A_922, %xor3A_924 : vector<16xi32>
        %broadcast_in_dim3A_926 = vector.shape_cast %xor3A_925 : vector<16xi32> to vector<16x1xi32>
        %gather3A_927 = vector.shape_cast %broadcast_in_dim3A_926 : vector<16x1xi32> to vector<16xi32>
        %gather3A_928 = tpu.dynamic_gather %add3A_921[%gather3A_927] in [0] : vector<16xf32>, vector<16xi32> -> vector<16xf32>
        %add3A_929 = arith.addf %add3A_921, %gather3A_928 : vector<16xf32>
        %iota3A_930 = tpu.iota {dimensions = array<i32: 0>} : vector<16xi32>
        %xor3A_931 = arith.constant 8 : i32
        %xor3A_932 = vector.broadcast %xor3A_931 : i32 to vector<16xi32>
        %xor3A_933 = arith.xori %iota3A_930, %xor3A_932 : vector<16xi32>
        %broadcast_in_dim3A_934 = vector.shape_cast %xor3A_933 : vector<16xi32> to vector<16x1xi32>
        %gather3A_935 = vector.shape_cast %broadcast_in_dim3A_934 : vector<16x1xi32> to vector<16xi32>
        %gather3A_936 = tpu.dynamic_gather %add3A_897[%gather3A_935] in [0] : vector<16xf32>, vector<16xi32> -> vector<16xf32>
        %add3A_937 = arith.addf %add3A_897, %gather3A_936 : vector<16xf32>
        %iota3A_938 = tpu.iota {dimensions = array<i32: 0>} : vector<16xi32>
        %xor3A_939 = arith.constant 4 : i32
        %xor3A_940 = vector.broadcast %xor3A_939 : i32 to vector<16xi32>
        %xor3A_941 = arith.xori %iota3A_938, %xor3A_940 : vector<16xi32>
        %broadcast_in_dim3A_942 = vector.shape_cast %xor3A_941 : vector<16xi32> to vector<16x1xi32>
        %gather3A_943 = vector.shape_cast %broadcast_in_dim3A_942 : vector<16x1xi32> to vector<16xi32>
        %gather3A_944 = tpu.dynamic_gather %add3A_937[%gather3A_943] in [0] : vector<16xf32>, vector<16xi32> -> vector<16xf32>
        %add3A_945 = arith.addf %add3A_937, %gather3A_944 : vector<16xf32>
        %iota3A_946 = tpu.iota {dimensions = array<i32: 0>} : vector<16xi32>
        %xor3A_947 = arith.constant 2 : i32
        %xor3A_948 = vector.broadcast %xor3A_947 : i32 to vector<16xi32>
        %xor3A_949 = arith.xori %iota3A_946, %xor3A_948 : vector<16xi32>
        %broadcast_in_dim3A_950 = vector.shape_cast %xor3A_949 : vector<16xi32> to vector<16x1xi32>
        %gather3A_951 = vector.shape_cast %broadcast_in_dim3A_950 : vector<16x1xi32> to vector<16xi32>
        %gather3A_952 = tpu.dynamic_gather %add3A_945[%gather3A_951] in [0] : vector<16xf32>, vector<16xi32> -> vector<16xf32>
        %add3A_953 = arith.addf %add3A_945, %gather3A_952 : vector<16xf32>
        %iota3A_954 = tpu.iota {dimensions = array<i32: 0>} : vector<16xi32>
        %xor3A_955 = arith.constant 1 : i32
        %xor3A_956 = vector.broadcast %xor3A_955 : i32 to vector<16xi32>
        %xor3A_957 = arith.xori %iota3A_954, %xor3A_956 : vector<16xi32>
        %broadcast_in_dim3A_958 = vector.shape_cast %xor3A_957 : vector<16xi32> to vector<16x1xi32>
        %gather3A_959 = vector.shape_cast %broadcast_in_dim3A_958 : vector<16x1xi32> to vector<16xi32>
        %gather3A_960 = tpu.dynamic_gather %add3A_953[%gather3A_959] in [0] : vector<16xf32>, vector<16xi32> -> vector<16xf32>
        %add3A_961 = arith.addf %add3A_953, %gather3A_960 : vector<16xf32>
        %mul3A_962 = arith.constant 1.562500e-02 : f32
        %mul3A_963 = vector.broadcast %mul3A_962 : f32 to vector<16xf32>
        %mul3A_964 = arith.mulf %add3A_929, %mul3A_963 : vector<16xf32>
        %mul3A_965 = arith.constant 1.562500e-02 : f32
        %mul3A_966 = vector.broadcast %mul3A_965 : f32 to vector<16xf32>
        %mul3A_967 = arith.mulf %add3A_961, %mul3A_966 : vector<16xf32>
        %mul3A_968 = arith.mulf %mul3A_964, %mul3A_964 : vector<16xf32>
        %sub3A_969 = arith.subf %mul3A_967, %mul3A_968 : vector<16xf32>
        %add3A_970 = arith.constant 9.99999996E-13 : f32
        %add3A_971 = vector.broadcast %add3A_970 : f32 to vector<16xf32>
        %add3A_972 = arith.addf %sub3A_969, %add3A_971 : vector<16xf32>
        %bitcast_convert_type3A_973 = tpu.bitcast %add3A_972 : vector<16xf32> -> vector<16xi32>
        %shift_right_arithmetic3A_974 = arith.constant 1 : i32
        %shift_right_arithmetic3A_975 = vector.broadcast %shift_right_arithmetic3A_974 : i32 to vector<16xi32>
        %shift_right_arithmetic3A_976 = arith.shrsi %bitcast_convert_type3A_973, %shift_right_arithmetic3A_975 : vector<16xi32>
        %sub3A_977 = arith.constant 1597463007 : i32
        %sub3A_978 = vector.broadcast %sub3A_977 : i32 to vector<16xi32>
        %sub3A_979 = arith.subi %sub3A_978, %shift_right_arithmetic3A_976 : vector<16xi32>
        %bitcast_convert_type3A_980 = tpu.bitcast %sub3A_979 : vector<16xi32> -> vector<16xf32>
        %mul3A_981 = arith.constant 5.000000e-01 : f32
        %mul3A_982 = vector.broadcast %mul3A_981 : f32 to vector<16xf32>
        %mul3A_983 = arith.mulf %add3A_972, %mul3A_982 : vector<16xf32>
        %mul3A_984 = arith.mulf %mul3A_983, %bitcast_convert_type3A_980 : vector<16xf32>
        %mul3A_985 = arith.mulf %mul3A_984, %bitcast_convert_type3A_980 : vector<16xf32>
        %sub3A_986 = arith.constant 1.500000e+00 : f32
        %sub3A_987 = vector.broadcast %sub3A_986 : f32 to vector<16xf32>
        %sub3A_988 = arith.subf %sub3A_987, %mul3A_985 : vector<16xf32>
        %mul3A_989 = arith.mulf %bitcast_convert_type3A_980, %sub3A_988 : vector<16xf32>
        %mul3A_990 = arith.mulf %mul3A_983, %mul3A_989 : vector<16xf32>
        %mul3A_991 = arith.mulf %mul3A_990, %mul3A_989 : vector<16xf32>
        %sub3A_992 = arith.constant 1.500000e+00 : f32
        %sub3A_993 = vector.broadcast %sub3A_992 : f32 to vector<16xf32>
        %sub3A_994 = arith.subf %sub3A_993, %mul3A_991 : vector<16xf32>
        %mul3A_995 = arith.mulf %mul3A_989, %sub3A_994 : vector<16xf32>
        %sub3A_996 = arith.subf %add3A_884, %mul3A_964 : vector<16xf32>
        %mul3A_997 = arith.mulf %mul3A_995, %get3A_4 : vector<16xf32>
        %mul3A_998 = arith.mulf %sub3A_996, %mul3A_997 : vector<16xf32>
        %add3A_999 = arith.addf %mul3A_998, %get3A_24 : vector<16xf32>
        %sub3A_1000 = arith.subf %add3A_885, %mul3A_964 : vector<16xf32>
        %mul3A_1001 = arith.mulf %mul3A_995, %get3A_9 : vector<16xf32>
        %mul3A_1002 = arith.mulf %sub3A_1000, %mul3A_1001 : vector<16xf32>
        %add3A_1003 = arith.addf %mul3A_1002, %get3A_29 : vector<16xf32>
        %sub3A_1004 = arith.subf %add3A_886, %mul3A_964 : vector<16xf32>
        %mul3A_1005 = arith.mulf %mul3A_995, %get3A_14 : vector<16xf32>
        %mul3A_1006 = arith.mulf %sub3A_1004, %mul3A_1005 : vector<16xf32>
        %add3A_1007 = arith.addf %mul3A_1006, %get3A_34 : vector<16xf32>
        %sub3A_1008 = arith.subf %add3A_887, %mul3A_964 : vector<16xf32>
        %mul3A_1009 = arith.mulf %mul3A_995, %get3A_19 : vector<16xf32>
        %mul3A_1010 = arith.mulf %sub3A_1008, %mul3A_1009 : vector<16xf32>
        %add3A_1011 = arith.addf %mul3A_1010, %get3A_39 : vector<16xf32>
        %swap3A_1012 = arith.index_cast %scan3A_681 : i32 to index
        %swap3A_1013 = arith.constant 0 : index
        %swap3A_1014 = tpu.vector_load %arg14[%swap3A_1012, %swap3A_1013] {strides = array<i32>} : memref<64x128xf32, #tpu.memory_space<vmem>>, vector<1x16xf32>,
        %swap3A_1015 = vector.shape_cast %swap3A_1014 : vector<1x16xf32> to vector<16xf32>
        %swap3A_1016 = vector.shape_cast %add3A_871 : vector<16xf32> to vector<1x16xf32>
        tpu.vector_store %arg14[%swap3A_1012, %swap3A_1013], %swap3A_1016 {strides = array<i32>} : memref<64x128xf32, #tpu.memory_space<vmem>>, vector<1x16xf32>,
        %swap3A_1017 = arith.index_cast %scan3A_681 : i32 to index
        %swap3A_1018 = arith.constant 64 : index
        %swap3A_1019 = tpu.vector_load %arg14[%swap3A_1017, %swap3A_1018] {strides = array<i32>} : memref<64x128xf32, #tpu.memory_space<vmem>>, vector<1x16xf32>,
        %swap3A_1020 = vector.shape_cast %swap3A_1019 : vector<1x16xf32> to vector<16xf32>
        %swap3A_1021 = vector.shape_cast %add3A_999 : vector<16xf32> to vector<1x16xf32>
        tpu.vector_store %arg14[%swap3A_1017, %swap3A_1018], %swap3A_1021 {strides = array<i32>} : memref<64x128xf32, #tpu.memory_space<vmem>>, vector<1x16xf32>,
        %swap3A_1022 = arith.index_cast %scan3A_681 : i32 to index
        %swap3A_1023 = arith.constant 16 : index
        %swap3A_1024 = tpu.vector_load %arg14[%swap3A_1022, %swap3A_1023] {strides = array<i32>} : memref<64x128xf32, #tpu.memory_space<vmem>>, vector<1x16xf32>,
        %swap3A_1025 = vector.shape_cast %swap3A_1024 : vector<1x16xf32> to vector<16xf32>
        %swap3A_1026 = vector.shape_cast %add3A_875 : vector<16xf32> to vector<1x16xf32>
        tpu.vector_store %arg14[%swap3A_1022, %swap3A_1023], %swap3A_1026 {strides = array<i32>} : memref<64x128xf32, #tpu.memory_space<vmem>>, vector<1x16xf32>,
        %swap3A_1027 = arith.index_cast %scan3A_681 : i32 to index
        %swap3A_1028 = arith.constant 80 : index
        %swap3A_1029 = tpu.vector_load %arg14[%swap3A_1027, %swap3A_1028] {strides = array<i32>} : memref<64x128xf32, #tpu.memory_space<vmem>>, vector<1x16xf32>,
        %swap3A_1030 = vector.shape_cast %swap3A_1029 : vector<1x16xf32> to vector<16xf32>
        %swap3A_1031 = vector.shape_cast %add3A_1003 : vector<16xf32> to vector<1x16xf32>
        tpu.vector_store %arg14[%swap3A_1027, %swap3A_1028], %swap3A_1031 {strides = array<i32>} : memref<64x128xf32, #tpu.memory_space<vmem>>, vector<1x16xf32>,
        %swap3A_1032 = arith.index_cast %scan3A_681 : i32 to index
        %swap3A_1033 = arith.constant 32 : index
        %swap3A_1034 = tpu.vector_load %arg14[%swap3A_1032, %swap3A_1033] {strides = array<i32>} : memref<64x128xf32, #tpu.memory_space<vmem>>, vector<1x16xf32>,
        %swap3A_1035 = vector.shape_cast %swap3A_1034 : vector<1x16xf32> to vector<16xf32>
        %swap3A_1036 = vector.shape_cast %add3A_879 : vector<16xf32> to vector<1x16xf32>
        tpu.vector_store %arg14[%swap3A_1032, %swap3A_1033], %swap3A_1036 {strides = array<i32>} : memref<64x128xf32, #tpu.memory_space<vmem>>, vector<1x16xf32>,
        %swap3A_1037 = arith.index_cast %scan3A_681 : i32 to index
        %swap3A_1038 = arith.constant 96 : index
        %swap3A_1039 = tpu.vector_load %arg14[%swap3A_1037, %swap3A_1038] {strides = array<i32>} : memref<64x128xf32, #tpu.memory_space<vmem>>, vector<1x16xf32>,
        %swap3A_1040 = vector.shape_cast %swap3A_1039 : vector<1x16xf32> to vector<16xf32>
        %swap3A_1041 = vector.shape_cast %add3A_1007 : vector<16xf32> to vector<1x16xf32>
        tpu.vector_store %arg14[%swap3A_1037, %swap3A_1038], %swap3A_1041 {strides = array<i32>} : memref<64x128xf32, #tpu.memory_space<vmem>>, vector<1x16xf32>,
        %swap3A_1042 = arith.index_cast %scan3A_681 : i32 to index
        %swap3A_1043 = arith.constant 48 : index
        %swap3A_1044 = tpu.vector_load %arg14[%swap3A_1042, %swap3A_1043] {strides = array<i32>} : memref<64x128xf32, #tpu.memory_space<vmem>>, vector<1x16xf32>,
        %swap3A_1045 = vector.shape_cast %swap3A_1044 : vector<1x16xf32> to vector<16xf32>
        %swap3A_1046 = vector.shape_cast %add3A_883 : vector<16xf32> to vector<1x16xf32>
        tpu.vector_store %arg14[%swap3A_1042, %swap3A_1043], %swap3A_1046 {strides = array<i32>} : memref<64x128xf32, #tpu.memory_space<vmem>>, vector<1x16xf32>,
        %swap3A_1047 = arith.index_cast %scan3A_681 : i32 to index
        %swap3A_1048 = arith.constant 112 : index
        %swap3A_1049 = tpu.vector_load %arg14[%swap3A_1047, %swap3A_1048] {strides = array<i32>} : memref<64x128xf32, #tpu.memory_space<vmem>>, vector<1x16xf32>,
        %swap3A_1050 = vector.shape_cast %swap3A_1049 : vector<1x16xf32> to vector<16xf32>
        %swap3A_1051 = vector.shape_cast %add3A_1011 : vector<16xf32> to vector<1x16xf32>
        tpu.vector_store %arg14[%swap3A_1047, %swap3A_1048], %swap3A_1051 {strides = array<i32>} : memref<64x128xf32, #tpu.memory_space<vmem>>, vector<1x16xf32>,
        %add3A_1052 = arith.constant 1 : i32
        %add3A_1053 = arith.addi %select_n3A_687, %add3A_1052 : i32
        %eq3A_1054 = arith.constant 200 : i32
        %eq3A_1055 = arith.cmpi eq, %add3A_1053, %eq3A_1054 : i32
        %select_n3A_1056 = arith.constant 0 : i32
        %select_n3A_1057 = arith.select %eq3A_1055, %select_n3A_1056, %add3A_1053 : i32
        scf.yield %select_n3A_1057 : i32
      }
      %scan3A_169 = arith.constant 64 : i32
      %mul3A_170 = arith.constant 50 : i32
      %mul3A_171 = arith.muli %add3A, %mul3A_170 : i32
      %add3A_172 = arith.addi %mul3A_171, %add3A_143 : i32
      %mul3A_173 = arith.constant 64 : i32
      %mul3A_174 = arith.muli %add3A_172, %mul3A_173 : i32
      %dma_start3A_175 = arith.constant 0 : i32
      %dma_start3A_176 = tpu.memref_slice %arg6[%mul3A_174, %dma_start3A_175] : memref<102400x128xf32, #tpu.memory_space<hbm>> -> memref<64x128xf32, #tpu.memory_space<hbm>>
      %dma_start3A_177 = arith.constant 0 : i32
      %dma_start3A_178 = tpu.memref_slice %arg6[%mul3A_174, %dma_start3A_177] : memref<102400x128xf32, #tpu.memory_space<hbm>> -> memref<64x128xf32, #tpu.memory_space<hbm>>
      tpu.enqueue_dma source(%arg14 : memref<64x128xf32, #tpu.memory_space<vmem>>) target(%dma_start3A_178 : memref<64x128xf32, #tpu.memory_space<hbm>>) target_semaphore(%arg20 : memref<!tpu.dma_semaphore, #tpu.memory_space<semaphore_mem>>)
      %mul3A_179 = arith.constant 4 : i32
      %mul3A_180 = arith.muli %mul3A_179, %scan3A_139 : i32
      %add3A_181 = arith.constant 1 : i32
      %add3A_182 = arith.addi %mul3A_180, %add3A_181 : i32
      %ge3A_183 = arith.constant 2 : i32
      %ge3A_184 = arith.cmpi sge, %add3A_182, %ge3A_183 : i32
      %convert_element_type3A_185 = arith.extui %ge3A_184 : i1 to i32
      %cond3A_186 = arith.constant 0 : i32
      %cond3A_187 = arith.cmpi ne, %convert_element_type3A_185, %cond3A_186 : i32
      scf.if %cond3A_187 {
        %dma_wait3A_311 = arith.constant 0 : i32
        %dma_wait3A_312 = arith.constant 0 : i32
        %dma_wait3A_313 = tpu.memref_slice %arg6[%dma_wait3A_311, %dma_wait3A_312] : memref<102400x128xf32, #tpu.memory_space<hbm>> -> memref<64x128xf32, #tpu.memory_space<hbm>>
        %dma_wait3A_314 = arith.constant 0 : i32
        %dma_wait3A_315 = arith.constant 0 : i32
        %dma_wait3A_316 = tpu.memref_slice %arg6[%dma_wait3A_314, %dma_wait3A_315] : memref<102400x128xf32, #tpu.memory_space<hbm>> -> memref<64x128xf32, #tpu.memory_space<hbm>>
        tpu.wait_dma2 semaphore(%arg21 : memref<!tpu.dma_semaphore, #tpu.memory_space<semaphore_mem>>) src(%arg15 : memref<64x128xf32, #tpu.memory_space<vmem>>) dst(%dma_wait3A_316 : memref<64x128xf32, #tpu.memory_space<hbm>>)
      } else {
      }
      %add3A_188 = arith.constant 4 : i32
      %add3A_189 = arith.addi %add3A_182, %add3A_188 : i32
      %sub3A_190 = arith.constant 1 : i32
      %sub3A_191 = arith.subi %add3A_189, %sub3A_190 : i32
      %lt3A_192 = arith.constant 50 : i32
      %lt3A_193 = arith.cmpi slt, %sub3A_191, %lt3A_192 : i32
      %convert_element_type3A_194 = arith.extui %lt3A_193 : i1 to i32
      %cond3A_195 = arith.constant 0 : i32
      %cond3A_196 = arith.cmpi ne, %convert_element_type3A_194, %cond3A_195 : i32
      scf.if %cond3A_196 {
        %add3A_311 = arith.constant 4 : i32
        %add3A_312 = arith.addi %add3A_182, %add3A_311 : i32
        %sub3A_313 = arith.constant 1 : i32
        %sub3A_314 = arith.subi %add3A_312, %sub3A_313 : i32
        %dma_start3A_315 = arith.constant 0 : i32
        %dma_start3A_316 = tpu.memref_slice %arg7[%sub3A_314, %dma_start3A_315] : memref<50x128xi32, #tpu.memory_space<vmem>> -> memref<1x128xi32, #tpu.memory_space<vmem>>
        %dma_start3A_317 = tpu.memref_squeeze %dma_start3A_316 : memref<1x128xi32, #tpu.memory_space<vmem>> -> memref<128xi32, #tpu.memory_space<vmem>>
        %dma_start3A_318 = arith.constant 0 : i32
        %dma_start3A_319 = arith.constant 0 : i32
        %dma_start3A_320 = tpu.memref_slice %arg5[%dma_start3A_318, %dma_start3A_319] : memref<100000x64xf32, #tpu.memory_space<hbm>> -> memref<100000x64xf32, #tpu.memory_space<hbm>>
        tpu.enqueue_indirect_dma source(%dma_start3A_320 : memref<100000x64xf32, #tpu.memory_space<hbm>>) target(%arg10 : memref<128x64xf32, #tpu.memory_space<vmem>>) offsets(%dma_start3A_317 : memref<128xi32, #tpu.memory_space<vmem>>) semaphore(%arg16 : memref<!tpu.dma_semaphore, #tpu.memory_space<semaphore_mem>>)
      } else {
      }
      %dma_wait3A_197 = arith.constant 0 : i32
      %dma_wait3A_198 = arith.constant 0 : i32
      %dma_wait3A_199 = tpu.memref_slice %arg7[%dma_wait3A_197, %dma_wait3A_198] : memref<50x128xi32, #tpu.memory_space<vmem>> -> memref<1x128xi32, #tpu.memory_space<vmem>>
      %dma_wait3A_200 = tpu.memref_squeeze %dma_wait3A_199 : memref<1x128xi32, #tpu.memory_space<vmem>> -> memref<128xi32, #tpu.memory_space<vmem>>
      %dma_wait3A_201 = arith.constant 0 : i32
      %dma_wait3A_202 = arith.constant 0 : i32
      %dma_wait3A_203 = tpu.memref_slice %arg5[%dma_wait3A_201, %dma_wait3A_202] : memref<100000x64xf32, #tpu.memory_space<hbm>> -> memref<100000x64xf32, #tpu.memory_space<hbm>>
      tpu.wait_indirect_dma semaphore(%arg17 : memref<!tpu.dma_semaphore, #tpu.memory_space<semaphore_mem>>) src(%dma_wait3A_203 : memref<100000x64xf32, #tpu.memory_space<hbm>>) dst(%arg11 : memref<128x64xf32, #tpu.memory_space<vmem>>)
      %mul3A_204 = arith.constant 128 : i32
      %mul3A_205 = arith.muli %add3A_182, %mul3A_204 : i32
      %rem3A_206 = arith.constant 200 : i32
      %rem3A_207 = arith.remsi %mul3A_205, %rem3A_206 : i32
      %scan3A_208 = arith.constant 0 : i32
      %scan3A_209 = arith.constant 64 : i32
      %scan3A_210 = arith.addi %scan3A_208, %scan3A_209 : i32
      %scan3A_211 = arith.constant 2 : i32
      %scan3A_212 = scf.for %scan3A_311 = %scan3A_208 to %scan3A_210 step %scan3A_211 iter_args(%scan3A_312 = %rem3A_207) -> (i32)  : i32 {
        %add3A_313 = arith.constant 1 : i32
        %add3A_314 = arith.addi %scan3A_312, %add3A_313 : i32
        %eq3A = arith.constant 200 : i32
        %eq3A_315 = arith.cmpi eq, %add3A_314, %eq3A : i32
        %select_n3A = arith.constant 0 : i32
        %select_n3A_316 = arith.select %eq3A_315, %select_n3A, %add3A_314 : i32
        %mul3A_317 = arith.constant 2 : i32
        %mul3A_318 = arith.muli %mul3A_317, %scan3A_311 : i32
        %add3A_319 = arith.constant 1 : i32
        %add3A_320 = arith.addi %mul3A_318, %add3A_319 : i32
        %get3A_321 = arith.index_cast %mul3A_318 : i32 to index
        %get3A_322 = arith.constant 0 : index
        %get3A_323 = tpu.vector_load %arg11[%get3A_321, %get3A_322] {strides = array<i32>} : memref<128x64xf32, #tpu.memory_space<vmem>>, vector<1x16xf32>,
        %get3A_324 = vector.shape_cast %get3A_323 : vector<1x16xf32> to vector<16xf32>
        %get3A_325 = arith.index_cast %mul3A_318 : i32 to index
        %get3A_326 = arith.constant 16 : index
        %get3A_327 = tpu.vector_load %arg11[%get3A_325, %get3A_326] {strides = array<i32>} : memref<128x64xf32, #tpu.memory_space<vmem>>, vector<1x16xf32>,
        %get3A_328 = vector.shape_cast %get3A_327 : vector<1x16xf32> to vector<16xf32>
        %get3A_329 = arith.index_cast %mul3A_318 : i32 to index
        %get3A_330 = arith.constant 32 : index
        %get3A_331 = tpu.vector_load %arg11[%get3A_329, %get3A_330] {strides = array<i32>} : memref<128x64xf32, #tpu.memory_space<vmem>>, vector<1x16xf32>,
        %get3A_332 = vector.shape_cast %get3A_331 : vector<1x16xf32> to vector<16xf32>
        %get3A_333 = arith.index_cast %mul3A_318 : i32 to index
        %get3A_334 = arith.constant 48 : index
        %get3A_335 = tpu.vector_load %arg11[%get3A_333, %get3A_334] {strides = array<i32>} : memref<128x64xf32, #tpu.memory_space<vmem>>, vector<1x16xf32>,
        %get3A_336 = vector.shape_cast %get3A_335 : vector<1x16xf32> to vector<16xf32>
        %get3A_337 = arith.index_cast %add3A_320 : i32 to index
        %get3A_338 = arith.constant 0 : index
        %get3A_339 = tpu.vector_load %arg11[%get3A_337, %get3A_338] {strides = array<i32>} : memref<128x64xf32, #tpu.memory_space<vmem>>, vector<1x16xf32>,
        %get3A_340 = vector.shape_cast %get3A_339 : vector<1x16xf32> to vector<16xf32>
        %get3A_341 = arith.index_cast %add3A_320 : i32 to index
        %get3A_342 = arith.constant 16 : index
        %get3A_343 = tpu.vector_load %arg11[%get3A_341, %get3A_342] {strides = array<i32>} : memref<128x64xf32, #tpu.memory_space<vmem>>, vector<1x16xf32>,
        %get3A_344 = vector.shape_cast %get3A_343 : vector<1x16xf32> to vector<16xf32>
        %get3A_345 = arith.index_cast %add3A_320 : i32 to index
        %get3A_346 = arith.constant 32 : index
        %get3A_347 = tpu.vector_load %arg11[%get3A_345, %get3A_346] {strides = array<i32>} : memref<128x64xf32, #tpu.memory_space<vmem>>, vector<1x16xf32>,
        %get3A_348 = vector.shape_cast %get3A_347 : vector<1x16xf32> to vector<16xf32>
        %get3A_349 = arith.index_cast %add3A_320 : i32 to index
        %get3A_350 = arith.constant 48 : index
        %get3A_351 = tpu.vector_load %arg11[%get3A_349, %get3A_350] {strides = array<i32>} : memref<128x64xf32, #tpu.memory_space<vmem>>, vector<1x16xf32>,
        %get3A_352 = vector.shape_cast %get3A_351 : vector<1x16xf32> to vector<16xf32>
        %get3A_353 = arith.index_cast %scan3A_312 : i32 to index
        %get3A_354 = arith.constant 0 : index
        %get3A_355 = tpu.vector_load %arg8[%get3A_353, %get3A_354] {strides = array<i32>} : memref<200x64xf32, #tpu.memory_space<vmem>>, vector<1x16xf32>,
        %get3A_356 = vector.shape_cast %get3A_355 : vector<1x16xf32> to vector<16xf32>
        %get3A_357 = arith.index_cast %scan3A_312 : i32 to index
        %get3A_358 = arith.constant 16 : index
        %get3A_359 = tpu.vector_load %arg8[%get3A_357, %get3A_358] {strides = array<i32>} : memref<200x64xf32, #tpu.memory_space<vmem>>, vector<1x16xf32>,
        %get3A_360 = vector.shape_cast %get3A_359 : vector<1x16xf32> to vector<16xf32>
        %get3A_361 = arith.index_cast %scan3A_312 : i32 to index
        %get3A_362 = arith.constant 32 : index
        %get3A_363 = tpu.vector_load %arg8[%get3A_361, %get3A_362] {strides = array<i32>} : memref<200x64xf32, #tpu.memory_space<vmem>>, vector<1x16xf32>,
        %get3A_364 = vector.shape_cast %get3A_363 : vector<1x16xf32> to vector<16xf32>
        %get3A_365 = arith.index_cast %scan3A_312 : i32 to index
        %get3A_366 = arith.constant 48 : index
        %get3A_367 = tpu.vector_load %arg8[%get3A_365, %get3A_366] {strides = array<i32>} : memref<200x64xf32, #tpu.memory_space<vmem>>, vector<1x16xf32>,
        %get3A_368 = vector.shape_cast %get3A_367 : vector<1x16xf32> to vector<16xf32>
        %get3A_369 = arith.index_cast %select_n3A_316 : i32 to index
        %get3A_370 = arith.constant 0 : index
        %get3A_371 = tpu.vector_load %arg8[%get3A_369, %get3A_370] {strides = array<i32>} : memref<200x64xf32, #tpu.memory_space<vmem>>, vector<1x16xf32>,
        %get3A_372 = vector.shape_cast %get3A_371 : vector<1x16xf32> to vector<16xf32>
        %get3A_373 = arith.index_cast %select_n3A_316 : i32 to index
        %get3A_374 = arith.constant 16 : index
        %get3A_375 = tpu.vector_load %arg8[%get3A_373, %get3A_374] {strides = array<i32>} : memref<200x64xf32, #tpu.memory_space<vmem>>, vector<1x16xf32>,
        %get3A_376 = vector.shape_cast %get3A_375 : vector<1x16xf32> to vector<16xf32>
        %get3A_377 = arith.index_cast %select_n3A_316 : i32 to index
        %get3A_378 = arith.constant 32 : index
        %get3A_379 = tpu.vector_load %arg8[%get3A_377, %get3A_378] {strides = array<i32>} : memref<200x64xf32, #tpu.memory_space<vmem>>, vector<1x16xf32>,
        %get3A_380 = vector.shape_cast %get3A_379 : vector<1x16xf32> to vector<16xf32>
        %get3A_381 = arith.index_cast %select_n3A_316 : i32 to index
        %get3A_382 = arith.constant 48 : index
        %get3A_383 = tpu.vector_load %arg8[%get3A_381, %get3A_382] {strides = array<i32>} : memref<200x64xf32, #tpu.memory_space<vmem>>, vector<1x16xf32>,
        %get3A_384 = vector.shape_cast %get3A_383 : vector<1x16xf32> to vector<16xf32>
        %add3A_385 = arith.addf %get3A_324, %get3A_356 : vector<16xf32>
        %add3A_386 = arith.addf %get3A_328, %get3A_360 : vector<16xf32>
        %add3A_387 = arith.addf %get3A_332, %get3A_364 : vector<16xf32>
        %add3A_388 = arith.addf %get3A_336, %get3A_368 : vector<16xf32>
        %add3A_389 = arith.addf %add3A_385, %add3A_386 : vector<16xf32>
        %add3A_390 = arith.addf %add3A_387, %add3A_388 : vector<16xf32>
        %add3A_391 = arith.addf %add3A_389, %add3A_390 : vector<16xf32>
        %mul3A_392 = arith.mulf %add3A_385, %add3A_385 : vector<16xf32>
        %mul3A_393 = arith.mulf %add3A_386, %add3A_386 : vector<16xf32>
        %add3A_394 = arith.addf %mul3A_392, %mul3A_393 : vector<16xf32>
        %mul3A_395 = arith.mulf %add3A_387, %add3A_387 : vector<16xf32>
        %mul3A_396 = arith.mulf %add3A_388, %add3A_388 : vector<16xf32>
        %add3A_397 = arith.addf %mul3A_395, %mul3A_396 : vector<16xf32>
        %add3A_398 = arith.addf %add3A_394, %add3A_397 : vector<16xf32>
        %iota3A = tpu.iota {dimensions = array<i32: 0>} : vector<16xi32>
        %xor3A = arith.constant 8 : i32
        %xor3A_399 = vector.broadcast %xor3A : i32 to vector<16xi32>
        %xor3A_400 = arith.xori %iota3A, %xor3A_399 : vector<16xi32>
        %broadcast_in_dim3A = vector.shape_cast %xor3A_400 : vector<16xi32> to vector<16x1xi32>
        %gather3A = vector.shape_cast %broadcast_in_dim3A : vector<16x1xi32> to vector<16xi32>
        %gather3A_401 = tpu.dynamic_gather %add3A_391[%gather3A] in [0] : vector<16xf32>, vector<16xi32> -> vector<16xf32>
        %add3A_402 = arith.addf %add3A_391, %gather3A_401 : vector<16xf32>
        %iota3A_403 = tpu.iota {dimensions = array<i32: 0>} : vector<16xi32>
        %xor3A_404 = arith.constant 4 : i32
        %xor3A_405 = vector.broadcast %xor3A_404 : i32 to vector<16xi32>
        %xor3A_406 = arith.xori %iota3A_403, %xor3A_405 : vector<16xi32>
        %broadcast_in_dim3A_407 = vector.shape_cast %xor3A_406 : vector<16xi32> to vector<16x1xi32>
        %gather3A_408 = vector.shape_cast %broadcast_in_dim3A_407 : vector<16x1xi32> to vector<16xi32>
        %gather3A_409 = tpu.dynamic_gather %add3A_402[%gather3A_408] in [0] : vector<16xf32>, vector<16xi32> -> vector<16xf32>
        %add3A_410 = arith.addf %add3A_402, %gather3A_409 : vector<16xf32>
        %iota3A_411 = tpu.iota {dimensions = array<i32: 0>} : vector<16xi32>
        %xor3A_412 = arith.constant 2 : i32
        %xor3A_413 = vector.broadcast %xor3A_412 : i32 to vector<16xi32>
        %xor3A_414 = arith.xori %iota3A_411, %xor3A_413 : vector<16xi32>
        %broadcast_in_dim3A_415 = vector.shape_cast %xor3A_414 : vector<16xi32> to vector<16x1xi32>
        %gather3A_416 = vector.shape_cast %broadcast_in_dim3A_415 : vector<16x1xi32> to vector<16xi32>
        %gather3A_417 = tpu.dynamic_gather %add3A_410[%gather3A_416] in [0] : vector<16xf32>, vector<16xi32> -> vector<16xf32>
        %add3A_418 = arith.addf %add3A_410, %gather3A_417 : vector<16xf32>
        %iota3A_419 = tpu.iota {dimensions = array<i32: 0>} : vector<16xi32>
        %xor3A_420 = arith.constant 1 : i32
        %xor3A_421 = vector.broadcast %xor3A_420 : i32 to vector<16xi32>
        %xor3A_422 = arith.xori %iota3A_419, %xor3A_421 : vector<16xi32>
        %broadcast_in_dim3A_423 = vector.shape_cast %xor3A_422 : vector<16xi32> to vector<16x1xi32>
        %gather3A_424 = vector.shape_cast %broadcast_in_dim3A_423 : vector<16x1xi32> to vector<16xi32>
        %gather3A_425 = tpu.dynamic_gather %add3A_418[%gather3A_424] in [0] : vector<16xf32>, vector<16xi32> -> vector<16xf32>
        %add3A_426 = arith.addf %add3A_418, %gather3A_425 : vector<16xf32>
        %iota3A_427 = tpu.iota {dimensions = array<i32: 0>} : vector<16xi32>
        %xor3A_428 = arith.constant 8 : i32
        %xor3A_429 = vector.broadcast %xor3A_428 : i32 to vector<16xi32>
        %xor3A_430 = arith.xori %iota3A_427, %xor3A_429 : vector<16xi32>
        %broadcast_in_dim3A_431 = vector.shape_cast %xor3A_430 : vector<16xi32> to vector<16x1xi32>
        %gather3A_432 = vector.shape_cast %broadcast_in_dim3A_431 : vector<16x1xi32> to vector<16xi32>
        %gather3A_433 = tpu.dynamic_gather %add3A_398[%gather3A_432] in [0] : vector<16xf32>, vector<16xi32> -> vector<16xf32>
        %add3A_434 = arith.addf %add3A_398, %gather3A_433 : vector<16xf32>
        %iota3A_435 = tpu.iota {dimensions = array<i32: 0>} : vector<16xi32>
        %xor3A_436 = arith.constant 4 : i32
        %xor3A_437 = vector.broadcast %xor3A_436 : i32 to vector<16xi32>
        %xor3A_438 = arith.xori %iota3A_435, %xor3A_437 : vector<16xi32>
        %broadcast_in_dim3A_439 = vector.shape_cast %xor3A_438 : vector<16xi32> to vector<16x1xi32>
        %gather3A_440 = vector.shape_cast %broadcast_in_dim3A_439 : vector<16x1xi32> to vector<16xi32>
        %gather3A_441 = tpu.dynamic_gather %add3A_434[%gather3A_440] in [0] : vector<16xf32>, vector<16xi32> -> vector<16xf32>
        %add3A_442 = arith.addf %add3A_434, %gather3A_441 : vector<16xf32>
        %iota3A_443 = tpu.iota {dimensions = array<i32: 0>} : vector<16xi32>
        %xor3A_444 = arith.constant 2 : i32
        %xor3A_445 = vector.broadcast %xor3A_444 : i32 to vector<16xi32>
        %xor3A_446 = arith.xori %iota3A_443, %xor3A_445 : vector<16xi32>
        %broadcast_in_dim3A_447 = vector.shape_cast %xor3A_446 : vector<16xi32> to vector<16x1xi32>
        %gather3A_448 = vector.shape_cast %broadcast_in_dim3A_447 : vector<16x1xi32> to vector<16xi32>
        %gather3A_449 = tpu.dynamic_gather %add3A_442[%gather3A_448] in [0] : vector<16xf32>, vector<16xi32> -> vector<16xf32>
        %add3A_450 = arith.addf %add3A_442, %gather3A_449 : vector<16xf32>
        %iota3A_451 = tpu.iota {dimensions = array<i32: 0>} : vector<16xi32>
        %xor3A_452 = arith.constant 1 : i32
        %xor3A_453 = vector.broadcast %xor3A_452 : i32 to vector<16xi32>
        %xor3A_454 = arith.xori %iota3A_451, %xor3A_453 : vector<16xi32>
        %broadcast_in_dim3A_455 = vector.shape_cast %xor3A_454 : vector<16xi32> to vector<16x1xi32>
        %gather3A_456 = vector.shape_cast %broadcast_in_dim3A_455 : vector<16x1xi32> to vector<16xi32>
        %gather3A_457 = tpu.dynamic_gather %add3A_450[%gather3A_456] in [0] : vector<16xf32>, vector<16xi32> -> vector<16xf32>
        %add3A_458 = arith.addf %add3A_450, %gather3A_457 : vector<16xf32>
        %mul3A_459 = arith.constant 1.562500e-02 : f32
        %mul3A_460 = vector.broadcast %mul3A_459 : f32 to vector<16xf32>
        %mul3A_461 = arith.mulf %add3A_426, %mul3A_460 : vector<16xf32>
        %mul3A_462 = arith.constant 1.562500e-02 : f32
        %mul3A_463 = vector.broadcast %mul3A_462 : f32 to vector<16xf32>
        %mul3A_464 = arith.mulf %add3A_458, %mul3A_463 : vector<16xf32>
        %mul3A_465 = arith.mulf %mul3A_461, %mul3A_461 : vector<16xf32>
        %sub3A_466 = arith.subf %mul3A_464, %mul3A_465 : vector<16xf32>
        %add3A_467 = arith.constant 9.99999996E-13 : f32
        %add3A_468 = vector.broadcast %add3A_467 : f32 to vector<16xf32>
        %add3A_469 = arith.addf %sub3A_466, %add3A_468 : vector<16xf32>
        %bitcast_convert_type3A = tpu.bitcast %add3A_469 : vector<16xf32> -> vector<16xi32>
        %shift_right_arithmetic3A = arith.constant 1 : i32
        %shift_right_arithmetic3A_470 = vector.broadcast %shift_right_arithmetic3A : i32 to vector<16xi32>
        %shift_right_arithmetic3A_471 = arith.shrsi %bitcast_convert_type3A, %shift_right_arithmetic3A_470 : vector<16xi32>
        %sub3A_472 = arith.constant 1597463007 : i32
        %sub3A_473 = vector.broadcast %sub3A_472 : i32 to vector<16xi32>
        %sub3A_474 = arith.subi %sub3A_473, %shift_right_arithmetic3A_471 : vector<16xi32>
        %bitcast_convert_type3A_475 = tpu.bitcast %sub3A_474 : vector<16xi32> -> vector<16xf32>
        %mul3A_476 = arith.constant 5.000000e-01 : f32
        %mul3A_477 = vector.broadcast %mul3A_476 : f32 to vector<16xf32>
        %mul3A_478 = arith.mulf %add3A_469, %mul3A_477 : vector<16xf32>
        %mul3A_479 = arith.mulf %mul3A_478, %bitcast_convert_type3A_475 : vector<16xf32>
        %mul3A_480 = arith.mulf %mul3A_479, %bitcast_convert_type3A_475 : vector<16xf32>
        %sub3A_481 = arith.constant 1.500000e+00 : f32
        %sub3A_482 = vector.broadcast %sub3A_481 : f32 to vector<16xf32>
        %sub3A_483 = arith.subf %sub3A_482, %mul3A_480 : vector<16xf32>
        %mul3A_484 = arith.mulf %bitcast_convert_type3A_475, %sub3A_483 : vector<16xf32>
        %mul3A_485 = arith.mulf %mul3A_478, %mul3A_484 : vector<16xf32>
        %mul3A_486 = arith.mulf %mul3A_485, %mul3A_484 : vector<16xf32>
        %sub3A_487 = arith.constant 1.500000e+00 : f32
        %sub3A_488 = vector.broadcast %sub3A_487 : f32 to vector<16xf32>
        %sub3A_489 = arith.subf %sub3A_488, %mul3A_486 : vector<16xf32>
        %mul3A_490 = arith.mulf %mul3A_484, %sub3A_489 : vector<16xf32>
        %sub3A_491 = arith.subf %add3A_385, %mul3A_461 : vector<16xf32>
        %mul3A_492 = arith.mulf %mul3A_490, %get3A_4 : vector<16xf32>
        %mul3A_493 = arith.mulf %sub3A_491, %mul3A_492 : vector<16xf32>
        %add3A_494 = arith.addf %mul3A_493, %get3A_24 : vector<16xf32>
        %sub3A_495 = arith.subf %add3A_386, %mul3A_461 : vector<16xf32>
        %mul3A_496 = arith.mulf %mul3A_490, %get3A_9 : vector<16xf32>
        %mul3A_497 = arith.mulf %sub3A_495, %mul3A_496 : vector<16xf32>
        %add3A_498 = arith.addf %mul3A_497, %get3A_29 : vector<16xf32>
        %sub3A_499 = arith.subf %add3A_387, %mul3A_461 : vector<16xf32>
        %mul3A_500 = arith.mulf %mul3A_490, %get3A_14 : vector<16xf32>
        %mul3A_501 = arith.mulf %sub3A_499, %mul3A_500 : vector<16xf32>
        %add3A_502 = arith.addf %mul3A_501, %get3A_34 : vector<16xf32>
        %sub3A_503 = arith.subf %add3A_388, %mul3A_461 : vector<16xf32>
        %mul3A_504 = arith.mulf %mul3A_490, %get3A_19 : vector<16xf32>
        %mul3A_505 = arith.mulf %sub3A_503, %mul3A_504 : vector<16xf32>
        %add3A_506 = arith.addf %mul3A_505, %get3A_39 : vector<16xf32>
        %add3A_507 = arith.addf %get3A_340, %get3A_372 : vector<16xf32>
        %add3A_508 = arith.addf %get3A_344, %get3A_376 : vector<16xf32>
        %add3A_509 = arith.addf %get3A_348, %get3A_380 : vector<16xf32>
        %add3A_510 = arith.addf %get3A_352, %get3A_384 : vector<16xf32>
        %add3A_511 = arith.addf %add3A_507, %add3A_508 : vector<16xf32>
        %add3A_512 = arith.addf %add3A_509, %add3A_510 : vector<16xf32>
        %add3A_513 = arith.addf %add3A_511, %add3A_512 : vector<16xf32>
        %mul3A_514 = arith.mulf %add3A_507, %add3A_507 : vector<16xf32>
        %mul3A_515 = arith.mulf %add3A_508, %add3A_508 : vector<16xf32>
        %add3A_516 = arith.addf %mul3A_514, %mul3A_515 : vector<16xf32>
        %mul3A_517 = arith.mulf %add3A_509, %add3A_509 : vector<16xf32>
        %mul3A_518 = arith.mulf %add3A_510, %add3A_510 : vector<16xf32>
        %add3A_519 = arith.addf %mul3A_517, %mul3A_518 : vector<16xf32>
        %add3A_520 = arith.addf %add3A_516, %add3A_519 : vector<16xf32>
        %iota3A_521 = tpu.iota {dimensions = array<i32: 0>} : vector<16xi32>
        %xor3A_522 = arith.constant 8 : i32
        %xor3A_523 = vector.broadcast %xor3A_522 : i32 to vector<16xi32>
        %xor3A_524 = arith.xori %iota3A_521, %xor3A_523 : vector<16xi32>
        %broadcast_in_dim3A_525 = vector.shape_cast %xor3A_524 : vector<16xi32> to vector<16x1xi32>
        %gather3A_526 = vector.shape_cast %broadcast_in_dim3A_525 : vector<16x1xi32> to vector<16xi32>
        %gather3A_527 = tpu.dynamic_gather %add3A_513[%gather3A_526] in [0] : vector<16xf32>, vector<16xi32> -> vector<16xf32>
        %add3A_528 = arith.addf %add3A_513, %gather3A_527 : vector<16xf32>
        %iota3A_529 = tpu.iota {dimensions = array<i32: 0>} : vector<16xi32>
        %xor3A_530 = arith.constant 4 : i32
        %xor3A_531 = vector.broadcast %xor3A_530 : i32 to vector<16xi32>
        %xor3A_532 = arith.xori %iota3A_529, %xor3A_531 : vector<16xi32>
        %broadcast_in_dim3A_533 = vector.shape_cast %xor3A_532 : vector<16xi32> to vector<16x1xi32>
        %gather3A_534 = vector.shape_cast %broadcast_in_dim3A_533 : vector<16x1xi32> to vector<16xi32>
        %gather3A_535 = tpu.dynamic_gather %add3A_528[%gather3A_534] in [0] : vector<16xf32>, vector<16xi32> -> vector<16xf32>
        %add3A_536 = arith.addf %add3A_528, %gather3A_535 : vector<16xf32>
        %iota3A_537 = tpu.iota {dimensions = array<i32: 0>} : vector<16xi32>
        %xor3A_538 = arith.constant 2 : i32
        %xor3A_539 = vector.broadcast %xor3A_538 : i32 to vector<16xi32>
        %xor3A_540 = arith.xori %iota3A_537, %xor3A_539 : vector<16xi32>
        %broadcast_in_dim3A_541 = vector.shape_cast %xor3A_540 : vector<16xi32> to vector<16x1xi32>
        %gather3A_542 = vector.shape_cast %broadcast_in_dim3A_541 : vector<16x1xi32> to vector<16xi32>
        %gather3A_543 = tpu.dynamic_gather %add3A_536[%gather3A_542] in [0] : vector<16xf32>, vector<16xi32> -> vector<16xf32>
        %add3A_544 = arith.addf %add3A_536, %gather3A_543 : vector<16xf32>
        %iota3A_545 = tpu.iota {dimensions = array<i32: 0>} : vector<16xi32>
        %xor3A_546 = arith.constant 1 : i32
        %xor3A_547 = vector.broadcast %xor3A_546 : i32 to vector<16xi32>
        %xor3A_548 = arith.xori %iota3A_545, %xor3A_547 : vector<16xi32>
        %broadcast_in_dim3A_549 = vector.shape_cast %xor3A_548 : vector<16xi32> to vector<16x1xi32>
        %gather3A_550 = vector.shape_cast %broadcast_in_dim3A_549 : vector<16x1xi32> to vector<16xi32>
        %gather3A_551 = tpu.dynamic_gather %add3A_544[%gather3A_550] in [0] : vector<16xf32>, vector<16xi32> -> vector<16xf32>
        %add3A_552 = arith.addf %add3A_544, %gather3A_551 : vector<16xf32>
        %iota3A_553 = tpu.iota {dimensions = array<i32: 0>} : vector<16xi32>
        %xor3A_554 = arith.constant 8 : i32
        %xor3A_555 = vector.broadcast %xor3A_554 : i32 to vector<16xi32>
        %xor3A_556 = arith.xori %iota3A_553, %xor3A_555 : vector<16xi32>
        %broadcast_in_dim3A_557 = vector.shape_cast %xor3A_556 : vector<16xi32> to vector<16x1xi32>
        %gather3A_558 = vector.shape_cast %broadcast_in_dim3A_557 : vector<16x1xi32> to vector<16xi32>
        %gather3A_559 = tpu.dynamic_gather %add3A_520[%gather3A_558] in [0] : vector<16xf32>, vector<16xi32> -> vector<16xf32>
        %add3A_560 = arith.addf %add3A_520, %gather3A_559 : vector<16xf32>
        %iota3A_561 = tpu.iota {dimensions = array<i32: 0>} : vector<16xi32>
        %xor3A_562 = arith.constant 4 : i32
        %xor3A_563 = vector.broadcast %xor3A_562 : i32 to vector<16xi32>
        %xor3A_564 = arith.xori %iota3A_561, %xor3A_563 : vector<16xi32>
        %broadcast_in_dim3A_565 = vector.shape_cast %xor3A_564 : vector<16xi32> to vector<16x1xi32>
        %gather3A_566 = vector.shape_cast %broadcast_in_dim3A_565 : vector<16x1xi32> to vector<16xi32>
        %gather3A_567 = tpu.dynamic_gather %add3A_560[%gather3A_566] in [0] : vector<16xf32>, vector<16xi32> -> vector<16xf32>
        %add3A_568 = arith.addf %add3A_560, %gather3A_567 : vector<16xf32>
        %iota3A_569 = tpu.iota {dimensions = array<i32: 0>} : vector<16xi32>
        %xor3A_570 = arith.constant 2 : i32
        %xor3A_571 = vector.broadcast %xor3A_570 : i32 to vector<16xi32>
        %xor3A_572 = arith.xori %iota3A_569, %xor3A_571 : vector<16xi32>
        %broadcast_in_dim3A_573 = vector.shape_cast %xor3A_572 : vector<16xi32> to vector<16x1xi32>
        %gather3A_574 = vector.shape_cast %broadcast_in_dim3A_573 : vector<16x1xi32> to vector<16xi32>
        %gather3A_575 = tpu.dynamic_gather %add3A_568[%gather3A_574] in [0] : vector<16xf32>, vector<16xi32> -> vector<16xf32>
        %add3A_576 = arith.addf %add3A_568, %gather3A_575 : vector<16xf32>
        %iota3A_577 = tpu.iota {dimensions = array<i32: 0>} : vector<16xi32>
        %xor3A_578 = arith.constant 1 : i32
        %xor3A_579 = vector.broadcast %xor3A_578 : i32 to vector<16xi32>
        %xor3A_580 = arith.xori %iota3A_577, %xor3A_579 : vector<16xi32>
        %broadcast_in_dim3A_581 = vector.shape_cast %xor3A_580 : vector<16xi32> to vector<16x1xi32>
        %gather3A_582 = vector.shape_cast %broadcast_in_dim3A_581 : vector<16x1xi32> to vector<16xi32>
        %gather3A_583 = tpu.dynamic_gather %add3A_576[%gather3A_582] in [0] : vector<16xf32>, vector<16xi32> -> vector<16xf32>
        %add3A_584 = arith.addf %add3A_576, %gather3A_583 : vector<16xf32>
        %mul3A_585 = arith.constant 1.562500e-02 : f32
        %mul3A_586 = vector.broadcast %mul3A_585 : f32 to vector<16xf32>
        %mul3A_587 = arith.mulf %add3A_552, %mul3A_586 : vector<16xf32>
        %mul3A_588 = arith.constant 1.562500e-02 : f32
        %mul3A_589 = vector.broadcast %mul3A_588 : f32 to vector<16xf32>
        %mul3A_590 = arith.mulf %add3A_584, %mul3A_589 : vector<16xf32>
        %mul3A_591 = arith.mulf %mul3A_587, %mul3A_587 : vector<16xf32>
        %sub3A_592 = arith.subf %mul3A_590, %mul3A_591 : vector<16xf32>
        %add3A_593 = arith.constant 9.99999996E-13 : f32
        %add3A_594 = vector.broadcast %add3A_593 : f32 to vector<16xf32>
        %add3A_595 = arith.addf %sub3A_592, %add3A_594 : vector<16xf32>
        %bitcast_convert_type3A_596 = tpu.bitcast %add3A_595 : vector<16xf32> -> vector<16xi32>
        %shift_right_arithmetic3A_597 = arith.constant 1 : i32
        %shift_right_arithmetic3A_598 = vector.broadcast %shift_right_arithmetic3A_597 : i32 to vector<16xi32>
        %shift_right_arithmetic3A_599 = arith.shrsi %bitcast_convert_type3A_596, %shift_right_arithmetic3A_598 : vector<16xi32>
        %sub3A_600 = arith.constant 1597463007 : i32
        %sub3A_601 = vector.broadcast %sub3A_600 : i32 to vector<16xi32>
        %sub3A_602 = arith.subi %sub3A_601, %shift_right_arithmetic3A_599 : vector<16xi32>
        %bitcast_convert_type3A_603 = tpu.bitcast %sub3A_602 : vector<16xi32> -> vector<16xf32>
        %mul3A_604 = arith.constant 5.000000e-01 : f32
        %mul3A_605 = vector.broadcast %mul3A_604 : f32 to vector<16xf32>
        %mul3A_606 = arith.mulf %add3A_595, %mul3A_605 : vector<16xf32>
        %mul3A_607 = arith.mulf %mul3A_606, %bitcast_convert_type3A_603 : vector<16xf32>
        %mul3A_608 = arith.mulf %mul3A_607, %bitcast_convert_type3A_603 : vector<16xf32>
        %sub3A_609 = arith.constant 1.500000e+00 : f32
        %sub3A_610 = vector.broadcast %sub3A_609 : f32 to vector<16xf32>
        %sub3A_611 = arith.subf %sub3A_610, %mul3A_608 : vector<16xf32>
        %mul3A_612 = arith.mulf %bitcast_convert_type3A_603, %sub3A_611 : vector<16xf32>
        %mul3A_613 = arith.mulf %mul3A_606, %mul3A_612 : vector<16xf32>
        %mul3A_614 = arith.mulf %mul3A_613, %mul3A_612 : vector<16xf32>
        %sub3A_615 = arith.constant 1.500000e+00 : f32
        %sub3A_616 = vector.broadcast %sub3A_615 : f32 to vector<16xf32>
        %sub3A_617 = arith.subf %sub3A_616, %mul3A_614 : vector<16xf32>
        %mul3A_618 = arith.mulf %mul3A_612, %sub3A_617 : vector<16xf32>
        %sub3A_619 = arith.subf %add3A_507, %mul3A_587 : vector<16xf32>
        %mul3A_620 = arith.mulf %mul3A_618, %get3A_4 : vector<16xf32>
        %mul3A_621 = arith.mulf %sub3A_619, %mul3A_620 : vector<16xf32>
        %add3A_622 = arith.addf %mul3A_621, %get3A_24 : vector<16xf32>
        %sub3A_623 = arith.subf %add3A_508, %mul3A_587 : vector<16xf32>
        %mul3A_624 = arith.mulf %mul3A_618, %get3A_9 : vector<16xf32>
        %mul3A_625 = arith.mulf %sub3A_623, %mul3A_624 : vector<16xf32>
        %add3A_626 = arith.addf %mul3A_625, %get3A_29 : vector<16xf32>
        %sub3A_627 = arith.subf %add3A_509, %mul3A_587 : vector<16xf32>
        %mul3A_628 = arith.mulf %mul3A_618, %get3A_14 : vector<16xf32>
        %mul3A_629 = arith.mulf %sub3A_627, %mul3A_628 : vector<16xf32>
        %add3A_630 = arith.addf %mul3A_629, %get3A_34 : vector<16xf32>
        %sub3A_631 = arith.subf %add3A_510, %mul3A_587 : vector<16xf32>
        %mul3A_632 = arith.mulf %mul3A_618, %get3A_19 : vector<16xf32>
        %mul3A_633 = arith.mulf %sub3A_631, %mul3A_632 : vector<16xf32>
        %add3A_634 = arith.addf %mul3A_633, %get3A_39 : vector<16xf32>
        %swap3A = arith.index_cast %scan3A_311 : i32 to index
        %swap3A_635 = arith.constant 0 : index
        %swap3A_636 = tpu.vector_load %arg15[%swap3A, %swap3A_635] {strides = array<i32>} : memref<64x128xf32, #tpu.memory_space<vmem>>, vector<1x16xf32>,
        %swap3A_637 = vector.shape_cast %swap3A_636 : vector<1x16xf32> to vector<16xf32>
        %swap3A_638 = vector.shape_cast %add3A_494 : vector<16xf32> to vector<1x16xf32>
        tpu.vector_store %arg15[%swap3A, %swap3A_635], %swap3A_638 {strides = array<i32>} : memref<64x128xf32, #tpu.memory_space<vmem>>, vector<1x16xf32>,
        %swap3A_639 = arith.index_cast %scan3A_311 : i32 to index
        %swap3A_640 = arith.constant 64 : index
        %swap3A_641 = tpu.vector_load %arg15[%swap3A_639, %swap3A_640] {strides = array<i32>} : memref<64x128xf32, #tpu.memory_space<vmem>>, vector<1x16xf32>,
        %swap3A_642 = vector.shape_cast %swap3A_641 : vector<1x16xf32> to vector<16xf32>
        %swap3A_643 = vector.shape_cast %add3A_622 : vector<16xf32> to vector<1x16xf32>
        tpu.vector_store %arg15[%swap3A_639, %swap3A_640], %swap3A_643 {strides = array<i32>} : memref<64x128xf32, #tpu.memory_space<vmem>>, vector<1x16xf32>,
        %swap3A_644 = arith.index_cast %scan3A_311 : i32 to index
        %swap3A_645 = arith.constant 16 : index
        %swap3A_646 = tpu.vector_load %arg15[%swap3A_644, %swap3A_645] {strides = array<i32>} : memref<64x128xf32, #tpu.memory_space<vmem>>, vector<1x16xf32>,
        %swap3A_647 = vector.shape_cast %swap3A_646 : vector<1x16xf32> to vector<16xf32>
        %swap3A_648 = vector.shape_cast %add3A_498 : vector<16xf32> to vector<1x16xf32>
        tpu.vector_store %arg15[%swap3A_644, %swap3A_645], %swap3A_648 {strides = array<i32>} : memref<64x128xf32, #tpu.memory_space<vmem>>, vector<1x16xf32>,
        %swap3A_649 = arith.index_cast %scan3A_311 : i32 to index
        %swap3A_650 = arith.constant 80 : index
        %swap3A_651 = tpu.vector_load %arg15[%swap3A_649, %swap3A_650] {strides = array<i32>} : memref<64x128xf32, #tpu.memory_space<vmem>>, vector<1x16xf32>,
        %swap3A_652 = vector.shape_cast %swap3A_651 : vector<1x16xf32> to vector<16xf32>
        %swap3A_653 = vector.shape_cast %add3A_626 : vector<16xf32> to vector<1x16xf32>
        tpu.vector_store %arg15[%swap3A_649, %swap3A_650], %swap3A_653 {strides = array<i32>} : memref<64x128xf32, #tpu.memory_space<vmem>>, vector<1x16xf32>,
        %swap3A_654 = arith.index_cast %scan3A_311 : i32 to index
        %swap3A_655 = arith.constant 32 : index
        %swap3A_656 = tpu.vector_load %arg15[%swap3A_654, %swap3A_655] {strides = array<i32>} : memref<64x128xf32, #tpu.memory_space<vmem>>, vector<1x16xf32>,
        %swap3A_657 = vector.shape_cast %swap3A_656 : vector<1x16xf32> to vector<16xf32>
        %swap3A_658 = vector.shape_cast %add3A_502 : vector<16xf32> to vector<1x16xf32>
        tpu.vector_store %arg15[%swap3A_654, %swap3A_655], %swap3A_658 {strides = array<i32>} : memref<64x128xf32, #tpu.memory_space<vmem>>, vector<1x16xf32>,
        %swap3A_659 = arith.index_cast %scan3A_311 : i32 to index
        %swap3A_660 = arith.constant 96 : index
        %swap3A_661 = tpu.vector_load %arg15[%swap3A_659, %swap3A_660] {strides = array<i32>} : memref<64x128xf32, #tpu.memory_space<vmem>>, vector<1x16xf32>,
        %swap3A_662 = vector.shape_cast %swap3A_661 : vector<1x16xf32> to vector<16xf32>
        %swap3A_663 = vector.shape_cast %add3A_630 : vector<16xf32> to vector<1x16xf32>
        tpu.vector_store %arg15[%swap3A_659, %swap3A_660], %swap3A_663 {strides = array<i32>} : memref<64x128xf32, #tpu.memory_space<vmem>>, vector<1x16xf32>,
        %swap3A_664 = arith.index_cast %scan3A_311 : i32 to index
        %swap3A_665 = arith.constant 48 : index
        %swap3A_666 = tpu.vector_load %arg15[%swap3A_664, %swap3A_665] {strides = array<i32>} : memref<64x128xf32, #tpu.memory_space<vmem>>, vector<1x16xf32>,
        %swap3A_667 = vector.shape_cast %swap3A_666 : vector<1x16xf32> to vector<16xf32>
        %swap3A_668 = vector.shape_cast %add3A_506 : vector<16xf32> to vector<1x16xf32>
        tpu.vector_store %arg15[%swap3A_664, %swap3A_665], %swap3A_668 {strides = array<i32>} : memref<64x128xf32, #tpu.memory_space<vmem>>, vector<1x16xf32>,
        %swap3A_669 = arith.index_cast %scan3A_311 : i32 to index
        %swap3A_670 = arith.constant 112 : index
        %swap3A_671 = tpu.vector_load %arg15[%swap3A_669, %swap3A_670] {strides = array<i32>} : memref<64x128xf32, #tpu.memory_space<vmem>>, vector<1x16xf32>,
        %swap3A_672 = vector.shape_cast %swap3A_671 : vector<1x16xf32> to vector<16xf32>
        %swap3A_673 = vector.shape_cast %add3A_634 : vector<16xf32> to vector<1x16xf32>
        tpu.vector_store %arg15[%swap3A_669, %swap3A_670], %swap3A_673 {strides = array<i32>} : memref<64x128xf32, #tpu.memory_space<vmem>>, vector<1x16xf32>,
        %add3A_674 = arith.constant 1 : i32
        %add3A_675 = arith.addi %select_n3A_316, %add3A_674 : i32
        %eq3A_676 = arith.constant 200 : i32
        %eq3A_677 = arith.cmpi eq, %add3A_675, %eq3A_676 : i32
        %select_n3A_678 = arith.constant 0 : i32
        %select_n3A_679 = arith.select %eq3A_677, %select_n3A_678, %add3A_675 : i32
        %scan3A_680 = arith.constant 1 : i32
        %scan3A_681 = arith.addi %scan3A_311, %scan3A_680 : i32
        %add3A_682 = arith.constant 1 : i32
        %add3A_683 = arith.addi %select_n3A_679, %add3A_682 : i32
        %eq3A_684 = arith.constant 200 : i32
        %eq3A_685 = arith.cmpi eq, %add3A_683, %eq3A_684 : i32
        %select_n3A_686 = arith.constant 0 : i32
        %select_n3A_687 = arith.select %eq3A_685, %select_n3A_686, %add3A_683 : i32
        %mul3A_688 = arith.constant 2 : i32
        %mul3A_689 = arith.muli %mul3A_688, %scan3A_681 : i32
        %add3A_690 = arith.constant 1 : i32
        %add3A_691 = arith.addi %mul3A_689, %add3A_690 : i32
        %get3A_692 = arith.index_cast %mul3A_689 : i32 to index
        %get3A_693 = arith.constant 0 : index
        %get3A_694 = tpu.vector_load %arg11[%get3A_692, %get3A_693] {strides = array<i32>} : memref<128x64xf32, #tpu.memory_space<vmem>>, vector<1x16xf32>,
        %get3A_695 = vector.shape_cast %get3A_694 : vector<1x16xf32> to vector<16xf32>
        %get3A_696 = arith.index_cast %mul3A_689 : i32 to index
        %get3A_697 = arith.constant 16 : index
        %get3A_698 = tpu.vector_load %arg11[%get3A_696, %get3A_697] {strides = array<i32>} : memref<128x64xf32, #tpu.memory_space<vmem>>, vector<1x16xf32>,
        %get3A_699 = vector.shape_cast %get3A_698 : vector<1x16xf32> to vector<16xf32>
        %get3A_700 = arith.index_cast %mul3A_689 : i32 to index
        %get3A_701 = arith.constant 32 : index
        %get3A_702 = tpu.vector_load %arg11[%get3A_700, %get3A_701] {strides = array<i32>} : memref<128x64xf32, #tpu.memory_space<vmem>>, vector<1x16xf32>,
        %get3A_703 = vector.shape_cast %get3A_702 : vector<1x16xf32> to vector<16xf32>
        %get3A_704 = arith.index_cast %mul3A_689 : i32 to index
        %get3A_705 = arith.constant 48 : index
        %get3A_706 = tpu.vector_load %arg11[%get3A_704, %get3A_705] {strides = array<i32>} : memref<128x64xf32, #tpu.memory_space<vmem>>, vector<1x16xf32>,
        %get3A_707 = vector.shape_cast %get3A_706 : vector<1x16xf32> to vector<16xf32>
        %get3A_708 = arith.index_cast %add3A_691 : i32 to index
        %get3A_709 = arith.constant 0 : index
        %get3A_710 = tpu.vector_load %arg11[%get3A_708, %get3A_709] {strides = array<i32>} : memref<128x64xf32, #tpu.memory_space<vmem>>, vector<1x16xf32>,
        %get3A_711 = vector.shape_cast %get3A_710 : vector<1x16xf32> to vector<16xf32>
        %get3A_712 = arith.index_cast %add3A_691 : i32 to index
        %get3A_713 = arith.constant 16 : index
        %get3A_714 = tpu.vector_load %arg11[%get3A_712, %get3A_713] {strides = array<i32>} : memref<128x64xf32, #tpu.memory_space<vmem>>, vector<1x16xf32>,
        %get3A_715 = vector.shape_cast %get3A_714 : vector<1x16xf32> to vector<16xf32>
        %get3A_716 = arith.index_cast %add3A_691 : i32 to index
        %get3A_717 = arith.constant 32 : index
        %get3A_718 = tpu.vector_load %arg11[%get3A_716, %get3A_717] {strides = array<i32>} : memref<128x64xf32, #tpu.memory_space<vmem>>, vector<1x16xf32>,
        %get3A_719 = vector.shape_cast %get3A_718 : vector<1x16xf32> to vector<16xf32>
        %get3A_720 = arith.index_cast %add3A_691 : i32 to index
        %get3A_721 = arith.constant 48 : index
        %get3A_722 = tpu.vector_load %arg11[%get3A_720, %get3A_721] {strides = array<i32>} : memref<128x64xf32, #tpu.memory_space<vmem>>, vector<1x16xf32>,
        %get3A_723 = vector.shape_cast %get3A_722 : vector<1x16xf32> to vector<16xf32>
        %get3A_724 = arith.index_cast %select_n3A_679 : i32 to index
        %get3A_725 = arith.constant 0 : index
        %get3A_726 = tpu.vector_load %arg8[%get3A_724, %get3A_725] {strides = array<i32>} : memref<200x64xf32, #tpu.memory_space<vmem>>, vector<1x16xf32>,
        %get3A_727 = vector.shape_cast %get3A_726 : vector<1x16xf32> to vector<16xf32>
        %get3A_728 = arith.index_cast %select_n3A_679 : i32 to index
        %get3A_729 = arith.constant 16 : index
        %get3A_730 = tpu.vector_load %arg8[%get3A_728, %get3A_729] {strides = array<i32>} : memref<200x64xf32, #tpu.memory_space<vmem>>, vector<1x16xf32>,
        %get3A_731 = vector.shape_cast %get3A_730 : vector<1x16xf32> to vector<16xf32>
        %get3A_732 = arith.index_cast %select_n3A_679 : i32 to index
        %get3A_733 = arith.constant 32 : index
        %get3A_734 = tpu.vector_load %arg8[%get3A_732, %get3A_733] {strides = array<i32>} : memref<200x64xf32, #tpu.memory_space<vmem>>, vector<1x16xf32>,
        %get3A_735 = vector.shape_cast %get3A_734 : vector<1x16xf32> to vector<16xf32>
        %get3A_736 = arith.index_cast %select_n3A_679 : i32 to index
        %get3A_737 = arith.constant 48 : index
        %get3A_738 = tpu.vector_load %arg8[%get3A_736, %get3A_737] {strides = array<i32>} : memref<200x64xf32, #tpu.memory_space<vmem>>, vector<1x16xf32>,
        %get3A_739 = vector.shape_cast %get3A_738 : vector<1x16xf32> to vector<16xf32>
        %get3A_740 = arith.index_cast %select_n3A_687 : i32 to index
        %get3A_741 = arith.constant 0 : index
        %get3A_742 = tpu.vector_load %arg8[%get3A_740, %get3A_741] {strides = array<i32>} : memref<200x64xf32, #tpu.memory_space<vmem>>, vector<1x16xf32>,
        %get3A_743 = vector.shape_cast %get3A_742 : vector<1x16xf32> to vector<16xf32>
        %get3A_744 = arith.index_cast %select_n3A_687 : i32 to index
        %get3A_745 = arith.constant 16 : index
        %get3A_746 = tpu.vector_load %arg8[%get3A_744, %get3A_745] {strides = array<i32>} : memref<200x64xf32, #tpu.memory_space<vmem>>, vector<1x16xf32>,
        %get3A_747 = vector.shape_cast %get3A_746 : vector<1x16xf32> to vector<16xf32>
        %get3A_748 = arith.index_cast %select_n3A_687 : i32 to index
        %get3A_749 = arith.constant 32 : index
        %get3A_750 = tpu.vector_load %arg8[%get3A_748, %get3A_749] {strides = array<i32>} : memref<200x64xf32, #tpu.memory_space<vmem>>, vector<1x16xf32>,
        %get3A_751 = vector.shape_cast %get3A_750 : vector<1x16xf32> to vector<16xf32>
        %get3A_752 = arith.index_cast %select_n3A_687 : i32 to index
        %get3A_753 = arith.constant 48 : index
        %get3A_754 = tpu.vector_load %arg8[%get3A_752, %get3A_753] {strides = array<i32>} : memref<200x64xf32, #tpu.memory_space<vmem>>, vector<1x16xf32>,
        %get3A_755 = vector.shape_cast %get3A_754 : vector<1x16xf32> to vector<16xf32>
        %add3A_756 = arith.addf %get3A_695, %get3A_727 : vector<16xf32>
        %add3A_757 = arith.addf %get3A_699, %get3A_731 : vector<16xf32>
        %add3A_758 = arith.addf %get3A_703, %get3A_735 : vector<16xf32>
        %add3A_759 = arith.addf %get3A_707, %get3A_739 : vector<16xf32>
        %add3A_760 = arith.addf %add3A_756, %add3A_757 : vector<16xf32>
        %add3A_761 = arith.addf %add3A_758, %add3A_759 : vector<16xf32>
        %add3A_762 = arith.addf %add3A_760, %add3A_761 : vector<16xf32>
        %mul3A_763 = arith.mulf %add3A_756, %add3A_756 : vector<16xf32>
        %mul3A_764 = arith.mulf %add3A_757, %add3A_757 : vector<16xf32>
        %add3A_765 = arith.addf %mul3A_763, %mul3A_764 : vector<16xf32>
        %mul3A_766 = arith.mulf %add3A_758, %add3A_758 : vector<16xf32>
        %mul3A_767 = arith.mulf %add3A_759, %add3A_759 : vector<16xf32>
        %add3A_768 = arith.addf %mul3A_766, %mul3A_767 : vector<16xf32>
        %add3A_769 = arith.addf %add3A_765, %add3A_768 : vector<16xf32>
        %iota3A_770 = tpu.iota {dimensions = array<i32: 0>} : vector<16xi32>
        %xor3A_771 = arith.constant 8 : i32
        %xor3A_772 = vector.broadcast %xor3A_771 : i32 to vector<16xi32>
        %xor3A_773 = arith.xori %iota3A_770, %xor3A_772 : vector<16xi32>
        %broadcast_in_dim3A_774 = vector.shape_cast %xor3A_773 : vector<16xi32> to vector<16x1xi32>
        %gather3A_775 = vector.shape_cast %broadcast_in_dim3A_774 : vector<16x1xi32> to vector<16xi32>
        %gather3A_776 = tpu.dynamic_gather %add3A_762[%gather3A_775] in [0] : vector<16xf32>, vector<16xi32> -> vector<16xf32>
        %add3A_777 = arith.addf %add3A_762, %gather3A_776 : vector<16xf32>
        %iota3A_778 = tpu.iota {dimensions = array<i32: 0>} : vector<16xi32>
        %xor3A_779 = arith.constant 4 : i32
        %xor3A_780 = vector.broadcast %xor3A_779 : i32 to vector<16xi32>
        %xor3A_781 = arith.xori %iota3A_778, %xor3A_780 : vector<16xi32>
        %broadcast_in_dim3A_782 = vector.shape_cast %xor3A_781 : vector<16xi32> to vector<16x1xi32>
        %gather3A_783 = vector.shape_cast %broadcast_in_dim3A_782 : vector<16x1xi32> to vector<16xi32>
        %gather3A_784 = tpu.dynamic_gather %add3A_777[%gather3A_783] in [0] : vector<16xf32>, vector<16xi32> -> vector<16xf32>
        %add3A_785 = arith.addf %add3A_777, %gather3A_784 : vector<16xf32>
        %iota3A_786 = tpu.iota {dimensions = array<i32: 0>} : vector<16xi32>
        %xor3A_787 = arith.constant 2 : i32
        %xor3A_788 = vector.broadcast %xor3A_787 : i32 to vector<16xi32>
        %xor3A_789 = arith.xori %iota3A_786, %xor3A_788 : vector<16xi32>
        %broadcast_in_dim3A_790 = vector.shape_cast %xor3A_789 : vector<16xi32> to vector<16x1xi32>
        %gather3A_791 = vector.shape_cast %broadcast_in_dim3A_790 : vector<16x1xi32> to vector<16xi32>
        %gather3A_792 = tpu.dynamic_gather %add3A_785[%gather3A_791] in [0] : vector<16xf32>, vector<16xi32> -> vector<16xf32>
        %add3A_793 = arith.addf %add3A_785, %gather3A_792 : vector<16xf32>
        %iota3A_794 = tpu.iota {dimensions = array<i32: 0>} : vector<16xi32>
        %xor3A_795 = arith.constant 1 : i32
        %xor3A_796 = vector.broadcast %xor3A_795 : i32 to vector<16xi32>
        %xor3A_797 = arith.xori %iota3A_794, %xor3A_796 : vector<16xi32>
        %broadcast_in_dim3A_798 = vector.shape_cast %xor3A_797 : vector<16xi32> to vector<16x1xi32>
        %gather3A_799 = vector.shape_cast %broadcast_in_dim3A_798 : vector<16x1xi32> to vector<16xi32>
        %gather3A_800 = tpu.dynamic_gather %add3A_793[%gather3A_799] in [0] : vector<16xf32>, vector<16xi32> -> vector<16xf32>
        %add3A_801 = arith.addf %add3A_793, %gather3A_800 : vector<16xf32>
        %iota3A_802 = tpu.iota {dimensions = array<i32: 0>} : vector<16xi32>
        %xor3A_803 = arith.constant 8 : i32
        %xor3A_804 = vector.broadcast %xor3A_803 : i32 to vector<16xi32>
        %xor3A_805 = arith.xori %iota3A_802, %xor3A_804 : vector<16xi32>
        %broadcast_in_dim3A_806 = vector.shape_cast %xor3A_805 : vector<16xi32> to vector<16x1xi32>
        %gather3A_807 = vector.shape_cast %broadcast_in_dim3A_806 : vector<16x1xi32> to vector<16xi32>
        %gather3A_808 = tpu.dynamic_gather %add3A_769[%gather3A_807] in [0] : vector<16xf32>, vector<16xi32> -> vector<16xf32>
        %add3A_809 = arith.addf %add3A_769, %gather3A_808 : vector<16xf32>
        %iota3A_810 = tpu.iota {dimensions = array<i32: 0>} : vector<16xi32>
        %xor3A_811 = arith.constant 4 : i32
        %xor3A_812 = vector.broadcast %xor3A_811 : i32 to vector<16xi32>
        %xor3A_813 = arith.xori %iota3A_810, %xor3A_812 : vector<16xi32>
        %broadcast_in_dim3A_814 = vector.shape_cast %xor3A_813 : vector<16xi32> to vector<16x1xi32>
        %gather3A_815 = vector.shape_cast %broadcast_in_dim3A_814 : vector<16x1xi32> to vector<16xi32>
        %gather3A_816 = tpu.dynamic_gather %add3A_809[%gather3A_815] in [0] : vector<16xf32>, vector<16xi32> -> vector<16xf32>
        %add3A_817 = arith.addf %add3A_809, %gather3A_816 : vector<16xf32>
        %iota3A_818 = tpu.iota {dimensions = array<i32: 0>} : vector<16xi32>
        %xor3A_819 = arith.constant 2 : i32
        %xor3A_820 = vector.broadcast %xor3A_819 : i32 to vector<16xi32>
        %xor3A_821 = arith.xori %iota3A_818, %xor3A_820 : vector<16xi32>
        %broadcast_in_dim3A_822 = vector.shape_cast %xor3A_821 : vector<16xi32> to vector<16x1xi32>
        %gather3A_823 = vector.shape_cast %broadcast_in_dim3A_822 : vector<16x1xi32> to vector<16xi32>
        %gather3A_824 = tpu.dynamic_gather %add3A_817[%gather3A_823] in [0] : vector<16xf32>, vector<16xi32> -> vector<16xf32>
        %add3A_825 = arith.addf %add3A_817, %gather3A_824 : vector<16xf32>
        %iota3A_826 = tpu.iota {dimensions = array<i32: 0>} : vector<16xi32>
        %xor3A_827 = arith.constant 1 : i32
        %xor3A_828 = vector.broadcast %xor3A_827 : i32 to vector<16xi32>
        %xor3A_829 = arith.xori %iota3A_826, %xor3A_828 : vector<16xi32>
        %broadcast_in_dim3A_830 = vector.shape_cast %xor3A_829 : vector<16xi32> to vector<16x1xi32>
        %gather3A_831 = vector.shape_cast %broadcast_in_dim3A_830 : vector<16x1xi32> to vector<16xi32>
        %gather3A_832 = tpu.dynamic_gather %add3A_825[%gather3A_831] in [0] : vector<16xf32>, vector<16xi32> -> vector<16xf32>
        %add3A_833 = arith.addf %add3A_825, %gather3A_832 : vector<16xf32>
        %mul3A_834 = arith.constant 1.562500e-02 : f32
        %mul3A_835 = vector.broadcast %mul3A_834 : f32 to vector<16xf32>
        %mul3A_836 = arith.mulf %add3A_801, %mul3A_835 : vector<16xf32>
        %mul3A_837 = arith.constant 1.562500e-02 : f32
        %mul3A_838 = vector.broadcast %mul3A_837 : f32 to vector<16xf32>
        %mul3A_839 = arith.mulf %add3A_833, %mul3A_838 : vector<16xf32>
        %mul3A_840 = arith.mulf %mul3A_836, %mul3A_836 : vector<16xf32>
        %sub3A_841 = arith.subf %mul3A_839, %mul3A_840 : vector<16xf32>
        %add3A_842 = arith.constant 9.99999996E-13 : f32
        %add3A_843 = vector.broadcast %add3A_842 : f32 to vector<16xf32>
        %add3A_844 = arith.addf %sub3A_841, %add3A_843 : vector<16xf32>
        %bitcast_convert_type3A_845 = tpu.bitcast %add3A_844 : vector<16xf32> -> vector<16xi32>
        %shift_right_arithmetic3A_846 = arith.constant 1 : i32
        %shift_right_arithmetic3A_847 = vector.broadcast %shift_right_arithmetic3A_846 : i32 to vector<16xi32>
        %shift_right_arithmetic3A_848 = arith.shrsi %bitcast_convert_type3A_845, %shift_right_arithmetic3A_847 : vector<16xi32>
        %sub3A_849 = arith.constant 1597463007 : i32
        %sub3A_850 = vector.broadcast %sub3A_849 : i32 to vector<16xi32>
        %sub3A_851 = arith.subi %sub3A_850, %shift_right_arithmetic3A_848 : vector<16xi32>
        %bitcast_convert_type3A_852 = tpu.bitcast %sub3A_851 : vector<16xi32> -> vector<16xf32>
        %mul3A_853 = arith.constant 5.000000e-01 : f32
        %mul3A_854 = vector.broadcast %mul3A_853 : f32 to vector<16xf32>
        %mul3A_855 = arith.mulf %add3A_844, %mul3A_854 : vector<16xf32>
        %mul3A_856 = arith.mulf %mul3A_855, %bitcast_convert_type3A_852 : vector<16xf32>
        %mul3A_857 = arith.mulf %mul3A_856, %bitcast_convert_type3A_852 : vector<16xf32>
        %sub3A_858 = arith.constant 1.500000e+00 : f32
        %sub3A_859 = vector.broadcast %sub3A_858 : f32 to vector<16xf32>
        %sub3A_860 = arith.subf %sub3A_859, %mul3A_857 : vector<16xf32>
        %mul3A_861 = arith.mulf %bitcast_convert_type3A_852, %sub3A_860 : vector<16xf32>
        %mul3A_862 = arith.mulf %mul3A_855, %mul3A_861 : vector<16xf32>
        %mul3A_863 = arith.mulf %mul3A_862, %mul3A_861 : vector<16xf32>
        %sub3A_864 = arith.constant 1.500000e+00 : f32
        %sub3A_865 = vector.broadcast %sub3A_864 : f32 to vector<16xf32>
        %sub3A_866 = arith.subf %sub3A_865, %mul3A_863 : vector<16xf32>
        %mul3A_867 = arith.mulf %mul3A_861, %sub3A_866 : vector<16xf32>
        %sub3A_868 = arith.subf %add3A_756, %mul3A_836 : vector<16xf32>
        %mul3A_869 = arith.mulf %mul3A_867, %get3A_4 : vector<16xf32>
        %mul3A_870 = arith.mulf %sub3A_868, %mul3A_869 : vector<16xf32>
        %add3A_871 = arith.addf %mul3A_870, %get3A_24 : vector<16xf32>
        %sub3A_872 = arith.subf %add3A_757, %mul3A_836 : vector<16xf32>
        %mul3A_873 = arith.mulf %mul3A_867, %get3A_9 : vector<16xf32>
        %mul3A_874 = arith.mulf %sub3A_872, %mul3A_873 : vector<16xf32>
        %add3A_875 = arith.addf %mul3A_874, %get3A_29 : vector<16xf32>
        %sub3A_876 = arith.subf %add3A_758, %mul3A_836 : vector<16xf32>
        %mul3A_877 = arith.mulf %mul3A_867, %get3A_14 : vector<16xf32>
        %mul3A_878 = arith.mulf %sub3A_876, %mul3A_877 : vector<16xf32>
        %add3A_879 = arith.addf %mul3A_878, %get3A_34 : vector<16xf32>
        %sub3A_880 = arith.subf %add3A_759, %mul3A_836 : vector<16xf32>
        %mul3A_881 = arith.mulf %mul3A_867, %get3A_19 : vector<16xf32>
        %mul3A_882 = arith.mulf %sub3A_880, %mul3A_881 : vector<16xf32>
        %add3A_883 = arith.addf %mul3A_882, %get3A_39 : vector<16xf32>
        %add3A_884 = arith.addf %get3A_711, %get3A_743 : vector<16xf32>
        %add3A_885 = arith.addf %get3A_715, %get3A_747 : vector<16xf32>
        %add3A_886 = arith.addf %get3A_719, %get3A_751 : vector<16xf32>
        %add3A_887 = arith.addf %get3A_723, %get3A_755 : vector<16xf32>
        %add3A_888 = arith.addf %add3A_884, %add3A_885 : vector<16xf32>
        %add3A_889 = arith.addf %add3A_886, %add3A_887 : vector<16xf32>
        %add3A_890 = arith.addf %add3A_888, %add3A_889 : vector<16xf32>
        %mul3A_891 = arith.mulf %add3A_884, %add3A_884 : vector<16xf32>
        %mul3A_892 = arith.mulf %add3A_885, %add3A_885 : vector<16xf32>
        %add3A_893 = arith.addf %mul3A_891, %mul3A_892 : vector<16xf32>
        %mul3A_894 = arith.mulf %add3A_886, %add3A_886 : vector<16xf32>
        %mul3A_895 = arith.mulf %add3A_887, %add3A_887 : vector<16xf32>
        %add3A_896 = arith.addf %mul3A_894, %mul3A_895 : vector<16xf32>
        %add3A_897 = arith.addf %add3A_893, %add3A_896 : vector<16xf32>
        %iota3A_898 = tpu.iota {dimensions = array<i32: 0>} : vector<16xi32>
        %xor3A_899 = arith.constant 8 : i32
        %xor3A_900 = vector.broadcast %xor3A_899 : i32 to vector<16xi32>
        %xor3A_901 = arith.xori %iota3A_898, %xor3A_900 : vector<16xi32>
        %broadcast_in_dim3A_902 = vector.shape_cast %xor3A_901 : vector<16xi32> to vector<16x1xi32>
        %gather3A_903 = vector.shape_cast %broadcast_in_dim3A_902 : vector<16x1xi32> to vector<16xi32>
        %gather3A_904 = tpu.dynamic_gather %add3A_890[%gather3A_903] in [0] : vector<16xf32>, vector<16xi32> -> vector<16xf32>
        %add3A_905 = arith.addf %add3A_890, %gather3A_904 : vector<16xf32>
        %iota3A_906 = tpu.iota {dimensions = array<i32: 0>} : vector<16xi32>
        %xor3A_907 = arith.constant 4 : i32
        %xor3A_908 = vector.broadcast %xor3A_907 : i32 to vector<16xi32>
        %xor3A_909 = arith.xori %iota3A_906, %xor3A_908 : vector<16xi32>
        %broadcast_in_dim3A_910 = vector.shape_cast %xor3A_909 : vector<16xi32> to vector<16x1xi32>
        %gather3A_911 = vector.shape_cast %broadcast_in_dim3A_910 : vector<16x1xi32> to vector<16xi32>
        %gather3A_912 = tpu.dynamic_gather %add3A_905[%gather3A_911] in [0] : vector<16xf32>, vector<16xi32> -> vector<16xf32>
        %add3A_913 = arith.addf %add3A_905, %gather3A_912 : vector<16xf32>
        %iota3A_914 = tpu.iota {dimensions = array<i32: 0>} : vector<16xi32>
        %xor3A_915 = arith.constant 2 : i32
        %xor3A_916 = vector.broadcast %xor3A_915 : i32 to vector<16xi32>
        %xor3A_917 = arith.xori %iota3A_914, %xor3A_916 : vector<16xi32>
        %broadcast_in_dim3A_918 = vector.shape_cast %xor3A_917 : vector<16xi32> to vector<16x1xi32>
        %gather3A_919 = vector.shape_cast %broadcast_in_dim3A_918 : vector<16x1xi32> to vector<16xi32>
        %gather3A_920 = tpu.dynamic_gather %add3A_913[%gather3A_919] in [0] : vector<16xf32>, vector<16xi32> -> vector<16xf32>
        %add3A_921 = arith.addf %add3A_913, %gather3A_920 : vector<16xf32>
        %iota3A_922 = tpu.iota {dimensions = array<i32: 0>} : vector<16xi32>
        %xor3A_923 = arith.constant 1 : i32
        %xor3A_924 = vector.broadcast %xor3A_923 : i32 to vector<16xi32>
        %xor3A_925 = arith.xori %iota3A_922, %xor3A_924 : vector<16xi32>
        %broadcast_in_dim3A_926 = vector.shape_cast %xor3A_925 : vector<16xi32> to vector<16x1xi32>
        %gather3A_927 = vector.shape_cast %broadcast_in_dim3A_926 : vector<16x1xi32> to vector<16xi32>
        %gather3A_928 = tpu.dynamic_gather %add3A_921[%gather3A_927] in [0] : vector<16xf32>, vector<16xi32> -> vector<16xf32>
        %add3A_929 = arith.addf %add3A_921, %gather3A_928 : vector<16xf32>
        %iota3A_930 = tpu.iota {dimensions = array<i32: 0>} : vector<16xi32>
        %xor3A_931 = arith.constant 8 : i32
        %xor3A_932 = vector.broadcast %xor3A_931 : i32 to vector<16xi32>
        %xor3A_933 = arith.xori %iota3A_930, %xor3A_932 : vector<16xi32>
        %broadcast_in_dim3A_934 = vector.shape_cast %xor3A_933 : vector<16xi32> to vector<16x1xi32>
        %gather3A_935 = vector.shape_cast %broadcast_in_dim3A_934 : vector<16x1xi32> to vector<16xi32>
        %gather3A_936 = tpu.dynamic_gather %add3A_897[%gather3A_935] in [0] : vector<16xf32>, vector<16xi32> -> vector<16xf32>
        %add3A_937 = arith.addf %add3A_897, %gather3A_936 : vector<16xf32>
        %iota3A_938 = tpu.iota {dimensions = array<i32: 0>} : vector<16xi32>
        %xor3A_939 = arith.constant 4 : i32
        %xor3A_940 = vector.broadcast %xor3A_939 : i32 to vector<16xi32>
        %xor3A_941 = arith.xori %iota3A_938, %xor3A_940 : vector<16xi32>
        %broadcast_in_dim3A_942 = vector.shape_cast %xor3A_941 : vector<16xi32> to vector<16x1xi32>
        %gather3A_943 = vector.shape_cast %broadcast_in_dim3A_942 : vector<16x1xi32> to vector<16xi32>
        %gather3A_944 = tpu.dynamic_gather %add3A_937[%gather3A_943] in [0] : vector<16xf32>, vector<16xi32> -> vector<16xf32>
        %add3A_945 = arith.addf %add3A_937, %gather3A_944 : vector<16xf32>
        %iota3A_946 = tpu.iota {dimensions = array<i32: 0>} : vector<16xi32>
        %xor3A_947 = arith.constant 2 : i32
        %xor3A_948 = vector.broadcast %xor3A_947 : i32 to vector<16xi32>
        %xor3A_949 = arith.xori %iota3A_946, %xor3A_948 : vector<16xi32>
        %broadcast_in_dim3A_950 = vector.shape_cast %xor3A_949 : vector<16xi32> to vector<16x1xi32>
        %gather3A_951 = vector.shape_cast %broadcast_in_dim3A_950 : vector<16x1xi32> to vector<16xi32>
        %gather3A_952 = tpu.dynamic_gather %add3A_945[%gather3A_951] in [0] : vector<16xf32>, vector<16xi32> -> vector<16xf32>
        %add3A_953 = arith.addf %add3A_945, %gather3A_952 : vector<16xf32>
        %iota3A_954 = tpu.iota {dimensions = array<i32: 0>} : vector<16xi32>
        %xor3A_955 = arith.constant 1 : i32
        %xor3A_956 = vector.broadcast %xor3A_955 : i32 to vector<16xi32>
        %xor3A_957 = arith.xori %iota3A_954, %xor3A_956 : vector<16xi32>
        %broadcast_in_dim3A_958 = vector.shape_cast %xor3A_957 : vector<16xi32> to vector<16x1xi32>
        %gather3A_959 = vector.shape_cast %broadcast_in_dim3A_958 : vector<16x1xi32> to vector<16xi32>
        %gather3A_960 = tpu.dynamic_gather %add3A_953[%gather3A_959] in [0] : vector<16xf32>, vector<16xi32> -> vector<16xf32>
        %add3A_961 = arith.addf %add3A_953, %gather3A_960 : vector<16xf32>
        %mul3A_962 = arith.constant 1.562500e-02 : f32
        %mul3A_963 = vector.broadcast %mul3A_962 : f32 to vector<16xf32>
        %mul3A_964 = arith.mulf %add3A_929, %mul3A_963 : vector<16xf32>
        %mul3A_965 = arith.constant 1.562500e-02 : f32
        %mul3A_966 = vector.broadcast %mul3A_965 : f32 to vector<16xf32>
        %mul3A_967 = arith.mulf %add3A_961, %mul3A_966 : vector<16xf32>
        %mul3A_968 = arith.mulf %mul3A_964, %mul3A_964 : vector<16xf32>
        %sub3A_969 = arith.subf %mul3A_967, %mul3A_968 : vector<16xf32>
        %add3A_970 = arith.constant 9.99999996E-13 : f32
        %add3A_971 = vector.broadcast %add3A_970 : f32 to vector<16xf32>
        %add3A_972 = arith.addf %sub3A_969, %add3A_971 : vector<16xf32>
        %bitcast_convert_type3A_973 = tpu.bitcast %add3A_972 : vector<16xf32> -> vector<16xi32>
        %shift_right_arithmetic3A_974 = arith.constant 1 : i32
        %shift_right_arithmetic3A_975 = vector.broadcast %shift_right_arithmetic3A_974 : i32 to vector<16xi32>
        %shift_right_arithmetic3A_976 = arith.shrsi %bitcast_convert_type3A_973, %shift_right_arithmetic3A_975 : vector<16xi32>
        %sub3A_977 = arith.constant 1597463007 : i32
        %sub3A_978 = vector.broadcast %sub3A_977 : i32 to vector<16xi32>
        %sub3A_979 = arith.subi %sub3A_978, %shift_right_arithmetic3A_976 : vector<16xi32>
        %bitcast_convert_type3A_980 = tpu.bitcast %sub3A_979 : vector<16xi32> -> vector<16xf32>
        %mul3A_981 = arith.constant 5.000000e-01 : f32
        %mul3A_982 = vector.broadcast %mul3A_981 : f32 to vector<16xf32>
        %mul3A_983 = arith.mulf %add3A_972, %mul3A_982 : vector<16xf32>
        %mul3A_984 = arith.mulf %mul3A_983, %bitcast_convert_type3A_980 : vector<16xf32>
        %mul3A_985 = arith.mulf %mul3A_984, %bitcast_convert_type3A_980 : vector<16xf32>
        %sub3A_986 = arith.constant 1.500000e+00 : f32
        %sub3A_987 = vector.broadcast %sub3A_986 : f32 to vector<16xf32>
        %sub3A_988 = arith.subf %sub3A_987, %mul3A_985 : vector<16xf32>
        %mul3A_989 = arith.mulf %bitcast_convert_type3A_980, %sub3A_988 : vector<16xf32>
        %mul3A_990 = arith.mulf %mul3A_983, %mul3A_989 : vector<16xf32>
        %mul3A_991 = arith.mulf %mul3A_990, %mul3A_989 : vector<16xf32>
        %sub3A_992 = arith.constant 1.500000e+00 : f32
        %sub3A_993 = vector.broadcast %sub3A_992 : f32 to vector<16xf32>
        %sub3A_994 = arith.subf %sub3A_993, %mul3A_991 : vector<16xf32>
        %mul3A_995 = arith.mulf %mul3A_989, %sub3A_994 : vector<16xf32>
        %sub3A_996 = arith.subf %add3A_884, %mul3A_964 : vector<16xf32>
        %mul3A_997 = arith.mulf %mul3A_995, %get3A_4 : vector<16xf32>
        %mul3A_998 = arith.mulf %sub3A_996, %mul3A_997 : vector<16xf32>
        %add3A_999 = arith.addf %mul3A_998, %get3A_24 : vector<16xf32>
        %sub3A_1000 = arith.subf %add3A_885, %mul3A_964 : vector<16xf32>
        %mul3A_1001 = arith.mulf %mul3A_995, %get3A_9 : vector<16xf32>
        %mul3A_1002 = arith.mulf %sub3A_1000, %mul3A_1001 : vector<16xf32>
        %add3A_1003 = arith.addf %mul3A_1002, %get3A_29 : vector<16xf32>
        %sub3A_1004 = arith.subf %add3A_886, %mul3A_964 : vector<16xf32>
        %mul3A_1005 = arith.mulf %mul3A_995, %get3A_14 : vector<16xf32>
        %mul3A_1006 = arith.mulf %sub3A_1004, %mul3A_1005 : vector<16xf32>
        %add3A_1007 = arith.addf %mul3A_1006, %get3A_34 : vector<16xf32>
        %sub3A_1008 = arith.subf %add3A_887, %mul3A_964 : vector<16xf32>
        %mul3A_1009 = arith.mulf %mul3A_995, %get3A_19 : vector<16xf32>
        %mul3A_1010 = arith.mulf %sub3A_1008, %mul3A_1009 : vector<16xf32>
        %add3A_1011 = arith.addf %mul3A_1010, %get3A_39 : vector<16xf32>
        %swap3A_1012 = arith.index_cast %scan3A_681 : i32 to index
        %swap3A_1013 = arith.constant 0 : index
        %swap3A_1014 = tpu.vector_load %arg15[%swap3A_1012, %swap3A_1013] {strides = array<i32>} : memref<64x128xf32, #tpu.memory_space<vmem>>, vector<1x16xf32>,
        %swap3A_1015 = vector.shape_cast %swap3A_1014 : vector<1x16xf32> to vector<16xf32>
        %swap3A_1016 = vector.shape_cast %add3A_871 : vector<16xf32> to vector<1x16xf32>
        tpu.vector_store %arg15[%swap3A_1012, %swap3A_1013], %swap3A_1016 {strides = array<i32>} : memref<64x128xf32, #tpu.memory_space<vmem>>, vector<1x16xf32>,
        %swap3A_1017 = arith.index_cast %scan3A_681 : i32 to index
        %swap3A_1018 = arith.constant 64 : index
        %swap3A_1019 = tpu.vector_load %arg15[%swap3A_1017, %swap3A_1018] {strides = array<i32>} : memref<64x128xf32, #tpu.memory_space<vmem>>, vector<1x16xf32>,
        %swap3A_1020 = vector.shape_cast %swap3A_1019 : vector<1x16xf32> to vector<16xf32>
        %swap3A_1021 = vector.shape_cast %add3A_999 : vector<16xf32> to vector<1x16xf32>
        tpu.vector_store %arg15[%swap3A_1017, %swap3A_1018], %swap3A_1021 {strides = array<i32>} : memref<64x128xf32, #tpu.memory_space<vmem>>, vector<1x16xf32>,
        %swap3A_1022 = arith.index_cast %scan3A_681 : i32 to index
        %swap3A_1023 = arith.constant 16 : index
        %swap3A_1024 = tpu.vector_load %arg15[%swap3A_1022, %swap3A_1023] {strides = array<i32>} : memref<64x128xf32, #tpu.memory_space<vmem>>, vector<1x16xf32>,
        %swap3A_1025 = vector.shape_cast %swap3A_1024 : vector<1x16xf32> to vector<16xf32>
        %swap3A_1026 = vector.shape_cast %add3A_875 : vector<16xf32> to vector<1x16xf32>
        tpu.vector_store %arg15[%swap3A_1022, %swap3A_1023], %swap3A_1026 {strides = array<i32>} : memref<64x128xf32, #tpu.memory_space<vmem>>, vector<1x16xf32>,
        %swap3A_1027 = arith.index_cast %scan3A_681 : i32 to index
        %swap3A_1028 = arith.constant 80 : index
        %swap3A_1029 = tpu.vector_load %arg15[%swap3A_1027, %swap3A_1028] {strides = array<i32>} : memref<64x128xf32, #tpu.memory_space<vmem>>, vector<1x16xf32>,
        %swap3A_1030 = vector.shape_cast %swap3A_1029 : vector<1x16xf32> to vector<16xf32>
        %swap3A_1031 = vector.shape_cast %add3A_1003 : vector<16xf32> to vector<1x16xf32>
        tpu.vector_store %arg15[%swap3A_1027, %swap3A_1028], %swap3A_1031 {strides = array<i32>} : memref<64x128xf32, #tpu.memory_space<vmem>>, vector<1x16xf32>,
        %swap3A_1032 = arith.index_cast %scan3A_681 : i32 to index
        %swap3A_1033 = arith.constant 32 : index
        %swap3A_1034 = tpu.vector_load %arg15[%swap3A_1032, %swap3A_1033] {strides = array<i32>} : memref<64x128xf32, #tpu.memory_space<vmem>>, vector<1x16xf32>,
        %swap3A_1035 = vector.shape_cast %swap3A_1034 : vector<1x16xf32> to vector<16xf32>
        %swap3A_1036 = vector.shape_cast %add3A_879 : vector<16xf32> to vector<1x16xf32>
        tpu.vector_store %arg15[%swap3A_1032, %swap3A_1033], %swap3A_1036 {strides = array<i32>} : memref<64x128xf32, #tpu.memory_space<vmem>>, vector<1x16xf32>,
        %swap3A_1037 = arith.index_cast %scan3A_681 : i32 to index
        %swap3A_1038 = arith.constant 96 : index
        %swap3A_1039 = tpu.vector_load %arg15[%swap3A_1037, %swap3A_1038] {strides = array<i32>} : memref<64x128xf32, #tpu.memory_space<vmem>>, vector<1x16xf32>,
        %swap3A_1040 = vector.shape_cast %swap3A_1039 : vector<1x16xf32> to vector<16xf32>
        %swap3A_1041 = vector.shape_cast %add3A_1007 : vector<16xf32> to vector<1x16xf32>
        tpu.vector_store %arg15[%swap3A_1037, %swap3A_1038], %swap3A_1041 {strides = array<i32>} : memref<64x128xf32, #tpu.memory_space<vmem>>, vector<1x16xf32>,
        %swap3A_1042 = arith.index_cast %scan3A_681 : i32 to index
        %swap3A_1043 = arith.constant 48 : index
        %swap3A_1044 = tpu.vector_load %arg15[%swap3A_1042, %swap3A_1043] {strides = array<i32>} : memref<64x128xf32, #tpu.memory_space<vmem>>, vector<1x16xf32>,
        %swap3A_1045 = vector.shape_cast %swap3A_1044 : vector<1x16xf32> to vector<16xf32>
        %swap3A_1046 = vector.shape_cast %add3A_883 : vector<16xf32> to vector<1x16xf32>
        tpu.vector_store %arg15[%swap3A_1042, %swap3A_1043], %swap3A_1046 {strides = array<i32>} : memref<64x128xf32, #tpu.memory_space<vmem>>, vector<1x16xf32>,
        %swap3A_1047 = arith.index_cast %scan3A_681 : i32 to index
        %swap3A_1048 = arith.constant 112 : index
        %swap3A_1049 = tpu.vector_load %arg15[%swap3A_1047, %swap3A_1048] {strides = array<i32>} : memref<64x128xf32, #tpu.memory_space<vmem>>, vector<1x16xf32>,
        %swap3A_1050 = vector.shape_cast %swap3A_1049 : vector<1x16xf32> to vector<16xf32>
        %swap3A_1051 = vector.shape_cast %add3A_1011 : vector<16xf32> to vector<1x16xf32>
        tpu.vector_store %arg15[%swap3A_1047, %swap3A_1048], %swap3A_1051 {strides = array<i32>} : memref<64x128xf32, #tpu.memory_space<vmem>>, vector<1x16xf32>,
        %add3A_1052 = arith.constant 1 : i32
        %add3A_1053 = arith.addi %select_n3A_687, %add3A_1052 : i32
        %eq3A_1054 = arith.constant 200 : i32
        %eq3A_1055 = arith.cmpi eq, %add3A_1053, %eq3A_1054 : i32
        %select_n3A_1056 = arith.constant 0 : i32
        %select_n3A_1057 = arith.select %eq3A_1055, %select_n3A_1056, %add3A_1053 : i32
        scf.yield %select_n3A_1057 : i32
      }
      %scan3A_213 = arith.constant 64 : i32
      %mul3A_214 = arith.constant 50 : i32
      %mul3A_215 = arith.muli %add3A, %mul3A_214 : i32
      %add3A_216 = arith.addi %mul3A_215, %add3A_182 : i32
      %mul3A_217 = arith.constant 64 : i32
      %mul3A_218 = arith.muli %add3A_216, %mul3A_217 : i32
      %dma_start3A_219 = arith.constant 0 : i32
      %dma_start3A_220 = tpu.memref_slice %arg6[%mul3A_218, %dma_start3A_219] : memref<102400x128xf32, #tpu.memory_space<hbm>> -> memref<64x128xf32, #tpu.memory_space<hbm>>
      %dma_start3A_221 = arith.constant 0 : i32
      %dma_start3A_222 = tpu.memref_slice %arg6[%mul3A_218, %dma_start3A_221] : memref<102400x128xf32, #tpu.memory_space<hbm>> -> memref<64x128xf32, #tpu.memory_space<hbm>>
      tpu.enqueue_dma source(%arg15 : memref<64x128xf32, #tpu.memory_space<vmem>>) target(%dma_start3A_222 : memref<64x128xf32, #tpu.memory_space<hbm>>) target_semaphore(%arg21 : memref<!tpu.dma_semaphore, #tpu.memory_space<semaphore_mem>>)
      %mul3A_223 = arith.constant 4 : i32
      %mul3A_224 = arith.muli %mul3A_223, %scan3A_139 : i32
      %add3A_225 = arith.constant 2 : i32
      %add3A_226 = arith.addi %mul3A_224, %add3A_225 : i32
      %ge3A_227 = arith.constant 2 : i32
      %ge3A_228 = arith.cmpi sge, %add3A_226, %ge3A_227 : i32
      %convert_element_type3A_229 = arith.extui %ge3A_228 : i1 to i32
      %cond3A_230 = arith.constant 0 : i32
      %cond3A_231 = arith.cmpi ne, %convert_element_type3A_229, %cond3A_230 : i32
      scf.if %cond3A_231 {
        %dma_wait3A_311 = arith.constant 0 : i32
        %dma_wait3A_312 = arith.constant 0 : i32
        %dma_wait3A_313 = tpu.memref_slice %arg6[%dma_wait3A_311, %dma_wait3A_312] : memref<102400x128xf32, #tpu.memory_space<hbm>> -> memref<64x128xf32, #tpu.memory_space<hbm>>
        %dma_wait3A_314 = arith.constant 0 : i32
        %dma_wait3A_315 = arith.constant 0 : i32
        %dma_wait3A_316 = tpu.memref_slice %arg6[%dma_wait3A_314, %dma_wait3A_315] : memref<102400x128xf32, #tpu.memory_space<hbm>> -> memref<64x128xf32, #tpu.memory_space<hbm>>
        tpu.wait_dma2 semaphore(%arg20 : memref<!tpu.dma_semaphore, #tpu.memory_space<semaphore_mem>>) src(%arg14 : memref<64x128xf32, #tpu.memory_space<vmem>>) dst(%dma_wait3A_316 : memref<64x128xf32, #tpu.memory_space<hbm>>)
      } else {
      }
      %add3A_232 = arith.constant 4 : i32
      %add3A_233 = arith.addi %add3A_226, %add3A_232 : i32
      %sub3A_234 = arith.constant 1 : i32
      %sub3A_235 = arith.subi %add3A_233, %sub3A_234 : i32
      %lt3A_236 = arith.constant 50 : i32
      %lt3A_237 = arith.cmpi slt, %sub3A_235, %lt3A_236 : i32
      %convert_element_type3A_238 = arith.extui %lt3A_237 : i1 to i32
      %cond3A_239 = arith.constant 0 : i32
      %cond3A_240 = arith.cmpi ne, %convert_element_type3A_238, %cond3A_239 : i32
      scf.if %cond3A_240 {
        %add3A_311 = arith.constant 4 : i32
        %add3A_312 = arith.addi %add3A_226, %add3A_311 : i32
        %sub3A_313 = arith.constant 1 : i32
        %sub3A_314 = arith.subi %add3A_312, %sub3A_313 : i32
        %dma_start3A_315 = arith.constant 0 : i32
        %dma_start3A_316 = tpu.memref_slice %arg7[%sub3A_314, %dma_start3A_315] : memref<50x128xi32, #tpu.memory_space<vmem>> -> memref<1x128xi32, #tpu.memory_space<vmem>>
        %dma_start3A_317 = tpu.memref_squeeze %dma_start3A_316 : memref<1x128xi32, #tpu.memory_space<vmem>> -> memref<128xi32, #tpu.memory_space<vmem>>
        %dma_start3A_318 = arith.constant 0 : i32
        %dma_start3A_319 = arith.constant 0 : i32
        %dma_start3A_320 = tpu.memref_slice %arg5[%dma_start3A_318, %dma_start3A_319] : memref<100000x64xf32, #tpu.memory_space<hbm>> -> memref<100000x64xf32, #tpu.memory_space<hbm>>
        tpu.enqueue_indirect_dma source(%dma_start3A_320 : memref<100000x64xf32, #tpu.memory_space<hbm>>) target(%arg11 : memref<128x64xf32, #tpu.memory_space<vmem>>) offsets(%dma_start3A_317 : memref<128xi32, #tpu.memory_space<vmem>>) semaphore(%arg17 : memref<!tpu.dma_semaphore, #tpu.memory_space<semaphore_mem>>)
      } else {
      }
      %dma_wait3A_241 = arith.constant 0 : i32
      %dma_wait3A_242 = arith.constant 0 : i32
      %dma_wait3A_243 = tpu.memref_slice %arg7[%dma_wait3A_241, %dma_wait3A_242] : memref<50x128xi32, #tpu.memory_space<vmem>> -> memref<1x128xi32, #tpu.memory_space<vmem>>
      %dma_wait3A_244 = tpu.memref_squeeze %dma_wait3A_243 : memref<1x128xi32, #tpu.memory_space<vmem>> -> memref<128xi32, #tpu.memory_space<vmem>>
      %dma_wait3A_245 = arith.constant 0 : i32
      %dma_wait3A_246 = arith.constant 0 : i32
      %dma_wait3A_247 = tpu.memref_slice %arg5[%dma_wait3A_245, %dma_wait3A_246] : memref<100000x64xf32, #tpu.memory_space<hbm>> -> memref<100000x64xf32, #tpu.memory_space<hbm>>
      tpu.wait_indirect_dma semaphore(%arg18 : memref<!tpu.dma_semaphore, #tpu.memory_space<semaphore_mem>>) src(%dma_wait3A_247 : memref<100000x64xf32, #tpu.memory_space<hbm>>) dst(%arg12 : memref<128x64xf32, #tpu.memory_space<vmem>>)
      %mul3A_248 = arith.constant 128 : i32
      %mul3A_249 = arith.muli %add3A_226, %mul3A_248 : i32
      %rem3A_250 = arith.constant 200 : i32
      %rem3A_251 = arith.remsi %mul3A_249, %rem3A_250 : i32
      %scan3A_252 = arith.constant 0 : i32
      %scan3A_253 = arith.constant 64 : i32
      %scan3A_254 = arith.addi %scan3A_252, %scan3A_253 : i32
      %scan3A_255 = arith.constant 2 : i32
      %scan3A_256 = scf.for %scan3A_311 = %scan3A_252 to %scan3A_254 step %scan3A_255 iter_args(%scan3A_312 = %rem3A_251) -> (i32)  : i32 {
        %add3A_313 = arith.constant 1 : i32
        %add3A_314 = arith.addi %scan3A_312, %add3A_313 : i32
        %eq3A = arith.constant 200 : i32
        %eq3A_315 = arith.cmpi eq, %add3A_314, %eq3A : i32
        %select_n3A = arith.constant 0 : i32
        %select_n3A_316 = arith.select %eq3A_315, %select_n3A, %add3A_314 : i32
        %mul3A_317 = arith.constant 2 : i32
        %mul3A_318 = arith.muli %mul3A_317, %scan3A_311 : i32
        %add3A_319 = arith.constant 1 : i32
        %add3A_320 = arith.addi %mul3A_318, %add3A_319 : i32
        %get3A_321 = arith.index_cast %mul3A_318 : i32 to index
        %get3A_322 = arith.constant 0 : index
        %get3A_323 = tpu.vector_load %arg12[%get3A_321, %get3A_322] {strides = array<i32>} : memref<128x64xf32, #tpu.memory_space<vmem>>, vector<1x16xf32>,
        %get3A_324 = vector.shape_cast %get3A_323 : vector<1x16xf32> to vector<16xf32>
        %get3A_325 = arith.index_cast %mul3A_318 : i32 to index
        %get3A_326 = arith.constant 16 : index
        %get3A_327 = tpu.vector_load %arg12[%get3A_325, %get3A_326] {strides = array<i32>} : memref<128x64xf32, #tpu.memory_space<vmem>>, vector<1x16xf32>,
        %get3A_328 = vector.shape_cast %get3A_327 : vector<1x16xf32> to vector<16xf32>
        %get3A_329 = arith.index_cast %mul3A_318 : i32 to index
        %get3A_330 = arith.constant 32 : index
        %get3A_331 = tpu.vector_load %arg12[%get3A_329, %get3A_330] {strides = array<i32>} : memref<128x64xf32, #tpu.memory_space<vmem>>, vector<1x16xf32>,
        %get3A_332 = vector.shape_cast %get3A_331 : vector<1x16xf32> to vector<16xf32>
        %get3A_333 = arith.index_cast %mul3A_318 : i32 to index
        %get3A_334 = arith.constant 48 : index
        %get3A_335 = tpu.vector_load %arg12[%get3A_333, %get3A_334] {strides = array<i32>} : memref<128x64xf32, #tpu.memory_space<vmem>>, vector<1x16xf32>,
        %get3A_336 = vector.shape_cast %get3A_335 : vector<1x16xf32> to vector<16xf32>
        %get3A_337 = arith.index_cast %add3A_320 : i32 to index
        %get3A_338 = arith.constant 0 : index
        %get3A_339 = tpu.vector_load %arg12[%get3A_337, %get3A_338] {strides = array<i32>} : memref<128x64xf32, #tpu.memory_space<vmem>>, vector<1x16xf32>,
        %get3A_340 = vector.shape_cast %get3A_339 : vector<1x16xf32> to vector<16xf32>
        %get3A_341 = arith.index_cast %add3A_320 : i32 to index
        %get3A_342 = arith.constant 16 : index
        %get3A_343 = tpu.vector_load %arg12[%get3A_341, %get3A_342] {strides = array<i32>} : memref<128x64xf32, #tpu.memory_space<vmem>>, vector<1x16xf32>,
        %get3A_344 = vector.shape_cast %get3A_343 : vector<1x16xf32> to vector<16xf32>
        %get3A_345 = arith.index_cast %add3A_320 : i32 to index
        %get3A_346 = arith.constant 32 : index
        %get3A_347 = tpu.vector_load %arg12[%get3A_345, %get3A_346] {strides = array<i32>} : memref<128x64xf32, #tpu.memory_space<vmem>>, vector<1x16xf32>,
        %get3A_348 = vector.shape_cast %get3A_347 : vector<1x16xf32> to vector<16xf32>
        %get3A_349 = arith.index_cast %add3A_320 : i32 to index
        %get3A_350 = arith.constant 48 : index
        %get3A_351 = tpu.vector_load %arg12[%get3A_349, %get3A_350] {strides = array<i32>} : memref<128x64xf32, #tpu.memory_space<vmem>>, vector<1x16xf32>,
        %get3A_352 = vector.shape_cast %get3A_351 : vector<1x16xf32> to vector<16xf32>
        %get3A_353 = arith.index_cast %scan3A_312 : i32 to index
        %get3A_354 = arith.constant 0 : index
        %get3A_355 = tpu.vector_load %arg8[%get3A_353, %get3A_354] {strides = array<i32>} : memref<200x64xf32, #tpu.memory_space<vmem>>, vector<1x16xf32>,
        %get3A_356 = vector.shape_cast %get3A_355 : vector<1x16xf32> to vector<16xf32>
        %get3A_357 = arith.index_cast %scan3A_312 : i32 to index
        %get3A_358 = arith.constant 16 : index
        %get3A_359 = tpu.vector_load %arg8[%get3A_357, %get3A_358] {strides = array<i32>} : memref<200x64xf32, #tpu.memory_space<vmem>>, vector<1x16xf32>,
        %get3A_360 = vector.shape_cast %get3A_359 : vector<1x16xf32> to vector<16xf32>
        %get3A_361 = arith.index_cast %scan3A_312 : i32 to index
        %get3A_362 = arith.constant 32 : index
        %get3A_363 = tpu.vector_load %arg8[%get3A_361, %get3A_362] {strides = array<i32>} : memref<200x64xf32, #tpu.memory_space<vmem>>, vector<1x16xf32>,
        %get3A_364 = vector.shape_cast %get3A_363 : vector<1x16xf32> to vector<16xf32>
        %get3A_365 = arith.index_cast %scan3A_312 : i32 to index
        %get3A_366 = arith.constant 48 : index
        %get3A_367 = tpu.vector_load %arg8[%get3A_365, %get3A_366] {strides = array<i32>} : memref<200x64xf32, #tpu.memory_space<vmem>>, vector<1x16xf32>,
        %get3A_368 = vector.shape_cast %get3A_367 : vector<1x16xf32> to vector<16xf32>
        %get3A_369 = arith.index_cast %select_n3A_316 : i32 to index
        %get3A_370 = arith.constant 0 : index
        %get3A_371 = tpu.vector_load %arg8[%get3A_369, %get3A_370] {strides = array<i32>} : memref<200x64xf32, #tpu.memory_space<vmem>>, vector<1x16xf32>,
        %get3A_372 = vector.shape_cast %get3A_371 : vector<1x16xf32> to vector<16xf32>
        %get3A_373 = arith.index_cast %select_n3A_316 : i32 to index
        %get3A_374 = arith.constant 16 : index
        %get3A_375 = tpu.vector_load %arg8[%get3A_373, %get3A_374] {strides = array<i32>} : memref<200x64xf32, #tpu.memory_space<vmem>>, vector<1x16xf32>,
        %get3A_376 = vector.shape_cast %get3A_375 : vector<1x16xf32> to vector<16xf32>
        %get3A_377 = arith.index_cast %select_n3A_316 : i32 to index
        %get3A_378 = arith.constant 32 : index
        %get3A_379 = tpu.vector_load %arg8[%get3A_377, %get3A_378] {strides = array<i32>} : memref<200x64xf32, #tpu.memory_space<vmem>>, vector<1x16xf32>,
        %get3A_380 = vector.shape_cast %get3A_379 : vector<1x16xf32> to vector<16xf32>
        %get3A_381 = arith.index_cast %select_n3A_316 : i32 to index
        %get3A_382 = arith.constant 48 : index
        %get3A_383 = tpu.vector_load %arg8[%get3A_381, %get3A_382] {strides = array<i32>} : memref<200x64xf32, #tpu.memory_space<vmem>>, vector<1x16xf32>,
        %get3A_384 = vector.shape_cast %get3A_383 : vector<1x16xf32> to vector<16xf32>
        %add3A_385 = arith.addf %get3A_324, %get3A_356 : vector<16xf32>
        %add3A_386 = arith.addf %get3A_328, %get3A_360 : vector<16xf32>
        %add3A_387 = arith.addf %get3A_332, %get3A_364 : vector<16xf32>
        %add3A_388 = arith.addf %get3A_336, %get3A_368 : vector<16xf32>
        %add3A_389 = arith.addf %add3A_385, %add3A_386 : vector<16xf32>
        %add3A_390 = arith.addf %add3A_387, %add3A_388 : vector<16xf32>
        %add3A_391 = arith.addf %add3A_389, %add3A_390 : vector<16xf32>
        %mul3A_392 = arith.mulf %add3A_385, %add3A_385 : vector<16xf32>
        %mul3A_393 = arith.mulf %add3A_386, %add3A_386 : vector<16xf32>
        %add3A_394 = arith.addf %mul3A_392, %mul3A_393 : vector<16xf32>
        %mul3A_395 = arith.mulf %add3A_387, %add3A_387 : vector<16xf32>
        %mul3A_396 = arith.mulf %add3A_388, %add3A_388 : vector<16xf32>
        %add3A_397 = arith.addf %mul3A_395, %mul3A_396 : vector<16xf32>
        %add3A_398 = arith.addf %add3A_394, %add3A_397 : vector<16xf32>
        %iota3A = tpu.iota {dimensions = array<i32: 0>} : vector<16xi32>
        %xor3A = arith.constant 8 : i32
        %xor3A_399 = vector.broadcast %xor3A : i32 to vector<16xi32>
        %xor3A_400 = arith.xori %iota3A, %xor3A_399 : vector<16xi32>
        %broadcast_in_dim3A = vector.shape_cast %xor3A_400 : vector<16xi32> to vector<16x1xi32>
        %gather3A = vector.shape_cast %broadcast_in_dim3A : vector<16x1xi32> to vector<16xi32>
        %gather3A_401 = tpu.dynamic_gather %add3A_391[%gather3A] in [0] : vector<16xf32>, vector<16xi32> -> vector<16xf32>
        %add3A_402 = arith.addf %add3A_391, %gather3A_401 : vector<16xf32>
        %iota3A_403 = tpu.iota {dimensions = array<i32: 0>} : vector<16xi32>
        %xor3A_404 = arith.constant 4 : i32
        %xor3A_405 = vector.broadcast %xor3A_404 : i32 to vector<16xi32>
        %xor3A_406 = arith.xori %iota3A_403, %xor3A_405 : vector<16xi32>
        %broadcast_in_dim3A_407 = vector.shape_cast %xor3A_406 : vector<16xi32> to vector<16x1xi32>
        %gather3A_408 = vector.shape_cast %broadcast_in_dim3A_407 : vector<16x1xi32> to vector<16xi32>
        %gather3A_409 = tpu.dynamic_gather %add3A_402[%gather3A_408] in [0] : vector<16xf32>, vector<16xi32> -> vector<16xf32>
        %add3A_410 = arith.addf %add3A_402, %gather3A_409 : vector<16xf32>
        %iota3A_411 = tpu.iota {dimensions = array<i32: 0>} : vector<16xi32>
        %xor3A_412 = arith.constant 2 : i32
        %xor3A_413 = vector.broadcast %xor3A_412 : i32 to vector<16xi32>
        %xor3A_414 = arith.xori %iota3A_411, %xor3A_413 : vector<16xi32>
        %broadcast_in_dim3A_415 = vector.shape_cast %xor3A_414 : vector<16xi32> to vector<16x1xi32>
        %gather3A_416 = vector.shape_cast %broadcast_in_dim3A_415 : vector<16x1xi32> to vector<16xi32>
        %gather3A_417 = tpu.dynamic_gather %add3A_410[%gather3A_416] in [0] : vector<16xf32>, vector<16xi32> -> vector<16xf32>
        %add3A_418 = arith.addf %add3A_410, %gather3A_417 : vector<16xf32>
        %iota3A_419 = tpu.iota {dimensions = array<i32: 0>} : vector<16xi32>
        %xor3A_420 = arith.constant 1 : i32
        %xor3A_421 = vector.broadcast %xor3A_420 : i32 to vector<16xi32>
        %xor3A_422 = arith.xori %iota3A_419, %xor3A_421 : vector<16xi32>
        %broadcast_in_dim3A_423 = vector.shape_cast %xor3A_422 : vector<16xi32> to vector<16x1xi32>
        %gather3A_424 = vector.shape_cast %broadcast_in_dim3A_423 : vector<16x1xi32> to vector<16xi32>
        %gather3A_425 = tpu.dynamic_gather %add3A_418[%gather3A_424] in [0] : vector<16xf32>, vector<16xi32> -> vector<16xf32>
        %add3A_426 = arith.addf %add3A_418, %gather3A_425 : vector<16xf32>
        %iota3A_427 = tpu.iota {dimensions = array<i32: 0>} : vector<16xi32>
        %xor3A_428 = arith.constant 8 : i32
        %xor3A_429 = vector.broadcast %xor3A_428 : i32 to vector<16xi32>
        %xor3A_430 = arith.xori %iota3A_427, %xor3A_429 : vector<16xi32>
        %broadcast_in_dim3A_431 = vector.shape_cast %xor3A_430 : vector<16xi32> to vector<16x1xi32>
        %gather3A_432 = vector.shape_cast %broadcast_in_dim3A_431 : vector<16x1xi32> to vector<16xi32>
        %gather3A_433 = tpu.dynamic_gather %add3A_398[%gather3A_432] in [0] : vector<16xf32>, vector<16xi32> -> vector<16xf32>
        %add3A_434 = arith.addf %add3A_398, %gather3A_433 : vector<16xf32>
        %iota3A_435 = tpu.iota {dimensions = array<i32: 0>} : vector<16xi32>
        %xor3A_436 = arith.constant 4 : i32
        %xor3A_437 = vector.broadcast %xor3A_436 : i32 to vector<16xi32>
        %xor3A_438 = arith.xori %iota3A_435, %xor3A_437 : vector<16xi32>
        %broadcast_in_dim3A_439 = vector.shape_cast %xor3A_438 : vector<16xi32> to vector<16x1xi32>
        %gather3A_440 = vector.shape_cast %broadcast_in_dim3A_439 : vector<16x1xi32> to vector<16xi32>
        %gather3A_441 = tpu.dynamic_gather %add3A_434[%gather3A_440] in [0] : vector<16xf32>, vector<16xi32> -> vector<16xf32>
        %add3A_442 = arith.addf %add3A_434, %gather3A_441 : vector<16xf32>
        %iota3A_443 = tpu.iota {dimensions = array<i32: 0>} : vector<16xi32>
        %xor3A_444 = arith.constant 2 : i32
        %xor3A_445 = vector.broadcast %xor3A_444 : i32 to vector<16xi32>
        %xor3A_446 = arith.xori %iota3A_443, %xor3A_445 : vector<16xi32>
        %broadcast_in_dim3A_447 = vector.shape_cast %xor3A_446 : vector<16xi32> to vector<16x1xi32>
        %gather3A_448 = vector.shape_cast %broadcast_in_dim3A_447 : vector<16x1xi32> to vector<16xi32>
        %gather3A_449 = tpu.dynamic_gather %add3A_442[%gather3A_448] in [0] : vector<16xf32>, vector<16xi32> -> vector<16xf32>
        %add3A_450 = arith.addf %add3A_442, %gather3A_449 : vector<16xf32>
        %iota3A_451 = tpu.iota {dimensions = array<i32: 0>} : vector<16xi32>
        %xor3A_452 = arith.constant 1 : i32
        %xor3A_453 = vector.broadcast %xor3A_452 : i32 to vector<16xi32>
        %xor3A_454 = arith.xori %iota3A_451, %xor3A_453 : vector<16xi32>
        %broadcast_in_dim3A_455 = vector.shape_cast %xor3A_454 : vector<16xi32> to vector<16x1xi32>
        %gather3A_456 = vector.shape_cast %broadcast_in_dim3A_455 : vector<16x1xi32> to vector<16xi32>
        %gather3A_457 = tpu.dynamic_gather %add3A_450[%gather3A_456] in [0] : vector<16xf32>, vector<16xi32> -> vector<16xf32>
        %add3A_458 = arith.addf %add3A_450, %gather3A_457 : vector<16xf32>
        %mul3A_459 = arith.constant 1.562500e-02 : f32
        %mul3A_460 = vector.broadcast %mul3A_459 : f32 to vector<16xf32>
        %mul3A_461 = arith.mulf %add3A_426, %mul3A_460 : vector<16xf32>
        %mul3A_462 = arith.constant 1.562500e-02 : f32
        %mul3A_463 = vector.broadcast %mul3A_462 : f32 to vector<16xf32>
        %mul3A_464 = arith.mulf %add3A_458, %mul3A_463 : vector<16xf32>
        %mul3A_465 = arith.mulf %mul3A_461, %mul3A_461 : vector<16xf32>
        %sub3A_466 = arith.subf %mul3A_464, %mul3A_465 : vector<16xf32>
        %add3A_467 = arith.constant 9.99999996E-13 : f32
        %add3A_468 = vector.broadcast %add3A_467 : f32 to vector<16xf32>
        %add3A_469 = arith.addf %sub3A_466, %add3A_468 : vector<16xf32>
        %bitcast_convert_type3A = tpu.bitcast %add3A_469 : vector<16xf32> -> vector<16xi32>
        %shift_right_arithmetic3A = arith.constant 1 : i32
        %shift_right_arithmetic3A_470 = vector.broadcast %shift_right_arithmetic3A : i32 to vector<16xi32>
        %shift_right_arithmetic3A_471 = arith.shrsi %bitcast_convert_type3A, %shift_right_arithmetic3A_470 : vector<16xi32>
        %sub3A_472 = arith.constant 1597463007 : i32
        %sub3A_473 = vector.broadcast %sub3A_472 : i32 to vector<16xi32>
        %sub3A_474 = arith.subi %sub3A_473, %shift_right_arithmetic3A_471 : vector<16xi32>
        %bitcast_convert_type3A_475 = tpu.bitcast %sub3A_474 : vector<16xi32> -> vector<16xf32>
        %mul3A_476 = arith.constant 5.000000e-01 : f32
        %mul3A_477 = vector.broadcast %mul3A_476 : f32 to vector<16xf32>
        %mul3A_478 = arith.mulf %add3A_469, %mul3A_477 : vector<16xf32>
        %mul3A_479 = arith.mulf %mul3A_478, %bitcast_convert_type3A_475 : vector<16xf32>
        %mul3A_480 = arith.mulf %mul3A_479, %bitcast_convert_type3A_475 : vector<16xf32>
        %sub3A_481 = arith.constant 1.500000e+00 : f32
        %sub3A_482 = vector.broadcast %sub3A_481 : f32 to vector<16xf32>
        %sub3A_483 = arith.subf %sub3A_482, %mul3A_480 : vector<16xf32>
        %mul3A_484 = arith.mulf %bitcast_convert_type3A_475, %sub3A_483 : vector<16xf32>
        %mul3A_485 = arith.mulf %mul3A_478, %mul3A_484 : vector<16xf32>
        %mul3A_486 = arith.mulf %mul3A_485, %mul3A_484 : vector<16xf32>
        %sub3A_487 = arith.constant 1.500000e+00 : f32
        %sub3A_488 = vector.broadcast %sub3A_487 : f32 to vector<16xf32>
        %sub3A_489 = arith.subf %sub3A_488, %mul3A_486 : vector<16xf32>
        %mul3A_490 = arith.mulf %mul3A_484, %sub3A_489 : vector<16xf32>
        %sub3A_491 = arith.subf %add3A_385, %mul3A_461 : vector<16xf32>
        %mul3A_492 = arith.mulf %mul3A_490, %get3A_4 : vector<16xf32>
        %mul3A_493 = arith.mulf %sub3A_491, %mul3A_492 : vector<16xf32>
        %add3A_494 = arith.addf %mul3A_493, %get3A_24 : vector<16xf32>
        %sub3A_495 = arith.subf %add3A_386, %mul3A_461 : vector<16xf32>
        %mul3A_496 = arith.mulf %mul3A_490, %get3A_9 : vector<16xf32>
        %mul3A_497 = arith.mulf %sub3A_495, %mul3A_496 : vector<16xf32>
        %add3A_498 = arith.addf %mul3A_497, %get3A_29 : vector<16xf32>
        %sub3A_499 = arith.subf %add3A_387, %mul3A_461 : vector<16xf32>
        %mul3A_500 = arith.mulf %mul3A_490, %get3A_14 : vector<16xf32>
        %mul3A_501 = arith.mulf %sub3A_499, %mul3A_500 : vector<16xf32>
        %add3A_502 = arith.addf %mul3A_501, %get3A_34 : vector<16xf32>
        %sub3A_503 = arith.subf %add3A_388, %mul3A_461 : vector<16xf32>
        %mul3A_504 = arith.mulf %mul3A_490, %get3A_19 : vector<16xf32>
        %mul3A_505 = arith.mulf %sub3A_503, %mul3A_504 : vector<16xf32>
        %add3A_506 = arith.addf %mul3A_505, %get3A_39 : vector<16xf32>
        %add3A_507 = arith.addf %get3A_340, %get3A_372 : vector<16xf32>
        %add3A_508 = arith.addf %get3A_344, %get3A_376 : vector<16xf32>
        %add3A_509 = arith.addf %get3A_348, %get3A_380 : vector<16xf32>
        %add3A_510 = arith.addf %get3A_352, %get3A_384 : vector<16xf32>
        %add3A_511 = arith.addf %add3A_507, %add3A_508 : vector<16xf32>
        %add3A_512 = arith.addf %add3A_509, %add3A_510 : vector<16xf32>
        %add3A_513 = arith.addf %add3A_511, %add3A_512 : vector<16xf32>
        %mul3A_514 = arith.mulf %add3A_507, %add3A_507 : vector<16xf32>
        %mul3A_515 = arith.mulf %add3A_508, %add3A_508 : vector<16xf32>
        %add3A_516 = arith.addf %mul3A_514, %mul3A_515 : vector<16xf32>
        %mul3A_517 = arith.mulf %add3A_509, %add3A_509 : vector<16xf32>
        %mul3A_518 = arith.mulf %add3A_510, %add3A_510 : vector<16xf32>
        %add3A_519 = arith.addf %mul3A_517, %mul3A_518 : vector<16xf32>
        %add3A_520 = arith.addf %add3A_516, %add3A_519 : vector<16xf32>
        %iota3A_521 = tpu.iota {dimensions = array<i32: 0>} : vector<16xi32>
        %xor3A_522 = arith.constant 8 : i32
        %xor3A_523 = vector.broadcast %xor3A_522 : i32 to vector<16xi32>
        %xor3A_524 = arith.xori %iota3A_521, %xor3A_523 : vector<16xi32>
        %broadcast_in_dim3A_525 = vector.shape_cast %xor3A_524 : vector<16xi32> to vector<16x1xi32>
        %gather3A_526 = vector.shape_cast %broadcast_in_dim3A_525 : vector<16x1xi32> to vector<16xi32>
        %gather3A_527 = tpu.dynamic_gather %add3A_513[%gather3A_526] in [0] : vector<16xf32>, vector<16xi32> -> vector<16xf32>
        %add3A_528 = arith.addf %add3A_513, %gather3A_527 : vector<16xf32>
        %iota3A_529 = tpu.iota {dimensions = array<i32: 0>} : vector<16xi32>
        %xor3A_530 = arith.constant 4 : i32
        %xor3A_531 = vector.broadcast %xor3A_530 : i32 to vector<16xi32>
        %xor3A_532 = arith.xori %iota3A_529, %xor3A_531 : vector<16xi32>
        %broadcast_in_dim3A_533 = vector.shape_cast %xor3A_532 : vector<16xi32> to vector<16x1xi32>
        %gather3A_534 = vector.shape_cast %broadcast_in_dim3A_533 : vector<16x1xi32> to vector<16xi32>
        %gather3A_535 = tpu.dynamic_gather %add3A_528[%gather3A_534] in [0] : vector<16xf32>, vector<16xi32> -> vector<16xf32>
        %add3A_536 = arith.addf %add3A_528, %gather3A_535 : vector<16xf32>
        %iota3A_537 = tpu.iota {dimensions = array<i32: 0>} : vector<16xi32>
        %xor3A_538 = arith.constant 2 : i32
        %xor3A_539 = vector.broadcast %xor3A_538 : i32 to vector<16xi32>
        %xor3A_540 = arith.xori %iota3A_537, %xor3A_539 : vector<16xi32>
        %broadcast_in_dim3A_541 = vector.shape_cast %xor3A_540 : vector<16xi32> to vector<16x1xi32>
        %gather3A_542 = vector.shape_cast %broadcast_in_dim3A_541 : vector<16x1xi32> to vector<16xi32>
        %gather3A_543 = tpu.dynamic_gather %add3A_536[%gather3A_542] in [0] : vector<16xf32>, vector<16xi32> -> vector<16xf32>
        %add3A_544 = arith.addf %add3A_536, %gather3A_543 : vector<16xf32>
        %iota3A_545 = tpu.iota {dimensions = array<i32: 0>} : vector<16xi32>
        %xor3A_546 = arith.constant 1 : i32
        %xor3A_547 = vector.broadcast %xor3A_546 : i32 to vector<16xi32>
        %xor3A_548 = arith.xori %iota3A_545, %xor3A_547 : vector<16xi32>
        %broadcast_in_dim3A_549 = vector.shape_cast %xor3A_548 : vector<16xi32> to vector<16x1xi32>
        %gather3A_550 = vector.shape_cast %broadcast_in_dim3A_549 : vector<16x1xi32> to vector<16xi32>
        %gather3A_551 = tpu.dynamic_gather %add3A_544[%gather3A_550] in [0] : vector<16xf32>, vector<16xi32> -> vector<16xf32>
        %add3A_552 = arith.addf %add3A_544, %gather3A_551 : vector<16xf32>
        %iota3A_553 = tpu.iota {dimensions = array<i32: 0>} : vector<16xi32>
        %xor3A_554 = arith.constant 8 : i32
        %xor3A_555 = vector.broadcast %xor3A_554 : i32 to vector<16xi32>
        %xor3A_556 = arith.xori %iota3A_553, %xor3A_555 : vector<16xi32>
        %broadcast_in_dim3A_557 = vector.shape_cast %xor3A_556 : vector<16xi32> to vector<16x1xi32>
        %gather3A_558 = vector.shape_cast %broadcast_in_dim3A_557 : vector<16x1xi32> to vector<16xi32>
        %gather3A_559 = tpu.dynamic_gather %add3A_520[%gather3A_558] in [0] : vector<16xf32>, vector<16xi32> -> vector<16xf32>
        %add3A_560 = arith.addf %add3A_520, %gather3A_559 : vector<16xf32>
        %iota3A_561 = tpu.iota {dimensions = array<i32: 0>} : vector<16xi32>
        %xor3A_562 = arith.constant 4 : i32
        %xor3A_563 = vector.broadcast %xor3A_562 : i32 to vector<16xi32>
        %xor3A_564 = arith.xori %iota3A_561, %xor3A_563 : vector<16xi32>
        %broadcast_in_dim3A_565 = vector.shape_cast %xor3A_564 : vector<16xi32> to vector<16x1xi32>
        %gather3A_566 = vector.shape_cast %broadcast_in_dim3A_565 : vector<16x1xi32> to vector<16xi32>
        %gather3A_567 = tpu.dynamic_gather %add3A_560[%gather3A_566] in [0] : vector<16xf32>, vector<16xi32> -> vector<16xf32>
        %add3A_568 = arith.addf %add3A_560, %gather3A_567 : vector<16xf32>
        %iota3A_569 = tpu.iota {dimensions = array<i32: 0>} : vector<16xi32>
        %xor3A_570 = arith.constant 2 : i32
        %xor3A_571 = vector.broadcast %xor3A_570 : i32 to vector<16xi32>
        %xor3A_572 = arith.xori %iota3A_569, %xor3A_571 : vector<16xi32>
        %broadcast_in_dim3A_573 = vector.shape_cast %xor3A_572 : vector<16xi32> to vector<16x1xi32>
        %gather3A_574 = vector.shape_cast %broadcast_in_dim3A_573 : vector<16x1xi32> to vector<16xi32>
        %gather3A_575 = tpu.dynamic_gather %add3A_568[%gather3A_574] in [0] : vector<16xf32>, vector<16xi32> -> vector<16xf32>
        %add3A_576 = arith.addf %add3A_568, %gather3A_575 : vector<16xf32>
        %iota3A_577 = tpu.iota {dimensions = array<i32: 0>} : vector<16xi32>
        %xor3A_578 = arith.constant 1 : i32
        %xor3A_579 = vector.broadcast %xor3A_578 : i32 to vector<16xi32>
        %xor3A_580 = arith.xori %iota3A_577, %xor3A_579 : vector<16xi32>
        %broadcast_in_dim3A_581 = vector.shape_cast %xor3A_580 : vector<16xi32> to vector<16x1xi32>
        %gather3A_582 = vector.shape_cast %broadcast_in_dim3A_581 : vector<16x1xi32> to vector<16xi32>
        %gather3A_583 = tpu.dynamic_gather %add3A_576[%gather3A_582] in [0] : vector<16xf32>, vector<16xi32> -> vector<16xf32>
        %add3A_584 = arith.addf %add3A_576, %gather3A_583 : vector<16xf32>
        %mul3A_585 = arith.constant 1.562500e-02 : f32
        %mul3A_586 = vector.broadcast %mul3A_585 : f32 to vector<16xf32>
        %mul3A_587 = arith.mulf %add3A_552, %mul3A_586 : vector<16xf32>
        %mul3A_588 = arith.constant 1.562500e-02 : f32
        %mul3A_589 = vector.broadcast %mul3A_588 : f32 to vector<16xf32>
        %mul3A_590 = arith.mulf %add3A_584, %mul3A_589 : vector<16xf32>
        %mul3A_591 = arith.mulf %mul3A_587, %mul3A_587 : vector<16xf32>
        %sub3A_592 = arith.subf %mul3A_590, %mul3A_591 : vector<16xf32>
        %add3A_593 = arith.constant 9.99999996E-13 : f32
        %add3A_594 = vector.broadcast %add3A_593 : f32 to vector<16xf32>
        %add3A_595 = arith.addf %sub3A_592, %add3A_594 : vector<16xf32>
        %bitcast_convert_type3A_596 = tpu.bitcast %add3A_595 : vector<16xf32> -> vector<16xi32>
        %shift_right_arithmetic3A_597 = arith.constant 1 : i32
        %shift_right_arithmetic3A_598 = vector.broadcast %shift_right_arithmetic3A_597 : i32 to vector<16xi32>
        %shift_right_arithmetic3A_599 = arith.shrsi %bitcast_convert_type3A_596, %shift_right_arithmetic3A_598 : vector<16xi32>
        %sub3A_600 = arith.constant 1597463007 : i32
        %sub3A_601 = vector.broadcast %sub3A_600 : i32 to vector<16xi32>
        %sub3A_602 = arith.subi %sub3A_601, %shift_right_arithmetic3A_599 : vector<16xi32>
        %bitcast_convert_type3A_603 = tpu.bitcast %sub3A_602 : vector<16xi32> -> vector<16xf32>
        %mul3A_604 = arith.constant 5.000000e-01 : f32
        %mul3A_605 = vector.broadcast %mul3A_604 : f32 to vector<16xf32>
        %mul3A_606 = arith.mulf %add3A_595, %mul3A_605 : vector<16xf32>
        %mul3A_607 = arith.mulf %mul3A_606, %bitcast_convert_type3A_603 : vector<16xf32>
        %mul3A_608 = arith.mulf %mul3A_607, %bitcast_convert_type3A_603 : vector<16xf32>
        %sub3A_609 = arith.constant 1.500000e+00 : f32
        %sub3A_610 = vector.broadcast %sub3A_609 : f32 to vector<16xf32>
        %sub3A_611 = arith.subf %sub3A_610, %mul3A_608 : vector<16xf32>
        %mul3A_612 = arith.mulf %bitcast_convert_type3A_603, %sub3A_611 : vector<16xf32>
        %mul3A_613 = arith.mulf %mul3A_606, %mul3A_612 : vector<16xf32>
        %mul3A_614 = arith.mulf %mul3A_613, %mul3A_612 : vector<16xf32>
        %sub3A_615 = arith.constant 1.500000e+00 : f32
        %sub3A_616 = vector.broadcast %sub3A_615 : f32 to vector<16xf32>
        %sub3A_617 = arith.subf %sub3A_616, %mul3A_614 : vector<16xf32>
        %mul3A_618 = arith.mulf %mul3A_612, %sub3A_617 : vector<16xf32>
        %sub3A_619 = arith.subf %add3A_507, %mul3A_587 : vector<16xf32>
        %mul3A_620 = arith.mulf %mul3A_618, %get3A_4 : vector<16xf32>
        %mul3A_621 = arith.mulf %sub3A_619, %mul3A_620 : vector<16xf32>
        %add3A_622 = arith.addf %mul3A_621, %get3A_24 : vector<16xf32>
        %sub3A_623 = arith.subf %add3A_508, %mul3A_587 : vector<16xf32>
        %mul3A_624 = arith.mulf %mul3A_618, %get3A_9 : vector<16xf32>
        %mul3A_625 = arith.mulf %sub3A_623, %mul3A_624 : vector<16xf32>
        %add3A_626 = arith.addf %mul3A_625, %get3A_29 : vector<16xf32>
        %sub3A_627 = arith.subf %add3A_509, %mul3A_587 : vector<16xf32>
        %mul3A_628 = arith.mulf %mul3A_618, %get3A_14 : vector<16xf32>
        %mul3A_629 = arith.mulf %sub3A_627, %mul3A_628 : vector<16xf32>
        %add3A_630 = arith.addf %mul3A_629, %get3A_34 : vector<16xf32>
        %sub3A_631 = arith.subf %add3A_510, %mul3A_587 : vector<16xf32>
        %mul3A_632 = arith.mulf %mul3A_618, %get3A_19 : vector<16xf32>
        %mul3A_633 = arith.mulf %sub3A_631, %mul3A_632 : vector<16xf32>
        %add3A_634 = arith.addf %mul3A_633, %get3A_39 : vector<16xf32>
        %swap3A = arith.index_cast %scan3A_311 : i32 to index
        %swap3A_635 = arith.constant 0 : index
        %swap3A_636 = tpu.vector_load %arg14[%swap3A, %swap3A_635] {strides = array<i32>} : memref<64x128xf32, #tpu.memory_space<vmem>>, vector<1x16xf32>,
        %swap3A_637 = vector.shape_cast %swap3A_636 : vector<1x16xf32> to vector<16xf32>
        %swap3A_638 = vector.shape_cast %add3A_494 : vector<16xf32> to vector<1x16xf32>
        tpu.vector_store %arg14[%swap3A, %swap3A_635], %swap3A_638 {strides = array<i32>} : memref<64x128xf32, #tpu.memory_space<vmem>>, vector<1x16xf32>,
        %swap3A_639 = arith.index_cast %scan3A_311 : i32 to index
        %swap3A_640 = arith.constant 64 : index
        %swap3A_641 = tpu.vector_load %arg14[%swap3A_639, %swap3A_640] {strides = array<i32>} : memref<64x128xf32, #tpu.memory_space<vmem>>, vector<1x16xf32>,
        %swap3A_642 = vector.shape_cast %swap3A_641 : vector<1x16xf32> to vector<16xf32>
        %swap3A_643 = vector.shape_cast %add3A_622 : vector<16xf32> to vector<1x16xf32>
        tpu.vector_store %arg14[%swap3A_639, %swap3A_640], %swap3A_643 {strides = array<i32>} : memref<64x128xf32, #tpu.memory_space<vmem>>, vector<1x16xf32>,
        %swap3A_644 = arith.index_cast %scan3A_311 : i32 to index
        %swap3A_645 = arith.constant 16 : index
        %swap3A_646 = tpu.vector_load %arg14[%swap3A_644, %swap3A_645] {strides = array<i32>} : memref<64x128xf32, #tpu.memory_space<vmem>>, vector<1x16xf32>,
        %swap3A_647 = vector.shape_cast %swap3A_646 : vector<1x16xf32> to vector<16xf32>
        %swap3A_648 = vector.shape_cast %add3A_498 : vector<16xf32> to vector<1x16xf32>
        tpu.vector_store %arg14[%swap3A_644, %swap3A_645], %swap3A_648 {strides = array<i32>} : memref<64x128xf32, #tpu.memory_space<vmem>>, vector<1x16xf32>,
        %swap3A_649 = arith.index_cast %scan3A_311 : i32 to index
        %swap3A_650 = arith.constant 80 : index
        %swap3A_651 = tpu.vector_load %arg14[%swap3A_649, %swap3A_650] {strides = array<i32>} : memref<64x128xf32, #tpu.memory_space<vmem>>, vector<1x16xf32>,
        %swap3A_652 = vector.shape_cast %swap3A_651 : vector<1x16xf32> to vector<16xf32>
        %swap3A_653 = vector.shape_cast %add3A_626 : vector<16xf32> to vector<1x16xf32>
        tpu.vector_store %arg14[%swap3A_649, %swap3A_650], %swap3A_653 {strides = array<i32>} : memref<64x128xf32, #tpu.memory_space<vmem>>, vector<1x16xf32>,
        %swap3A_654 = arith.index_cast %scan3A_311 : i32 to index
        %swap3A_655 = arith.constant 32 : index
        %swap3A_656 = tpu.vector_load %arg14[%swap3A_654, %swap3A_655] {strides = array<i32>} : memref<64x128xf32, #tpu.memory_space<vmem>>, vector<1x16xf32>,
        %swap3A_657 = vector.shape_cast %swap3A_656 : vector<1x16xf32> to vector<16xf32>
        %swap3A_658 = vector.shape_cast %add3A_502 : vector<16xf32> to vector<1x16xf32>
        tpu.vector_store %arg14[%swap3A_654, %swap3A_655], %swap3A_658 {strides = array<i32>} : memref<64x128xf32, #tpu.memory_space<vmem>>, vector<1x16xf32>,
        %swap3A_659 = arith.index_cast %scan3A_311 : i32 to index
        %swap3A_660 = arith.constant 96 : index
        %swap3A_661 = tpu.vector_load %arg14[%swap3A_659, %swap3A_660] {strides = array<i32>} : memref<64x128xf32, #tpu.memory_space<vmem>>, vector<1x16xf32>,
        %swap3A_662 = vector.shape_cast %swap3A_661 : vector<1x16xf32> to vector<16xf32>
        %swap3A_663 = vector.shape_cast %add3A_630 : vector<16xf32> to vector<1x16xf32>
        tpu.vector_store %arg14[%swap3A_659, %swap3A_660], %swap3A_663 {strides = array<i32>} : memref<64x128xf32, #tpu.memory_space<vmem>>, vector<1x16xf32>,
        %swap3A_664 = arith.index_cast %scan3A_311 : i32 to index
        %swap3A_665 = arith.constant 48 : index
        %swap3A_666 = tpu.vector_load %arg14[%swap3A_664, %swap3A_665] {strides = array<i32>} : memref<64x128xf32, #tpu.memory_space<vmem>>, vector<1x16xf32>,
        %swap3A_667 = vector.shape_cast %swap3A_666 : vector<1x16xf32> to vector<16xf32>
        %swap3A_668 = vector.shape_cast %add3A_506 : vector<16xf32> to vector<1x16xf32>
        tpu.vector_store %arg14[%swap3A_664, %swap3A_665], %swap3A_668 {strides = array<i32>} : memref<64x128xf32, #tpu.memory_space<vmem>>, vector<1x16xf32>,
        %swap3A_669 = arith.index_cast %scan3A_311 : i32 to index
        %swap3A_670 = arith.constant 112 : index
        %swap3A_671 = tpu.vector_load %arg14[%swap3A_669, %swap3A_670] {strides = array<i32>} : memref<64x128xf32, #tpu.memory_space<vmem>>, vector<1x16xf32>,
        %swap3A_672 = vector.shape_cast %swap3A_671 : vector<1x16xf32> to vector<16xf32>
        %swap3A_673 = vector.shape_cast %add3A_634 : vector<16xf32> to vector<1x16xf32>
        tpu.vector_store %arg14[%swap3A_669, %swap3A_670], %swap3A_673 {strides = array<i32>} : memref<64x128xf32, #tpu.memory_space<vmem>>, vector<1x16xf32>,
        %add3A_674 = arith.constant 1 : i32
        %add3A_675 = arith.addi %select_n3A_316, %add3A_674 : i32
        %eq3A_676 = arith.constant 200 : i32
        %eq3A_677 = arith.cmpi eq, %add3A_675, %eq3A_676 : i32
        %select_n3A_678 = arith.constant 0 : i32
        %select_n3A_679 = arith.select %eq3A_677, %select_n3A_678, %add3A_675 : i32
        %scan3A_680 = arith.constant 1 : i32
        %scan3A_681 = arith.addi %scan3A_311, %scan3A_680 : i32
        %add3A_682 = arith.constant 1 : i32
        %add3A_683 = arith.addi %select_n3A_679, %add3A_682 : i32
        %eq3A_684 = arith.constant 200 : i32
        %eq3A_685 = arith.cmpi eq, %add3A_683, %eq3A_684 : i32
        %select_n3A_686 = arith.constant 0 : i32
        %select_n3A_687 = arith.select %eq3A_685, %select_n3A_686, %add3A_683 : i32
        %mul3A_688 = arith.constant 2 : i32
        %mul3A_689 = arith.muli %mul3A_688, %scan3A_681 : i32
        %add3A_690 = arith.constant 1 : i32
        %add3A_691 = arith.addi %mul3A_689, %add3A_690 : i32
        %get3A_692 = arith.index_cast %mul3A_689 : i32 to index
        %get3A_693 = arith.constant 0 : index
        %get3A_694 = tpu.vector_load %arg12[%get3A_692, %get3A_693] {strides = array<i32>} : memref<128x64xf32, #tpu.memory_space<vmem>>, vector<1x16xf32>,
        %get3A_695 = vector.shape_cast %get3A_694 : vector<1x16xf32> to vector<16xf32>
        %get3A_696 = arith.index_cast %mul3A_689 : i32 to index
        %get3A_697 = arith.constant 16 : index
        %get3A_698 = tpu.vector_load %arg12[%get3A_696, %get3A_697] {strides = array<i32>} : memref<128x64xf32, #tpu.memory_space<vmem>>, vector<1x16xf32>,
        %get3A_699 = vector.shape_cast %get3A_698 : vector<1x16xf32> to vector<16xf32>
        %get3A_700 = arith.index_cast %mul3A_689 : i32 to index
        %get3A_701 = arith.constant 32 : index
        %get3A_702 = tpu.vector_load %arg12[%get3A_700, %get3A_701] {strides = array<i32>} : memref<128x64xf32, #tpu.memory_space<vmem>>, vector<1x16xf32>,
        %get3A_703 = vector.shape_cast %get3A_702 : vector<1x16xf32> to vector<16xf32>
        %get3A_704 = arith.index_cast %mul3A_689 : i32 to index
        %get3A_705 = arith.constant 48 : index
        %get3A_706 = tpu.vector_load %arg12[%get3A_704, %get3A_705] {strides = array<i32>} : memref<128x64xf32, #tpu.memory_space<vmem>>, vector<1x16xf32>,
        %get3A_707 = vector.shape_cast %get3A_706 : vector<1x16xf32> to vector<16xf32>
        %get3A_708 = arith.index_cast %add3A_691 : i32 to index
        %get3A_709 = arith.constant 0 : index
        %get3A_710 = tpu.vector_load %arg12[%get3A_708, %get3A_709] {strides = array<i32>} : memref<128x64xf32, #tpu.memory_space<vmem>>, vector<1x16xf32>,
        %get3A_711 = vector.shape_cast %get3A_710 : vector<1x16xf32> to vector<16xf32>
        %get3A_712 = arith.index_cast %add3A_691 : i32 to index
        %get3A_713 = arith.constant 16 : index
        %get3A_714 = tpu.vector_load %arg12[%get3A_712, %get3A_713] {strides = array<i32>} : memref<128x64xf32, #tpu.memory_space<vmem>>, vector<1x16xf32>,
        %get3A_715 = vector.shape_cast %get3A_714 : vector<1x16xf32> to vector<16xf32>
        %get3A_716 = arith.index_cast %add3A_691 : i32 to index
        %get3A_717 = arith.constant 32 : index
        %get3A_718 = tpu.vector_load %arg12[%get3A_716, %get3A_717] {strides = array<i32>} : memref<128x64xf32, #tpu.memory_space<vmem>>, vector<1x16xf32>,
        %get3A_719 = vector.shape_cast %get3A_718 : vector<1x16xf32> to vector<16xf32>
        %get3A_720 = arith.index_cast %add3A_691 : i32 to index
        %get3A_721 = arith.constant 48 : index
        %get3A_722 = tpu.vector_load %arg12[%get3A_720, %get3A_721] {strides = array<i32>} : memref<128x64xf32, #tpu.memory_space<vmem>>, vector<1x16xf32>,
        %get3A_723 = vector.shape_cast %get3A_722 : vector<1x16xf32> to vector<16xf32>
        %get3A_724 = arith.index_cast %select_n3A_679 : i32 to index
        %get3A_725 = arith.constant 0 : index
        %get3A_726 = tpu.vector_load %arg8[%get3A_724, %get3A_725] {strides = array<i32>} : memref<200x64xf32, #tpu.memory_space<vmem>>, vector<1x16xf32>,
        %get3A_727 = vector.shape_cast %get3A_726 : vector<1x16xf32> to vector<16xf32>
        %get3A_728 = arith.index_cast %select_n3A_679 : i32 to index
        %get3A_729 = arith.constant 16 : index
        %get3A_730 = tpu.vector_load %arg8[%get3A_728, %get3A_729] {strides = array<i32>} : memref<200x64xf32, #tpu.memory_space<vmem>>, vector<1x16xf32>,
        %get3A_731 = vector.shape_cast %get3A_730 : vector<1x16xf32> to vector<16xf32>
        %get3A_732 = arith.index_cast %select_n3A_679 : i32 to index
        %get3A_733 = arith.constant 32 : index
        %get3A_734 = tpu.vector_load %arg8[%get3A_732, %get3A_733] {strides = array<i32>} : memref<200x64xf32, #tpu.memory_space<vmem>>, vector<1x16xf32>,
        %get3A_735 = vector.shape_cast %get3A_734 : vector<1x16xf32> to vector<16xf32>
        %get3A_736 = arith.index_cast %select_n3A_679 : i32 to index
        %get3A_737 = arith.constant 48 : index
        %get3A_738 = tpu.vector_load %arg8[%get3A_736, %get3A_737] {strides = array<i32>} : memref<200x64xf32, #tpu.memory_space<vmem>>, vector<1x16xf32>,
        %get3A_739 = vector.shape_cast %get3A_738 : vector<1x16xf32> to vector<16xf32>
        %get3A_740 = arith.index_cast %select_n3A_687 : i32 to index
        %get3A_741 = arith.constant 0 : index
        %get3A_742 = tpu.vector_load %arg8[%get3A_740, %get3A_741] {strides = array<i32>} : memref<200x64xf32, #tpu.memory_space<vmem>>, vector<1x16xf32>,
        %get3A_743 = vector.shape_cast %get3A_742 : vector<1x16xf32> to vector<16xf32>
        %get3A_744 = arith.index_cast %select_n3A_687 : i32 to index
        %get3A_745 = arith.constant 16 : index
        %get3A_746 = tpu.vector_load %arg8[%get3A_744, %get3A_745] {strides = array<i32>} : memref<200x64xf32, #tpu.memory_space<vmem>>, vector<1x16xf32>,
        %get3A_747 = vector.shape_cast %get3A_746 : vector<1x16xf32> to vector<16xf32>
        %get3A_748 = arith.index_cast %select_n3A_687 : i32 to index
        %get3A_749 = arith.constant 32 : index
        %get3A_750 = tpu.vector_load %arg8[%get3A_748, %get3A_749] {strides = array<i32>} : memref<200x64xf32, #tpu.memory_space<vmem>>, vector<1x16xf32>,
        %get3A_751 = vector.shape_cast %get3A_750 : vector<1x16xf32> to vector<16xf32>
        %get3A_752 = arith.index_cast %select_n3A_687 : i32 to index
        %get3A_753 = arith.constant 48 : index
        %get3A_754 = tpu.vector_load %arg8[%get3A_752, %get3A_753] {strides = array<i32>} : memref<200x64xf32, #tpu.memory_space<vmem>>, vector<1x16xf32>,
        %get3A_755 = vector.shape_cast %get3A_754 : vector<1x16xf32> to vector<16xf32>
        %add3A_756 = arith.addf %get3A_695, %get3A_727 : vector<16xf32>
        %add3A_757 = arith.addf %get3A_699, %get3A_731 : vector<16xf32>
        %add3A_758 = arith.addf %get3A_703, %get3A_735 : vector<16xf32>
        %add3A_759 = arith.addf %get3A_707, %get3A_739 : vector<16xf32>
        %add3A_760 = arith.addf %add3A_756, %add3A_757 : vector<16xf32>
        %add3A_761 = arith.addf %add3A_758, %add3A_759 : vector<16xf32>
        %add3A_762 = arith.addf %add3A_760, %add3A_761 : vector<16xf32>
        %mul3A_763 = arith.mulf %add3A_756, %add3A_756 : vector<16xf32>
        %mul3A_764 = arith.mulf %add3A_757, %add3A_757 : vector<16xf32>
        %add3A_765 = arith.addf %mul3A_763, %mul3A_764 : vector<16xf32>
        %mul3A_766 = arith.mulf %add3A_758, %add3A_758 : vector<16xf32>
        %mul3A_767 = arith.mulf %add3A_759, %add3A_759 : vector<16xf32>
        %add3A_768 = arith.addf %mul3A_766, %mul3A_767 : vector<16xf32>
        %add3A_769 = arith.addf %add3A_765, %add3A_768 : vector<16xf32>
        %iota3A_770 = tpu.iota {dimensions = array<i32: 0>} : vector<16xi32>
        %xor3A_771 = arith.constant 8 : i32
        %xor3A_772 = vector.broadcast %xor3A_771 : i32 to vector<16xi32>
        %xor3A_773 = arith.xori %iota3A_770, %xor3A_772 : vector<16xi32>
        %broadcast_in_dim3A_774 = vector.shape_cast %xor3A_773 : vector<16xi32> to vector<16x1xi32>
        %gather3A_775 = vector.shape_cast %broadcast_in_dim3A_774 : vector<16x1xi32> to vector<16xi32>
        %gather3A_776 = tpu.dynamic_gather %add3A_762[%gather3A_775] in [0] : vector<16xf32>, vector<16xi32> -> vector<16xf32>
        %add3A_777 = arith.addf %add3A_762, %gather3A_776 : vector<16xf32>
        %iota3A_778 = tpu.iota {dimensions = array<i32: 0>} : vector<16xi32>
        %xor3A_779 = arith.constant 4 : i32
        %xor3A_780 = vector.broadcast %xor3A_779 : i32 to vector<16xi32>
        %xor3A_781 = arith.xori %iota3A_778, %xor3A_780 : vector<16xi32>
        %broadcast_in_dim3A_782 = vector.shape_cast %xor3A_781 : vector<16xi32> to vector<16x1xi32>
        %gather3A_783 = vector.shape_cast %broadcast_in_dim3A_782 : vector<16x1xi32> to vector<16xi32>
        %gather3A_784 = tpu.dynamic_gather %add3A_777[%gather3A_783] in [0] : vector<16xf32>, vector<16xi32> -> vector<16xf32>
        %add3A_785 = arith.addf %add3A_777, %gather3A_784 : vector<16xf32>
        %iota3A_786 = tpu.iota {dimensions = array<i32: 0>} : vector<16xi32>
        %xor3A_787 = arith.constant 2 : i32
        %xor3A_788 = vector.broadcast %xor3A_787 : i32 to vector<16xi32>
        %xor3A_789 = arith.xori %iota3A_786, %xor3A_788 : vector<16xi32>
        %broadcast_in_dim3A_790 = vector.shape_cast %xor3A_789 : vector<16xi32> to vector<16x1xi32>
        %gather3A_791 = vector.shape_cast %broadcast_in_dim3A_790 : vector<16x1xi32> to vector<16xi32>
        %gather3A_792 = tpu.dynamic_gather %add3A_785[%gather3A_791] in [0] : vector<16xf32>, vector<16xi32> -> vector<16xf32>
        %add3A_793 = arith.addf %add3A_785, %gather3A_792 : vector<16xf32>
        %iota3A_794 = tpu.iota {dimensions = array<i32: 0>} : vector<16xi32>
        %xor3A_795 = arith.constant 1 : i32
        %xor3A_796 = vector.broadcast %xor3A_795 : i32 to vector<16xi32>
        %xor3A_797 = arith.xori %iota3A_794, %xor3A_796 : vector<16xi32>
        %broadcast_in_dim3A_798 = vector.shape_cast %xor3A_797 : vector<16xi32> to vector<16x1xi32>
        %gather3A_799 = vector.shape_cast %broadcast_in_dim3A_798 : vector<16x1xi32> to vector<16xi32>
        %gather3A_800 = tpu.dynamic_gather %add3A_793[%gather3A_799] in [0] : vector<16xf32>, vector<16xi32> -> vector<16xf32>
        %add3A_801 = arith.addf %add3A_793, %gather3A_800 : vector<16xf32>
        %iota3A_802 = tpu.iota {dimensions = array<i32: 0>} : vector<16xi32>
        %xor3A_803 = arith.constant 8 : i32
        %xor3A_804 = vector.broadcast %xor3A_803 : i32 to vector<16xi32>
        %xor3A_805 = arith.xori %iota3A_802, %xor3A_804 : vector<16xi32>
        %broadcast_in_dim3A_806 = vector.shape_cast %xor3A_805 : vector<16xi32> to vector<16x1xi32>
        %gather3A_807 = vector.shape_cast %broadcast_in_dim3A_806 : vector<16x1xi32> to vector<16xi32>
        %gather3A_808 = tpu.dynamic_gather %add3A_769[%gather3A_807] in [0] : vector<16xf32>, vector<16xi32> -> vector<16xf32>
        %add3A_809 = arith.addf %add3A_769, %gather3A_808 : vector<16xf32>
        %iota3A_810 = tpu.iota {dimensions = array<i32: 0>} : vector<16xi32>
        %xor3A_811 = arith.constant 4 : i32
        %xor3A_812 = vector.broadcast %xor3A_811 : i32 to vector<16xi32>
        %xor3A_813 = arith.xori %iota3A_810, %xor3A_812 : vector<16xi32>
        %broadcast_in_dim3A_814 = vector.shape_cast %xor3A_813 : vector<16xi32> to vector<16x1xi32>
        %gather3A_815 = vector.shape_cast %broadcast_in_dim3A_814 : vector<16x1xi32> to vector<16xi32>
        %gather3A_816 = tpu.dynamic_gather %add3A_809[%gather3A_815] in [0] : vector<16xf32>, vector<16xi32> -> vector<16xf32>
        %add3A_817 = arith.addf %add3A_809, %gather3A_816 : vector<16xf32>
        %iota3A_818 = tpu.iota {dimensions = array<i32: 0>} : vector<16xi32>
        %xor3A_819 = arith.constant 2 : i32
        %xor3A_820 = vector.broadcast %xor3A_819 : i32 to vector<16xi32>
        %xor3A_821 = arith.xori %iota3A_818, %xor3A_820 : vector<16xi32>
        %broadcast_in_dim3A_822 = vector.shape_cast %xor3A_821 : vector<16xi32> to vector<16x1xi32>
        %gather3A_823 = vector.shape_cast %broadcast_in_dim3A_822 : vector<16x1xi32> to vector<16xi32>
        %gather3A_824 = tpu.dynamic_gather %add3A_817[%gather3A_823] in [0] : vector<16xf32>, vector<16xi32> -> vector<16xf32>
        %add3A_825 = arith.addf %add3A_817, %gather3A_824 : vector<16xf32>
        %iota3A_826 = tpu.iota {dimensions = array<i32: 0>} : vector<16xi32>
        %xor3A_827 = arith.constant 1 : i32
        %xor3A_828 = vector.broadcast %xor3A_827 : i32 to vector<16xi32>
        %xor3A_829 = arith.xori %iota3A_826, %xor3A_828 : vector<16xi32>
        %broadcast_in_dim3A_830 = vector.shape_cast %xor3A_829 : vector<16xi32> to vector<16x1xi32>
        %gather3A_831 = vector.shape_cast %broadcast_in_dim3A_830 : vector<16x1xi32> to vector<16xi32>
        %gather3A_832 = tpu.dynamic_gather %add3A_825[%gather3A_831] in [0] : vector<16xf32>, vector<16xi32> -> vector<16xf32>
        %add3A_833 = arith.addf %add3A_825, %gather3A_832 : vector<16xf32>
        %mul3A_834 = arith.constant 1.562500e-02 : f32
        %mul3A_835 = vector.broadcast %mul3A_834 : f32 to vector<16xf32>
        %mul3A_836 = arith.mulf %add3A_801, %mul3A_835 : vector<16xf32>
        %mul3A_837 = arith.constant 1.562500e-02 : f32
        %mul3A_838 = vector.broadcast %mul3A_837 : f32 to vector<16xf32>
        %mul3A_839 = arith.mulf %add3A_833, %mul3A_838 : vector<16xf32>
        %mul3A_840 = arith.mulf %mul3A_836, %mul3A_836 : vector<16xf32>
        %sub3A_841 = arith.subf %mul3A_839, %mul3A_840 : vector<16xf32>
        %add3A_842 = arith.constant 9.99999996E-13 : f32
        %add3A_843 = vector.broadcast %add3A_842 : f32 to vector<16xf32>
        %add3A_844 = arith.addf %sub3A_841, %add3A_843 : vector<16xf32>
        %bitcast_convert_type3A_845 = tpu.bitcast %add3A_844 : vector<16xf32> -> vector<16xi32>
        %shift_right_arithmetic3A_846 = arith.constant 1 : i32
        %shift_right_arithmetic3A_847 = vector.broadcast %shift_right_arithmetic3A_846 : i32 to vector<16xi32>
        %shift_right_arithmetic3A_848 = arith.shrsi %bitcast_convert_type3A_845, %shift_right_arithmetic3A_847 : vector<16xi32>
        %sub3A_849 = arith.constant 1597463007 : i32
        %sub3A_850 = vector.broadcast %sub3A_849 : i32 to vector<16xi32>
        %sub3A_851 = arith.subi %sub3A_850, %shift_right_arithmetic3A_848 : vector<16xi32>
        %bitcast_convert_type3A_852 = tpu.bitcast %sub3A_851 : vector<16xi32> -> vector<16xf32>
        %mul3A_853 = arith.constant 5.000000e-01 : f32
        %mul3A_854 = vector.broadcast %mul3A_853 : f32 to vector<16xf32>
        %mul3A_855 = arith.mulf %add3A_844, %mul3A_854 : vector<16xf32>
        %mul3A_856 = arith.mulf %mul3A_855, %bitcast_convert_type3A_852 : vector<16xf32>
        %mul3A_857 = arith.mulf %mul3A_856, %bitcast_convert_type3A_852 : vector<16xf32>
        %sub3A_858 = arith.constant 1.500000e+00 : f32
        %sub3A_859 = vector.broadcast %sub3A_858 : f32 to vector<16xf32>
        %sub3A_860 = arith.subf %sub3A_859, %mul3A_857 : vector<16xf32>
        %mul3A_861 = arith.mulf %bitcast_convert_type3A_852, %sub3A_860 : vector<16xf32>
        %mul3A_862 = arith.mulf %mul3A_855, %mul3A_861 : vector<16xf32>
        %mul3A_863 = arith.mulf %mul3A_862, %mul3A_861 : vector<16xf32>
        %sub3A_864 = arith.constant 1.500000e+00 : f32
        %sub3A_865 = vector.broadcast %sub3A_864 : f32 to vector<16xf32>
        %sub3A_866 = arith.subf %sub3A_865, %mul3A_863 : vector<16xf32>
        %mul3A_867 = arith.mulf %mul3A_861, %sub3A_866 : vector<16xf32>
        %sub3A_868 = arith.subf %add3A_756, %mul3A_836 : vector<16xf32>
        %mul3A_869 = arith.mulf %mul3A_867, %get3A_4 : vector<16xf32>
        %mul3A_870 = arith.mulf %sub3A_868, %mul3A_869 : vector<16xf32>
        %add3A_871 = arith.addf %mul3A_870, %get3A_24 : vector<16xf32>
        %sub3A_872 = arith.subf %add3A_757, %mul3A_836 : vector<16xf32>
        %mul3A_873 = arith.mulf %mul3A_867, %get3A_9 : vector<16xf32>
        %mul3A_874 = arith.mulf %sub3A_872, %mul3A_873 : vector<16xf32>
        %add3A_875 = arith.addf %mul3A_874, %get3A_29 : vector<16xf32>
        %sub3A_876 = arith.subf %add3A_758, %mul3A_836 : vector<16xf32>
        %mul3A_877 = arith.mulf %mul3A_867, %get3A_14 : vector<16xf32>
        %mul3A_878 = arith.mulf %sub3A_876, %mul3A_877 : vector<16xf32>
        %add3A_879 = arith.addf %mul3A_878, %get3A_34 : vector<16xf32>
        %sub3A_880 = arith.subf %add3A_759, %mul3A_836 : vector<16xf32>
        %mul3A_881 = arith.mulf %mul3A_867, %get3A_19 : vector<16xf32>
        %mul3A_882 = arith.mulf %sub3A_880, %mul3A_881 : vector<16xf32>
        %add3A_883 = arith.addf %mul3A_882, %get3A_39 : vector<16xf32>
        %add3A_884 = arith.addf %get3A_711, %get3A_743 : vector<16xf32>
        %add3A_885 = arith.addf %get3A_715, %get3A_747 : vector<16xf32>
        %add3A_886 = arith.addf %get3A_719, %get3A_751 : vector<16xf32>
        %add3A_887 = arith.addf %get3A_723, %get3A_755 : vector<16xf32>
        %add3A_888 = arith.addf %add3A_884, %add3A_885 : vector<16xf32>
        %add3A_889 = arith.addf %add3A_886, %add3A_887 : vector<16xf32>
        %add3A_890 = arith.addf %add3A_888, %add3A_889 : vector<16xf32>
        %mul3A_891 = arith.mulf %add3A_884, %add3A_884 : vector<16xf32>
        %mul3A_892 = arith.mulf %add3A_885, %add3A_885 : vector<16xf32>
        %add3A_893 = arith.addf %mul3A_891, %mul3A_892 : vector<16xf32>
        %mul3A_894 = arith.mulf %add3A_886, %add3A_886 : vector<16xf32>
        %mul3A_895 = arith.mulf %add3A_887, %add3A_887 : vector<16xf32>
        %add3A_896 = arith.addf %mul3A_894, %mul3A_895 : vector<16xf32>
        %add3A_897 = arith.addf %add3A_893, %add3A_896 : vector<16xf32>
        %iota3A_898 = tpu.iota {dimensions = array<i32: 0>} : vector<16xi32>
        %xor3A_899 = arith.constant 8 : i32
        %xor3A_900 = vector.broadcast %xor3A_899 : i32 to vector<16xi32>
        %xor3A_901 = arith.xori %iota3A_898, %xor3A_900 : vector<16xi32>
        %broadcast_in_dim3A_902 = vector.shape_cast %xor3A_901 : vector<16xi32> to vector<16x1xi32>
        %gather3A_903 = vector.shape_cast %broadcast_in_dim3A_902 : vector<16x1xi32> to vector<16xi32>
        %gather3A_904 = tpu.dynamic_gather %add3A_890[%gather3A_903] in [0] : vector<16xf32>, vector<16xi32> -> vector<16xf32>
        %add3A_905 = arith.addf %add3A_890, %gather3A_904 : vector<16xf32>
        %iota3A_906 = tpu.iota {dimensions = array<i32: 0>} : vector<16xi32>
        %xor3A_907 = arith.constant 4 : i32
        %xor3A_908 = vector.broadcast %xor3A_907 : i32 to vector<16xi32>
        %xor3A_909 = arith.xori %iota3A_906, %xor3A_908 : vector<16xi32>
        %broadcast_in_dim3A_910 = vector.shape_cast %xor3A_909 : vector<16xi32> to vector<16x1xi32>
        %gather3A_911 = vector.shape_cast %broadcast_in_dim3A_910 : vector<16x1xi32> to vector<16xi32>
        %gather3A_912 = tpu.dynamic_gather %add3A_905[%gather3A_911] in [0] : vector<16xf32>, vector<16xi32> -> vector<16xf32>
        %add3A_913 = arith.addf %add3A_905, %gather3A_912 : vector<16xf32>
        %iota3A_914 = tpu.iota {dimensions = array<i32: 0>} : vector<16xi32>
        %xor3A_915 = arith.constant 2 : i32
        %xor3A_916 = vector.broadcast %xor3A_915 : i32 to vector<16xi32>
        %xor3A_917 = arith.xori %iota3A_914, %xor3A_916 : vector<16xi32>
        %broadcast_in_dim3A_918 = vector.shape_cast %xor3A_917 : vector<16xi32> to vector<16x1xi32>
        %gather3A_919 = vector.shape_cast %broadcast_in_dim3A_918 : vector<16x1xi32> to vector<16xi32>
        %gather3A_920 = tpu.dynamic_gather %add3A_913[%gather3A_919] in [0] : vector<16xf32>, vector<16xi32> -> vector<16xf32>
        %add3A_921 = arith.addf %add3A_913, %gather3A_920 : vector<16xf32>
        %iota3A_922 = tpu.iota {dimensions = array<i32: 0>} : vector<16xi32>
        %xor3A_923 = arith.constant 1 : i32
        %xor3A_924 = vector.broadcast %xor3A_923 : i32 to vector<16xi32>
        %xor3A_925 = arith.xori %iota3A_922, %xor3A_924 : vector<16xi32>
        %broadcast_in_dim3A_926 = vector.shape_cast %xor3A_925 : vector<16xi32> to vector<16x1xi32>
        %gather3A_927 = vector.shape_cast %broadcast_in_dim3A_926 : vector<16x1xi32> to vector<16xi32>
        %gather3A_928 = tpu.dynamic_gather %add3A_921[%gather3A_927] in [0] : vector<16xf32>, vector<16xi32> -> vector<16xf32>
        %add3A_929 = arith.addf %add3A_921, %gather3A_928 : vector<16xf32>
        %iota3A_930 = tpu.iota {dimensions = array<i32: 0>} : vector<16xi32>
        %xor3A_931 = arith.constant 8 : i32
        %xor3A_932 = vector.broadcast %xor3A_931 : i32 to vector<16xi32>
        %xor3A_933 = arith.xori %iota3A_930, %xor3A_932 : vector<16xi32>
        %broadcast_in_dim3A_934 = vector.shape_cast %xor3A_933 : vector<16xi32> to vector<16x1xi32>
        %gather3A_935 = vector.shape_cast %broadcast_in_dim3A_934 : vector<16x1xi32> to vector<16xi32>
        %gather3A_936 = tpu.dynamic_gather %add3A_897[%gather3A_935] in [0] : vector<16xf32>, vector<16xi32> -> vector<16xf32>
        %add3A_937 = arith.addf %add3A_897, %gather3A_936 : vector<16xf32>
        %iota3A_938 = tpu.iota {dimensions = array<i32: 0>} : vector<16xi32>
        %xor3A_939 = arith.constant 4 : i32
        %xor3A_940 = vector.broadcast %xor3A_939 : i32 to vector<16xi32>
        %xor3A_941 = arith.xori %iota3A_938, %xor3A_940 : vector<16xi32>
        %broadcast_in_dim3A_942 = vector.shape_cast %xor3A_941 : vector<16xi32> to vector<16x1xi32>
        %gather3A_943 = vector.shape_cast %broadcast_in_dim3A_942 : vector<16x1xi32> to vector<16xi32>
        %gather3A_944 = tpu.dynamic_gather %add3A_937[%gather3A_943] in [0] : vector<16xf32>, vector<16xi32> -> vector<16xf32>
        %add3A_945 = arith.addf %add3A_937, %gather3A_944 : vector<16xf32>
        %iota3A_946 = tpu.iota {dimensions = array<i32: 0>} : vector<16xi32>
        %xor3A_947 = arith.constant 2 : i32
        %xor3A_948 = vector.broadcast %xor3A_947 : i32 to vector<16xi32>
        %xor3A_949 = arith.xori %iota3A_946, %xor3A_948 : vector<16xi32>
        %broadcast_in_dim3A_950 = vector.shape_cast %xor3A_949 : vector<16xi32> to vector<16x1xi32>
        %gather3A_951 = vector.shape_cast %broadcast_in_dim3A_950 : vector<16x1xi32> to vector<16xi32>
        %gather3A_952 = tpu.dynamic_gather %add3A_945[%gather3A_951] in [0] : vector<16xf32>, vector<16xi32> -> vector<16xf32>
        %add3A_953 = arith.addf %add3A_945, %gather3A_952 : vector<16xf32>
        %iota3A_954 = tpu.iota {dimensions = array<i32: 0>} : vector<16xi32>
        %xor3A_955 = arith.constant 1 : i32
        %xor3A_956 = vector.broadcast %xor3A_955 : i32 to vector<16xi32>
        %xor3A_957 = arith.xori %iota3A_954, %xor3A_956 : vector<16xi32>
        %broadcast_in_dim3A_958 = vector.shape_cast %xor3A_957 : vector<16xi32> to vector<16x1xi32>
        %gather3A_959 = vector.shape_cast %broadcast_in_dim3A_958 : vector<16x1xi32> to vector<16xi32>
        %gather3A_960 = tpu.dynamic_gather %add3A_953[%gather3A_959] in [0] : vector<16xf32>, vector<16xi32> -> vector<16xf32>
        %add3A_961 = arith.addf %add3A_953, %gather3A_960 : vector<16xf32>
        %mul3A_962 = arith.constant 1.562500e-02 : f32
        %mul3A_963 = vector.broadcast %mul3A_962 : f32 to vector<16xf32>
        %mul3A_964 = arith.mulf %add3A_929, %mul3A_963 : vector<16xf32>
        %mul3A_965 = arith.constant 1.562500e-02 : f32
        %mul3A_966 = vector.broadcast %mul3A_965 : f32 to vector<16xf32>
        %mul3A_967 = arith.mulf %add3A_961, %mul3A_966 : vector<16xf32>
        %mul3A_968 = arith.mulf %mul3A_964, %mul3A_964 : vector<16xf32>
        %sub3A_969 = arith.subf %mul3A_967, %mul3A_968 : vector<16xf32>
        %add3A_970 = arith.constant 9.99999996E-13 : f32
        %add3A_971 = vector.broadcast %add3A_970 : f32 to vector<16xf32>
        %add3A_972 = arith.addf %sub3A_969, %add3A_971 : vector<16xf32>
        %bitcast_convert_type3A_973 = tpu.bitcast %add3A_972 : vector<16xf32> -> vector<16xi32>
        %shift_right_arithmetic3A_974 = arith.constant 1 : i32
        %shift_right_arithmetic3A_975 = vector.broadcast %shift_right_arithmetic3A_974 : i32 to vector<16xi32>
        %shift_right_arithmetic3A_976 = arith.shrsi %bitcast_convert_type3A_973, %shift_right_arithmetic3A_975 : vector<16xi32>
        %sub3A_977 = arith.constant 1597463007 : i32
        %sub3A_978 = vector.broadcast %sub3A_977 : i32 to vector<16xi32>
        %sub3A_979 = arith.subi %sub3A_978, %shift_right_arithmetic3A_976 : vector<16xi32>
        %bitcast_convert_type3A_980 = tpu.bitcast %sub3A_979 : vector<16xi32> -> vector<16xf32>
        %mul3A_981 = arith.constant 5.000000e-01 : f32
        %mul3A_982 = vector.broadcast %mul3A_981 : f32 to vector<16xf32>
        %mul3A_983 = arith.mulf %add3A_972, %mul3A_982 : vector<16xf32>
        %mul3A_984 = arith.mulf %mul3A_983, %bitcast_convert_type3A_980 : vector<16xf32>
        %mul3A_985 = arith.mulf %mul3A_984, %bitcast_convert_type3A_980 : vector<16xf32>
        %sub3A_986 = arith.constant 1.500000e+00 : f32
        %sub3A_987 = vector.broadcast %sub3A_986 : f32 to vector<16xf32>
        %sub3A_988 = arith.subf %sub3A_987, %mul3A_985 : vector<16xf32>
        %mul3A_989 = arith.mulf %bitcast_convert_type3A_980, %sub3A_988 : vector<16xf32>
        %mul3A_990 = arith.mulf %mul3A_983, %mul3A_989 : vector<16xf32>
        %mul3A_991 = arith.mulf %mul3A_990, %mul3A_989 : vector<16xf32>
        %sub3A_992 = arith.constant 1.500000e+00 : f32
        %sub3A_993 = vector.broadcast %sub3A_992 : f32 to vector<16xf32>
        %sub3A_994 = arith.subf %sub3A_993, %mul3A_991 : vector<16xf32>
        %mul3A_995 = arith.mulf %mul3A_989, %sub3A_994 : vector<16xf32>
        %sub3A_996 = arith.subf %add3A_884, %mul3A_964 : vector<16xf32>
        %mul3A_997 = arith.mulf %mul3A_995, %get3A_4 : vector<16xf32>
        %mul3A_998 = arith.mulf %sub3A_996, %mul3A_997 : vector<16xf32>
        %add3A_999 = arith.addf %mul3A_998, %get3A_24 : vector<16xf32>
        %sub3A_1000 = arith.subf %add3A_885, %mul3A_964 : vector<16xf32>
        %mul3A_1001 = arith.mulf %mul3A_995, %get3A_9 : vector<16xf32>
        %mul3A_1002 = arith.mulf %sub3A_1000, %mul3A_1001 : vector<16xf32>
        %add3A_1003 = arith.addf %mul3A_1002, %get3A_29 : vector<16xf32>
        %sub3A_1004 = arith.subf %add3A_886, %mul3A_964 : vector<16xf32>
        %mul3A_1005 = arith.mulf %mul3A_995, %get3A_14 : vector<16xf32>
        %mul3A_1006 = arith.mulf %sub3A_1004, %mul3A_1005 : vector<16xf32>
        %add3A_1007 = arith.addf %mul3A_1006, %get3A_34 : vector<16xf32>
        %sub3A_1008 = arith.subf %add3A_887, %mul3A_964 : vector<16xf32>
        %mul3A_1009 = arith.mulf %mul3A_995, %get3A_19 : vector<16xf32>
        %mul3A_1010 = arith.mulf %sub3A_1008, %mul3A_1009 : vector<16xf32>
        %add3A_1011 = arith.addf %mul3A_1010, %get3A_39 : vector<16xf32>
        %swap3A_1012 = arith.index_cast %scan3A_681 : i32 to index
        %swap3A_1013 = arith.constant 0 : index
        %swap3A_1014 = tpu.vector_load %arg14[%swap3A_1012, %swap3A_1013] {strides = array<i32>} : memref<64x128xf32, #tpu.memory_space<vmem>>, vector<1x16xf32>,
        %swap3A_1015 = vector.shape_cast %swap3A_1014 : vector<1x16xf32> to vector<16xf32>
        %swap3A_1016 = vector.shape_cast %add3A_871 : vector<16xf32> to vector<1x16xf32>
        tpu.vector_store %arg14[%swap3A_1012, %swap3A_1013], %swap3A_1016 {strides = array<i32>} : memref<64x128xf32, #tpu.memory_space<vmem>>, vector<1x16xf32>,
        %swap3A_1017 = arith.index_cast %scan3A_681 : i32 to index
        %swap3A_1018 = arith.constant 64 : index
        %swap3A_1019 = tpu.vector_load %arg14[%swap3A_1017, %swap3A_1018] {strides = array<i32>} : memref<64x128xf32, #tpu.memory_space<vmem>>, vector<1x16xf32>,
        %swap3A_1020 = vector.shape_cast %swap3A_1019 : vector<1x16xf32> to vector<16xf32>
        %swap3A_1021 = vector.shape_cast %add3A_999 : vector<16xf32> to vector<1x16xf32>
        tpu.vector_store %arg14[%swap3A_1017, %swap3A_1018], %swap3A_1021 {strides = array<i32>} : memref<64x128xf32, #tpu.memory_space<vmem>>, vector<1x16xf32>,
        %swap3A_1022 = arith.index_cast %scan3A_681 : i32 to index
        %swap3A_1023 = arith.constant 16 : index
        %swap3A_1024 = tpu.vector_load %arg14[%swap3A_1022, %swap3A_1023] {strides = array<i32>} : memref<64x128xf32, #tpu.memory_space<vmem>>, vector<1x16xf32>,
        %swap3A_1025 = vector.shape_cast %swap3A_1024 : vector<1x16xf32> to vector<16xf32>
        %swap3A_1026 = vector.shape_cast %add3A_875 : vector<16xf32> to vector<1x16xf32>
        tpu.vector_store %arg14[%swap3A_1022, %swap3A_1023], %swap3A_1026 {strides = array<i32>} : memref<64x128xf32, #tpu.memory_space<vmem>>, vector<1x16xf32>,
        %swap3A_1027 = arith.index_cast %scan3A_681 : i32 to index
        %swap3A_1028 = arith.constant 80 : index
        %swap3A_1029 = tpu.vector_load %arg14[%swap3A_1027, %swap3A_1028] {strides = array<i32>} : memref<64x128xf32, #tpu.memory_space<vmem>>, vector<1x16xf32>,
        %swap3A_1030 = vector.shape_cast %swap3A_1029 : vector<1x16xf32> to vector<16xf32>
        %swap3A_1031 = vector.shape_cast %add3A_1003 : vector<16xf32> to vector<1x16xf32>
        tpu.vector_store %arg14[%swap3A_1027, %swap3A_1028], %swap3A_1031 {strides = array<i32>} : memref<64x128xf32, #tpu.memory_space<vmem>>, vector<1x16xf32>,
        %swap3A_1032 = arith.index_cast %scan3A_681 : i32 to index
        %swap3A_1033 = arith.constant 32 : index
        %swap3A_1034 = tpu.vector_load %arg14[%swap3A_1032, %swap3A_1033] {strides = array<i32>} : memref<64x128xf32, #tpu.memory_space<vmem>>, vector<1x16xf32>,
        %swap3A_1035 = vector.shape_cast %swap3A_1034 : vector<1x16xf32> to vector<16xf32>
        %swap3A_1036 = vector.shape_cast %add3A_879 : vector<16xf32> to vector<1x16xf32>
        tpu.vector_store %arg14[%swap3A_1032, %swap3A_1033], %swap3A_1036 {strides = array<i32>} : memref<64x128xf32, #tpu.memory_space<vmem>>, vector<1x16xf32>,
        %swap3A_1037 = arith.index_cast %scan3A_681 : i32 to index
        %swap3A_1038 = arith.constant 96 : index
        %swap3A_1039 = tpu.vector_load %arg14[%swap3A_1037, %swap3A_1038] {strides = array<i32>} : memref<64x128xf32, #tpu.memory_space<vmem>>, vector<1x16xf32>,
        %swap3A_1040 = vector.shape_cast %swap3A_1039 : vector<1x16xf32> to vector<16xf32>
        %swap3A_1041 = vector.shape_cast %add3A_1007 : vector<16xf32> to vector<1x16xf32>
        tpu.vector_store %arg14[%swap3A_1037, %swap3A_1038], %swap3A_1041 {strides = array<i32>} : memref<64x128xf32, #tpu.memory_space<vmem>>, vector<1x16xf32>,
        %swap3A_1042 = arith.index_cast %scan3A_681 : i32 to index
        %swap3A_1043 = arith.constant 48 : index
        %swap3A_1044 = tpu.vector_load %arg14[%swap3A_1042, %swap3A_1043] {strides = array<i32>} : memref<64x128xf32, #tpu.memory_space<vmem>>, vector<1x16xf32>,
        %swap3A_1045 = vector.shape_cast %swap3A_1044 : vector<1x16xf32> to vector<16xf32>
        %swap3A_1046 = vector.shape_cast %add3A_883 : vector<16xf32> to vector<1x16xf32>
        tpu.vector_store %arg14[%swap3A_1042, %swap3A_1043], %swap3A_1046 {strides = array<i32>} : memref<64x128xf32, #tpu.memory_space<vmem>>, vector<1x16xf32>,
        %swap3A_1047 = arith.index_cast %scan3A_681 : i32 to index
        %swap3A_1048 = arith.constant 112 : index
        %swap3A_1049 = tpu.vector_load %arg14[%swap3A_1047, %swap3A_1048] {strides = array<i32>} : memref<64x128xf32, #tpu.memory_space<vmem>>, vector<1x16xf32>,
        %swap3A_1050 = vector.shape_cast %swap3A_1049 : vector<1x16xf32> to vector<16xf32>
        %swap3A_1051 = vector.shape_cast %add3A_1011 : vector<16xf32> to vector<1x16xf32>
        tpu.vector_store %arg14[%swap3A_1047, %swap3A_1048], %swap3A_1051 {strides = array<i32>} : memref<64x128xf32, #tpu.memory_space<vmem>>, vector<1x16xf32>,
        %add3A_1052 = arith.constant 1 : i32
        %add3A_1053 = arith.addi %select_n3A_687, %add3A_1052 : i32
        %eq3A_1054 = arith.constant 200 : i32
        %eq3A_1055 = arith.cmpi eq, %add3A_1053, %eq3A_1054 : i32
        %select_n3A_1056 = arith.constant 0 : i32
        %select_n3A_1057 = arith.select %eq3A_1055, %select_n3A_1056, %add3A_1053 : i32
        scf.yield %select_n3A_1057 : i32
      }
      %scan3A_257 = arith.constant 64 : i32
      %mul3A_258 = arith.constant 50 : i32
      %mul3A_259 = arith.muli %add3A, %mul3A_258 : i32
      %add3A_260 = arith.addi %mul3A_259, %add3A_226 : i32
      %mul3A_261 = arith.constant 64 : i32
      %mul3A_262 = arith.muli %add3A_260, %mul3A_261 : i32
      %dma_start3A_263 = arith.constant 0 : i32
      %dma_start3A_264 = tpu.memref_slice %arg6[%mul3A_262, %dma_start3A_263] : memref<102400x128xf32, #tpu.memory_space<hbm>> -> memref<64x128xf32, #tpu.memory_space<hbm>>
      %dma_start3A_265 = arith.constant 0 : i32
      %dma_start3A_266 = tpu.memref_slice %arg6[%mul3A_262, %dma_start3A_265] : memref<102400x128xf32, #tpu.memory_space<hbm>> -> memref<64x128xf32, #tpu.memory_space<hbm>>
      tpu.enqueue_dma source(%arg14 : memref<64x128xf32, #tpu.memory_space<vmem>>) target(%dma_start3A_266 : memref<64x128xf32, #tpu.memory_space<hbm>>) target_semaphore(%arg20 : memref<!tpu.dma_semaphore, #tpu.memory_space<semaphore_mem>>)
      %mul3A_267 = arith.constant 4 : i32
      %mul3A_268 = arith.muli %mul3A_267, %scan3A_139 : i32
      %add3A_269 = arith.constant 3 : i32
      %add3A_270 = arith.addi %mul3A_268, %add3A_269 : i32
      %ge3A_271 = arith.constant 2 : i32
      %ge3A_272 = arith.cmpi sge, %add3A_270, %ge3A_271 : i32
      %convert_element_type3A_273 = arith.extui %ge3A_272 : i1 to i32
      %cond3A_274 = arith.constant 0 : i32
      %cond3A_275 = arith.cmpi ne, %convert_element_type3A_273, %cond3A_274 : i32
      scf.if %cond3A_275 {
        %dma_wait3A_311 = arith.constant 0 : i32
        %dma_wait3A_312 = arith.constant 0 : i32
        %dma_wait3A_313 = tpu.memref_slice %arg6[%dma_wait3A_311, %dma_wait3A_312] : memref<102400x128xf32, #tpu.memory_space<hbm>> -> memref<64x128xf32, #tpu.memory_space<hbm>>
        %dma_wait3A_314 = arith.constant 0 : i32
        %dma_wait3A_315 = arith.constant 0 : i32
        %dma_wait3A_316 = tpu.memref_slice %arg6[%dma_wait3A_314, %dma_wait3A_315] : memref<102400x128xf32, #tpu.memory_space<hbm>> -> memref<64x128xf32, #tpu.memory_space<hbm>>
        tpu.wait_dma2 semaphore(%arg21 : memref<!tpu.dma_semaphore, #tpu.memory_space<semaphore_mem>>) src(%arg15 : memref<64x128xf32, #tpu.memory_space<vmem>>) dst(%dma_wait3A_316 : memref<64x128xf32, #tpu.memory_space<hbm>>)
      } else {
      }
      %add3A_276 = arith.constant 4 : i32
      %add3A_277 = arith.addi %add3A_270, %add3A_276 : i32
      %sub3A_278 = arith.constant 1 : i32
      %sub3A_279 = arith.subi %add3A_277, %sub3A_278 : i32
      %lt3A_280 = arith.constant 50 : i32
      %lt3A_281 = arith.cmpi slt, %sub3A_279, %lt3A_280 : i32
      %convert_element_type3A_282 = arith.extui %lt3A_281 : i1 to i32
      %cond3A_283 = arith.constant 0 : i32
      %cond3A_284 = arith.cmpi ne, %convert_element_type3A_282, %cond3A_283 : i32
      scf.if %cond3A_284 {
        %add3A_311 = arith.constant 4 : i32
        %add3A_312 = arith.addi %add3A_270, %add3A_311 : i32
        %sub3A_313 = arith.constant 1 : i32
        %sub3A_314 = arith.subi %add3A_312, %sub3A_313 : i32
        %dma_start3A_315 = arith.constant 0 : i32
        %dma_start3A_316 = tpu.memref_slice %arg7[%sub3A_314, %dma_start3A_315] : memref<50x128xi32, #tpu.memory_space<vmem>> -> memref<1x128xi32, #tpu.memory_space<vmem>>
        %dma_start3A_317 = tpu.memref_squeeze %dma_start3A_316 : memref<1x128xi32, #tpu.memory_space<vmem>> -> memref<128xi32, #tpu.memory_space<vmem>>
        %dma_start3A_318 = arith.constant 0 : i32
        %dma_start3A_319 = arith.constant 0 : i32
        %dma_start3A_320 = tpu.memref_slice %arg5[%dma_start3A_318, %dma_start3A_319] : memref<100000x64xf32, #tpu.memory_space<hbm>> -> memref<100000x64xf32, #tpu.memory_space<hbm>>
        tpu.enqueue_indirect_dma source(%dma_start3A_320 : memref<100000x64xf32, #tpu.memory_space<hbm>>) target(%arg12 : memref<128x64xf32, #tpu.memory_space<vmem>>) offsets(%dma_start3A_317 : memref<128xi32, #tpu.memory_space<vmem>>) semaphore(%arg18 : memref<!tpu.dma_semaphore, #tpu.memory_space<semaphore_mem>>)
      } else {
      }
      %dma_wait3A_285 = arith.constant 0 : i32
      %dma_wait3A_286 = arith.constant 0 : i32
      %dma_wait3A_287 = tpu.memref_slice %arg7[%dma_wait3A_285, %dma_wait3A_286] : memref<50x128xi32, #tpu.memory_space<vmem>> -> memref<1x128xi32, #tpu.memory_space<vmem>>
      %dma_wait3A_288 = tpu.memref_squeeze %dma_wait3A_287 : memref<1x128xi32, #tpu.memory_space<vmem>> -> memref<128xi32, #tpu.memory_space<vmem>>
      %dma_wait3A_289 = arith.constant 0 : i32
      %dma_wait3A_290 = arith.constant 0 : i32
      %dma_wait3A_291 = tpu.memref_slice %arg5[%dma_wait3A_289, %dma_wait3A_290] : memref<100000x64xf32, #tpu.memory_space<hbm>> -> memref<100000x64xf32, #tpu.memory_space<hbm>>
      tpu.wait_indirect_dma semaphore(%arg19 : memref<!tpu.dma_semaphore, #tpu.memory_space<semaphore_mem>>) src(%dma_wait3A_291 : memref<100000x64xf32, #tpu.memory_space<hbm>>) dst(%arg13 : memref<128x64xf32, #tpu.memory_space<vmem>>)
      %mul3A_292 = arith.constant 128 : i32
      %mul3A_293 = arith.muli %add3A_270, %mul3A_292 : i32
      %rem3A_294 = arith.constant 200 : i32
      %rem3A_295 = arith.remsi %mul3A_293, %rem3A_294 : i32
      %scan3A_296 = arith.constant 0 : i32
      %scan3A_297 = arith.constant 64 : i32
      %scan3A_298 = arith.addi %scan3A_296, %scan3A_297 : i32
      %scan3A_299 = arith.constant 2 : i32
      %scan3A_300 = scf.for %scan3A_311 = %scan3A_296 to %scan3A_298 step %scan3A_299 iter_args(%scan3A_312 = %rem3A_295) -> (i32)  : i32 {
        %add3A_313 = arith.constant 1 : i32
        %add3A_314 = arith.addi %scan3A_312, %add3A_313 : i32
        %eq3A = arith.constant 200 : i32
        %eq3A_315 = arith.cmpi eq, %add3A_314, %eq3A : i32
        %select_n3A = arith.constant 0 : i32
        %select_n3A_316 = arith.select %eq3A_315, %select_n3A, %add3A_314 : i32
        %mul3A_317 = arith.constant 2 : i32
        %mul3A_318 = arith.muli %mul3A_317, %scan3A_311 : i32
        %add3A_319 = arith.constant 1 : i32
        %add3A_320 = arith.addi %mul3A_318, %add3A_319 : i32
        %get3A_321 = arith.index_cast %mul3A_318 : i32 to index
        %get3A_322 = arith.constant 0 : index
        %get3A_323 = tpu.vector_load %arg13[%get3A_321, %get3A_322] {strides = array<i32>} : memref<128x64xf32, #tpu.memory_space<vmem>>, vector<1x16xf32>,
        %get3A_324 = vector.shape_cast %get3A_323 : vector<1x16xf32> to vector<16xf32>
        %get3A_325 = arith.index_cast %mul3A_318 : i32 to index
        %get3A_326 = arith.constant 16 : index
        %get3A_327 = tpu.vector_load %arg13[%get3A_325, %get3A_326] {strides = array<i32>} : memref<128x64xf32, #tpu.memory_space<vmem>>, vector<1x16xf32>,
        %get3A_328 = vector.shape_cast %get3A_327 : vector<1x16xf32> to vector<16xf32>
        %get3A_329 = arith.index_cast %mul3A_318 : i32 to index
        %get3A_330 = arith.constant 32 : index
        %get3A_331 = tpu.vector_load %arg13[%get3A_329, %get3A_330] {strides = array<i32>} : memref<128x64xf32, #tpu.memory_space<vmem>>, vector<1x16xf32>,
        %get3A_332 = vector.shape_cast %get3A_331 : vector<1x16xf32> to vector<16xf32>
        %get3A_333 = arith.index_cast %mul3A_318 : i32 to index
        %get3A_334 = arith.constant 48 : index
        %get3A_335 = tpu.vector_load %arg13[%get3A_333, %get3A_334] {strides = array<i32>} : memref<128x64xf32, #tpu.memory_space<vmem>>, vector<1x16xf32>,
        %get3A_336 = vector.shape_cast %get3A_335 : vector<1x16xf32> to vector<16xf32>
        %get3A_337 = arith.index_cast %add3A_320 : i32 to index
        %get3A_338 = arith.constant 0 : index
        %get3A_339 = tpu.vector_load %arg13[%get3A_337, %get3A_338] {strides = array<i32>} : memref<128x64xf32, #tpu.memory_space<vmem>>, vector<1x16xf32>,
        %get3A_340 = vector.shape_cast %get3A_339 : vector<1x16xf32> to vector<16xf32>
        %get3A_341 = arith.index_cast %add3A_320 : i32 to index
        %get3A_342 = arith.constant 16 : index
        %get3A_343 = tpu.vector_load %arg13[%get3A_341, %get3A_342] {strides = array<i32>} : memref<128x64xf32, #tpu.memory_space<vmem>>, vector<1x16xf32>,
        %get3A_344 = vector.shape_cast %get3A_343 : vector<1x16xf32> to vector<16xf32>
        %get3A_345 = arith.index_cast %add3A_320 : i32 to index
        %get3A_346 = arith.constant 32 : index
        %get3A_347 = tpu.vector_load %arg13[%get3A_345, %get3A_346] {strides = array<i32>} : memref<128x64xf32, #tpu.memory_space<vmem>>, vector<1x16xf32>,
        %get3A_348 = vector.shape_cast %get3A_347 : vector<1x16xf32> to vector<16xf32>
        %get3A_349 = arith.index_cast %add3A_320 : i32 to index
        %get3A_350 = arith.constant 48 : index
        %get3A_351 = tpu.vector_load %arg13[%get3A_349, %get3A_350] {strides = array<i32>} : memref<128x64xf32, #tpu.memory_space<vmem>>, vector<1x16xf32>,
        %get3A_352 = vector.shape_cast %get3A_351 : vector<1x16xf32> to vector<16xf32>
        %get3A_353 = arith.index_cast %scan3A_312 : i32 to index
        %get3A_354 = arith.constant 0 : index
        %get3A_355 = tpu.vector_load %arg8[%get3A_353, %get3A_354] {strides = array<i32>} : memref<200x64xf32, #tpu.memory_space<vmem>>, vector<1x16xf32>,
        %get3A_356 = vector.shape_cast %get3A_355 : vector<1x16xf32> to vector<16xf32>
        %get3A_357 = arith.index_cast %scan3A_312 : i32 to index
        %get3A_358 = arith.constant 16 : index
        %get3A_359 = tpu.vector_load %arg8[%get3A_357, %get3A_358] {strides = array<i32>} : memref<200x64xf32, #tpu.memory_space<vmem>>, vector<1x16xf32>,
        %get3A_360 = vector.shape_cast %get3A_359 : vector<1x16xf32> to vector<16xf32>
        %get3A_361 = arith.index_cast %scan3A_312 : i32 to index
        %get3A_362 = arith.constant 32 : index
        %get3A_363 = tpu.vector_load %arg8[%get3A_361, %get3A_362] {strides = array<i32>} : memref<200x64xf32, #tpu.memory_space<vmem>>, vector<1x16xf32>,
        %get3A_364 = vector.shape_cast %get3A_363 : vector<1x16xf32> to vector<16xf32>
        %get3A_365 = arith.index_cast %scan3A_312 : i32 to index
        %get3A_366 = arith.constant 48 : index
        %get3A_367 = tpu.vector_load %arg8[%get3A_365, %get3A_366] {strides = array<i32>} : memref<200x64xf32, #tpu.memory_space<vmem>>, vector<1x16xf32>,
        %get3A_368 = vector.shape_cast %get3A_367 : vector<1x16xf32> to vector<16xf32>
        %get3A_369 = arith.index_cast %select_n3A_316 : i32 to index
        %get3A_370 = arith.constant 0 : index
        %get3A_371 = tpu.vector_load %arg8[%get3A_369, %get3A_370] {strides = array<i32>} : memref<200x64xf32, #tpu.memory_space<vmem>>, vector<1x16xf32>,
        %get3A_372 = vector.shape_cast %get3A_371 : vector<1x16xf32> to vector<16xf32>
        %get3A_373 = arith.index_cast %select_n3A_316 : i32 to index
        %get3A_374 = arith.constant 16 : index
        %get3A_375 = tpu.vector_load %arg8[%get3A_373, %get3A_374] {strides = array<i32>} : memref<200x64xf32, #tpu.memory_space<vmem>>, vector<1x16xf32>,
        %get3A_376 = vector.shape_cast %get3A_375 : vector<1x16xf32> to vector<16xf32>
        %get3A_377 = arith.index_cast %select_n3A_316 : i32 to index
        %get3A_378 = arith.constant 32 : index
        %get3A_379 = tpu.vector_load %arg8[%get3A_377, %get3A_378] {strides = array<i32>} : memref<200x64xf32, #tpu.memory_space<vmem>>, vector<1x16xf32>,
        %get3A_380 = vector.shape_cast %get3A_379 : vector<1x16xf32> to vector<16xf32>
        %get3A_381 = arith.index_cast %select_n3A_316 : i32 to index
        %get3A_382 = arith.constant 48 : index
        %get3A_383 = tpu.vector_load %arg8[%get3A_381, %get3A_382] {strides = array<i32>} : memref<200x64xf32, #tpu.memory_space<vmem>>, vector<1x16xf32>,
        %get3A_384 = vector.shape_cast %get3A_383 : vector<1x16xf32> to vector<16xf32>
        %add3A_385 = arith.addf %get3A_324, %get3A_356 : vector<16xf32>
        %add3A_386 = arith.addf %get3A_328, %get3A_360 : vector<16xf32>
        %add3A_387 = arith.addf %get3A_332, %get3A_364 : vector<16xf32>
        %add3A_388 = arith.addf %get3A_336, %get3A_368 : vector<16xf32>
        %add3A_389 = arith.addf %add3A_385, %add3A_386 : vector<16xf32>
        %add3A_390 = arith.addf %add3A_387, %add3A_388 : vector<16xf32>
        %add3A_391 = arith.addf %add3A_389, %add3A_390 : vector<16xf32>
        %mul3A_392 = arith.mulf %add3A_385, %add3A_385 : vector<16xf32>
        %mul3A_393 = arith.mulf %add3A_386, %add3A_386 : vector<16xf32>
        %add3A_394 = arith.addf %mul3A_392, %mul3A_393 : vector<16xf32>
        %mul3A_395 = arith.mulf %add3A_387, %add3A_387 : vector<16xf32>
        %mul3A_396 = arith.mulf %add3A_388, %add3A_388 : vector<16xf32>
        %add3A_397 = arith.addf %mul3A_395, %mul3A_396 : vector<16xf32>
        %add3A_398 = arith.addf %add3A_394, %add3A_397 : vector<16xf32>
        %iota3A = tpu.iota {dimensions = array<i32: 0>} : vector<16xi32>
        %xor3A = arith.constant 8 : i32
        %xor3A_399 = vector.broadcast %xor3A : i32 to vector<16xi32>
        %xor3A_400 = arith.xori %iota3A, %xor3A_399 : vector<16xi32>
        %broadcast_in_dim3A = vector.shape_cast %xor3A_400 : vector<16xi32> to vector<16x1xi32>
        %gather3A = vector.shape_cast %broadcast_in_dim3A : vector<16x1xi32> to vector<16xi32>
        %gather3A_401 = tpu.dynamic_gather %add3A_391[%gather3A] in [0] : vector<16xf32>, vector<16xi32> -> vector<16xf32>
        %add3A_402 = arith.addf %add3A_391, %gather3A_401 : vector<16xf32>
        %iota3A_403 = tpu.iota {dimensions = array<i32: 0>} : vector<16xi32>
        %xor3A_404 = arith.constant 4 : i32
        %xor3A_405 = vector.broadcast %xor3A_404 : i32 to vector<16xi32>
        %xor3A_406 = arith.xori %iota3A_403, %xor3A_405 : vector<16xi32>
        %broadcast_in_dim3A_407 = vector.shape_cast %xor3A_406 : vector<16xi32> to vector<16x1xi32>
        %gather3A_408 = vector.shape_cast %broadcast_in_dim3A_407 : vector<16x1xi32> to vector<16xi32>
        %gather3A_409 = tpu.dynamic_gather %add3A_402[%gather3A_408] in [0] : vector<16xf32>, vector<16xi32> -> vector<16xf32>
        %add3A_410 = arith.addf %add3A_402, %gather3A_409 : vector<16xf32>
        %iota3A_411 = tpu.iota {dimensions = array<i32: 0>} : vector<16xi32>
        %xor3A_412 = arith.constant 2 : i32
        %xor3A_413 = vector.broadcast %xor3A_412 : i32 to vector<16xi32>
        %xor3A_414 = arith.xori %iota3A_411, %xor3A_413 : vector<16xi32>
        %broadcast_in_dim3A_415 = vector.shape_cast %xor3A_414 : vector<16xi32> to vector<16x1xi32>
        %gather3A_416 = vector.shape_cast %broadcast_in_dim3A_415 : vector<16x1xi32> to vector<16xi32>
        %gather3A_417 = tpu.dynamic_gather %add3A_410[%gather3A_416] in [0] : vector<16xf32>, vector<16xi32> -> vector<16xf32>
        %add3A_418 = arith.addf %add3A_410, %gather3A_417 : vector<16xf32>
        %iota3A_419 = tpu.iota {dimensions = array<i32: 0>} : vector<16xi32>
        %xor3A_420 = arith.constant 1 : i32
        %xor3A_421 = vector.broadcast %xor3A_420 : i32 to vector<16xi32>
        %xor3A_422 = arith.xori %iota3A_419, %xor3A_421 : vector<16xi32>
        %broadcast_in_dim3A_423 = vector.shape_cast %xor3A_422 : vector<16xi32> to vector<16x1xi32>
        %gather3A_424 = vector.shape_cast %broadcast_in_dim3A_423 : vector<16x1xi32> to vector<16xi32>
        %gather3A_425 = tpu.dynamic_gather %add3A_418[%gather3A_424] in [0] : vector<16xf32>, vector<16xi32> -> vector<16xf32>
        %add3A_426 = arith.addf %add3A_418, %gather3A_425 : vector<16xf32>
        %iota3A_427 = tpu.iota {dimensions = array<i32: 0>} : vector<16xi32>
        %xor3A_428 = arith.constant 8 : i32
        %xor3A_429 = vector.broadcast %xor3A_428 : i32 to vector<16xi32>
        %xor3A_430 = arith.xori %iota3A_427, %xor3A_429 : vector<16xi32>
        %broadcast_in_dim3A_431 = vector.shape_cast %xor3A_430 : vector<16xi32> to vector<16x1xi32>
        %gather3A_432 = vector.shape_cast %broadcast_in_dim3A_431 : vector<16x1xi32> to vector<16xi32>
        %gather3A_433 = tpu.dynamic_gather %add3A_398[%gather3A_432] in [0] : vector<16xf32>, vector<16xi32> -> vector<16xf32>
        %add3A_434 = arith.addf %add3A_398, %gather3A_433 : vector<16xf32>
        %iota3A_435 = tpu.iota {dimensions = array<i32: 0>} : vector<16xi32>
        %xor3A_436 = arith.constant 4 : i32
        %xor3A_437 = vector.broadcast %xor3A_436 : i32 to vector<16xi32>
        %xor3A_438 = arith.xori %iota3A_435, %xor3A_437 : vector<16xi32>
        %broadcast_in_dim3A_439 = vector.shape_cast %xor3A_438 : vector<16xi32> to vector<16x1xi32>
        %gather3A_440 = vector.shape_cast %broadcast_in_dim3A_439 : vector<16x1xi32> to vector<16xi32>
        %gather3A_441 = tpu.dynamic_gather %add3A_434[%gather3A_440] in [0] : vector<16xf32>, vector<16xi32> -> vector<16xf32>
        %add3A_442 = arith.addf %add3A_434, %gather3A_441 : vector<16xf32>
        %iota3A_443 = tpu.iota {dimensions = array<i32: 0>} : vector<16xi32>
        %xor3A_444 = arith.constant 2 : i32
        %xor3A_445 = vector.broadcast %xor3A_444 : i32 to vector<16xi32>
        %xor3A_446 = arith.xori %iota3A_443, %xor3A_445 : vector<16xi32>
        %broadcast_in_dim3A_447 = vector.shape_cast %xor3A_446 : vector<16xi32> to vector<16x1xi32>
        %gather3A_448 = vector.shape_cast %broadcast_in_dim3A_447 : vector<16x1xi32> to vector<16xi32>
        %gather3A_449 = tpu.dynamic_gather %add3A_442[%gather3A_448] in [0] : vector<16xf32>, vector<16xi32> -> vector<16xf32>
        %add3A_450 = arith.addf %add3A_442, %gather3A_449 : vector<16xf32>
        %iota3A_451 = tpu.iota {dimensions = array<i32: 0>} : vector<16xi32>
        %xor3A_452 = arith.constant 1 : i32
        %xor3A_453 = vector.broadcast %xor3A_452 : i32 to vector<16xi32>
        %xor3A_454 = arith.xori %iota3A_451, %xor3A_453 : vector<16xi32>
        %broadcast_in_dim3A_455 = vector.shape_cast %xor3A_454 : vector<16xi32> to vector<16x1xi32>
        %gather3A_456 = vector.shape_cast %broadcast_in_dim3A_455 : vector<16x1xi32> to vector<16xi32>
        %gather3A_457 = tpu.dynamic_gather %add3A_450[%gather3A_456] in [0] : vector<16xf32>, vector<16xi32> -> vector<16xf32>
        %add3A_458 = arith.addf %add3A_450, %gather3A_457 : vector<16xf32>
        %mul3A_459 = arith.constant 1.562500e-02 : f32
        %mul3A_460 = vector.broadcast %mul3A_459 : f32 to vector<16xf32>
        %mul3A_461 = arith.mulf %add3A_426, %mul3A_460 : vector<16xf32>
        %mul3A_462 = arith.constant 1.562500e-02 : f32
        %mul3A_463 = vector.broadcast %mul3A_462 : f32 to vector<16xf32>
        %mul3A_464 = arith.mulf %add3A_458, %mul3A_463 : vector<16xf32>
        %mul3A_465 = arith.mulf %mul3A_461, %mul3A_461 : vector<16xf32>
        %sub3A_466 = arith.subf %mul3A_464, %mul3A_465 : vector<16xf32>
        %add3A_467 = arith.constant 9.99999996E-13 : f32
        %add3A_468 = vector.broadcast %add3A_467 : f32 to vector<16xf32>
        %add3A_469 = arith.addf %sub3A_466, %add3A_468 : vector<16xf32>
        %bitcast_convert_type3A = tpu.bitcast %add3A_469 : vector<16xf32> -> vector<16xi32>
        %shift_right_arithmetic3A = arith.constant 1 : i32
        %shift_right_arithmetic3A_470 = vector.broadcast %shift_right_arithmetic3A : i32 to vector<16xi32>
        %shift_right_arithmetic3A_471 = arith.shrsi %bitcast_convert_type3A, %shift_right_arithmetic3A_470 : vector<16xi32>
        %sub3A_472 = arith.constant 1597463007 : i32
        %sub3A_473 = vector.broadcast %sub3A_472 : i32 to vector<16xi32>
        %sub3A_474 = arith.subi %sub3A_473, %shift_right_arithmetic3A_471 : vector<16xi32>
        %bitcast_convert_type3A_475 = tpu.bitcast %sub3A_474 : vector<16xi32> -> vector<16xf32>
        %mul3A_476 = arith.constant 5.000000e-01 : f32
        %mul3A_477 = vector.broadcast %mul3A_476 : f32 to vector<16xf32>
        %mul3A_478 = arith.mulf %add3A_469, %mul3A_477 : vector<16xf32>
        %mul3A_479 = arith.mulf %mul3A_478, %bitcast_convert_type3A_475 : vector<16xf32>
        %mul3A_480 = arith.mulf %mul3A_479, %bitcast_convert_type3A_475 : vector<16xf32>
        %sub3A_481 = arith.constant 1.500000e+00 : f32
        %sub3A_482 = vector.broadcast %sub3A_481 : f32 to vector<16xf32>
        %sub3A_483 = arith.subf %sub3A_482, %mul3A_480 : vector<16xf32>
        %mul3A_484 = arith.mulf %bitcast_convert_type3A_475, %sub3A_483 : vector<16xf32>
        %mul3A_485 = arith.mulf %mul3A_478, %mul3A_484 : vector<16xf32>
        %mul3A_486 = arith.mulf %mul3A_485, %mul3A_484 : vector<16xf32>
        %sub3A_487 = arith.constant 1.500000e+00 : f32
        %sub3A_488 = vector.broadcast %sub3A_487 : f32 to vector<16xf32>
        %sub3A_489 = arith.subf %sub3A_488, %mul3A_486 : vector<16xf32>
        %mul3A_490 = arith.mulf %mul3A_484, %sub3A_489 : vector<16xf32>
        %sub3A_491 = arith.subf %add3A_385, %mul3A_461 : vector<16xf32>
        %mul3A_492 = arith.mulf %mul3A_490, %get3A_4 : vector<16xf32>
        %mul3A_493 = arith.mulf %sub3A_491, %mul3A_492 : vector<16xf32>
        %add3A_494 = arith.addf %mul3A_493, %get3A_24 : vector<16xf32>
        %sub3A_495 = arith.subf %add3A_386, %mul3A_461 : vector<16xf32>
        %mul3A_496 = arith.mulf %mul3A_490, %get3A_9 : vector<16xf32>
        %mul3A_497 = arith.mulf %sub3A_495, %mul3A_496 : vector<16xf32>
        %add3A_498 = arith.addf %mul3A_497, %get3A_29 : vector<16xf32>
        %sub3A_499 = arith.subf %add3A_387, %mul3A_461 : vector<16xf32>
        %mul3A_500 = arith.mulf %mul3A_490, %get3A_14 : vector<16xf32>
        %mul3A_501 = arith.mulf %sub3A_499, %mul3A_500 : vector<16xf32>
        %add3A_502 = arith.addf %mul3A_501, %get3A_34 : vector<16xf32>
        %sub3A_503 = arith.subf %add3A_388, %mul3A_461 : vector<16xf32>
        %mul3A_504 = arith.mulf %mul3A_490, %get3A_19 : vector<16xf32>
        %mul3A_505 = arith.mulf %sub3A_503, %mul3A_504 : vector<16xf32>
        %add3A_506 = arith.addf %mul3A_505, %get3A_39 : vector<16xf32>
        %add3A_507 = arith.addf %get3A_340, %get3A_372 : vector<16xf32>
        %add3A_508 = arith.addf %get3A_344, %get3A_376 : vector<16xf32>
        %add3A_509 = arith.addf %get3A_348, %get3A_380 : vector<16xf32>
        %add3A_510 = arith.addf %get3A_352, %get3A_384 : vector<16xf32>
        %add3A_511 = arith.addf %add3A_507, %add3A_508 : vector<16xf32>
        %add3A_512 = arith.addf %add3A_509, %add3A_510 : vector<16xf32>
        %add3A_513 = arith.addf %add3A_511, %add3A_512 : vector<16xf32>
        %mul3A_514 = arith.mulf %add3A_507, %add3A_507 : vector<16xf32>
        %mul3A_515 = arith.mulf %add3A_508, %add3A_508 : vector<16xf32>
        %add3A_516 = arith.addf %mul3A_514, %mul3A_515 : vector<16xf32>
        %mul3A_517 = arith.mulf %add3A_509, %add3A_509 : vector<16xf32>
        %mul3A_518 = arith.mulf %add3A_510, %add3A_510 : vector<16xf32>
        %add3A_519 = arith.addf %mul3A_517, %mul3A_518 : vector<16xf32>
        %add3A_520 = arith.addf %add3A_516, %add3A_519 : vector<16xf32>
        %iota3A_521 = tpu.iota {dimensions = array<i32: 0>} : vector<16xi32>
        %xor3A_522 = arith.constant 8 : i32
        %xor3A_523 = vector.broadcast %xor3A_522 : i32 to vector<16xi32>
        %xor3A_524 = arith.xori %iota3A_521, %xor3A_523 : vector<16xi32>
        %broadcast_in_dim3A_525 = vector.shape_cast %xor3A_524 : vector<16xi32> to vector<16x1xi32>
        %gather3A_526 = vector.shape_cast %broadcast_in_dim3A_525 : vector<16x1xi32> to vector<16xi32>
        %gather3A_527 = tpu.dynamic_gather %add3A_513[%gather3A_526] in [0] : vector<16xf32>, vector<16xi32> -> vector<16xf32>
        %add3A_528 = arith.addf %add3A_513, %gather3A_527 : vector<16xf32>
        %iota3A_529 = tpu.iota {dimensions = array<i32: 0>} : vector<16xi32>
        %xor3A_530 = arith.constant 4 : i32
        %xor3A_531 = vector.broadcast %xor3A_530 : i32 to vector<16xi32>
        %xor3A_532 = arith.xori %iota3A_529, %xor3A_531 : vector<16xi32>
        %broadcast_in_dim3A_533 = vector.shape_cast %xor3A_532 : vector<16xi32> to vector<16x1xi32>
        %gather3A_534 = vector.shape_cast %broadcast_in_dim3A_533 : vector<16x1xi32> to vector<16xi32>
        %gather3A_535 = tpu.dynamic_gather %add3A_528[%gather3A_534] in [0] : vector<16xf32>, vector<16xi32> -> vector<16xf32>
        %add3A_536 = arith.addf %add3A_528, %gather3A_535 : vector<16xf32>
        %iota3A_537 = tpu.iota {dimensions = array<i32: 0>} : vector<16xi32>
        %xor3A_538 = arith.constant 2 : i32
        %xor3A_539 = vector.broadcast %xor3A_538 : i32 to vector<16xi32>
        %xor3A_540 = arith.xori %iota3A_537, %xor3A_539 : vector<16xi32>
        %broadcast_in_dim3A_541 = vector.shape_cast %xor3A_540 : vector<16xi32> to vector<16x1xi32>
        %gather3A_542 = vector.shape_cast %broadcast_in_dim3A_541 : vector<16x1xi32> to vector<16xi32>
        %gather3A_543 = tpu.dynamic_gather %add3A_536[%gather3A_542] in [0] : vector<16xf32>, vector<16xi32> -> vector<16xf32>
        %add3A_544 = arith.addf %add3A_536, %gather3A_543 : vector<16xf32>
        %iota3A_545 = tpu.iota {dimensions = array<i32: 0>} : vector<16xi32>
        %xor3A_546 = arith.constant 1 : i32
        %xor3A_547 = vector.broadcast %xor3A_546 : i32 to vector<16xi32>
        %xor3A_548 = arith.xori %iota3A_545, %xor3A_547 : vector<16xi32>
        %broadcast_in_dim3A_549 = vector.shape_cast %xor3A_548 : vector<16xi32> to vector<16x1xi32>
        %gather3A_550 = vector.shape_cast %broadcast_in_dim3A_549 : vector<16x1xi32> to vector<16xi32>
        %gather3A_551 = tpu.dynamic_gather %add3A_544[%gather3A_550] in [0] : vector<16xf32>, vector<16xi32> -> vector<16xf32>
        %add3A_552 = arith.addf %add3A_544, %gather3A_551 : vector<16xf32>
        %iota3A_553 = tpu.iota {dimensions = array<i32: 0>} : vector<16xi32>
        %xor3A_554 = arith.constant 8 : i32
        %xor3A_555 = vector.broadcast %xor3A_554 : i32 to vector<16xi32>
        %xor3A_556 = arith.xori %iota3A_553, %xor3A_555 : vector<16xi32>
        %broadcast_in_dim3A_557 = vector.shape_cast %xor3A_556 : vector<16xi32> to vector<16x1xi32>
        %gather3A_558 = vector.shape_cast %broadcast_in_dim3A_557 : vector<16x1xi32> to vector<16xi32>
        %gather3A_559 = tpu.dynamic_gather %add3A_520[%gather3A_558] in [0] : vector<16xf32>, vector<16xi32> -> vector<16xf32>
        %add3A_560 = arith.addf %add3A_520, %gather3A_559 : vector<16xf32>
        %iota3A_561 = tpu.iota {dimensions = array<i32: 0>} : vector<16xi32>
        %xor3A_562 = arith.constant 4 : i32
        %xor3A_563 = vector.broadcast %xor3A_562 : i32 to vector<16xi32>
        %xor3A_564 = arith.xori %iota3A_561, %xor3A_563 : vector<16xi32>
        %broadcast_in_dim3A_565 = vector.shape_cast %xor3A_564 : vector<16xi32> to vector<16x1xi32>
        %gather3A_566 = vector.shape_cast %broadcast_in_dim3A_565 : vector<16x1xi32> to vector<16xi32>
        %gather3A_567 = tpu.dynamic_gather %add3A_560[%gather3A_566] in [0] : vector<16xf32>, vector<16xi32> -> vector<16xf32>
        %add3A_568 = arith.addf %add3A_560, %gather3A_567 : vector<16xf32>
        %iota3A_569 = tpu.iota {dimensions = array<i32: 0>} : vector<16xi32>
        %xor3A_570 = arith.constant 2 : i32
        %xor3A_571 = vector.broadcast %xor3A_570 : i32 to vector<16xi32>
        %xor3A_572 = arith.xori %iota3A_569, %xor3A_571 : vector<16xi32>
        %broadcast_in_dim3A_573 = vector.shape_cast %xor3A_572 : vector<16xi32> to vector<16x1xi32>
        %gather3A_574 = vector.shape_cast %broadcast_in_dim3A_573 : vector<16x1xi32> to vector<16xi32>
        %gather3A_575 = tpu.dynamic_gather %add3A_568[%gather3A_574] in [0] : vector<16xf32>, vector<16xi32> -> vector<16xf32>
        %add3A_576 = arith.addf %add3A_568, %gather3A_575 : vector<16xf32>
        %iota3A_577 = tpu.iota {dimensions = array<i32: 0>} : vector<16xi32>
        %xor3A_578 = arith.constant 1 : i32
        %xor3A_579 = vector.broadcast %xor3A_578 : i32 to vector<16xi32>
        %xor3A_580 = arith.xori %iota3A_577, %xor3A_579 : vector<16xi32>
        %broadcast_in_dim3A_581 = vector.shape_cast %xor3A_580 : vector<16xi32> to vector<16x1xi32>
        %gather3A_582 = vector.shape_cast %broadcast_in_dim3A_581 : vector<16x1xi32> to vector<16xi32>
        %gather3A_583 = tpu.dynamic_gather %add3A_576[%gather3A_582] in [0] : vector<16xf32>, vector<16xi32> -> vector<16xf32>
        %add3A_584 = arith.addf %add3A_576, %gather3A_583 : vector<16xf32>
        %mul3A_585 = arith.constant 1.562500e-02 : f32
        %mul3A_586 = vector.broadcast %mul3A_585 : f32 to vector<16xf32>
        %mul3A_587 = arith.mulf %add3A_552, %mul3A_586 : vector<16xf32>
        %mul3A_588 = arith.constant 1.562500e-02 : f32
        %mul3A_589 = vector.broadcast %mul3A_588 : f32 to vector<16xf32>
        %mul3A_590 = arith.mulf %add3A_584, %mul3A_589 : vector<16xf32>
        %mul3A_591 = arith.mulf %mul3A_587, %mul3A_587 : vector<16xf32>
        %sub3A_592 = arith.subf %mul3A_590, %mul3A_591 : vector<16xf32>
        %add3A_593 = arith.constant 9.99999996E-13 : f32
        %add3A_594 = vector.broadcast %add3A_593 : f32 to vector<16xf32>
        %add3A_595 = arith.addf %sub3A_592, %add3A_594 : vector<16xf32>
        %bitcast_convert_type3A_596 = tpu.bitcast %add3A_595 : vector<16xf32> -> vector<16xi32>
        %shift_right_arithmetic3A_597 = arith.constant 1 : i32
        %shift_right_arithmetic3A_598 = vector.broadcast %shift_right_arithmetic3A_597 : i32 to vector<16xi32>
        %shift_right_arithmetic3A_599 = arith.shrsi %bitcast_convert_type3A_596, %shift_right_arithmetic3A_598 : vector<16xi32>
        %sub3A_600 = arith.constant 1597463007 : i32
        %sub3A_601 = vector.broadcast %sub3A_600 : i32 to vector<16xi32>
        %sub3A_602 = arith.subi %sub3A_601, %shift_right_arithmetic3A_599 : vector<16xi32>
        %bitcast_convert_type3A_603 = tpu.bitcast %sub3A_602 : vector<16xi32> -> vector<16xf32>
        %mul3A_604 = arith.constant 5.000000e-01 : f32
        %mul3A_605 = vector.broadcast %mul3A_604 : f32 to vector<16xf32>
        %mul3A_606 = arith.mulf %add3A_595, %mul3A_605 : vector<16xf32>
        %mul3A_607 = arith.mulf %mul3A_606, %bitcast_convert_type3A_603 : vector<16xf32>
        %mul3A_608 = arith.mulf %mul3A_607, %bitcast_convert_type3A_603 : vector<16xf32>
        %sub3A_609 = arith.constant 1.500000e+00 : f32
        %sub3A_610 = vector.broadcast %sub3A_609 : f32 to vector<16xf32>
        %sub3A_611 = arith.subf %sub3A_610, %mul3A_608 : vector<16xf32>
        %mul3A_612 = arith.mulf %bitcast_convert_type3A_603, %sub3A_611 : vector<16xf32>
        %mul3A_613 = arith.mulf %mul3A_606, %mul3A_612 : vector<16xf32>
        %mul3A_614 = arith.mulf %mul3A_613, %mul3A_612 : vector<16xf32>
        %sub3A_615 = arith.constant 1.500000e+00 : f32
        %sub3A_616 = vector.broadcast %sub3A_615 : f32 to vector<16xf32>
        %sub3A_617 = arith.subf %sub3A_616, %mul3A_614 : vector<16xf32>
        %mul3A_618 = arith.mulf %mul3A_612, %sub3A_617 : vector<16xf32>
        %sub3A_619 = arith.subf %add3A_507, %mul3A_587 : vector<16xf32>
        %mul3A_620 = arith.mulf %mul3A_618, %get3A_4 : vector<16xf32>
        %mul3A_621 = arith.mulf %sub3A_619, %mul3A_620 : vector<16xf32>
        %add3A_622 = arith.addf %mul3A_621, %get3A_24 : vector<16xf32>
        %sub3A_623 = arith.subf %add3A_508, %mul3A_587 : vector<16xf32>
        %mul3A_624 = arith.mulf %mul3A_618, %get3A_9 : vector<16xf32>
        %mul3A_625 = arith.mulf %sub3A_623, %mul3A_624 : vector<16xf32>
        %add3A_626 = arith.addf %mul3A_625, %get3A_29 : vector<16xf32>
        %sub3A_627 = arith.subf %add3A_509, %mul3A_587 : vector<16xf32>
        %mul3A_628 = arith.mulf %mul3A_618, %get3A_14 : vector<16xf32>
        %mul3A_629 = arith.mulf %sub3A_627, %mul3A_628 : vector<16xf32>
        %add3A_630 = arith.addf %mul3A_629, %get3A_34 : vector<16xf32>
        %sub3A_631 = arith.subf %add3A_510, %mul3A_587 : vector<16xf32>
        %mul3A_632 = arith.mulf %mul3A_618, %get3A_19 : vector<16xf32>
        %mul3A_633 = arith.mulf %sub3A_631, %mul3A_632 : vector<16xf32>
        %add3A_634 = arith.addf %mul3A_633, %get3A_39 : vector<16xf32>
        %swap3A = arith.index_cast %scan3A_311 : i32 to index
        %swap3A_635 = arith.constant 0 : index
        %swap3A_636 = tpu.vector_load %arg15[%swap3A, %swap3A_635] {strides = array<i32>} : memref<64x128xf32, #tpu.memory_space<vmem>>, vector<1x16xf32>,
        %swap3A_637 = vector.shape_cast %swap3A_636 : vector<1x16xf32> to vector<16xf32>
        %swap3A_638 = vector.shape_cast %add3A_494 : vector<16xf32> to vector<1x16xf32>
        tpu.vector_store %arg15[%swap3A, %swap3A_635], %swap3A_638 {strides = array<i32>} : memref<64x128xf32, #tpu.memory_space<vmem>>, vector<1x16xf32>,
        %swap3A_639 = arith.index_cast %scan3A_311 : i32 to index
        %swap3A_640 = arith.constant 64 : index
        %swap3A_641 = tpu.vector_load %arg15[%swap3A_639, %swap3A_640] {strides = array<i32>} : memref<64x128xf32, #tpu.memory_space<vmem>>, vector<1x16xf32>,
        %swap3A_642 = vector.shape_cast %swap3A_641 : vector<1x16xf32> to vector<16xf32>
        %swap3A_643 = vector.shape_cast %add3A_622 : vector<16xf32> to vector<1x16xf32>
        tpu.vector_store %arg15[%swap3A_639, %swap3A_640], %swap3A_643 {strides = array<i32>} : memref<64x128xf32, #tpu.memory_space<vmem>>, vector<1x16xf32>,
        %swap3A_644 = arith.index_cast %scan3A_311 : i32 to index
        %swap3A_645 = arith.constant 16 : index
        %swap3A_646 = tpu.vector_load %arg15[%swap3A_644, %swap3A_645] {strides = array<i32>} : memref<64x128xf32, #tpu.memory_space<vmem>>, vector<1x16xf32>,
        %swap3A_647 = vector.shape_cast %swap3A_646 : vector<1x16xf32> to vector<16xf32>
        %swap3A_648 = vector.shape_cast %add3A_498 : vector<16xf32> to vector<1x16xf32>
        tpu.vector_store %arg15[%swap3A_644, %swap3A_645], %swap3A_648 {strides = array<i32>} : memref<64x128xf32, #tpu.memory_space<vmem>>, vector<1x16xf32>,
        %swap3A_649 = arith.index_cast %scan3A_311 : i32 to index
        %swap3A_650 = arith.constant 80 : index
        %swap3A_651 = tpu.vector_load %arg15[%swap3A_649, %swap3A_650] {strides = array<i32>} : memref<64x128xf32, #tpu.memory_space<vmem>>, vector<1x16xf32>,
        %swap3A_652 = vector.shape_cast %swap3A_651 : vector<1x16xf32> to vector<16xf32>
        %swap3A_653 = vector.shape_cast %add3A_626 : vector<16xf32> to vector<1x16xf32>
        tpu.vector_store %arg15[%swap3A_649, %swap3A_650], %swap3A_653 {strides = array<i32>} : memref<64x128xf32, #tpu.memory_space<vmem>>, vector<1x16xf32>,
        %swap3A_654 = arith.index_cast %scan3A_311 : i32 to index
        %swap3A_655 = arith.constant 32 : index
        %swap3A_656 = tpu.vector_load %arg15[%swap3A_654, %swap3A_655] {strides = array<i32>} : memref<64x128xf32, #tpu.memory_space<vmem>>, vector<1x16xf32>,
        %swap3A_657 = vector.shape_cast %swap3A_656 : vector<1x16xf32> to vector<16xf32>
        %swap3A_658 = vector.shape_cast %add3A_502 : vector<16xf32> to vector<1x16xf32>
        tpu.vector_store %arg15[%swap3A_654, %swap3A_655], %swap3A_658 {strides = array<i32>} : memref<64x128xf32, #tpu.memory_space<vmem>>, vector<1x16xf32>,
        %swap3A_659 = arith.index_cast %scan3A_311 : i32 to index
        %swap3A_660 = arith.constant 96 : index
        %swap3A_661 = tpu.vector_load %arg15[%swap3A_659, %swap3A_660] {strides = array<i32>} : memref<64x128xf32, #tpu.memory_space<vmem>>, vector<1x16xf32>,
        %swap3A_662 = vector.shape_cast %swap3A_661 : vector<1x16xf32> to vector<16xf32>
        %swap3A_663 = vector.shape_cast %add3A_630 : vector<16xf32> to vector<1x16xf32>
        tpu.vector_store %arg15[%swap3A_659, %swap3A_660], %swap3A_663 {strides = array<i32>} : memref<64x128xf32, #tpu.memory_space<vmem>>, vector<1x16xf32>,
        %swap3A_664 = arith.index_cast %scan3A_311 : i32 to index
        %swap3A_665 = arith.constant 48 : index
        %swap3A_666 = tpu.vector_load %arg15[%swap3A_664, %swap3A_665] {strides = array<i32>} : memref<64x128xf32, #tpu.memory_space<vmem>>, vector<1x16xf32>,
        %swap3A_667 = vector.shape_cast %swap3A_666 : vector<1x16xf32> to vector<16xf32>
        %swap3A_668 = vector.shape_cast %add3A_506 : vector<16xf32> to vector<1x16xf32>
        tpu.vector_store %arg15[%swap3A_664, %swap3A_665], %swap3A_668 {strides = array<i32>} : memref<64x128xf32, #tpu.memory_space<vmem>>, vector<1x16xf32>,
        %swap3A_669 = arith.index_cast %scan3A_311 : i32 to index
        %swap3A_670 = arith.constant 112 : index
        %swap3A_671 = tpu.vector_load %arg15[%swap3A_669, %swap3A_670] {strides = array<i32>} : memref<64x128xf32, #tpu.memory_space<vmem>>, vector<1x16xf32>,
        %swap3A_672 = vector.shape_cast %swap3A_671 : vector<1x16xf32> to vector<16xf32>
        %swap3A_673 = vector.shape_cast %add3A_634 : vector<16xf32> to vector<1x16xf32>
        tpu.vector_store %arg15[%swap3A_669, %swap3A_670], %swap3A_673 {strides = array<i32>} : memref<64x128xf32, #tpu.memory_space<vmem>>, vector<1x16xf32>,
        %add3A_674 = arith.constant 1 : i32
        %add3A_675 = arith.addi %select_n3A_316, %add3A_674 : i32
        %eq3A_676 = arith.constant 200 : i32
        %eq3A_677 = arith.cmpi eq, %add3A_675, %eq3A_676 : i32
        %select_n3A_678 = arith.constant 0 : i32
        %select_n3A_679 = arith.select %eq3A_677, %select_n3A_678, %add3A_675 : i32
        %scan3A_680 = arith.constant 1 : i32
        %scan3A_681 = arith.addi %scan3A_311, %scan3A_680 : i32
        %add3A_682 = arith.constant 1 : i32
        %add3A_683 = arith.addi %select_n3A_679, %add3A_682 : i32
        %eq3A_684 = arith.constant 200 : i32
        %eq3A_685 = arith.cmpi eq, %add3A_683, %eq3A_684 : i32
        %select_n3A_686 = arith.constant 0 : i32
        %select_n3A_687 = arith.select %eq3A_685, %select_n3A_686, %add3A_683 : i32
        %mul3A_688 = arith.constant 2 : i32
        %mul3A_689 = arith.muli %mul3A_688, %scan3A_681 : i32
        %add3A_690 = arith.constant 1 : i32
        %add3A_691 = arith.addi %mul3A_689, %add3A_690 : i32
        %get3A_692 = arith.index_cast %mul3A_689 : i32 to index
        %get3A_693 = arith.constant 0 : index
        %get3A_694 = tpu.vector_load %arg13[%get3A_692, %get3A_693] {strides = array<i32>} : memref<128x64xf32, #tpu.memory_space<vmem>>, vector<1x16xf32>,
        %get3A_695 = vector.shape_cast %get3A_694 : vector<1x16xf32> to vector<16xf32>
        %get3A_696 = arith.index_cast %mul3A_689 : i32 to index
        %get3A_697 = arith.constant 16 : index
        %get3A_698 = tpu.vector_load %arg13[%get3A_696, %get3A_697] {strides = array<i32>} : memref<128x64xf32, #tpu.memory_space<vmem>>, vector<1x16xf32>,
        %get3A_699 = vector.shape_cast %get3A_698 : vector<1x16xf32> to vector<16xf32>
        %get3A_700 = arith.index_cast %mul3A_689 : i32 to index
        %get3A_701 = arith.constant 32 : index
        %get3A_702 = tpu.vector_load %arg13[%get3A_700, %get3A_701] {strides = array<i32>} : memref<128x64xf32, #tpu.memory_space<vmem>>, vector<1x16xf32>,
        %get3A_703 = vector.shape_cast %get3A_702 : vector<1x16xf32> to vector<16xf32>
        %get3A_704 = arith.index_cast %mul3A_689 : i32 to index
        %get3A_705 = arith.constant 48 : index
        %get3A_706 = tpu.vector_load %arg13[%get3A_704, %get3A_705] {strides = array<i32>} : memref<128x64xf32, #tpu.memory_space<vmem>>, vector<1x16xf32>,
        %get3A_707 = vector.shape_cast %get3A_706 : vector<1x16xf32> to vector<16xf32>
        %get3A_708 = arith.index_cast %add3A_691 : i32 to index
        %get3A_709 = arith.constant 0 : index
        %get3A_710 = tpu.vector_load %arg13[%get3A_708, %get3A_709] {strides = array<i32>} : memref<128x64xf32, #tpu.memory_space<vmem>>, vector<1x16xf32>,
        %get3A_711 = vector.shape_cast %get3A_710 : vector<1x16xf32> to vector<16xf32>
        %get3A_712 = arith.index_cast %add3A_691 : i32 to index
        %get3A_713 = arith.constant 16 : index
        %get3A_714 = tpu.vector_load %arg13[%get3A_712, %get3A_713] {strides = array<i32>} : memref<128x64xf32, #tpu.memory_space<vmem>>, vector<1x16xf32>,
        %get3A_715 = vector.shape_cast %get3A_714 : vector<1x16xf32> to vector<16xf32>
        %get3A_716 = arith.index_cast %add3A_691 : i32 to index
        %get3A_717 = arith.constant 32 : index
        %get3A_718 = tpu.vector_load %arg13[%get3A_716, %get3A_717] {strides = array<i32>} : memref<128x64xf32, #tpu.memory_space<vmem>>, vector<1x16xf32>,
        %get3A_719 = vector.shape_cast %get3A_718 : vector<1x16xf32> to vector<16xf32>
        %get3A_720 = arith.index_cast %add3A_691 : i32 to index
        %get3A_721 = arith.constant 48 : index
        %get3A_722 = tpu.vector_load %arg13[%get3A_720, %get3A_721] {strides = array<i32>} : memref<128x64xf32, #tpu.memory_space<vmem>>, vector<1x16xf32>,
        %get3A_723 = vector.shape_cast %get3A_722 : vector<1x16xf32> to vector<16xf32>
        %get3A_724 = arith.index_cast %select_n3A_679 : i32 to index
        %get3A_725 = arith.constant 0 : index
        %get3A_726 = tpu.vector_load %arg8[%get3A_724, %get3A_725] {strides = array<i32>} : memref<200x64xf32, #tpu.memory_space<vmem>>, vector<1x16xf32>,
        %get3A_727 = vector.shape_cast %get3A_726 : vector<1x16xf32> to vector<16xf32>
        %get3A_728 = arith.index_cast %select_n3A_679 : i32 to index
        %get3A_729 = arith.constant 16 : index
        %get3A_730 = tpu.vector_load %arg8[%get3A_728, %get3A_729] {strides = array<i32>} : memref<200x64xf32, #tpu.memory_space<vmem>>, vector<1x16xf32>,
        %get3A_731 = vector.shape_cast %get3A_730 : vector<1x16xf32> to vector<16xf32>
        %get3A_732 = arith.index_cast %select_n3A_679 : i32 to index
        %get3A_733 = arith.constant 32 : index
        %get3A_734 = tpu.vector_load %arg8[%get3A_732, %get3A_733] {strides = array<i32>} : memref<200x64xf32, #tpu.memory_space<vmem>>, vector<1x16xf32>,
        %get3A_735 = vector.shape_cast %get3A_734 : vector<1x16xf32> to vector<16xf32>
        %get3A_736 = arith.index_cast %select_n3A_679 : i32 to index
        %get3A_737 = arith.constant 48 : index
        %get3A_738 = tpu.vector_load %arg8[%get3A_736, %get3A_737] {strides = array<i32>} : memref<200x64xf32, #tpu.memory_space<vmem>>, vector<1x16xf32>,
        %get3A_739 = vector.shape_cast %get3A_738 : vector<1x16xf32> to vector<16xf32>
        %get3A_740 = arith.index_cast %select_n3A_687 : i32 to index
        %get3A_741 = arith.constant 0 : index
        %get3A_742 = tpu.vector_load %arg8[%get3A_740, %get3A_741] {strides = array<i32>} : memref<200x64xf32, #tpu.memory_space<vmem>>, vector<1x16xf32>,
        %get3A_743 = vector.shape_cast %get3A_742 : vector<1x16xf32> to vector<16xf32>
        %get3A_744 = arith.index_cast %select_n3A_687 : i32 to index
        %get3A_745 = arith.constant 16 : index
        %get3A_746 = tpu.vector_load %arg8[%get3A_744, %get3A_745] {strides = array<i32>} : memref<200x64xf32, #tpu.memory_space<vmem>>, vector<1x16xf32>,
        %get3A_747 = vector.shape_cast %get3A_746 : vector<1x16xf32> to vector<16xf32>
        %get3A_748 = arith.index_cast %select_n3A_687 : i32 to index
        %get3A_749 = arith.constant 32 : index
        %get3A_750 = tpu.vector_load %arg8[%get3A_748, %get3A_749] {strides = array<i32>} : memref<200x64xf32, #tpu.memory_space<vmem>>, vector<1x16xf32>,
        %get3A_751 = vector.shape_cast %get3A_750 : vector<1x16xf32> to vector<16xf32>
        %get3A_752 = arith.index_cast %select_n3A_687 : i32 to index
        %get3A_753 = arith.constant 48 : index
        %get3A_754 = tpu.vector_load %arg8[%get3A_752, %get3A_753] {strides = array<i32>} : memref<200x64xf32, #tpu.memory_space<vmem>>, vector<1x16xf32>,
        %get3A_755 = vector.shape_cast %get3A_754 : vector<1x16xf32> to vector<16xf32>
        %add3A_756 = arith.addf %get3A_695, %get3A_727 : vector<16xf32>
        %add3A_757 = arith.addf %get3A_699, %get3A_731 : vector<16xf32>
        %add3A_758 = arith.addf %get3A_703, %get3A_735 : vector<16xf32>
        %add3A_759 = arith.addf %get3A_707, %get3A_739 : vector<16xf32>
        %add3A_760 = arith.addf %add3A_756, %add3A_757 : vector<16xf32>
        %add3A_761 = arith.addf %add3A_758, %add3A_759 : vector<16xf32>
        %add3A_762 = arith.addf %add3A_760, %add3A_761 : vector<16xf32>
        %mul3A_763 = arith.mulf %add3A_756, %add3A_756 : vector<16xf32>
        %mul3A_764 = arith.mulf %add3A_757, %add3A_757 : vector<16xf32>
        %add3A_765 = arith.addf %mul3A_763, %mul3A_764 : vector<16xf32>
        %mul3A_766 = arith.mulf %add3A_758, %add3A_758 : vector<16xf32>
        %mul3A_767 = arith.mulf %add3A_759, %add3A_759 : vector<16xf32>
        %add3A_768 = arith.addf %mul3A_766, %mul3A_767 : vector<16xf32>
        %add3A_769 = arith.addf %add3A_765, %add3A_768 : vector<16xf32>
        %iota3A_770 = tpu.iota {dimensions = array<i32: 0>} : vector<16xi32>
        %xor3A_771 = arith.constant 8 : i32
        %xor3A_772 = vector.broadcast %xor3A_771 : i32 to vector<16xi32>
        %xor3A_773 = arith.xori %iota3A_770, %xor3A_772 : vector<16xi32>
        %broadcast_in_dim3A_774 = vector.shape_cast %xor3A_773 : vector<16xi32> to vector<16x1xi32>
        %gather3A_775 = vector.shape_cast %broadcast_in_dim3A_774 : vector<16x1xi32> to vector<16xi32>
        %gather3A_776 = tpu.dynamic_gather %add3A_762[%gather3A_775] in [0] : vector<16xf32>, vector<16xi32> -> vector<16xf32>
        %add3A_777 = arith.addf %add3A_762, %gather3A_776 : vector<16xf32>
        %iota3A_778 = tpu.iota {dimensions = array<i32: 0>} : vector<16xi32>
        %xor3A_779 = arith.constant 4 : i32
        %xor3A_780 = vector.broadcast %xor3A_779 : i32 to vector<16xi32>
        %xor3A_781 = arith.xori %iota3A_778, %xor3A_780 : vector<16xi32>
        %broadcast_in_dim3A_782 = vector.shape_cast %xor3A_781 : vector<16xi32> to vector<16x1xi32>
        %gather3A_783 = vector.shape_cast %broadcast_in_dim3A_782 : vector<16x1xi32> to vector<16xi32>
        %gather3A_784 = tpu.dynamic_gather %add3A_777[%gather3A_783] in [0] : vector<16xf32>, vector<16xi32> -> vector<16xf32>
        %add3A_785 = arith.addf %add3A_777, %gather3A_784 : vector<16xf32>
        %iota3A_786 = tpu.iota {dimensions = array<i32: 0>} : vector<16xi32>
        %xor3A_787 = arith.constant 2 : i32
        %xor3A_788 = vector.broadcast %xor3A_787 : i32 to vector<16xi32>
        %xor3A_789 = arith.xori %iota3A_786, %xor3A_788 : vector<16xi32>
        %broadcast_in_dim3A_790 = vector.shape_cast %xor3A_789 : vector<16xi32> to vector<16x1xi32>
        %gather3A_791 = vector.shape_cast %broadcast_in_dim3A_790 : vector<16x1xi32> to vector<16xi32>
        %gather3A_792 = tpu.dynamic_gather %add3A_785[%gather3A_791] in [0] : vector<16xf32>, vector<16xi32> -> vector<16xf32>
        %add3A_793 = arith.addf %add3A_785, %gather3A_792 : vector<16xf32>
        %iota3A_794 = tpu.iota {dimensions = array<i32: 0>} : vector<16xi32>
        %xor3A_795 = arith.constant 1 : i32
        %xor3A_796 = vector.broadcast %xor3A_795 : i32 to vector<16xi32>
        %xor3A_797 = arith.xori %iota3A_794, %xor3A_796 : vector<16xi32>
        %broadcast_in_dim3A_798 = vector.shape_cast %xor3A_797 : vector<16xi32> to vector<16x1xi32>
        %gather3A_799 = vector.shape_cast %broadcast_in_dim3A_798 : vector<16x1xi32> to vector<16xi32>
        %gather3A_800 = tpu.dynamic_gather %add3A_793[%gather3A_799] in [0] : vector<16xf32>, vector<16xi32> -> vector<16xf32>
        %add3A_801 = arith.addf %add3A_793, %gather3A_800 : vector<16xf32>
        %iota3A_802 = tpu.iota {dimensions = array<i32: 0>} : vector<16xi32>
        %xor3A_803 = arith.constant 8 : i32
        %xor3A_804 = vector.broadcast %xor3A_803 : i32 to vector<16xi32>
        %xor3A_805 = arith.xori %iota3A_802, %xor3A_804 : vector<16xi32>
        %broadcast_in_dim3A_806 = vector.shape_cast %xor3A_805 : vector<16xi32> to vector<16x1xi32>
        %gather3A_807 = vector.shape_cast %broadcast_in_dim3A_806 : vector<16x1xi32> to vector<16xi32>
        %gather3A_808 = tpu.dynamic_gather %add3A_769[%gather3A_807] in [0] : vector<16xf32>, vector<16xi32> -> vector<16xf32>
        %add3A_809 = arith.addf %add3A_769, %gather3A_808 : vector<16xf32>
        %iota3A_810 = tpu.iota {dimensions = array<i32: 0>} : vector<16xi32>
        %xor3A_811 = arith.constant 4 : i32
        %xor3A_812 = vector.broadcast %xor3A_811 : i32 to vector<16xi32>
        %xor3A_813 = arith.xori %iota3A_810, %xor3A_812 : vector<16xi32>
        %broadcast_in_dim3A_814 = vector.shape_cast %xor3A_813 : vector<16xi32> to vector<16x1xi32>
        %gather3A_815 = vector.shape_cast %broadcast_in_dim3A_814 : vector<16x1xi32> to vector<16xi32>
        %gather3A_816 = tpu.dynamic_gather %add3A_809[%gather3A_815] in [0] : vector<16xf32>, vector<16xi32> -> vector<16xf32>
        %add3A_817 = arith.addf %add3A_809, %gather3A_816 : vector<16xf32>
        %iota3A_818 = tpu.iota {dimensions = array<i32: 0>} : vector<16xi32>
        %xor3A_819 = arith.constant 2 : i32
        %xor3A_820 = vector.broadcast %xor3A_819 : i32 to vector<16xi32>
        %xor3A_821 = arith.xori %iota3A_818, %xor3A_820 : vector<16xi32>
        %broadcast_in_dim3A_822 = vector.shape_cast %xor3A_821 : vector<16xi32> to vector<16x1xi32>
        %gather3A_823 = vector.shape_cast %broadcast_in_dim3A_822 : vector<16x1xi32> to vector<16xi32>
        %gather3A_824 = tpu.dynamic_gather %add3A_817[%gather3A_823] in [0] : vector<16xf32>, vector<16xi32> -> vector<16xf32>
        %add3A_825 = arith.addf %add3A_817, %gather3A_824 : vector<16xf32>
        %iota3A_826 = tpu.iota {dimensions = array<i32: 0>} : vector<16xi32>
        %xor3A_827 = arith.constant 1 : i32
        %xor3A_828 = vector.broadcast %xor3A_827 : i32 to vector<16xi32>
        %xor3A_829 = arith.xori %iota3A_826, %xor3A_828 : vector<16xi32>
        %broadcast_in_dim3A_830 = vector.shape_cast %xor3A_829 : vector<16xi32> to vector<16x1xi32>
        %gather3A_831 = vector.shape_cast %broadcast_in_dim3A_830 : vector<16x1xi32> to vector<16xi32>
        %gather3A_832 = tpu.dynamic_gather %add3A_825[%gather3A_831] in [0] : vector<16xf32>, vector<16xi32> -> vector<16xf32>
        %add3A_833 = arith.addf %add3A_825, %gather3A_832 : vector<16xf32>
        %mul3A_834 = arith.constant 1.562500e-02 : f32
        %mul3A_835 = vector.broadcast %mul3A_834 : f32 to vector<16xf32>
        %mul3A_836 = arith.mulf %add3A_801, %mul3A_835 : vector<16xf32>
        %mul3A_837 = arith.constant 1.562500e-02 : f32
        %mul3A_838 = vector.broadcast %mul3A_837 : f32 to vector<16xf32>
        %mul3A_839 = arith.mulf %add3A_833, %mul3A_838 : vector<16xf32>
        %mul3A_840 = arith.mulf %mul3A_836, %mul3A_836 : vector<16xf32>
        %sub3A_841 = arith.subf %mul3A_839, %mul3A_840 : vector<16xf32>
        %add3A_842 = arith.constant 9.99999996E-13 : f32
        %add3A_843 = vector.broadcast %add3A_842 : f32 to vector<16xf32>
        %add3A_844 = arith.addf %sub3A_841, %add3A_843 : vector<16xf32>
        %bitcast_convert_type3A_845 = tpu.bitcast %add3A_844 : vector<16xf32> -> vector<16xi32>
        %shift_right_arithmetic3A_846 = arith.constant 1 : i32
        %shift_right_arithmetic3A_847 = vector.broadcast %shift_right_arithmetic3A_846 : i32 to vector<16xi32>
        %shift_right_arithmetic3A_848 = arith.shrsi %bitcast_convert_type3A_845, %shift_right_arithmetic3A_847 : vector<16xi32>
        %sub3A_849 = arith.constant 1597463007 : i32
        %sub3A_850 = vector.broadcast %sub3A_849 : i32 to vector<16xi32>
        %sub3A_851 = arith.subi %sub3A_850, %shift_right_arithmetic3A_848 : vector<16xi32>
        %bitcast_convert_type3A_852 = tpu.bitcast %sub3A_851 : vector<16xi32> -> vector<16xf32>
        %mul3A_853 = arith.constant 5.000000e-01 : f32
        %mul3A_854 = vector.broadcast %mul3A_853 : f32 to vector<16xf32>
        %mul3A_855 = arith.mulf %add3A_844, %mul3A_854 : vector<16xf32>
        %mul3A_856 = arith.mulf %mul3A_855, %bitcast_convert_type3A_852 : vector<16xf32>
        %mul3A_857 = arith.mulf %mul3A_856, %bitcast_convert_type3A_852 : vector<16xf32>
        %sub3A_858 = arith.constant 1.500000e+00 : f32
        %sub3A_859 = vector.broadcast %sub3A_858 : f32 to vector<16xf32>
        %sub3A_860 = arith.subf %sub3A_859, %mul3A_857 : vector<16xf32>
        %mul3A_861 = arith.mulf %bitcast_convert_type3A_852, %sub3A_860 : vector<16xf32>
        %mul3A_862 = arith.mulf %mul3A_855, %mul3A_861 : vector<16xf32>
        %mul3A_863 = arith.mulf %mul3A_862, %mul3A_861 : vector<16xf32>
        %sub3A_864 = arith.constant 1.500000e+00 : f32
        %sub3A_865 = vector.broadcast %sub3A_864 : f32 to vector<16xf32>
        %sub3A_866 = arith.subf %sub3A_865, %mul3A_863 : vector<16xf32>
        %mul3A_867 = arith.mulf %mul3A_861, %sub3A_866 : vector<16xf32>
        %sub3A_868 = arith.subf %add3A_756, %mul3A_836 : vector<16xf32>
        %mul3A_869 = arith.mulf %mul3A_867, %get3A_4 : vector<16xf32>
        %mul3A_870 = arith.mulf %sub3A_868, %mul3A_869 : vector<16xf32>
        %add3A_871 = arith.addf %mul3A_870, %get3A_24 : vector<16xf32>
        %sub3A_872 = arith.subf %add3A_757, %mul3A_836 : vector<16xf32>
        %mul3A_873 = arith.mulf %mul3A_867, %get3A_9 : vector<16xf32>
        %mul3A_874 = arith.mulf %sub3A_872, %mul3A_873 : vector<16xf32>
        %add3A_875 = arith.addf %mul3A_874, %get3A_29 : vector<16xf32>
        %sub3A_876 = arith.subf %add3A_758, %mul3A_836 : vector<16xf32>
        %mul3A_877 = arith.mulf %mul3A_867, %get3A_14 : vector<16xf32>
        %mul3A_878 = arith.mulf %sub3A_876, %mul3A_877 : vector<16xf32>
        %add3A_879 = arith.addf %mul3A_878, %get3A_34 : vector<16xf32>
        %sub3A_880 = arith.subf %add3A_759, %mul3A_836 : vector<16xf32>
        %mul3A_881 = arith.mulf %mul3A_867, %get3A_19 : vector<16xf32>
        %mul3A_882 = arith.mulf %sub3A_880, %mul3A_881 : vector<16xf32>
        %add3A_883 = arith.addf %mul3A_882, %get3A_39 : vector<16xf32>
        %add3A_884 = arith.addf %get3A_711, %get3A_743 : vector<16xf32>
        %add3A_885 = arith.addf %get3A_715, %get3A_747 : vector<16xf32>
        %add3A_886 = arith.addf %get3A_719, %get3A_751 : vector<16xf32>
        %add3A_887 = arith.addf %get3A_723, %get3A_755 : vector<16xf32>
        %add3A_888 = arith.addf %add3A_884, %add3A_885 : vector<16xf32>
        %add3A_889 = arith.addf %add3A_886, %add3A_887 : vector<16xf32>
        %add3A_890 = arith.addf %add3A_888, %add3A_889 : vector<16xf32>
        %mul3A_891 = arith.mulf %add3A_884, %add3A_884 : vector<16xf32>
        %mul3A_892 = arith.mulf %add3A_885, %add3A_885 : vector<16xf32>
        %add3A_893 = arith.addf %mul3A_891, %mul3A_892 : vector<16xf32>
        %mul3A_894 = arith.mulf %add3A_886, %add3A_886 : vector<16xf32>
        %mul3A_895 = arith.mulf %add3A_887, %add3A_887 : vector<16xf32>
        %add3A_896 = arith.addf %mul3A_894, %mul3A_895 : vector<16xf32>
        %add3A_897 = arith.addf %add3A_893, %add3A_896 : vector<16xf32>
        %iota3A_898 = tpu.iota {dimensions = array<i32: 0>} : vector<16xi32>
        %xor3A_899 = arith.constant 8 : i32
        %xor3A_900 = vector.broadcast %xor3A_899 : i32 to vector<16xi32>
        %xor3A_901 = arith.xori %iota3A_898, %xor3A_900 : vector<16xi32>
        %broadcast_in_dim3A_902 = vector.shape_cast %xor3A_901 : vector<16xi32> to vector<16x1xi32>
        %gather3A_903 = vector.shape_cast %broadcast_in_dim3A_902 : vector<16x1xi32> to vector<16xi32>
        %gather3A_904 = tpu.dynamic_gather %add3A_890[%gather3A_903] in [0] : vector<16xf32>, vector<16xi32> -> vector<16xf32>
        %add3A_905 = arith.addf %add3A_890, %gather3A_904 : vector<16xf32>
        %iota3A_906 = tpu.iota {dimensions = array<i32: 0>} : vector<16xi32>
        %xor3A_907 = arith.constant 4 : i32
        %xor3A_908 = vector.broadcast %xor3A_907 : i32 to vector<16xi32>
        %xor3A_909 = arith.xori %iota3A_906, %xor3A_908 : vector<16xi32>
        %broadcast_in_dim3A_910 = vector.shape_cast %xor3A_909 : vector<16xi32> to vector<16x1xi32>
        %gather3A_911 = vector.shape_cast %broadcast_in_dim3A_910 : vector<16x1xi32> to vector<16xi32>
        %gather3A_912 = tpu.dynamic_gather %add3A_905[%gather3A_911] in [0] : vector<16xf32>, vector<16xi32> -> vector<16xf32>
        %add3A_913 = arith.addf %add3A_905, %gather3A_912 : vector<16xf32>
        %iota3A_914 = tpu.iota {dimensions = array<i32: 0>} : vector<16xi32>
        %xor3A_915 = arith.constant 2 : i32
        %xor3A_916 = vector.broadcast %xor3A_915 : i32 to vector<16xi32>
        %xor3A_917 = arith.xori %iota3A_914, %xor3A_916 : vector<16xi32>
        %broadcast_in_dim3A_918 = vector.shape_cast %xor3A_917 : vector<16xi32> to vector<16x1xi32>
        %gather3A_919 = vector.shape_cast %broadcast_in_dim3A_918 : vector<16x1xi32> to vector<16xi32>
        %gather3A_920 = tpu.dynamic_gather %add3A_913[%gather3A_919] in [0] : vector<16xf32>, vector<16xi32> -> vector<16xf32>
        %add3A_921 = arith.addf %add3A_913, %gather3A_920 : vector<16xf32>
        %iota3A_922 = tpu.iota {dimensions = array<i32: 0>} : vector<16xi32>
        %xor3A_923 = arith.constant 1 : i32
        %xor3A_924 = vector.broadcast %xor3A_923 : i32 to vector<16xi32>
        %xor3A_925 = arith.xori %iota3A_922, %xor3A_924 : vector<16xi32>
        %broadcast_in_dim3A_926 = vector.shape_cast %xor3A_925 : vector<16xi32> to vector<16x1xi32>
        %gather3A_927 = vector.shape_cast %broadcast_in_dim3A_926 : vector<16x1xi32> to vector<16xi32>
        %gather3A_928 = tpu.dynamic_gather %add3A_921[%gather3A_927] in [0] : vector<16xf32>, vector<16xi32> -> vector<16xf32>
        %add3A_929 = arith.addf %add3A_921, %gather3A_928 : vector<16xf32>
        %iota3A_930 = tpu.iota {dimensions = array<i32: 0>} : vector<16xi32>
        %xor3A_931 = arith.constant 8 : i32
        %xor3A_932 = vector.broadcast %xor3A_931 : i32 to vector<16xi32>
        %xor3A_933 = arith.xori %iota3A_930, %xor3A_932 : vector<16xi32>
        %broadcast_in_dim3A_934 = vector.shape_cast %xor3A_933 : vector<16xi32> to vector<16x1xi32>
        %gather3A_935 = vector.shape_cast %broadcast_in_dim3A_934 : vector<16x1xi32> to vector<16xi32>
        %gather3A_936 = tpu.dynamic_gather %add3A_897[%gather3A_935] in [0] : vector<16xf32>, vector<16xi32> -> vector<16xf32>
        %add3A_937 = arith.addf %add3A_897, %gather3A_936 : vector<16xf32>
        %iota3A_938 = tpu.iota {dimensions = array<i32: 0>} : vector<16xi32>
        %xor3A_939 = arith.constant 4 : i32
        %xor3A_940 = vector.broadcast %xor3A_939 : i32 to vector<16xi32>
        %xor3A_941 = arith.xori %iota3A_938, %xor3A_940 : vector<16xi32>
        %broadcast_in_dim3A_942 = vector.shape_cast %xor3A_941 : vector<16xi32> to vector<16x1xi32>
        %gather3A_943 = vector.shape_cast %broadcast_in_dim3A_942 : vector<16x1xi32> to vector<16xi32>
        %gather3A_944 = tpu.dynamic_gather %add3A_937[%gather3A_943] in [0] : vector<16xf32>, vector<16xi32> -> vector<16xf32>
        %add3A_945 = arith.addf %add3A_937, %gather3A_944 : vector<16xf32>
        %iota3A_946 = tpu.iota {dimensions = array<i32: 0>} : vector<16xi32>
        %xor3A_947 = arith.constant 2 : i32
        %xor3A_948 = vector.broadcast %xor3A_947 : i32 to vector<16xi32>
        %xor3A_949 = arith.xori %iota3A_946, %xor3A_948 : vector<16xi32>
        %broadcast_in_dim3A_950 = vector.shape_cast %xor3A_949 : vector<16xi32> to vector<16x1xi32>
        %gather3A_951 = vector.shape_cast %broadcast_in_dim3A_950 : vector<16x1xi32> to vector<16xi32>
        %gather3A_952 = tpu.dynamic_gather %add3A_945[%gather3A_951] in [0] : vector<16xf32>, vector<16xi32> -> vector<16xf32>
        %add3A_953 = arith.addf %add3A_945, %gather3A_952 : vector<16xf32>
        %iota3A_954 = tpu.iota {dimensions = array<i32: 0>} : vector<16xi32>
        %xor3A_955 = arith.constant 1 : i32
        %xor3A_956 = vector.broadcast %xor3A_955 : i32 to vector<16xi32>
        %xor3A_957 = arith.xori %iota3A_954, %xor3A_956 : vector<16xi32>
        %broadcast_in_dim3A_958 = vector.shape_cast %xor3A_957 : vector<16xi32> to vector<16x1xi32>
        %gather3A_959 = vector.shape_cast %broadcast_in_dim3A_958 : vector<16x1xi32> to vector<16xi32>
        %gather3A_960 = tpu.dynamic_gather %add3A_953[%gather3A_959] in [0] : vector<16xf32>, vector<16xi32> -> vector<16xf32>
        %add3A_961 = arith.addf %add3A_953, %gather3A_960 : vector<16xf32>
        %mul3A_962 = arith.constant 1.562500e-02 : f32
        %mul3A_963 = vector.broadcast %mul3A_962 : f32 to vector<16xf32>
        %mul3A_964 = arith.mulf %add3A_929, %mul3A_963 : vector<16xf32>
        %mul3A_965 = arith.constant 1.562500e-02 : f32
        %mul3A_966 = vector.broadcast %mul3A_965 : f32 to vector<16xf32>
        %mul3A_967 = arith.mulf %add3A_961, %mul3A_966 : vector<16xf32>
        %mul3A_968 = arith.mulf %mul3A_964, %mul3A_964 : vector<16xf32>
        %sub3A_969 = arith.subf %mul3A_967, %mul3A_968 : vector<16xf32>
        %add3A_970 = arith.constant 9.99999996E-13 : f32
        %add3A_971 = vector.broadcast %add3A_970 : f32 to vector<16xf32>
        %add3A_972 = arith.addf %sub3A_969, %add3A_971 : vector<16xf32>
        %bitcast_convert_type3A_973 = tpu.bitcast %add3A_972 : vector<16xf32> -> vector<16xi32>
        %shift_right_arithmetic3A_974 = arith.constant 1 : i32
        %shift_right_arithmetic3A_975 = vector.broadcast %shift_right_arithmetic3A_974 : i32 to vector<16xi32>
        %shift_right_arithmetic3A_976 = arith.shrsi %bitcast_convert_type3A_973, %shift_right_arithmetic3A_975 : vector<16xi32>
        %sub3A_977 = arith.constant 1597463007 : i32
        %sub3A_978 = vector.broadcast %sub3A_977 : i32 to vector<16xi32>
        %sub3A_979 = arith.subi %sub3A_978, %shift_right_arithmetic3A_976 : vector<16xi32>
        %bitcast_convert_type3A_980 = tpu.bitcast %sub3A_979 : vector<16xi32> -> vector<16xf32>
        %mul3A_981 = arith.constant 5.000000e-01 : f32
        %mul3A_982 = vector.broadcast %mul3A_981 : f32 to vector<16xf32>
        %mul3A_983 = arith.mulf %add3A_972, %mul3A_982 : vector<16xf32>
        %mul3A_984 = arith.mulf %mul3A_983, %bitcast_convert_type3A_980 : vector<16xf32>
        %mul3A_985 = arith.mulf %mul3A_984, %bitcast_convert_type3A_980 : vector<16xf32>
        %sub3A_986 = arith.constant 1.500000e+00 : f32
        %sub3A_987 = vector.broadcast %sub3A_986 : f32 to vector<16xf32>
        %sub3A_988 = arith.subf %sub3A_987, %mul3A_985 : vector<16xf32>
        %mul3A_989 = arith.mulf %bitcast_convert_type3A_980, %sub3A_988 : vector<16xf32>
        %mul3A_990 = arith.mulf %mul3A_983, %mul3A_989 : vector<16xf32>
        %mul3A_991 = arith.mulf %mul3A_990, %mul3A_989 : vector<16xf32>
        %sub3A_992 = arith.constant 1.500000e+00 : f32
        %sub3A_993 = vector.broadcast %sub3A_992 : f32 to vector<16xf32>
        %sub3A_994 = arith.subf %sub3A_993, %mul3A_991 : vector<16xf32>
        %mul3A_995 = arith.mulf %mul3A_989, %sub3A_994 : vector<16xf32>
        %sub3A_996 = arith.subf %add3A_884, %mul3A_964 : vector<16xf32>
        %mul3A_997 = arith.mulf %mul3A_995, %get3A_4 : vector<16xf32>
        %mul3A_998 = arith.mulf %sub3A_996, %mul3A_997 : vector<16xf32>
        %add3A_999 = arith.addf %mul3A_998, %get3A_24 : vector<16xf32>
        %sub3A_1000 = arith.subf %add3A_885, %mul3A_964 : vector<16xf32>
        %mul3A_1001 = arith.mulf %mul3A_995, %get3A_9 : vector<16xf32>
        %mul3A_1002 = arith.mulf %sub3A_1000, %mul3A_1001 : vector<16xf32>
        %add3A_1003 = arith.addf %mul3A_1002, %get3A_29 : vector<16xf32>
        %sub3A_1004 = arith.subf %add3A_886, %mul3A_964 : vector<16xf32>
        %mul3A_1005 = arith.mulf %mul3A_995, %get3A_14 : vector<16xf32>
        %mul3A_1006 = arith.mulf %sub3A_1004, %mul3A_1005 : vector<16xf32>
        %add3A_1007 = arith.addf %mul3A_1006, %get3A_34 : vector<16xf32>
        %sub3A_1008 = arith.subf %add3A_887, %mul3A_964 : vector<16xf32>
        %mul3A_1009 = arith.mulf %mul3A_995, %get3A_19 : vector<16xf32>
        %mul3A_1010 = arith.mulf %sub3A_1008, %mul3A_1009 : vector<16xf32>
        %add3A_1011 = arith.addf %mul3A_1010, %get3A_39 : vector<16xf32>
        %swap3A_1012 = arith.index_cast %scan3A_681 : i32 to index
        %swap3A_1013 = arith.constant 0 : index
        %swap3A_1014 = tpu.vector_load %arg15[%swap3A_1012, %swap3A_1013] {strides = array<i32>} : memref<64x128xf32, #tpu.memory_space<vmem>>, vector<1x16xf32>,
        %swap3A_1015 = vector.shape_cast %swap3A_1014 : vector<1x16xf32> to vector<16xf32>
        %swap3A_1016 = vector.shape_cast %add3A_871 : vector<16xf32> to vector<1x16xf32>
        tpu.vector_store %arg15[%swap3A_1012, %swap3A_1013], %swap3A_1016 {strides = array<i32>} : memref<64x128xf32, #tpu.memory_space<vmem>>, vector<1x16xf32>,
        %swap3A_1017 = arith.index_cast %scan3A_681 : i32 to index
        %swap3A_1018 = arith.constant 64 : index
        %swap3A_1019 = tpu.vector_load %arg15[%swap3A_1017, %swap3A_1018] {strides = array<i32>} : memref<64x128xf32, #tpu.memory_space<vmem>>, vector<1x16xf32>,
        %swap3A_1020 = vector.shape_cast %swap3A_1019 : vector<1x16xf32> to vector<16xf32>
        %swap3A_1021 = vector.shape_cast %add3A_999 : vector<16xf32> to vector<1x16xf32>
        tpu.vector_store %arg15[%swap3A_1017, %swap3A_1018], %swap3A_1021 {strides = array<i32>} : memref<64x128xf32, #tpu.memory_space<vmem>>, vector<1x16xf32>,
        %swap3A_1022 = arith.index_cast %scan3A_681 : i32 to index
        %swap3A_1023 = arith.constant 16 : index
        %swap3A_1024 = tpu.vector_load %arg15[%swap3A_1022, %swap3A_1023] {strides = array<i32>} : memref<64x128xf32, #tpu.memory_space<vmem>>, vector<1x16xf32>,
        %swap3A_1025 = vector.shape_cast %swap3A_1024 : vector<1x16xf32> to vector<16xf32>
        %swap3A_1026 = vector.shape_cast %add3A_875 : vector<16xf32> to vector<1x16xf32>
        tpu.vector_store %arg15[%swap3A_1022, %swap3A_1023], %swap3A_1026 {strides = array<i32>} : memref<64x128xf32, #tpu.memory_space<vmem>>, vector<1x16xf32>,
        %swap3A_1027 = arith.index_cast %scan3A_681 : i32 to index
        %swap3A_1028 = arith.constant 80 : index
        %swap3A_1029 = tpu.vector_load %arg15[%swap3A_1027, %swap3A_1028] {strides = array<i32>} : memref<64x128xf32, #tpu.memory_space<vmem>>, vector<1x16xf32>,
        %swap3A_1030 = vector.shape_cast %swap3A_1029 : vector<1x16xf32> to vector<16xf32>
        %swap3A_1031 = vector.shape_cast %add3A_1003 : vector<16xf32> to vector<1x16xf32>
        tpu.vector_store %arg15[%swap3A_1027, %swap3A_1028], %swap3A_1031 {strides = array<i32>} : memref<64x128xf32, #tpu.memory_space<vmem>>, vector<1x16xf32>,
        %swap3A_1032 = arith.index_cast %scan3A_681 : i32 to index
        %swap3A_1033 = arith.constant 32 : index
        %swap3A_1034 = tpu.vector_load %arg15[%swap3A_1032, %swap3A_1033] {strides = array<i32>} : memref<64x128xf32, #tpu.memory_space<vmem>>, vector<1x16xf32>,
        %swap3A_1035 = vector.shape_cast %swap3A_1034 : vector<1x16xf32> to vector<16xf32>
        %swap3A_1036 = vector.shape_cast %add3A_879 : vector<16xf32> to vector<1x16xf32>
        tpu.vector_store %arg15[%swap3A_1032, %swap3A_1033], %swap3A_1036 {strides = array<i32>} : memref<64x128xf32, #tpu.memory_space<vmem>>, vector<1x16xf32>,
        %swap3A_1037 = arith.index_cast %scan3A_681 : i32 to index
        %swap3A_1038 = arith.constant 96 : index
        %swap3A_1039 = tpu.vector_load %arg15[%swap3A_1037, %swap3A_1038] {strides = array<i32>} : memref<64x128xf32, #tpu.memory_space<vmem>>, vector<1x16xf32>,
        %swap3A_1040 = vector.shape_cast %swap3A_1039 : vector<1x16xf32> to vector<16xf32>
        %swap3A_1041 = vector.shape_cast %add3A_1007 : vector<16xf32> to vector<1x16xf32>
        tpu.vector_store %arg15[%swap3A_1037, %swap3A_1038], %swap3A_1041 {strides = array<i32>} : memref<64x128xf32, #tpu.memory_space<vmem>>, vector<1x16xf32>,
        %swap3A_1042 = arith.index_cast %scan3A_681 : i32 to index
        %swap3A_1043 = arith.constant 48 : index
        %swap3A_1044 = tpu.vector_load %arg15[%swap3A_1042, %swap3A_1043] {strides = array<i32>} : memref<64x128xf32, #tpu.memory_space<vmem>>, vector<1x16xf32>,
        %swap3A_1045 = vector.shape_cast %swap3A_1044 : vector<1x16xf32> to vector<16xf32>
        %swap3A_1046 = vector.shape_cast %add3A_883 : vector<16xf32> to vector<1x16xf32>
        tpu.vector_store %arg15[%swap3A_1042, %swap3A_1043], %swap3A_1046 {strides = array<i32>} : memref<64x128xf32, #tpu.memory_space<vmem>>, vector<1x16xf32>,
        %swap3A_1047 = arith.index_cast %scan3A_681 : i32 to index
        %swap3A_1048 = arith.constant 112 : index
        %swap3A_1049 = tpu.vector_load %arg15[%swap3A_1047, %swap3A_1048] {strides = array<i32>} : memref<64x128xf32, #tpu.memory_space<vmem>>, vector<1x16xf32>,
        %swap3A_1050 = vector.shape_cast %swap3A_1049 : vector<1x16xf32> to vector<16xf32>
        %swap3A_1051 = vector.shape_cast %add3A_1011 : vector<16xf32> to vector<1x16xf32>
        tpu.vector_store %arg15[%swap3A_1047, %swap3A_1048], %swap3A_1051 {strides = array<i32>} : memref<64x128xf32, #tpu.memory_space<vmem>>, vector<1x16xf32>,
        %add3A_1052 = arith.constant 1 : i32
        %add3A_1053 = arith.addi %select_n3A_687, %add3A_1052 : i32
        %eq3A_1054 = arith.constant 200 : i32
        %eq3A_1055 = arith.cmpi eq, %add3A_1053, %eq3A_1054 : i32
        %select_n3A_1056 = arith.constant 0 : i32
        %select_n3A_1057 = arith.select %eq3A_1055, %select_n3A_1056, %add3A_1053 : i32
        scf.yield %select_n3A_1057 : i32
      }
      %scan3A_301 = arith.constant 64 : i32
      %mul3A_302 = arith.constant 50 : i32
      %mul3A_303 = arith.muli %add3A, %mul3A_302 : i32
      %add3A_304 = arith.addi %mul3A_303, %add3A_270 : i32
      %mul3A_305 = arith.constant 64 : i32
      %mul3A_306 = arith.muli %add3A_304, %mul3A_305 : i32
      %dma_start3A_307 = arith.constant 0 : i32
      %dma_start3A_308 = tpu.memref_slice %arg6[%mul3A_306, %dma_start3A_307] : memref<102400x128xf32, #tpu.memory_space<hbm>> -> memref<64x128xf32, #tpu.memory_space<hbm>>
      %dma_start3A_309 = arith.constant 0 : i32
      %dma_start3A_310 = tpu.memref_slice %arg6[%mul3A_306, %dma_start3A_309] : memref<102400x128xf32, #tpu.memory_space<hbm>> -> memref<64x128xf32, #tpu.memory_space<hbm>>
      tpu.enqueue_dma source(%arg15 : memref<64x128xf32, #tpu.memory_space<vmem>>) target(%dma_start3A_310 : memref<64x128xf32, #tpu.memory_space<hbm>>) target_semaphore(%arg21 : memref<!tpu.dma_semaphore, #tpu.memory_space<semaphore_mem>>)
    }
    %scan3A_64 = arith.constant 12 : i32
    %dma_wait3A = arith.constant 0 : i32
    %dma_wait3A_65 = arith.constant 0 : i32
    %dma_wait3A_66 = tpu.memref_slice %arg6[%dma_wait3A, %dma_wait3A_65] : memref<102400x128xf32, #tpu.memory_space<hbm>> -> memref<64x128xf32, #tpu.memory_space<hbm>>
    %dma_wait3A_67 = arith.constant 0 : i32
    %dma_wait3A_68 = arith.constant 0 : i32
    %dma_wait3A_69 = tpu.memref_slice %arg6[%dma_wait3A_67, %dma_wait3A_68] : memref<102400x128xf32, #tpu.memory_space<hbm>> -> memref<64x128xf32, #tpu.memory_space<hbm>>
    tpu.wait_dma2 semaphore(%arg20 : memref<!tpu.dma_semaphore, #tpu.memory_space<semaphore_mem>>) src(%arg14 : memref<64x128xf32, #tpu.memory_space<vmem>>) dst(%dma_wait3A_69 : memref<64x128xf32, #tpu.memory_space<hbm>>)
    %dma_wait3A_70 = arith.constant 0 : i32
    %dma_wait3A_71 = arith.constant 0 : i32
    %dma_wait3A_72 = tpu.memref_slice %arg7[%dma_wait3A_70, %dma_wait3A_71] : memref<50x128xi32, #tpu.memory_space<vmem>> -> memref<1x128xi32, #tpu.memory_space<vmem>>
    %dma_wait3A_73 = tpu.memref_squeeze %dma_wait3A_72 : memref<1x128xi32, #tpu.memory_space<vmem>> -> memref<128xi32, #tpu.memory_space<vmem>>
    %dma_wait3A_74 = arith.constant 0 : i32
    %dma_wait3A_75 = arith.constant 0 : i32
    %dma_wait3A_76 = tpu.memref_slice %arg5[%dma_wait3A_74, %dma_wait3A_75] : memref<100000x64xf32, #tpu.memory_space<hbm>> -> memref<100000x64xf32, #tpu.memory_space<hbm>>
    tpu.wait_indirect_dma semaphore(%arg16 : memref<!tpu.dma_semaphore, #tpu.memory_space<semaphore_mem>>) src(%dma_wait3A_76 : memref<100000x64xf32, #tpu.memory_space<hbm>>) dst(%arg10 : memref<128x64xf32, #tpu.memory_space<vmem>>)
    %rem3A = arith.constant 6144 : i32
    %rem3A_77 = arith.constant 200 : i32
    %rem3A_78 = arith.remsi %rem3A, %rem3A_77 : i32
    %scan3A_79 = arith.constant 0 : i32
    %scan3A_80 = arith.constant 64 : i32
    %scan3A_81 = arith.addi %scan3A_79, %scan3A_80 : i32
    %scan3A_82 = arith.constant 2 : i32
    %scan3A_83 = scf.for %scan3A_139 = %scan3A_79 to %scan3A_81 step %scan3A_82 iter_args(%scan3A_140 = %rem3A_78) -> (i32)  : i32 {
      %add3A_141 = arith.constant 1 : i32
      %add3A_142 = arith.addi %scan3A_140, %add3A_141 : i32
      %eq3A = arith.constant 200 : i32
      %eq3A_143 = arith.cmpi eq, %add3A_142, %eq3A : i32
      %select_n3A = arith.constant 0 : i32
      %select_n3A_144 = arith.select %eq3A_143, %select_n3A, %add3A_142 : i32
      %mul3A_145 = arith.constant 2 : i32
      %mul3A_146 = arith.muli %mul3A_145, %scan3A_139 : i32
      %add3A_147 = arith.constant 1 : i32
      %add3A_148 = arith.addi %mul3A_146, %add3A_147 : i32
      %get3A_149 = arith.index_cast %mul3A_146 : i32 to index
      %get3A_150 = arith.constant 0 : index
      %get3A_151 = tpu.vector_load %arg10[%get3A_149, %get3A_150] {strides = array<i32>} : memref<128x64xf32, #tpu.memory_space<vmem>>, vector<1x16xf32>,
      %get3A_152 = vector.shape_cast %get3A_151 : vector<1x16xf32> to vector<16xf32>
      %get3A_153 = arith.index_cast %mul3A_146 : i32 to index
      %get3A_154 = arith.constant 16 : index
      %get3A_155 = tpu.vector_load %arg10[%get3A_153, %get3A_154] {strides = array<i32>} : memref<128x64xf32, #tpu.memory_space<vmem>>, vector<1x16xf32>,
      %get3A_156 = vector.shape_cast %get3A_155 : vector<1x16xf32> to vector<16xf32>
      %get3A_157 = arith.index_cast %mul3A_146 : i32 to index
      %get3A_158 = arith.constant 32 : index
      %get3A_159 = tpu.vector_load %arg10[%get3A_157, %get3A_158] {strides = array<i32>} : memref<128x64xf32, #tpu.memory_space<vmem>>, vector<1x16xf32>,
      %get3A_160 = vector.shape_cast %get3A_159 : vector<1x16xf32> to vector<16xf32>
      %get3A_161 = arith.index_cast %mul3A_146 : i32 to index
      %get3A_162 = arith.constant 48 : index
      %get3A_163 = tpu.vector_load %arg10[%get3A_161, %get3A_162] {strides = array<i32>} : memref<128x64xf32, #tpu.memory_space<vmem>>, vector<1x16xf32>,
      %get3A_164 = vector.shape_cast %get3A_163 : vector<1x16xf32> to vector<16xf32>
      %get3A_165 = arith.index_cast %add3A_148 : i32 to index
      %get3A_166 = arith.constant 0 : index
      %get3A_167 = tpu.vector_load %arg10[%get3A_165, %get3A_166] {strides = array<i32>} : memref<128x64xf32, #tpu.memory_space<vmem>>, vector<1x16xf32>,
      %get3A_168 = vector.shape_cast %get3A_167 : vector<1x16xf32> to vector<16xf32>
      %get3A_169 = arith.index_cast %add3A_148 : i32 to index
      %get3A_170 = arith.constant 16 : index
      %get3A_171 = tpu.vector_load %arg10[%get3A_169, %get3A_170] {strides = array<i32>} : memref<128x64xf32, #tpu.memory_space<vmem>>, vector<1x16xf32>,
      %get3A_172 = vector.shape_cast %get3A_171 : vector<1x16xf32> to vector<16xf32>
      %get3A_173 = arith.index_cast %add3A_148 : i32 to index
      %get3A_174 = arith.constant 32 : index
      %get3A_175 = tpu.vector_load %arg10[%get3A_173, %get3A_174] {strides = array<i32>} : memref<128x64xf32, #tpu.memory_space<vmem>>, vector<1x16xf32>,
      %get3A_176 = vector.shape_cast %get3A_175 : vector<1x16xf32> to vector<16xf32>
      %get3A_177 = arith.index_cast %add3A_148 : i32 to index
      %get3A_178 = arith.constant 48 : index
      %get3A_179 = tpu.vector_load %arg10[%get3A_177, %get3A_178] {strides = array<i32>} : memref<128x64xf32, #tpu.memory_space<vmem>>, vector<1x16xf32>,
      %get3A_180 = vector.shape_cast %get3A_179 : vector<1x16xf32> to vector<16xf32>
      %get3A_181 = arith.index_cast %scan3A_140 : i32 to index
      %get3A_182 = arith.constant 0 : index
      %get3A_183 = tpu.vector_load %arg8[%get3A_181, %get3A_182] {strides = array<i32>} : memref<200x64xf32, #tpu.memory_space<vmem>>, vector<1x16xf32>,
      %get3A_184 = vector.shape_cast %get3A_183 : vector<1x16xf32> to vector<16xf32>
      %get3A_185 = arith.index_cast %scan3A_140 : i32 to index
      %get3A_186 = arith.constant 16 : index
      %get3A_187 = tpu.vector_load %arg8[%get3A_185, %get3A_186] {strides = array<i32>} : memref<200x64xf32, #tpu.memory_space<vmem>>, vector<1x16xf32>,
      %get3A_188 = vector.shape_cast %get3A_187 : vector<1x16xf32> to vector<16xf32>
      %get3A_189 = arith.index_cast %scan3A_140 : i32 to index
      %get3A_190 = arith.constant 32 : index
      %get3A_191 = tpu.vector_load %arg8[%get3A_189, %get3A_190] {strides = array<i32>} : memref<200x64xf32, #tpu.memory_space<vmem>>, vector<1x16xf32>,
      %get3A_192 = vector.shape_cast %get3A_191 : vector<1x16xf32> to vector<16xf32>
      %get3A_193 = arith.index_cast %scan3A_140 : i32 to index
      %get3A_194 = arith.constant 48 : index
      %get3A_195 = tpu.vector_load %arg8[%get3A_193, %get3A_194] {strides = array<i32>} : memref<200x64xf32, #tpu.memory_space<vmem>>, vector<1x16xf32>,
      %get3A_196 = vector.shape_cast %get3A_195 : vector<1x16xf32> to vector<16xf32>
      %get3A_197 = arith.index_cast %select_n3A_144 : i32 to index
      %get3A_198 = arith.constant 0 : index
      %get3A_199 = tpu.vector_load %arg8[%get3A_197, %get3A_198] {strides = array<i32>} : memref<200x64xf32, #tpu.memory_space<vmem>>, vector<1x16xf32>,
      %get3A_200 = vector.shape_cast %get3A_199 : vector<1x16xf32> to vector<16xf32>
      %get3A_201 = arith.index_cast %select_n3A_144 : i32 to index
      %get3A_202 = arith.constant 16 : index
      %get3A_203 = tpu.vector_load %arg8[%get3A_201, %get3A_202] {strides = array<i32>} : memref<200x64xf32, #tpu.memory_space<vmem>>, vector<1x16xf32>,
      %get3A_204 = vector.shape_cast %get3A_203 : vector<1x16xf32> to vector<16xf32>
      %get3A_205 = arith.index_cast %select_n3A_144 : i32 to index
      %get3A_206 = arith.constant 32 : index
      %get3A_207 = tpu.vector_load %arg8[%get3A_205, %get3A_206] {strides = array<i32>} : memref<200x64xf32, #tpu.memory_space<vmem>>, vector<1x16xf32>,
      %get3A_208 = vector.shape_cast %get3A_207 : vector<1x16xf32> to vector<16xf32>
      %get3A_209 = arith.index_cast %select_n3A_144 : i32 to index
      %get3A_210 = arith.constant 48 : index
      %get3A_211 = tpu.vector_load %arg8[%get3A_209, %get3A_210] {strides = array<i32>} : memref<200x64xf32, #tpu.memory_space<vmem>>, vector<1x16xf32>,
      %get3A_212 = vector.shape_cast %get3A_211 : vector<1x16xf32> to vector<16xf32>
      %add3A_213 = arith.addf %get3A_152, %get3A_184 : vector<16xf32>
      %add3A_214 = arith.addf %get3A_156, %get3A_188 : vector<16xf32>
      %add3A_215 = arith.addf %get3A_160, %get3A_192 : vector<16xf32>
      %add3A_216 = arith.addf %get3A_164, %get3A_196 : vector<16xf32>
      %add3A_217 = arith.addf %add3A_213, %add3A_214 : vector<16xf32>
      %add3A_218 = arith.addf %add3A_215, %add3A_216 : vector<16xf32>
      %add3A_219 = arith.addf %add3A_217, %add3A_218 : vector<16xf32>
      %mul3A_220 = arith.mulf %add3A_213, %add3A_213 : vector<16xf32>
      %mul3A_221 = arith.mulf %add3A_214, %add3A_214 : vector<16xf32>
      %add3A_222 = arith.addf %mul3A_220, %mul3A_221 : vector<16xf32>
      %mul3A_223 = arith.mulf %add3A_215, %add3A_215 : vector<16xf32>
      %mul3A_224 = arith.mulf %add3A_216, %add3A_216 : vector<16xf32>
      %add3A_225 = arith.addf %mul3A_223, %mul3A_224 : vector<16xf32>
      %add3A_226 = arith.addf %add3A_222, %add3A_225 : vector<16xf32>
      %iota3A = tpu.iota {dimensions = array<i32: 0>} : vector<16xi32>
      %xor3A = arith.constant 8 : i32
      %xor3A_227 = vector.broadcast %xor3A : i32 to vector<16xi32>
      %xor3A_228 = arith.xori %iota3A, %xor3A_227 : vector<16xi32>
      %broadcast_in_dim3A = vector.shape_cast %xor3A_228 : vector<16xi32> to vector<16x1xi32>
      %gather3A = vector.shape_cast %broadcast_in_dim3A : vector<16x1xi32> to vector<16xi32>
      %gather3A_229 = tpu.dynamic_gather %add3A_219[%gather3A] in [0] : vector<16xf32>, vector<16xi32> -> vector<16xf32>
      %add3A_230 = arith.addf %add3A_219, %gather3A_229 : vector<16xf32>
      %iota3A_231 = tpu.iota {dimensions = array<i32: 0>} : vector<16xi32>
      %xor3A_232 = arith.constant 4 : i32
      %xor3A_233 = vector.broadcast %xor3A_232 : i32 to vector<16xi32>
      %xor3A_234 = arith.xori %iota3A_231, %xor3A_233 : vector<16xi32>
      %broadcast_in_dim3A_235 = vector.shape_cast %xor3A_234 : vector<16xi32> to vector<16x1xi32>
      %gather3A_236 = vector.shape_cast %broadcast_in_dim3A_235 : vector<16x1xi32> to vector<16xi32>
      %gather3A_237 = tpu.dynamic_gather %add3A_230[%gather3A_236] in [0] : vector<16xf32>, vector<16xi32> -> vector<16xf32>
      %add3A_238 = arith.addf %add3A_230, %gather3A_237 : vector<16xf32>
      %iota3A_239 = tpu.iota {dimensions = array<i32: 0>} : vector<16xi32>
      %xor3A_240 = arith.constant 2 : i32
      %xor3A_241 = vector.broadcast %xor3A_240 : i32 to vector<16xi32>
      %xor3A_242 = arith.xori %iota3A_239, %xor3A_241 : vector<16xi32>
      %broadcast_in_dim3A_243 = vector.shape_cast %xor3A_242 : vector<16xi32> to vector<16x1xi32>
      %gather3A_244 = vector.shape_cast %broadcast_in_dim3A_243 : vector<16x1xi32> to vector<16xi32>
      %gather3A_245 = tpu.dynamic_gather %add3A_238[%gather3A_244] in [0] : vector<16xf32>, vector<16xi32> -> vector<16xf32>
      %add3A_246 = arith.addf %add3A_238, %gather3A_245 : vector<16xf32>
      %iota3A_247 = tpu.iota {dimensions = array<i32: 0>} : vector<16xi32>
      %xor3A_248 = arith.constant 1 : i32
      %xor3A_249 = vector.broadcast %xor3A_248 : i32 to vector<16xi32>
      %xor3A_250 = arith.xori %iota3A_247, %xor3A_249 : vector<16xi32>
      %broadcast_in_dim3A_251 = vector.shape_cast %xor3A_250 : vector<16xi32> to vector<16x1xi32>
      %gather3A_252 = vector.shape_cast %broadcast_in_dim3A_251 : vector<16x1xi32> to vector<16xi32>
      %gather3A_253 = tpu.dynamic_gather %add3A_246[%gather3A_252] in [0] : vector<16xf32>, vector<16xi32> -> vector<16xf32>
      %add3A_254 = arith.addf %add3A_246, %gather3A_253 : vector<16xf32>
      %iota3A_255 = tpu.iota {dimensions = array<i32: 0>} : vector<16xi32>
      %xor3A_256 = arith.constant 8 : i32
      %xor3A_257 = vector.broadcast %xor3A_256 : i32 to vector<16xi32>
      %xor3A_258 = arith.xori %iota3A_255, %xor3A_257 : vector<16xi32>
      %broadcast_in_dim3A_259 = vector.shape_cast %xor3A_258 : vector<16xi32> to vector<16x1xi32>
      %gather3A_260 = vector.shape_cast %broadcast_in_dim3A_259 : vector<16x1xi32> to vector<16xi32>
      %gather3A_261 = tpu.dynamic_gather %add3A_226[%gather3A_260] in [0] : vector<16xf32>, vector<16xi32> -> vector<16xf32>
      %add3A_262 = arith.addf %add3A_226, %gather3A_261 : vector<16xf32>
      %iota3A_263 = tpu.iota {dimensions = array<i32: 0>} : vector<16xi32>
      %xor3A_264 = arith.constant 4 : i32
      %xor3A_265 = vector.broadcast %xor3A_264 : i32 to vector<16xi32>
      %xor3A_266 = arith.xori %iota3A_263, %xor3A_265 : vector<16xi32>
      %broadcast_in_dim3A_267 = vector.shape_cast %xor3A_266 : vector<16xi32> to vector<16x1xi32>
      %gather3A_268 = vector.shape_cast %broadcast_in_dim3A_267 : vector<16x1xi32> to vector<16xi32>
      %gather3A_269 = tpu.dynamic_gather %add3A_262[%gather3A_268] in [0] : vector<16xf32>, vector<16xi32> -> vector<16xf32>
      %add3A_270 = arith.addf %add3A_262, %gather3A_269 : vector<16xf32>
      %iota3A_271 = tpu.iota {dimensions = array<i32: 0>} : vector<16xi32>
      %xor3A_272 = arith.constant 2 : i32
      %xor3A_273 = vector.broadcast %xor3A_272 : i32 to vector<16xi32>
      %xor3A_274 = arith.xori %iota3A_271, %xor3A_273 : vector<16xi32>
      %broadcast_in_dim3A_275 = vector.shape_cast %xor3A_274 : vector<16xi32> to vector<16x1xi32>
      %gather3A_276 = vector.shape_cast %broadcast_in_dim3A_275 : vector<16x1xi32> to vector<16xi32>
      %gather3A_277 = tpu.dynamic_gather %add3A_270[%gather3A_276] in [0] : vector<16xf32>, vector<16xi32> -> vector<16xf32>
      %add3A_278 = arith.addf %add3A_270, %gather3A_277 : vector<16xf32>
      %iota3A_279 = tpu.iota {dimensions = array<i32: 0>} : vector<16xi32>
      %xor3A_280 = arith.constant 1 : i32
      %xor3A_281 = vector.broadcast %xor3A_280 : i32 to vector<16xi32>
      %xor3A_282 = arith.xori %iota3A_279, %xor3A_281 : vector<16xi32>
      %broadcast_in_dim3A_283 = vector.shape_cast %xor3A_282 : vector<16xi32> to vector<16x1xi32>
      %gather3A_284 = vector.shape_cast %broadcast_in_dim3A_283 : vector<16x1xi32> to vector<16xi32>
      %gather3A_285 = tpu.dynamic_gather %add3A_278[%gather3A_284] in [0] : vector<16xf32>, vector<16xi32> -> vector<16xf32>
      %add3A_286 = arith.addf %add3A_278, %gather3A_285 : vector<16xf32>
      %mul3A_287 = arith.constant 1.562500e-02 : f32
      %mul3A_288 = vector.broadcast %mul3A_287 : f32 to vector<16xf32>
      %mul3A_289 = arith.mulf %add3A_254, %mul3A_288 : vector<16xf32>
      %mul3A_290 = arith.constant 1.562500e-02 : f32
      %mul3A_291 = vector.broadcast %mul3A_290 : f32 to vector<16xf32>
      %mul3A_292 = arith.mulf %add3A_286, %mul3A_291 : vector<16xf32>
      %mul3A_293 = arith.mulf %mul3A_289, %mul3A_289 : vector<16xf32>
      %sub3A = arith.subf %mul3A_292, %mul3A_293 : vector<16xf32>
      %add3A_294 = arith.constant 9.99999996E-13 : f32
      %add3A_295 = vector.broadcast %add3A_294 : f32 to vector<16xf32>
      %add3A_296 = arith.addf %sub3A, %add3A_295 : vector<16xf32>
      %bitcast_convert_type3A = tpu.bitcast %add3A_296 : vector<16xf32> -> vector<16xi32>
      %shift_right_arithmetic3A = arith.constant 1 : i32
      %shift_right_arithmetic3A_297 = vector.broadcast %shift_right_arithmetic3A : i32 to vector<16xi32>
      %shift_right_arithmetic3A_298 = arith.shrsi %bitcast_convert_type3A, %shift_right_arithmetic3A_297 : vector<16xi32>
      %sub3A_299 = arith.constant 1597463007 : i32
      %sub3A_300 = vector.broadcast %sub3A_299 : i32 to vector<16xi32>
      %sub3A_301 = arith.subi %sub3A_300, %shift_right_arithmetic3A_298 : vector<16xi32>
      %bitcast_convert_type3A_302 = tpu.bitcast %sub3A_301 : vector<16xi32> -> vector<16xf32>
      %mul3A_303 = arith.constant 5.000000e-01 : f32
      %mul3A_304 = vector.broadcast %mul3A_303 : f32 to vector<16xf32>
      %mul3A_305 = arith.mulf %add3A_296, %mul3A_304 : vector<16xf32>
      %mul3A_306 = arith.mulf %mul3A_305, %bitcast_convert_type3A_302 : vector<16xf32>
      %mul3A_307 = arith.mulf %mul3A_306, %bitcast_convert_type3A_302 : vector<16xf32>
      %sub3A_308 = arith.constant 1.500000e+00 : f32
      %sub3A_309 = vector.broadcast %sub3A_308 : f32 to vector<16xf32>
      %sub3A_310 = arith.subf %sub3A_309, %mul3A_307 : vector<16xf32>
      %mul3A_311 = arith.mulf %bitcast_convert_type3A_302, %sub3A_310 : vector<16xf32>
      %mul3A_312 = arith.mulf %mul3A_305, %mul3A_311 : vector<16xf32>
      %mul3A_313 = arith.mulf %mul3A_312, %mul3A_311 : vector<16xf32>
      %sub3A_314 = arith.constant 1.500000e+00 : f32
      %sub3A_315 = vector.broadcast %sub3A_314 : f32 to vector<16xf32>
      %sub3A_316 = arith.subf %sub3A_315, %mul3A_313 : vector<16xf32>
      %mul3A_317 = arith.mulf %mul3A_311, %sub3A_316 : vector<16xf32>
      %sub3A_318 = arith.subf %add3A_213, %mul3A_289 : vector<16xf32>
      %mul3A_319 = arith.mulf %mul3A_317, %get3A_4 : vector<16xf32>
      %mul3A_320 = arith.mulf %sub3A_318, %mul3A_319 : vector<16xf32>
      %add3A_321 = arith.addf %mul3A_320, %get3A_24 : vector<16xf32>
      %sub3A_322 = arith.subf %add3A_214, %mul3A_289 : vector<16xf32>
      %mul3A_323 = arith.mulf %mul3A_317, %get3A_9 : vector<16xf32>
      %mul3A_324 = arith.mulf %sub3A_322, %mul3A_323 : vector<16xf32>
      %add3A_325 = arith.addf %mul3A_324, %get3A_29 : vector<16xf32>
      %sub3A_326 = arith.subf %add3A_215, %mul3A_289 : vector<16xf32>
      %mul3A_327 = arith.mulf %mul3A_317, %get3A_14 : vector<16xf32>
      %mul3A_328 = arith.mulf %sub3A_326, %mul3A_327 : vector<16xf32>
      %add3A_329 = arith.addf %mul3A_328, %get3A_34 : vector<16xf32>
      %sub3A_330 = arith.subf %add3A_216, %mul3A_289 : vector<16xf32>
      %mul3A_331 = arith.mulf %mul3A_317, %get3A_19 : vector<16xf32>
      %mul3A_332 = arith.mulf %sub3A_330, %mul3A_331 : vector<16xf32>
      %add3A_333 = arith.addf %mul3A_332, %get3A_39 : vector<16xf32>
      %add3A_334 = arith.addf %get3A_168, %get3A_200 : vector<16xf32>
      %add3A_335 = arith.addf %get3A_172, %get3A_204 : vector<16xf32>
      %add3A_336 = arith.addf %get3A_176, %get3A_208 : vector<16xf32>
      %add3A_337 = arith.addf %get3A_180, %get3A_212 : vector<16xf32>
      %add3A_338 = arith.addf %add3A_334, %add3A_335 : vector<16xf32>
      %add3A_339 = arith.addf %add3A_336, %add3A_337 : vector<16xf32>
      %add3A_340 = arith.addf %add3A_338, %add3A_339 : vector<16xf32>
      %mul3A_341 = arith.mulf %add3A_334, %add3A_334 : vector<16xf32>
      %mul3A_342 = arith.mulf %add3A_335, %add3A_335 : vector<16xf32>
      %add3A_343 = arith.addf %mul3A_341, %mul3A_342 : vector<16xf32>
      %mul3A_344 = arith.mulf %add3A_336, %add3A_336 : vector<16xf32>
      %mul3A_345 = arith.mulf %add3A_337, %add3A_337 : vector<16xf32>
      %add3A_346 = arith.addf %mul3A_344, %mul3A_345 : vector<16xf32>
      %add3A_347 = arith.addf %add3A_343, %add3A_346 : vector<16xf32>
      %iota3A_348 = tpu.iota {dimensions = array<i32: 0>} : vector<16xi32>
      %xor3A_349 = arith.constant 8 : i32
      %xor3A_350 = vector.broadcast %xor3A_349 : i32 to vector<16xi32>
      %xor3A_351 = arith.xori %iota3A_348, %xor3A_350 : vector<16xi32>
      %broadcast_in_dim3A_352 = vector.shape_cast %xor3A_351 : vector<16xi32> to vector<16x1xi32>
      %gather3A_353 = vector.shape_cast %broadcast_in_dim3A_352 : vector<16x1xi32> to vector<16xi32>
      %gather3A_354 = tpu.dynamic_gather %add3A_340[%gather3A_353] in [0] : vector<16xf32>, vector<16xi32> -> vector<16xf32>
      %add3A_355 = arith.addf %add3A_340, %gather3A_354 : vector<16xf32>
      %iota3A_356 = tpu.iota {dimensions = array<i32: 0>} : vector<16xi32>
      %xor3A_357 = arith.constant 4 : i32
      %xor3A_358 = vector.broadcast %xor3A_357 : i32 to vector<16xi32>
      %xor3A_359 = arith.xori %iota3A_356, %xor3A_358 : vector<16xi32>
      %broadcast_in_dim3A_360 = vector.shape_cast %xor3A_359 : vector<16xi32> to vector<16x1xi32>
      %gather3A_361 = vector.shape_cast %broadcast_in_dim3A_360 : vector<16x1xi32> to vector<16xi32>
      %gather3A_362 = tpu.dynamic_gather %add3A_355[%gather3A_361] in [0] : vector<16xf32>, vector<16xi32> -> vector<16xf32>
      %add3A_363 = arith.addf %add3A_355, %gather3A_362 : vector<16xf32>
      %iota3A_364 = tpu.iota {dimensions = array<i32: 0>} : vector<16xi32>
      %xor3A_365 = arith.constant 2 : i32
      %xor3A_366 = vector.broadcast %xor3A_365 : i32 to vector<16xi32>
      %xor3A_367 = arith.xori %iota3A_364, %xor3A_366 : vector<16xi32>
      %broadcast_in_dim3A_368 = vector.shape_cast %xor3A_367 : vector<16xi32> to vector<16x1xi32>
      %gather3A_369 = vector.shape_cast %broadcast_in_dim3A_368 : vector<16x1xi32> to vector<16xi32>
      %gather3A_370 = tpu.dynamic_gather %add3A_363[%gather3A_369] in [0] : vector<16xf32>, vector<16xi32> -> vector<16xf32>
      %add3A_371 = arith.addf %add3A_363, %gather3A_370 : vector<16xf32>
      %iota3A_372 = tpu.iota {dimensions = array<i32: 0>} : vector<16xi32>
      %xor3A_373 = arith.constant 1 : i32
      %xor3A_374 = vector.broadcast %xor3A_373 : i32 to vector<16xi32>
      %xor3A_375 = arith.xori %iota3A_372, %xor3A_374 : vector<16xi32>
      %broadcast_in_dim3A_376 = vector.shape_cast %xor3A_375 : vector<16xi32> to vector<16x1xi32>
      %gather3A_377 = vector.shape_cast %broadcast_in_dim3A_376 : vector<16x1xi32> to vector<16xi32>
      %gather3A_378 = tpu.dynamic_gather %add3A_371[%gather3A_377] in [0] : vector<16xf32>, vector<16xi32> -> vector<16xf32>
      %add3A_379 = arith.addf %add3A_371, %gather3A_378 : vector<16xf32>
      %iota3A_380 = tpu.iota {dimensions = array<i32: 0>} : vector<16xi32>
      %xor3A_381 = arith.constant 8 : i32
      %xor3A_382 = vector.broadcast %xor3A_381 : i32 to vector<16xi32>
      %xor3A_383 = arith.xori %iota3A_380, %xor3A_382 : vector<16xi32>
      %broadcast_in_dim3A_384 = vector.shape_cast %xor3A_383 : vector<16xi32> to vector<16x1xi32>
      %gather3A_385 = vector.shape_cast %broadcast_in_dim3A_384 : vector<16x1xi32> to vector<16xi32>
      %gather3A_386 = tpu.dynamic_gather %add3A_347[%gather3A_385] in [0] : vector<16xf32>, vector<16xi32> -> vector<16xf32>
      %add3A_387 = arith.addf %add3A_347, %gather3A_386 : vector<16xf32>
      %iota3A_388 = tpu.iota {dimensions = array<i32: 0>} : vector<16xi32>
      %xor3A_389 = arith.constant 4 : i32
      %xor3A_390 = vector.broadcast %xor3A_389 : i32 to vector<16xi32>
      %xor3A_391 = arith.xori %iota3A_388, %xor3A_390 : vector<16xi32>
      %broadcast_in_dim3A_392 = vector.shape_cast %xor3A_391 : vector<16xi32> to vector<16x1xi32>
      %gather3A_393 = vector.shape_cast %broadcast_in_dim3A_392 : vector<16x1xi32> to vector<16xi32>
      %gather3A_394 = tpu.dynamic_gather %add3A_387[%gather3A_393] in [0] : vector<16xf32>, vector<16xi32> -> vector<16xf32>
      %add3A_395 = arith.addf %add3A_387, %gather3A_394 : vector<16xf32>
      %iota3A_396 = tpu.iota {dimensions = array<i32: 0>} : vector<16xi32>
      %xor3A_397 = arith.constant 2 : i32
      %xor3A_398 = vector.broadcast %xor3A_397 : i32 to vector<16xi32>
      %xor3A_399 = arith.xori %iota3A_396, %xor3A_398 : vector<16xi32>
      %broadcast_in_dim3A_400 = vector.shape_cast %xor3A_399 : vector<16xi32> to vector<16x1xi32>
      %gather3A_401 = vector.shape_cast %broadcast_in_dim3A_400 : vector<16x1xi32> to vector<16xi32>
      %gather3A_402 = tpu.dynamic_gather %add3A_395[%gather3A_401] in [0] : vector<16xf32>, vector<16xi32> -> vector<16xf32>
      %add3A_403 = arith.addf %add3A_395, %gather3A_402 : vector<16xf32>
      %iota3A_404 = tpu.iota {dimensions = array<i32: 0>} : vector<16xi32>
      %xor3A_405 = arith.constant 1 : i32
      %xor3A_406 = vector.broadcast %xor3A_405 : i32 to vector<16xi32>
      %xor3A_407 = arith.xori %iota3A_404, %xor3A_406 : vector<16xi32>
      %broadcast_in_dim3A_408 = vector.shape_cast %xor3A_407 : vector<16xi32> to vector<16x1xi32>
      %gather3A_409 = vector.shape_cast %broadcast_in_dim3A_408 : vector<16x1xi32> to vector<16xi32>
      %gather3A_410 = tpu.dynamic_gather %add3A_403[%gather3A_409] in [0] : vector<16xf32>, vector<16xi32> -> vector<16xf32>
      %add3A_411 = arith.addf %add3A_403, %gather3A_410 : vector<16xf32>
      %mul3A_412 = arith.constant 1.562500e-02 : f32
      %mul3A_413 = vector.broadcast %mul3A_412 : f32 to vector<16xf32>
      %mul3A_414 = arith.mulf %add3A_379, %mul3A_413 : vector<16xf32>
      %mul3A_415 = arith.constant 1.562500e-02 : f32
      %mul3A_416 = vector.broadcast %mul3A_415 : f32 to vector<16xf32>
      %mul3A_417 = arith.mulf %add3A_411, %mul3A_416 : vector<16xf32>
      %mul3A_418 = arith.mulf %mul3A_414, %mul3A_414 : vector<16xf32>
      %sub3A_419 = arith.subf %mul3A_417, %mul3A_418 : vector<16xf32>
      %add3A_420 = arith.constant 9.99999996E-13 : f32
      %add3A_421 = vector.broadcast %add3A_420 : f32 to vector<16xf32>
      %add3A_422 = arith.addf %sub3A_419, %add3A_421 : vector<16xf32>
      %bitcast_convert_type3A_423 = tpu.bitcast %add3A_422 : vector<16xf32> -> vector<16xi32>
      %shift_right_arithmetic3A_424 = arith.constant 1 : i32
      %shift_right_arithmetic3A_425 = vector.broadcast %shift_right_arithmetic3A_424 : i32 to vector<16xi32>
      %shift_right_arithmetic3A_426 = arith.shrsi %bitcast_convert_type3A_423, %shift_right_arithmetic3A_425 : vector<16xi32>
      %sub3A_427 = arith.constant 1597463007 : i32
      %sub3A_428 = vector.broadcast %sub3A_427 : i32 to vector<16xi32>
      %sub3A_429 = arith.subi %sub3A_428, %shift_right_arithmetic3A_426 : vector<16xi32>
      %bitcast_convert_type3A_430 = tpu.bitcast %sub3A_429 : vector<16xi32> -> vector<16xf32>
      %mul3A_431 = arith.constant 5.000000e-01 : f32
      %mul3A_432 = vector.broadcast %mul3A_431 : f32 to vector<16xf32>
      %mul3A_433 = arith.mulf %add3A_422, %mul3A_432 : vector<16xf32>
      %mul3A_434 = arith.mulf %mul3A_433, %bitcast_convert_type3A_430 : vector<16xf32>
      %mul3A_435 = arith.mulf %mul3A_434, %bitcast_convert_type3A_430 : vector<16xf32>
      %sub3A_436 = arith.constant 1.500000e+00 : f32
      %sub3A_437 = vector.broadcast %sub3A_436 : f32 to vector<16xf32>
      %sub3A_438 = arith.subf %sub3A_437, %mul3A_435 : vector<16xf32>
      %mul3A_439 = arith.mulf %bitcast_convert_type3A_430, %sub3A_438 : vector<16xf32>
      %mul3A_440 = arith.mulf %mul3A_433, %mul3A_439 : vector<16xf32>
      %mul3A_441 = arith.mulf %mul3A_440, %mul3A_439 : vector<16xf32>
      %sub3A_442 = arith.constant 1.500000e+00 : f32
      %sub3A_443 = vector.broadcast %sub3A_442 : f32 to vector<16xf32>
      %sub3A_444 = arith.subf %sub3A_443, %mul3A_441 : vector<16xf32>
      %mul3A_445 = arith.mulf %mul3A_439, %sub3A_444 : vector<16xf32>
      %sub3A_446 = arith.subf %add3A_334, %mul3A_414 : vector<16xf32>
      %mul3A_447 = arith.mulf %mul3A_445, %get3A_4 : vector<16xf32>
      %mul3A_448 = arith.mulf %sub3A_446, %mul3A_447 : vector<16xf32>
      %add3A_449 = arith.addf %mul3A_448, %get3A_24 : vector<16xf32>
      %sub3A_450 = arith.subf %add3A_335, %mul3A_414 : vector<16xf32>
      %mul3A_451 = arith.mulf %mul3A_445, %get3A_9 : vector<16xf32>
      %mul3A_452 = arith.mulf %sub3A_450, %mul3A_451 : vector<16xf32>
      %add3A_453 = arith.addf %mul3A_452, %get3A_29 : vector<16xf32>
      %sub3A_454 = arith.subf %add3A_336, %mul3A_414 : vector<16xf32>
      %mul3A_455 = arith.mulf %mul3A_445, %get3A_14 : vector<16xf32>
      %mul3A_456 = arith.mulf %sub3A_454, %mul3A_455 : vector<16xf32>
      %add3A_457 = arith.addf %mul3A_456, %get3A_34 : vector<16xf32>
      %sub3A_458 = arith.subf %add3A_337, %mul3A_414 : vector<16xf32>
      %mul3A_459 = arith.mulf %mul3A_445, %get3A_19 : vector<16xf32>
      %mul3A_460 = arith.mulf %sub3A_458, %mul3A_459 : vector<16xf32>
      %add3A_461 = arith.addf %mul3A_460, %get3A_39 : vector<16xf32>
      %swap3A = arith.index_cast %scan3A_139 : i32 to index
      %swap3A_462 = arith.constant 0 : index
      %swap3A_463 = tpu.vector_load %arg14[%swap3A, %swap3A_462] {strides = array<i32>} : memref<64x128xf32, #tpu.memory_space<vmem>>, vector<1x16xf32>,
      %swap3A_464 = vector.shape_cast %swap3A_463 : vector<1x16xf32> to vector<16xf32>
      %swap3A_465 = vector.shape_cast %add3A_321 : vector<16xf32> to vector<1x16xf32>
      tpu.vector_store %arg14[%swap3A, %swap3A_462], %swap3A_465 {strides = array<i32>} : memref<64x128xf32, #tpu.memory_space<vmem>>, vector<1x16xf32>,
      %swap3A_466 = arith.index_cast %scan3A_139 : i32 to index
      %swap3A_467 = arith.constant 64 : index
      %swap3A_468 = tpu.vector_load %arg14[%swap3A_466, %swap3A_467] {strides = array<i32>} : memref<64x128xf32, #tpu.memory_space<vmem>>, vector<1x16xf32>,
      %swap3A_469 = vector.shape_cast %swap3A_468 : vector<1x16xf32> to vector<16xf32>
      %swap3A_470 = vector.shape_cast %add3A_449 : vector<16xf32> to vector<1x16xf32>
      tpu.vector_store %arg14[%swap3A_466, %swap3A_467], %swap3A_470 {strides = array<i32>} : memref<64x128xf32, #tpu.memory_space<vmem>>, vector<1x16xf32>,
      %swap3A_471 = arith.index_cast %scan3A_139 : i32 to index
      %swap3A_472 = arith.constant 16 : index
      %swap3A_473 = tpu.vector_load %arg14[%swap3A_471, %swap3A_472] {strides = array<i32>} : memref<64x128xf32, #tpu.memory_space<vmem>>, vector<1x16xf32>,
      %swap3A_474 = vector.shape_cast %swap3A_473 : vector<1x16xf32> to vector<16xf32>
      %swap3A_475 = vector.shape_cast %add3A_325 : vector<16xf32> to vector<1x16xf32>
      tpu.vector_store %arg14[%swap3A_471, %swap3A_472], %swap3A_475 {strides = array<i32>} : memref<64x128xf32, #tpu.memory_space<vmem>>, vector<1x16xf32>,
      %swap3A_476 = arith.index_cast %scan3A_139 : i32 to index
      %swap3A_477 = arith.constant 80 : index
      %swap3A_478 = tpu.vector_load %arg14[%swap3A_476, %swap3A_477] {strides = array<i32>} : memref<64x128xf32, #tpu.memory_space<vmem>>, vector<1x16xf32>,
      %swap3A_479 = vector.shape_cast %swap3A_478 : vector<1x16xf32> to vector<16xf32>
      %swap3A_480 = vector.shape_cast %add3A_453 : vector<16xf32> to vector<1x16xf32>
      tpu.vector_store %arg14[%swap3A_476, %swap3A_477], %swap3A_480 {strides = array<i32>} : memref<64x128xf32, #tpu.memory_space<vmem>>, vector<1x16xf32>,
      %swap3A_481 = arith.index_cast %scan3A_139 : i32 to index
      %swap3A_482 = arith.constant 32 : index
      %swap3A_483 = tpu.vector_load %arg14[%swap3A_481, %swap3A_482] {strides = array<i32>} : memref<64x128xf32, #tpu.memory_space<vmem>>, vector<1x16xf32>,
      %swap3A_484 = vector.shape_cast %swap3A_483 : vector<1x16xf32> to vector<16xf32>
      %swap3A_485 = vector.shape_cast %add3A_329 : vector<16xf32> to vector<1x16xf32>
      tpu.vector_store %arg14[%swap3A_481, %swap3A_482], %swap3A_485 {strides = array<i32>} : memref<64x128xf32, #tpu.memory_space<vmem>>, vector<1x16xf32>,
      %swap3A_486 = arith.index_cast %scan3A_139 : i32 to index
      %swap3A_487 = arith.constant 96 : index
      %swap3A_488 = tpu.vector_load %arg14[%swap3A_486, %swap3A_487] {strides = array<i32>} : memref<64x128xf32, #tpu.memory_space<vmem>>, vector<1x16xf32>,
      %swap3A_489 = vector.shape_cast %swap3A_488 : vector<1x16xf32> to vector<16xf32>
      %swap3A_490 = vector.shape_cast %add3A_457 : vector<16xf32> to vector<1x16xf32>
      tpu.vector_store %arg14[%swap3A_486, %swap3A_487], %swap3A_490 {strides = array<i32>} : memref<64x128xf32, #tpu.memory_space<vmem>>, vector<1x16xf32>,
      %swap3A_491 = arith.index_cast %scan3A_139 : i32 to index
      %swap3A_492 = arith.constant 48 : index
      %swap3A_493 = tpu.vector_load %arg14[%swap3A_491, %swap3A_492] {strides = array<i32>} : memref<64x128xf32, #tpu.memory_space<vmem>>, vector<1x16xf32>,
      %swap3A_494 = vector.shape_cast %swap3A_493 : vector<1x16xf32> to vector<16xf32>
      %swap3A_495 = vector.shape_cast %add3A_333 : vector<16xf32> to vector<1x16xf32>
      tpu.vector_store %arg14[%swap3A_491, %swap3A_492], %swap3A_495 {strides = array<i32>} : memref<64x128xf32, #tpu.memory_space<vmem>>, vector<1x16xf32>,
      %swap3A_496 = arith.index_cast %scan3A_139 : i32 to index
      %swap3A_497 = arith.constant 112 : index
      %swap3A_498 = tpu.vector_load %arg14[%swap3A_496, %swap3A_497] {strides = array<i32>} : memref<64x128xf32, #tpu.memory_space<vmem>>, vector<1x16xf32>,
      %swap3A_499 = vector.shape_cast %swap3A_498 : vector<1x16xf32> to vector<16xf32>
      %swap3A_500 = vector.shape_cast %add3A_461 : vector<16xf32> to vector<1x16xf32>
      tpu.vector_store %arg14[%swap3A_496, %swap3A_497], %swap3A_500 {strides = array<i32>} : memref<64x128xf32, #tpu.memory_space<vmem>>, vector<1x16xf32>,
      %add3A_501 = arith.constant 1 : i32
      %add3A_502 = arith.addi %select_n3A_144, %add3A_501 : i32
      %eq3A_503 = arith.constant 200 : i32
      %eq3A_504 = arith.cmpi eq, %add3A_502, %eq3A_503 : i32
      %select_n3A_505 = arith.constant 0 : i32
      %select_n3A_506 = arith.select %eq3A_504, %select_n3A_505, %add3A_502 : i32
      %scan3A_507 = arith.constant 1 : i32
      %scan3A_508 = arith.addi %scan3A_139, %scan3A_507 : i32
      %add3A_509 = arith.constant 1 : i32
      %add3A_510 = arith.addi %select_n3A_506, %add3A_509 : i32
      %eq3A_511 = arith.constant 200 : i32
      %eq3A_512 = arith.cmpi eq, %add3A_510, %eq3A_511 : i32
      %select_n3A_513 = arith.constant 0 : i32
      %select_n3A_514 = arith.select %eq3A_512, %select_n3A_513, %add3A_510 : i32
      %mul3A_515 = arith.constant 2 : i32
      %mul3A_516 = arith.muli %mul3A_515, %scan3A_508 : i32
      %add3A_517 = arith.constant 1 : i32
      %add3A_518 = arith.addi %mul3A_516, %add3A_517 : i32
      %get3A_519 = arith.index_cast %mul3A_516 : i32 to index
      %get3A_520 = arith.constant 0 : index
      %get3A_521 = tpu.vector_load %arg10[%get3A_519, %get3A_520] {strides = array<i32>} : memref<128x64xf32, #tpu.memory_space<vmem>>, vector<1x16xf32>,
      %get3A_522 = vector.shape_cast %get3A_521 : vector<1x16xf32> to vector<16xf32>
      %get3A_523 = arith.index_cast %mul3A_516 : i32 to index
      %get3A_524 = arith.constant 16 : index
      %get3A_525 = tpu.vector_load %arg10[%get3A_523, %get3A_524] {strides = array<i32>} : memref<128x64xf32, #tpu.memory_space<vmem>>, vector<1x16xf32>,
      %get3A_526 = vector.shape_cast %get3A_525 : vector<1x16xf32> to vector<16xf32>
      %get3A_527 = arith.index_cast %mul3A_516 : i32 to index
      %get3A_528 = arith.constant 32 : index
      %get3A_529 = tpu.vector_load %arg10[%get3A_527, %get3A_528] {strides = array<i32>} : memref<128x64xf32, #tpu.memory_space<vmem>>, vector<1x16xf32>,
      %get3A_530 = vector.shape_cast %get3A_529 : vector<1x16xf32> to vector<16xf32>
      %get3A_531 = arith.index_cast %mul3A_516 : i32 to index
      %get3A_532 = arith.constant 48 : index
      %get3A_533 = tpu.vector_load %arg10[%get3A_531, %get3A_532] {strides = array<i32>} : memref<128x64xf32, #tpu.memory_space<vmem>>, vector<1x16xf32>,
      %get3A_534 = vector.shape_cast %get3A_533 : vector<1x16xf32> to vector<16xf32>
      %get3A_535 = arith.index_cast %add3A_518 : i32 to index
      %get3A_536 = arith.constant 0 : index
      %get3A_537 = tpu.vector_load %arg10[%get3A_535, %get3A_536] {strides = array<i32>} : memref<128x64xf32, #tpu.memory_space<vmem>>, vector<1x16xf32>,
      %get3A_538 = vector.shape_cast %get3A_537 : vector<1x16xf32> to vector<16xf32>
      %get3A_539 = arith.index_cast %add3A_518 : i32 to index
      %get3A_540 = arith.constant 16 : index
      %get3A_541 = tpu.vector_load %arg10[%get3A_539, %get3A_540] {strides = array<i32>} : memref<128x64xf32, #tpu.memory_space<vmem>>, vector<1x16xf32>,
      %get3A_542 = vector.shape_cast %get3A_541 : vector<1x16xf32> to vector<16xf32>
      %get3A_543 = arith.index_cast %add3A_518 : i32 to index
      %get3A_544 = arith.constant 32 : index
      %get3A_545 = tpu.vector_load %arg10[%get3A_543, %get3A_544] {strides = array<i32>} : memref<128x64xf32, #tpu.memory_space<vmem>>, vector<1x16xf32>,
      %get3A_546 = vector.shape_cast %get3A_545 : vector<1x16xf32> to vector<16xf32>
      %get3A_547 = arith.index_cast %add3A_518 : i32 to index
      %get3A_548 = arith.constant 48 : index
      %get3A_549 = tpu.vector_load %arg10[%get3A_547, %get3A_548] {strides = array<i32>} : memref<128x64xf32, #tpu.memory_space<vmem>>, vector<1x16xf32>,
      %get3A_550 = vector.shape_cast %get3A_549 : vector<1x16xf32> to vector<16xf32>
      %get3A_551 = arith.index_cast %select_n3A_506 : i32 to index
      %get3A_552 = arith.constant 0 : index
      %get3A_553 = tpu.vector_load %arg8[%get3A_551, %get3A_552] {strides = array<i32>} : memref<200x64xf32, #tpu.memory_space<vmem>>, vector<1x16xf32>,
      %get3A_554 = vector.shape_cast %get3A_553 : vector<1x16xf32> to vector<16xf32>
      %get3A_555 = arith.index_cast %select_n3A_506 : i32 to index
      %get3A_556 = arith.constant 16 : index
      %get3A_557 = tpu.vector_load %arg8[%get3A_555, %get3A_556] {strides = array<i32>} : memref<200x64xf32, #tpu.memory_space<vmem>>, vector<1x16xf32>,
      %get3A_558 = vector.shape_cast %get3A_557 : vector<1x16xf32> to vector<16xf32>
      %get3A_559 = arith.index_cast %select_n3A_506 : i32 to index
      %get3A_560 = arith.constant 32 : index
      %get3A_561 = tpu.vector_load %arg8[%get3A_559, %get3A_560] {strides = array<i32>} : memref<200x64xf32, #tpu.memory_space<vmem>>, vector<1x16xf32>,
      %get3A_562 = vector.shape_cast %get3A_561 : vector<1x16xf32> to vector<16xf32>
      %get3A_563 = arith.index_cast %select_n3A_506 : i32 to index
      %get3A_564 = arith.constant 48 : index
      %get3A_565 = tpu.vector_load %arg8[%get3A_563, %get3A_564] {strides = array<i32>} : memref<200x64xf32, #tpu.memory_space<vmem>>, vector<1x16xf32>,
      %get3A_566 = vector.shape_cast %get3A_565 : vector<1x16xf32> to vector<16xf32>
      %get3A_567 = arith.index_cast %select_n3A_514 : i32 to index
      %get3A_568 = arith.constant 0 : index
      %get3A_569 = tpu.vector_load %arg8[%get3A_567, %get3A_568] {strides = array<i32>} : memref<200x64xf32, #tpu.memory_space<vmem>>, vector<1x16xf32>,
      %get3A_570 = vector.shape_cast %get3A_569 : vector<1x16xf32> to vector<16xf32>
      %get3A_571 = arith.index_cast %select_n3A_514 : i32 to index
      %get3A_572 = arith.constant 16 : index
      %get3A_573 = tpu.vector_load %arg8[%get3A_571, %get3A_572] {strides = array<i32>} : memref<200x64xf32, #tpu.memory_space<vmem>>, vector<1x16xf32>,
      %get3A_574 = vector.shape_cast %get3A_573 : vector<1x16xf32> to vector<16xf32>
      %get3A_575 = arith.index_cast %select_n3A_514 : i32 to index
      %get3A_576 = arith.constant 32 : index
      %get3A_577 = tpu.vector_load %arg8[%get3A_575, %get3A_576] {strides = array<i32>} : memref<200x64xf32, #tpu.memory_space<vmem>>, vector<1x16xf32>,
      %get3A_578 = vector.shape_cast %get3A_577 : vector<1x16xf32> to vector<16xf32>
      %get3A_579 = arith.index_cast %select_n3A_514 : i32 to index
      %get3A_580 = arith.constant 48 : index
      %get3A_581 = tpu.vector_load %arg8[%get3A_579, %get3A_580] {strides = array<i32>} : memref<200x64xf32, #tpu.memory_space<vmem>>, vector<1x16xf32>,
      %get3A_582 = vector.shape_cast %get3A_581 : vector<1x16xf32> to vector<16xf32>
      %add3A_583 = arith.addf %get3A_522, %get3A_554 : vector<16xf32>
      %add3A_584 = arith.addf %get3A_526, %get3A_558 : vector<16xf32>
      %add3A_585 = arith.addf %get3A_530, %get3A_562 : vector<16xf32>
      %add3A_586 = arith.addf %get3A_534, %get3A_566 : vector<16xf32>
      %add3A_587 = arith.addf %add3A_583, %add3A_584 : vector<16xf32>
      %add3A_588 = arith.addf %add3A_585, %add3A_586 : vector<16xf32>
      %add3A_589 = arith.addf %add3A_587, %add3A_588 : vector<16xf32>
      %mul3A_590 = arith.mulf %add3A_583, %add3A_583 : vector<16xf32>
      %mul3A_591 = arith.mulf %add3A_584, %add3A_584 : vector<16xf32>
      %add3A_592 = arith.addf %mul3A_590, %mul3A_591 : vector<16xf32>
      %mul3A_593 = arith.mulf %add3A_585, %add3A_585 : vector<16xf32>
      %mul3A_594 = arith.mulf %add3A_586, %add3A_586 : vector<16xf32>
      %add3A_595 = arith.addf %mul3A_593, %mul3A_594 : vector<16xf32>
      %add3A_596 = arith.addf %add3A_592, %add3A_595 : vector<16xf32>
      %iota3A_597 = tpu.iota {dimensions = array<i32: 0>} : vector<16xi32>
      %xor3A_598 = arith.constant 8 : i32
      %xor3A_599 = vector.broadcast %xor3A_598 : i32 to vector<16xi32>
      %xor3A_600 = arith.xori %iota3A_597, %xor3A_599 : vector<16xi32>
      %broadcast_in_dim3A_601 = vector.shape_cast %xor3A_600 : vector<16xi32> to vector<16x1xi32>
      %gather3A_602 = vector.shape_cast %broadcast_in_dim3A_601 : vector<16x1xi32> to vector<16xi32>
      %gather3A_603 = tpu.dynamic_gather %add3A_589[%gather3A_602] in [0] : vector<16xf32>, vector<16xi32> -> vector<16xf32>
      %add3A_604 = arith.addf %add3A_589, %gather3A_603 : vector<16xf32>
      %iota3A_605 = tpu.iota {dimensions = array<i32: 0>} : vector<16xi32>
      %xor3A_606 = arith.constant 4 : i32
      %xor3A_607 = vector.broadcast %xor3A_606 : i32 to vector<16xi32>
      %xor3A_608 = arith.xori %iota3A_605, %xor3A_607 : vector<16xi32>
      %broadcast_in_dim3A_609 = vector.shape_cast %xor3A_608 : vector<16xi32> to vector<16x1xi32>
      %gather3A_610 = vector.shape_cast %broadcast_in_dim3A_609 : vector<16x1xi32> to vector<16xi32>
      %gather3A_611 = tpu.dynamic_gather %add3A_604[%gather3A_610] in [0] : vector<16xf32>, vector<16xi32> -> vector<16xf32>
      %add3A_612 = arith.addf %add3A_604, %gather3A_611 : vector<16xf32>
      %iota3A_613 = tpu.iota {dimensions = array<i32: 0>} : vector<16xi32>
      %xor3A_614 = arith.constant 2 : i32
      %xor3A_615 = vector.broadcast %xor3A_614 : i32 to vector<16xi32>
      %xor3A_616 = arith.xori %iota3A_613, %xor3A_615 : vector<16xi32>
      %broadcast_in_dim3A_617 = vector.shape_cast %xor3A_616 : vector<16xi32> to vector<16x1xi32>
      %gather3A_618 = vector.shape_cast %broadcast_in_dim3A_617 : vector<16x1xi32> to vector<16xi32>
      %gather3A_619 = tpu.dynamic_gather %add3A_612[%gather3A_618] in [0] : vector<16xf32>, vector<16xi32> -> vector<16xf32>
      %add3A_620 = arith.addf %add3A_612, %gather3A_619 : vector<16xf32>
      %iota3A_621 = tpu.iota {dimensions = array<i32: 0>} : vector<16xi32>
      %xor3A_622 = arith.constant 1 : i32
      %xor3A_623 = vector.broadcast %xor3A_622 : i32 to vector<16xi32>
      %xor3A_624 = arith.xori %iota3A_621, %xor3A_623 : vector<16xi32>
      %broadcast_in_dim3A_625 = vector.shape_cast %xor3A_624 : vector<16xi32> to vector<16x1xi32>
      %gather3A_626 = vector.shape_cast %broadcast_in_dim3A_625 : vector<16x1xi32> to vector<16xi32>
      %gather3A_627 = tpu.dynamic_gather %add3A_620[%gather3A_626] in [0] : vector<16xf32>, vector<16xi32> -> vector<16xf32>
      %add3A_628 = arith.addf %add3A_620, %gather3A_627 : vector<16xf32>
      %iota3A_629 = tpu.iota {dimensions = array<i32: 0>} : vector<16xi32>
      %xor3A_630 = arith.constant 8 : i32
      %xor3A_631 = vector.broadcast %xor3A_630 : i32 to vector<16xi32>
      %xor3A_632 = arith.xori %iota3A_629, %xor3A_631 : vector<16xi32>
      %broadcast_in_dim3A_633 = vector.shape_cast %xor3A_632 : vector<16xi32> to vector<16x1xi32>
      %gather3A_634 = vector.shape_cast %broadcast_in_dim3A_633 : vector<16x1xi32> to vector<16xi32>
      %gather3A_635 = tpu.dynamic_gather %add3A_596[%gather3A_634] in [0] : vector<16xf32>, vector<16xi32> -> vector<16xf32>
      %add3A_636 = arith.addf %add3A_596, %gather3A_635 : vector<16xf32>
      %iota3A_637 = tpu.iota {dimensions = array<i32: 0>} : vector<16xi32>
      %xor3A_638 = arith.constant 4 : i32
      %xor3A_639 = vector.broadcast %xor3A_638 : i32 to vector<16xi32>
      %xor3A_640 = arith.xori %iota3A_637, %xor3A_639 : vector<16xi32>
      %broadcast_in_dim3A_641 = vector.shape_cast %xor3A_640 : vector<16xi32> to vector<16x1xi32>
      %gather3A_642 = vector.shape_cast %broadcast_in_dim3A_641 : vector<16x1xi32> to vector<16xi32>
      %gather3A_643 = tpu.dynamic_gather %add3A_636[%gather3A_642] in [0] : vector<16xf32>, vector<16xi32> -> vector<16xf32>
      %add3A_644 = arith.addf %add3A_636, %gather3A_643 : vector<16xf32>
      %iota3A_645 = tpu.iota {dimensions = array<i32: 0>} : vector<16xi32>
      %xor3A_646 = arith.constant 2 : i32
      %xor3A_647 = vector.broadcast %xor3A_646 : i32 to vector<16xi32>
      %xor3A_648 = arith.xori %iota3A_645, %xor3A_647 : vector<16xi32>
      %broadcast_in_dim3A_649 = vector.shape_cast %xor3A_648 : vector<16xi32> to vector<16x1xi32>
      %gather3A_650 = vector.shape_cast %broadcast_in_dim3A_649 : vector<16x1xi32> to vector<16xi32>
      %gather3A_651 = tpu.dynamic_gather %add3A_644[%gather3A_650] in [0] : vector<16xf32>, vector<16xi32> -> vector<16xf32>
      %add3A_652 = arith.addf %add3A_644, %gather3A_651 : vector<16xf32>
      %iota3A_653 = tpu.iota {dimensions = array<i32: 0>} : vector<16xi32>
      %xor3A_654 = arith.constant 1 : i32
      %xor3A_655 = vector.broadcast %xor3A_654 : i32 to vector<16xi32>
      %xor3A_656 = arith.xori %iota3A_653, %xor3A_655 : vector<16xi32>
      %broadcast_in_dim3A_657 = vector.shape_cast %xor3A_656 : vector<16xi32> to vector<16x1xi32>
      %gather3A_658 = vector.shape_cast %broadcast_in_dim3A_657 : vector<16x1xi32> to vector<16xi32>
      %gather3A_659 = tpu.dynamic_gather %add3A_652[%gather3A_658] in [0] : vector<16xf32>, vector<16xi32> -> vector<16xf32>
      %add3A_660 = arith.addf %add3A_652, %gather3A_659 : vector<16xf32>
      %mul3A_661 = arith.constant 1.562500e-02 : f32
      %mul3A_662 = vector.broadcast %mul3A_661 : f32 to vector<16xf32>
      %mul3A_663 = arith.mulf %add3A_628, %mul3A_662 : vector<16xf32>
      %mul3A_664 = arith.constant 1.562500e-02 : f32
      %mul3A_665 = vector.broadcast %mul3A_664 : f32 to vector<16xf32>
      %mul3A_666 = arith.mulf %add3A_660, %mul3A_665 : vector<16xf32>
      %mul3A_667 = arith.mulf %mul3A_663, %mul3A_663 : vector<16xf32>
      %sub3A_668 = arith.subf %mul3A_666, %mul3A_667 : vector<16xf32>
      %add3A_669 = arith.constant 9.99999996E-13 : f32
      %add3A_670 = vector.broadcast %add3A_669 : f32 to vector<16xf32>
      %add3A_671 = arith.addf %sub3A_668, %add3A_670 : vector<16xf32>
      %bitcast_convert_type3A_672 = tpu.bitcast %add3A_671 : vector<16xf32> -> vector<16xi32>
      %shift_right_arithmetic3A_673 = arith.constant 1 : i32
      %shift_right_arithmetic3A_674 = vector.broadcast %shift_right_arithmetic3A_673 : i32 to vector<16xi32>
      %shift_right_arithmetic3A_675 = arith.shrsi %bitcast_convert_type3A_672, %shift_right_arithmetic3A_674 : vector<16xi32>
      %sub3A_676 = arith.constant 1597463007 : i32
      %sub3A_677 = vector.broadcast %sub3A_676 : i32 to vector<16xi32>
      %sub3A_678 = arith.subi %sub3A_677, %shift_right_arithmetic3A_675 : vector<16xi32>
      %bitcast_convert_type3A_679 = tpu.bitcast %sub3A_678 : vector<16xi32> -> vector<16xf32>
      %mul3A_680 = arith.constant 5.000000e-01 : f32
      %mul3A_681 = vector.broadcast %mul3A_680 : f32 to vector<16xf32>
      %mul3A_682 = arith.mulf %add3A_671, %mul3A_681 : vector<16xf32>
      %mul3A_683 = arith.mulf %mul3A_682, %bitcast_convert_type3A_679 : vector<16xf32>
      %mul3A_684 = arith.mulf %mul3A_683, %bitcast_convert_type3A_679 : vector<16xf32>
      %sub3A_685 = arith.constant 1.500000e+00 : f32
      %sub3A_686 = vector.broadcast %sub3A_685 : f32 to vector<16xf32>
      %sub3A_687 = arith.subf %sub3A_686, %mul3A_684 : vector<16xf32>
      %mul3A_688 = arith.mulf %bitcast_convert_type3A_679, %sub3A_687 : vector<16xf32>
      %mul3A_689 = arith.mulf %mul3A_682, %mul3A_688 : vector<16xf32>
      %mul3A_690 = arith.mulf %mul3A_689, %mul3A_688 : vector<16xf32>
      %sub3A_691 = arith.constant 1.500000e+00 : f32
      %sub3A_692 = vector.broadcast %sub3A_691 : f32 to vector<16xf32>
      %sub3A_693 = arith.subf %sub3A_692, %mul3A_690 : vector<16xf32>
      %mul3A_694 = arith.mulf %mul3A_688, %sub3A_693 : vector<16xf32>
      %sub3A_695 = arith.subf %add3A_583, %mul3A_663 : vector<16xf32>
      %mul3A_696 = arith.mulf %mul3A_694, %get3A_4 : vector<16xf32>
      %mul3A_697 = arith.mulf %sub3A_695, %mul3A_696 : vector<16xf32>
      %add3A_698 = arith.addf %mul3A_697, %get3A_24 : vector<16xf32>
      %sub3A_699 = arith.subf %add3A_584, %mul3A_663 : vector<16xf32>
      %mul3A_700 = arith.mulf %mul3A_694, %get3A_9 : vector<16xf32>
      %mul3A_701 = arith.mulf %sub3A_699, %mul3A_700 : vector<16xf32>
      %add3A_702 = arith.addf %mul3A_701, %get3A_29 : vector<16xf32>
      %sub3A_703 = arith.subf %add3A_585, %mul3A_663 : vector<16xf32>
      %mul3A_704 = arith.mulf %mul3A_694, %get3A_14 : vector<16xf32>
      %mul3A_705 = arith.mulf %sub3A_703, %mul3A_704 : vector<16xf32>
      %add3A_706 = arith.addf %mul3A_705, %get3A_34 : vector<16xf32>
      %sub3A_707 = arith.subf %add3A_586, %mul3A_663 : vector<16xf32>
      %mul3A_708 = arith.mulf %mul3A_694, %get3A_19 : vector<16xf32>
      %mul3A_709 = arith.mulf %sub3A_707, %mul3A_708 : vector<16xf32>
      %add3A_710 = arith.addf %mul3A_709, %get3A_39 : vector<16xf32>
      %add3A_711 = arith.addf %get3A_538, %get3A_570 : vector<16xf32>
      %add3A_712 = arith.addf %get3A_542, %get3A_574 : vector<16xf32>
      %add3A_713 = arith.addf %get3A_546, %get3A_578 : vector<16xf32>
      %add3A_714 = arith.addf %get3A_550, %get3A_582 : vector<16xf32>
      %add3A_715 = arith.addf %add3A_711, %add3A_712 : vector<16xf32>
      %add3A_716 = arith.addf %add3A_713, %add3A_714 : vector<16xf32>
      %add3A_717 = arith.addf %add3A_715, %add3A_716 : vector<16xf32>
      %mul3A_718 = arith.mulf %add3A_711, %add3A_711 : vector<16xf32>
      %mul3A_719 = arith.mulf %add3A_712, %add3A_712 : vector<16xf32>
      %add3A_720 = arith.addf %mul3A_718, %mul3A_719 : vector<16xf32>
      %mul3A_721 = arith.mulf %add3A_713, %add3A_713 : vector<16xf32>
      %mul3A_722 = arith.mulf %add3A_714, %add3A_714 : vector<16xf32>
      %add3A_723 = arith.addf %mul3A_721, %mul3A_722 : vector<16xf32>
      %add3A_724 = arith.addf %add3A_720, %add3A_723 : vector<16xf32>
      %iota3A_725 = tpu.iota {dimensions = array<i32: 0>} : vector<16xi32>
      %xor3A_726 = arith.constant 8 : i32
      %xor3A_727 = vector.broadcast %xor3A_726 : i32 to vector<16xi32>
      %xor3A_728 = arith.xori %iota3A_725, %xor3A_727 : vector<16xi32>
      %broadcast_in_dim3A_729 = vector.shape_cast %xor3A_728 : vector<16xi32> to vector<16x1xi32>
      %gather3A_730 = vector.shape_cast %broadcast_in_dim3A_729 : vector<16x1xi32> to vector<16xi32>
      %gather3A_731 = tpu.dynamic_gather %add3A_717[%gather3A_730] in [0] : vector<16xf32>, vector<16xi32> -> vector<16xf32>
      %add3A_732 = arith.addf %add3A_717, %gather3A_731 : vector<16xf32>
      %iota3A_733 = tpu.iota {dimensions = array<i32: 0>} : vector<16xi32>
      %xor3A_734 = arith.constant 4 : i32
      %xor3A_735 = vector.broadcast %xor3A_734 : i32 to vector<16xi32>
      %xor3A_736 = arith.xori %iota3A_733, %xor3A_735 : vector<16xi32>
      %broadcast_in_dim3A_737 = vector.shape_cast %xor3A_736 : vector<16xi32> to vector<16x1xi32>
      %gather3A_738 = vector.shape_cast %broadcast_in_dim3A_737 : vector<16x1xi32> to vector<16xi32>
      %gather3A_739 = tpu.dynamic_gather %add3A_732[%gather3A_738] in [0] : vector<16xf32>, vector<16xi32> -> vector<16xf32>
      %add3A_740 = arith.addf %add3A_732, %gather3A_739 : vector<16xf32>
      %iota3A_741 = tpu.iota {dimensions = array<i32: 0>} : vector<16xi32>
      %xor3A_742 = arith.constant 2 : i32
      %xor3A_743 = vector.broadcast %xor3A_742 : i32 to vector<16xi32>
      %xor3A_744 = arith.xori %iota3A_741, %xor3A_743 : vector<16xi32>
      %broadcast_in_dim3A_745 = vector.shape_cast %xor3A_744 : vector<16xi32> to vector<16x1xi32>
      %gather3A_746 = vector.shape_cast %broadcast_in_dim3A_745 : vector<16x1xi32> to vector<16xi32>
      %gather3A_747 = tpu.dynamic_gather %add3A_740[%gather3A_746] in [0] : vector<16xf32>, vector<16xi32> -> vector<16xf32>
      %add3A_748 = arith.addf %add3A_740, %gather3A_747 : vector<16xf32>
      %iota3A_749 = tpu.iota {dimensions = array<i32: 0>} : vector<16xi32>
      %xor3A_750 = arith.constant 1 : i32
      %xor3A_751 = vector.broadcast %xor3A_750 : i32 to vector<16xi32>
      %xor3A_752 = arith.xori %iota3A_749, %xor3A_751 : vector<16xi32>
      %broadcast_in_dim3A_753 = vector.shape_cast %xor3A_752 : vector<16xi32> to vector<16x1xi32>
      %gather3A_754 = vector.shape_cast %broadcast_in_dim3A_753 : vector<16x1xi32> to vector<16xi32>
      %gather3A_755 = tpu.dynamic_gather %add3A_748[%gather3A_754] in [0] : vector<16xf32>, vector<16xi32> -> vector<16xf32>
      %add3A_756 = arith.addf %add3A_748, %gather3A_755 : vector<16xf32>
      %iota3A_757 = tpu.iota {dimensions = array<i32: 0>} : vector<16xi32>
      %xor3A_758 = arith.constant 8 : i32
      %xor3A_759 = vector.broadcast %xor3A_758 : i32 to vector<16xi32>
      %xor3A_760 = arith.xori %iota3A_757, %xor3A_759 : vector<16xi32>
      %broadcast_in_dim3A_761 = vector.shape_cast %xor3A_760 : vector<16xi32> to vector<16x1xi32>
      %gather3A_762 = vector.shape_cast %broadcast_in_dim3A_761 : vector<16x1xi32> to vector<16xi32>
      %gather3A_763 = tpu.dynamic_gather %add3A_724[%gather3A_762] in [0] : vector<16xf32>, vector<16xi32> -> vector<16xf32>
      %add3A_764 = arith.addf %add3A_724, %gather3A_763 : vector<16xf32>
      %iota3A_765 = tpu.iota {dimensions = array<i32: 0>} : vector<16xi32>
      %xor3A_766 = arith.constant 4 : i32
      %xor3A_767 = vector.broadcast %xor3A_766 : i32 to vector<16xi32>
      %xor3A_768 = arith.xori %iota3A_765, %xor3A_767 : vector<16xi32>
      %broadcast_in_dim3A_769 = vector.shape_cast %xor3A_768 : vector<16xi32> to vector<16x1xi32>
      %gather3A_770 = vector.shape_cast %broadcast_in_dim3A_769 : vector<16x1xi32> to vector<16xi32>
      %gather3A_771 = tpu.dynamic_gather %add3A_764[%gather3A_770] in [0] : vector<16xf32>, vector<16xi32> -> vector<16xf32>
      %add3A_772 = arith.addf %add3A_764, %gather3A_771 : vector<16xf32>
      %iota3A_773 = tpu.iota {dimensions = array<i32: 0>} : vector<16xi32>
      %xor3A_774 = arith.constant 2 : i32
      %xor3A_775 = vector.broadcast %xor3A_774 : i32 to vector<16xi32>
      %xor3A_776 = arith.xori %iota3A_773, %xor3A_775 : vector<16xi32>
      %broadcast_in_dim3A_777 = vector.shape_cast %xor3A_776 : vector<16xi32> to vector<16x1xi32>
      %gather3A_778 = vector.shape_cast %broadcast_in_dim3A_777 : vector<16x1xi32> to vector<16xi32>
      %gather3A_779 = tpu.dynamic_gather %add3A_772[%gather3A_778] in [0] : vector<16xf32>, vector<16xi32> -> vector<16xf32>
      %add3A_780 = arith.addf %add3A_772, %gather3A_779 : vector<16xf32>
      %iota3A_781 = tpu.iota {dimensions = array<i32: 0>} : vector<16xi32>
      %xor3A_782 = arith.constant 1 : i32
      %xor3A_783 = vector.broadcast %xor3A_782 : i32 to vector<16xi32>
      %xor3A_784 = arith.xori %iota3A_781, %xor3A_783 : vector<16xi32>
      %broadcast_in_dim3A_785 = vector.shape_cast %xor3A_784 : vector<16xi32> to vector<16x1xi32>
      %gather3A_786 = vector.shape_cast %broadcast_in_dim3A_785 : vector<16x1xi32> to vector<16xi32>
      %gather3A_787 = tpu.dynamic_gather %add3A_780[%gather3A_786] in [0] : vector<16xf32>, vector<16xi32> -> vector<16xf32>
      %add3A_788 = arith.addf %add3A_780, %gather3A_787 : vector<16xf32>
      %mul3A_789 = arith.constant 1.562500e-02 : f32
      %mul3A_790 = vector.broadcast %mul3A_789 : f32 to vector<16xf32>
      %mul3A_791 = arith.mulf %add3A_756, %mul3A_790 : vector<16xf32>
      %mul3A_792 = arith.constant 1.562500e-02 : f32
      %mul3A_793 = vector.broadcast %mul3A_792 : f32 to vector<16xf32>
      %mul3A_794 = arith.mulf %add3A_788, %mul3A_793 : vector<16xf32>
      %mul3A_795 = arith.mulf %mul3A_791, %mul3A_791 : vector<16xf32>
      %sub3A_796 = arith.subf %mul3A_794, %mul3A_795 : vector<16xf32>
      %add3A_797 = arith.constant 9.99999996E-13 : f32
      %add3A_798 = vector.broadcast %add3A_797 : f32 to vector<16xf32>
      %add3A_799 = arith.addf %sub3A_796, %add3A_798 : vector<16xf32>
      %bitcast_convert_type3A_800 = tpu.bitcast %add3A_799 : vector<16xf32> -> vector<16xi32>
      %shift_right_arithmetic3A_801 = arith.constant 1 : i32
      %shift_right_arithmetic3A_802 = vector.broadcast %shift_right_arithmetic3A_801 : i32 to vector<16xi32>
      %shift_right_arithmetic3A_803 = arith.shrsi %bitcast_convert_type3A_800, %shift_right_arithmetic3A_802 : vector<16xi32>
      %sub3A_804 = arith.constant 1597463007 : i32
      %sub3A_805 = vector.broadcast %sub3A_804 : i32 to vector<16xi32>
      %sub3A_806 = arith.subi %sub3A_805, %shift_right_arithmetic3A_803 : vector<16xi32>
      %bitcast_convert_type3A_807 = tpu.bitcast %sub3A_806 : vector<16xi32> -> vector<16xf32>
      %mul3A_808 = arith.constant 5.000000e-01 : f32
      %mul3A_809 = vector.broadcast %mul3A_808 : f32 to vector<16xf32>
      %mul3A_810 = arith.mulf %add3A_799, %mul3A_809 : vector<16xf32>
      %mul3A_811 = arith.mulf %mul3A_810, %bitcast_convert_type3A_807 : vector<16xf32>
      %mul3A_812 = arith.mulf %mul3A_811, %bitcast_convert_type3A_807 : vector<16xf32>
      %sub3A_813 = arith.constant 1.500000e+00 : f32
      %sub3A_814 = vector.broadcast %sub3A_813 : f32 to vector<16xf32>
      %sub3A_815 = arith.subf %sub3A_814, %mul3A_812 : vector<16xf32>
      %mul3A_816 = arith.mulf %bitcast_convert_type3A_807, %sub3A_815 : vector<16xf32>
      %mul3A_817 = arith.mulf %mul3A_810, %mul3A_816 : vector<16xf32>
      %mul3A_818 = arith.mulf %mul3A_817, %mul3A_816 : vector<16xf32>
      %sub3A_819 = arith.constant 1.500000e+00 : f32
      %sub3A_820 = vector.broadcast %sub3A_819 : f32 to vector<16xf32>
      %sub3A_821 = arith.subf %sub3A_820, %mul3A_818 : vector<16xf32>
      %mul3A_822 = arith.mulf %mul3A_816, %sub3A_821 : vector<16xf32>
      %sub3A_823 = arith.subf %add3A_711, %mul3A_791 : vector<16xf32>
      %mul3A_824 = arith.mulf %mul3A_822, %get3A_4 : vector<16xf32>
      %mul3A_825 = arith.mulf %sub3A_823, %mul3A_824 : vector<16xf32>
      %add3A_826 = arith.addf %mul3A_825, %get3A_24 : vector<16xf32>
      %sub3A_827 = arith.subf %add3A_712, %mul3A_791 : vector<16xf32>
      %mul3A_828 = arith.mulf %mul3A_822, %get3A_9 : vector<16xf32>
      %mul3A_829 = arith.mulf %sub3A_827, %mul3A_828 : vector<16xf32>
      %add3A_830 = arith.addf %mul3A_829, %get3A_29 : vector<16xf32>
      %sub3A_831 = arith.subf %add3A_713, %mul3A_791 : vector<16xf32>
      %mul3A_832 = arith.mulf %mul3A_822, %get3A_14 : vector<16xf32>
      %mul3A_833 = arith.mulf %sub3A_831, %mul3A_832 : vector<16xf32>
      %add3A_834 = arith.addf %mul3A_833, %get3A_34 : vector<16xf32>
      %sub3A_835 = arith.subf %add3A_714, %mul3A_791 : vector<16xf32>
      %mul3A_836 = arith.mulf %mul3A_822, %get3A_19 : vector<16xf32>
      %mul3A_837 = arith.mulf %sub3A_835, %mul3A_836 : vector<16xf32>
      %add3A_838 = arith.addf %mul3A_837, %get3A_39 : vector<16xf32>
      %swap3A_839 = arith.index_cast %scan3A_508 : i32 to index
      %swap3A_840 = arith.constant 0 : index
      %swap3A_841 = tpu.vector_load %arg14[%swap3A_839, %swap3A_840] {strides = array<i32>} : memref<64x128xf32, #tpu.memory_space<vmem>>, vector<1x16xf32>,
      %swap3A_842 = vector.shape_cast %swap3A_841 : vector<1x16xf32> to vector<16xf32>
      %swap3A_843 = vector.shape_cast %add3A_698 : vector<16xf32> to vector<1x16xf32>
      tpu.vector_store %arg14[%swap3A_839, %swap3A_840], %swap3A_843 {strides = array<i32>} : memref<64x128xf32, #tpu.memory_space<vmem>>, vector<1x16xf32>,
      %swap3A_844 = arith.index_cast %scan3A_508 : i32 to index
      %swap3A_845 = arith.constant 64 : index
      %swap3A_846 = tpu.vector_load %arg14[%swap3A_844, %swap3A_845] {strides = array<i32>} : memref<64x128xf32, #tpu.memory_space<vmem>>, vector<1x16xf32>,
      %swap3A_847 = vector.shape_cast %swap3A_846 : vector<1x16xf32> to vector<16xf32>
      %swap3A_848 = vector.shape_cast %add3A_826 : vector<16xf32> to vector<1x16xf32>
      tpu.vector_store %arg14[%swap3A_844, %swap3A_845], %swap3A_848 {strides = array<i32>} : memref<64x128xf32, #tpu.memory_space<vmem>>, vector<1x16xf32>,
      %swap3A_849 = arith.index_cast %scan3A_508 : i32 to index
      %swap3A_850 = arith.constant 16 : index
      %swap3A_851 = tpu.vector_load %arg14[%swap3A_849, %swap3A_850] {strides = array<i32>} : memref<64x128xf32, #tpu.memory_space<vmem>>, vector<1x16xf32>,
      %swap3A_852 = vector.shape_cast %swap3A_851 : vector<1x16xf32> to vector<16xf32>
      %swap3A_853 = vector.shape_cast %add3A_702 : vector<16xf32> to vector<1x16xf32>
      tpu.vector_store %arg14[%swap3A_849, %swap3A_850], %swap3A_853 {strides = array<i32>} : memref<64x128xf32, #tpu.memory_space<vmem>>, vector<1x16xf32>,
      %swap3A_854 = arith.index_cast %scan3A_508 : i32 to index
      %swap3A_855 = arith.constant 80 : index
      %swap3A_856 = tpu.vector_load %arg14[%swap3A_854, %swap3A_855] {strides = array<i32>} : memref<64x128xf32, #tpu.memory_space<vmem>>, vector<1x16xf32>,
      %swap3A_857 = vector.shape_cast %swap3A_856 : vector<1x16xf32> to vector<16xf32>
      %swap3A_858 = vector.shape_cast %add3A_830 : vector<16xf32> to vector<1x16xf32>
      tpu.vector_store %arg14[%swap3A_854, %swap3A_855], %swap3A_858 {strides = array<i32>} : memref<64x128xf32, #tpu.memory_space<vmem>>, vector<1x16xf32>,
      %swap3A_859 = arith.index_cast %scan3A_508 : i32 to index
      %swap3A_860 = arith.constant 32 : index
      %swap3A_861 = tpu.vector_load %arg14[%swap3A_859, %swap3A_860] {strides = array<i32>} : memref<64x128xf32, #tpu.memory_space<vmem>>, vector<1x16xf32>,
      %swap3A_862 = vector.shape_cast %swap3A_861 : vector<1x16xf32> to vector<16xf32>
      %swap3A_863 = vector.shape_cast %add3A_706 : vector<16xf32> to vector<1x16xf32>
      tpu.vector_store %arg14[%swap3A_859, %swap3A_860], %swap3A_863 {strides = array<i32>} : memref<64x128xf32, #tpu.memory_space<vmem>>, vector<1x16xf32>,
      %swap3A_864 = arith.index_cast %scan3A_508 : i32 to index
      %swap3A_865 = arith.constant 96 : index
      %swap3A_866 = tpu.vector_load %arg14[%swap3A_864, %swap3A_865] {strides = array<i32>} : memref<64x128xf32, #tpu.memory_space<vmem>>, vector<1x16xf32>,
      %swap3A_867 = vector.shape_cast %swap3A_866 : vector<1x16xf32> to vector<16xf32>
      %swap3A_868 = vector.shape_cast %add3A_834 : vector<16xf32> to vector<1x16xf32>
      tpu.vector_store %arg14[%swap3A_864, %swap3A_865], %swap3A_868 {strides = array<i32>} : memref<64x128xf32, #tpu.memory_space<vmem>>, vector<1x16xf32>,
      %swap3A_869 = arith.index_cast %scan3A_508 : i32 to index
      %swap3A_870 = arith.constant 48 : index
      %swap3A_871 = tpu.vector_load %arg14[%swap3A_869, %swap3A_870] {strides = array<i32>} : memref<64x128xf32, #tpu.memory_space<vmem>>, vector<1x16xf32>,
      %swap3A_872 = vector.shape_cast %swap3A_871 : vector<1x16xf32> to vector<16xf32>
      %swap3A_873 = vector.shape_cast %add3A_710 : vector<16xf32> to vector<1x16xf32>
      tpu.vector_store %arg14[%swap3A_869, %swap3A_870], %swap3A_873 {strides = array<i32>} : memref<64x128xf32, #tpu.memory_space<vmem>>, vector<1x16xf32>,
      %swap3A_874 = arith.index_cast %scan3A_508 : i32 to index
      %swap3A_875 = arith.constant 112 : index
      %swap3A_876 = tpu.vector_load %arg14[%swap3A_874, %swap3A_875] {strides = array<i32>} : memref<64x128xf32, #tpu.memory_space<vmem>>, vector<1x16xf32>,
      %swap3A_877 = vector.shape_cast %swap3A_876 : vector<1x16xf32> to vector<16xf32>
      %swap3A_878 = vector.shape_cast %add3A_838 : vector<16xf32> to vector<1x16xf32>
      tpu.vector_store %arg14[%swap3A_874, %swap3A_875], %swap3A_878 {strides = array<i32>} : memref<64x128xf32, #tpu.memory_space<vmem>>, vector<1x16xf32>,
      %add3A_879 = arith.constant 1 : i32
      %add3A_880 = arith.addi %select_n3A_514, %add3A_879 : i32
      %eq3A_881 = arith.constant 200 : i32
      %eq3A_882 = arith.cmpi eq, %add3A_880, %eq3A_881 : i32
      %select_n3A_883 = arith.constant 0 : i32
      %select_n3A_884 = arith.select %eq3A_882, %select_n3A_883, %add3A_880 : i32
      scf.yield %select_n3A_884 : i32
    }
    %scan3A_84 = arith.constant 64 : i32
    %mul3A_85 = arith.constant 50 : i32
    %mul3A_86 = arith.muli %add3A, %mul3A_85 : i32
    %add3A_87 = arith.constant 48 : i32
    %add3A_88 = arith.addi %mul3A_86, %add3A_87 : i32
    %mul3A_89 = arith.constant 64 : i32
    %mul3A_90 = arith.muli %add3A_88, %mul3A_89 : i32
    %dma_start3A_91 = arith.constant 0 : i32
    %dma_start3A_92 = tpu.memref_slice %arg6[%mul3A_90, %dma_start3A_91] : memref<102400x128xf32, #tpu.memory_space<hbm>> -> memref<64x128xf32, #tpu.memory_space<hbm>>
    %dma_start3A_93 = arith.constant 0 : i32
    %dma_start3A_94 = tpu.memref_slice %arg6[%mul3A_90, %dma_start3A_93] : memref<102400x128xf32, #tpu.memory_space<hbm>> -> memref<64x128xf32, #tpu.memory_space<hbm>>
    tpu.enqueue_dma source(%arg14 : memref<64x128xf32, #tpu.memory_space<vmem>>) target(%dma_start3A_94 : memref<64x128xf32, #tpu.memory_space<hbm>>) target_semaphore(%arg20 : memref<!tpu.dma_semaphore, #tpu.memory_space<semaphore_mem>>)
    %dma_wait3A_95 = arith.constant 0 : i32
    %dma_wait3A_96 = arith.constant 0 : i32
    %dma_wait3A_97 = tpu.memref_slice %arg6[%dma_wait3A_95, %dma_wait3A_96] : memref<102400x128xf32, #tpu.memory_space<hbm>> -> memref<64x128xf32, #tpu.memory_space<hbm>>
    %dma_wait3A_98 = arith.constant 0 : i32
    %dma_wait3A_99 = arith.constant 0 : i32
    %dma_wait3A_100 = tpu.memref_slice %arg6[%dma_wait3A_98, %dma_wait3A_99] : memref<102400x128xf32, #tpu.memory_space<hbm>> -> memref<64x128xf32, #tpu.memory_space<hbm>>
    tpu.wait_dma2 semaphore(%arg21 : memref<!tpu.dma_semaphore, #tpu.memory_space<semaphore_mem>>) src(%arg15 : memref<64x128xf32, #tpu.memory_space<vmem>>) dst(%dma_wait3A_100 : memref<64x128xf32, #tpu.memory_space<hbm>>)
    %dma_wait3A_101 = arith.constant 0 : i32
    %dma_wait3A_102 = arith.constant 0 : i32
    %dma_wait3A_103 = tpu.memref_slice %arg7[%dma_wait3A_101, %dma_wait3A_102] : memref<50x128xi32, #tpu.memory_space<vmem>> -> memref<1x128xi32, #tpu.memory_space<vmem>>
    %dma_wait3A_104 = tpu.memref_squeeze %dma_wait3A_103 : memref<1x128xi32, #tpu.memory_space<vmem>> -> memref<128xi32, #tpu.memory_space<vmem>>
    %dma_wait3A_105 = arith.constant 0 : i32
    %dma_wait3A_106 = arith.constant 0 : i32
    %dma_wait3A_107 = tpu.memref_slice %arg5[%dma_wait3A_105, %dma_wait3A_106] : memref<100000x64xf32, #tpu.memory_space<hbm>> -> memref<100000x64xf32, #tpu.memory_space<hbm>>
    tpu.wait_indirect_dma semaphore(%arg17 : memref<!tpu.dma_semaphore, #tpu.memory_space<semaphore_mem>>) src(%dma_wait3A_107 : memref<100000x64xf32, #tpu.memory_space<hbm>>) dst(%arg11 : memref<128x64xf32, #tpu.memory_space<vmem>>)
    %rem3A_108 = arith.constant 6272 : i32
    %rem3A_109 = arith.constant 200 : i32
    %rem3A_110 = arith.remsi %rem3A_108, %rem3A_109 : i32
    %scan3A_111 = arith.constant 0 : i32
    %scan3A_112 = arith.constant 64 : i32
    %scan3A_113 = arith.addi %scan3A_111, %scan3A_112 : i32
    %scan3A_114 = arith.constant 2 : i32
    %scan3A_115 = scf.for %scan3A_139 = %scan3A_111 to %scan3A_113 step %scan3A_114 iter_args(%scan3A_140 = %rem3A_110) -> (i32)  : i32 {
      %add3A_141 = arith.constant 1 : i32
      %add3A_142 = arith.addi %scan3A_140, %add3A_141 : i32
      %eq3A = arith.constant 200 : i32
      %eq3A_143 = arith.cmpi eq, %add3A_142, %eq3A : i32
      %select_n3A = arith.constant 0 : i32
      %select_n3A_144 = arith.select %eq3A_143, %select_n3A, %add3A_142 : i32
      %mul3A_145 = arith.constant 2 : i32
      %mul3A_146 = arith.muli %mul3A_145, %scan3A_139 : i32
      %add3A_147 = arith.constant 1 : i32
      %add3A_148 = arith.addi %mul3A_146, %add3A_147 : i32
      %get3A_149 = arith.index_cast %mul3A_146 : i32 to index
      %get3A_150 = arith.constant 0 : index
      %get3A_151 = tpu.vector_load %arg11[%get3A_149, %get3A_150] {strides = array<i32>} : memref<128x64xf32, #tpu.memory_space<vmem>>, vector<1x16xf32>,
      %get3A_152 = vector.shape_cast %get3A_151 : vector<1x16xf32> to vector<16xf32>
      %get3A_153 = arith.index_cast %mul3A_146 : i32 to index
      %get3A_154 = arith.constant 16 : index
      %get3A_155 = tpu.vector_load %arg11[%get3A_153, %get3A_154] {strides = array<i32>} : memref<128x64xf32, #tpu.memory_space<vmem>>, vector<1x16xf32>,
      %get3A_156 = vector.shape_cast %get3A_155 : vector<1x16xf32> to vector<16xf32>
      %get3A_157 = arith.index_cast %mul3A_146 : i32 to index
      %get3A_158 = arith.constant 32 : index
      %get3A_159 = tpu.vector_load %arg11[%get3A_157, %get3A_158] {strides = array<i32>} : memref<128x64xf32, #tpu.memory_space<vmem>>, vector<1x16xf32>,
      %get3A_160 = vector.shape_cast %get3A_159 : vector<1x16xf32> to vector<16xf32>
      %get3A_161 = arith.index_cast %mul3A_146 : i32 to index
      %get3A_162 = arith.constant 48 : index
      %get3A_163 = tpu.vector_load %arg11[%get3A_161, %get3A_162] {strides = array<i32>} : memref<128x64xf32, #tpu.memory_space<vmem>>, vector<1x16xf32>,
      %get3A_164 = vector.shape_cast %get3A_163 : vector<1x16xf32> to vector<16xf32>
      %get3A_165 = arith.index_cast %add3A_148 : i32 to index
      %get3A_166 = arith.constant 0 : index
      %get3A_167 = tpu.vector_load %arg11[%get3A_165, %get3A_166] {strides = array<i32>} : memref<128x64xf32, #tpu.memory_space<vmem>>, vector<1x16xf32>,
      %get3A_168 = vector.shape_cast %get3A_167 : vector<1x16xf32> to vector<16xf32>
      %get3A_169 = arith.index_cast %add3A_148 : i32 to index
      %get3A_170 = arith.constant 16 : index
      %get3A_171 = tpu.vector_load %arg11[%get3A_169, %get3A_170] {strides = array<i32>} : memref<128x64xf32, #tpu.memory_space<vmem>>, vector<1x16xf32>,
      %get3A_172 = vector.shape_cast %get3A_171 : vector<1x16xf32> to vector<16xf32>
      %get3A_173 = arith.index_cast %add3A_148 : i32 to index
      %get3A_174 = arith.constant 32 : index
      %get3A_175 = tpu.vector_load %arg11[%get3A_173, %get3A_174] {strides = array<i32>} : memref<128x64xf32, #tpu.memory_space<vmem>>, vector<1x16xf32>,
      %get3A_176 = vector.shape_cast %get3A_175 : vector<1x16xf32> to vector<16xf32>
      %get3A_177 = arith.index_cast %add3A_148 : i32 to index
      %get3A_178 = arith.constant 48 : index
      %get3A_179 = tpu.vector_load %arg11[%get3A_177, %get3A_178] {strides = array<i32>} : memref<128x64xf32, #tpu.memory_space<vmem>>, vector<1x16xf32>,
      %get3A_180 = vector.shape_cast %get3A_179 : vector<1x16xf32> to vector<16xf32>
      %get3A_181 = arith.index_cast %scan3A_140 : i32 to index
      %get3A_182 = arith.constant 0 : index
      %get3A_183 = tpu.vector_load %arg8[%get3A_181, %get3A_182] {strides = array<i32>} : memref<200x64xf32, #tpu.memory_space<vmem>>, vector<1x16xf32>,
      %get3A_184 = vector.shape_cast %get3A_183 : vector<1x16xf32> to vector<16xf32>
      %get3A_185 = arith.index_cast %scan3A_140 : i32 to index
      %get3A_186 = arith.constant 16 : index
      %get3A_187 = tpu.vector_load %arg8[%get3A_185, %get3A_186] {strides = array<i32>} : memref<200x64xf32, #tpu.memory_space<vmem>>, vector<1x16xf32>,
      %get3A_188 = vector.shape_cast %get3A_187 : vector<1x16xf32> to vector<16xf32>
      %get3A_189 = arith.index_cast %scan3A_140 : i32 to index
      %get3A_190 = arith.constant 32 : index
      %get3A_191 = tpu.vector_load %arg8[%get3A_189, %get3A_190] {strides = array<i32>} : memref<200x64xf32, #tpu.memory_space<vmem>>, vector<1x16xf32>,
      %get3A_192 = vector.shape_cast %get3A_191 : vector<1x16xf32> to vector<16xf32>
      %get3A_193 = arith.index_cast %scan3A_140 : i32 to index
      %get3A_194 = arith.constant 48 : index
      %get3A_195 = tpu.vector_load %arg8[%get3A_193, %get3A_194] {strides = array<i32>} : memref<200x64xf32, #tpu.memory_space<vmem>>, vector<1x16xf32>,
      %get3A_196 = vector.shape_cast %get3A_195 : vector<1x16xf32> to vector<16xf32>
      %get3A_197 = arith.index_cast %select_n3A_144 : i32 to index
      %get3A_198 = arith.constant 0 : index
      %get3A_199 = tpu.vector_load %arg8[%get3A_197, %get3A_198] {strides = array<i32>} : memref<200x64xf32, #tpu.memory_space<vmem>>, vector<1x16xf32>,
      %get3A_200 = vector.shape_cast %get3A_199 : vector<1x16xf32> to vector<16xf32>
      %get3A_201 = arith.index_cast %select_n3A_144 : i32 to index
      %get3A_202 = arith.constant 16 : index
      %get3A_203 = tpu.vector_load %arg8[%get3A_201, %get3A_202] {strides = array<i32>} : memref<200x64xf32, #tpu.memory_space<vmem>>, vector<1x16xf32>,
      %get3A_204 = vector.shape_cast %get3A_203 : vector<1x16xf32> to vector<16xf32>
      %get3A_205 = arith.index_cast %select_n3A_144 : i32 to index
      %get3A_206 = arith.constant 32 : index
      %get3A_207 = tpu.vector_load %arg8[%get3A_205, %get3A_206] {strides = array<i32>} : memref<200x64xf32, #tpu.memory_space<vmem>>, vector<1x16xf32>,
      %get3A_208 = vector.shape_cast %get3A_207 : vector<1x16xf32> to vector<16xf32>
      %get3A_209 = arith.index_cast %select_n3A_144 : i32 to index
      %get3A_210 = arith.constant 48 : index
      %get3A_211 = tpu.vector_load %arg8[%get3A_209, %get3A_210] {strides = array<i32>} : memref<200x64xf32, #tpu.memory_space<vmem>>, vector<1x16xf32>,
      %get3A_212 = vector.shape_cast %get3A_211 : vector<1x16xf32> to vector<16xf32>
      %add3A_213 = arith.addf %get3A_152, %get3A_184 : vector<16xf32>
      %add3A_214 = arith.addf %get3A_156, %get3A_188 : vector<16xf32>
      %add3A_215 = arith.addf %get3A_160, %get3A_192 : vector<16xf32>
      %add3A_216 = arith.addf %get3A_164, %get3A_196 : vector<16xf32>
      %add3A_217 = arith.addf %add3A_213, %add3A_214 : vector<16xf32>
      %add3A_218 = arith.addf %add3A_215, %add3A_216 : vector<16xf32>
      %add3A_219 = arith.addf %add3A_217, %add3A_218 : vector<16xf32>
      %mul3A_220 = arith.mulf %add3A_213, %add3A_213 : vector<16xf32>
      %mul3A_221 = arith.mulf %add3A_214, %add3A_214 : vector<16xf32>
      %add3A_222 = arith.addf %mul3A_220, %mul3A_221 : vector<16xf32>
      %mul3A_223 = arith.mulf %add3A_215, %add3A_215 : vector<16xf32>
      %mul3A_224 = arith.mulf %add3A_216, %add3A_216 : vector<16xf32>
      %add3A_225 = arith.addf %mul3A_223, %mul3A_224 : vector<16xf32>
      %add3A_226 = arith.addf %add3A_222, %add3A_225 : vector<16xf32>
      %iota3A = tpu.iota {dimensions = array<i32: 0>} : vector<16xi32>
      %xor3A = arith.constant 8 : i32
      %xor3A_227 = vector.broadcast %xor3A : i32 to vector<16xi32>
      %xor3A_228 = arith.xori %iota3A, %xor3A_227 : vector<16xi32>
      %broadcast_in_dim3A = vector.shape_cast %xor3A_228 : vector<16xi32> to vector<16x1xi32>
      %gather3A = vector.shape_cast %broadcast_in_dim3A : vector<16x1xi32> to vector<16xi32>
      %gather3A_229 = tpu.dynamic_gather %add3A_219[%gather3A] in [0] : vector<16xf32>, vector<16xi32> -> vector<16xf32>
      %add3A_230 = arith.addf %add3A_219, %gather3A_229 : vector<16xf32>
      %iota3A_231 = tpu.iota {dimensions = array<i32: 0>} : vector<16xi32>
      %xor3A_232 = arith.constant 4 : i32
      %xor3A_233 = vector.broadcast %xor3A_232 : i32 to vector<16xi32>
      %xor3A_234 = arith.xori %iota3A_231, %xor3A_233 : vector<16xi32>
      %broadcast_in_dim3A_235 = vector.shape_cast %xor3A_234 : vector<16xi32> to vector<16x1xi32>
      %gather3A_236 = vector.shape_cast %broadcast_in_dim3A_235 : vector<16x1xi32> to vector<16xi32>
      %gather3A_237 = tpu.dynamic_gather %add3A_230[%gather3A_236] in [0] : vector<16xf32>, vector<16xi32> -> vector<16xf32>
      %add3A_238 = arith.addf %add3A_230, %gather3A_237 : vector<16xf32>
      %iota3A_239 = tpu.iota {dimensions = array<i32: 0>} : vector<16xi32>
      %xor3A_240 = arith.constant 2 : i32
      %xor3A_241 = vector.broadcast %xor3A_240 : i32 to vector<16xi32>
      %xor3A_242 = arith.xori %iota3A_239, %xor3A_241 : vector<16xi32>
      %broadcast_in_dim3A_243 = vector.shape_cast %xor3A_242 : vector<16xi32> to vector<16x1xi32>
      %gather3A_244 = vector.shape_cast %broadcast_in_dim3A_243 : vector<16x1xi32> to vector<16xi32>
      %gather3A_245 = tpu.dynamic_gather %add3A_238[%gather3A_244] in [0] : vector<16xf32>, vector<16xi32> -> vector<16xf32>
      %add3A_246 = arith.addf %add3A_238, %gather3A_245 : vector<16xf32>
      %iota3A_247 = tpu.iota {dimensions = array<i32: 0>} : vector<16xi32>
      %xor3A_248 = arith.constant 1 : i32
      %xor3A_249 = vector.broadcast %xor3A_248 : i32 to vector<16xi32>
      %xor3A_250 = arith.xori %iota3A_247, %xor3A_249 : vector<16xi32>
      %broadcast_in_dim3A_251 = vector.shape_cast %xor3A_250 : vector<16xi32> to vector<16x1xi32>
      %gather3A_252 = vector.shape_cast %broadcast_in_dim3A_251 : vector<16x1xi32> to vector<16xi32>
      %gather3A_253 = tpu.dynamic_gather %add3A_246[%gather3A_252] in [0] : vector<16xf32>, vector<16xi32> -> vector<16xf32>
      %add3A_254 = arith.addf %add3A_246, %gather3A_253 : vector<16xf32>
      %iota3A_255 = tpu.iota {dimensions = array<i32: 0>} : vector<16xi32>
      %xor3A_256 = arith.constant 8 : i32
      %xor3A_257 = vector.broadcast %xor3A_256 : i32 to vector<16xi32>
      %xor3A_258 = arith.xori %iota3A_255, %xor3A_257 : vector<16xi32>
      %broadcast_in_dim3A_259 = vector.shape_cast %xor3A_258 : vector<16xi32> to vector<16x1xi32>
      %gather3A_260 = vector.shape_cast %broadcast_in_dim3A_259 : vector<16x1xi32> to vector<16xi32>
      %gather3A_261 = tpu.dynamic_gather %add3A_226[%gather3A_260] in [0] : vector<16xf32>, vector<16xi32> -> vector<16xf32>
      %add3A_262 = arith.addf %add3A_226, %gather3A_261 : vector<16xf32>
      %iota3A_263 = tpu.iota {dimensions = array<i32: 0>} : vector<16xi32>
      %xor3A_264 = arith.constant 4 : i32
      %xor3A_265 = vector.broadcast %xor3A_264 : i32 to vector<16xi32>
      %xor3A_266 = arith.xori %iota3A_263, %xor3A_265 : vector<16xi32>
      %broadcast_in_dim3A_267 = vector.shape_cast %xor3A_266 : vector<16xi32> to vector<16x1xi32>
      %gather3A_268 = vector.shape_cast %broadcast_in_dim3A_267 : vector<16x1xi32> to vector<16xi32>
      %gather3A_269 = tpu.dynamic_gather %add3A_262[%gather3A_268] in [0] : vector<16xf32>, vector<16xi32> -> vector<16xf32>
      %add3A_270 = arith.addf %add3A_262, %gather3A_269 : vector<16xf32>
      %iota3A_271 = tpu.iota {dimensions = array<i32: 0>} : vector<16xi32>
      %xor3A_272 = arith.constant 2 : i32
      %xor3A_273 = vector.broadcast %xor3A_272 : i32 to vector<16xi32>
      %xor3A_274 = arith.xori %iota3A_271, %xor3A_273 : vector<16xi32>
      %broadcast_in_dim3A_275 = vector.shape_cast %xor3A_274 : vector<16xi32> to vector<16x1xi32>
      %gather3A_276 = vector.shape_cast %broadcast_in_dim3A_275 : vector<16x1xi32> to vector<16xi32>
      %gather3A_277 = tpu.dynamic_gather %add3A_270[%gather3A_276] in [0] : vector<16xf32>, vector<16xi32> -> vector<16xf32>
      %add3A_278 = arith.addf %add3A_270, %gather3A_277 : vector<16xf32>
      %iota3A_279 = tpu.iota {dimensions = array<i32: 0>} : vector<16xi32>
      %xor3A_280 = arith.constant 1 : i32
      %xor3A_281 = vector.broadcast %xor3A_280 : i32 to vector<16xi32>
      %xor3A_282 = arith.xori %iota3A_279, %xor3A_281 : vector<16xi32>
      %broadcast_in_dim3A_283 = vector.shape_cast %xor3A_282 : vector<16xi32> to vector<16x1xi32>
      %gather3A_284 = vector.shape_cast %broadcast_in_dim3A_283 : vector<16x1xi32> to vector<16xi32>
      %gather3A_285 = tpu.dynamic_gather %add3A_278[%gather3A_284] in [0] : vector<16xf32>, vector<16xi32> -> vector<16xf32>
      %add3A_286 = arith.addf %add3A_278, %gather3A_285 : vector<16xf32>
      %mul3A_287 = arith.constant 1.562500e-02 : f32
      %mul3A_288 = vector.broadcast %mul3A_287 : f32 to vector<16xf32>
      %mul3A_289 = arith.mulf %add3A_254, %mul3A_288 : vector<16xf32>
      %mul3A_290 = arith.constant 1.562500e-02 : f32
      %mul3A_291 = vector.broadcast %mul3A_290 : f32 to vector<16xf32>
      %mul3A_292 = arith.mulf %add3A_286, %mul3A_291 : vector<16xf32>
      %mul3A_293 = arith.mulf %mul3A_289, %mul3A_289 : vector<16xf32>
      %sub3A = arith.subf %mul3A_292, %mul3A_293 : vector<16xf32>
      %add3A_294 = arith.constant 9.99999996E-13 : f32
      %add3A_295 = vector.broadcast %add3A_294 : f32 to vector<16xf32>
      %add3A_296 = arith.addf %sub3A, %add3A_295 : vector<16xf32>
      %bitcast_convert_type3A = tpu.bitcast %add3A_296 : vector<16xf32> -> vector<16xi32>
      %shift_right_arithmetic3A = arith.constant 1 : i32
      %shift_right_arithmetic3A_297 = vector.broadcast %shift_right_arithmetic3A : i32 to vector<16xi32>
      %shift_right_arithmetic3A_298 = arith.shrsi %bitcast_convert_type3A, %shift_right_arithmetic3A_297 : vector<16xi32>
      %sub3A_299 = arith.constant 1597463007 : i32
      %sub3A_300 = vector.broadcast %sub3A_299 : i32 to vector<16xi32>
      %sub3A_301 = arith.subi %sub3A_300, %shift_right_arithmetic3A_298 : vector<16xi32>
      %bitcast_convert_type3A_302 = tpu.bitcast %sub3A_301 : vector<16xi32> -> vector<16xf32>
      %mul3A_303 = arith.constant 5.000000e-01 : f32
      %mul3A_304 = vector.broadcast %mul3A_303 : f32 to vector<16xf32>
      %mul3A_305 = arith.mulf %add3A_296, %mul3A_304 : vector<16xf32>
      %mul3A_306 = arith.mulf %mul3A_305, %bitcast_convert_type3A_302 : vector<16xf32>
      %mul3A_307 = arith.mulf %mul3A_306, %bitcast_convert_type3A_302 : vector<16xf32>
      %sub3A_308 = arith.constant 1.500000e+00 : f32
      %sub3A_309 = vector.broadcast %sub3A_308 : f32 to vector<16xf32>
      %sub3A_310 = arith.subf %sub3A_309, %mul3A_307 : vector<16xf32>
      %mul3A_311 = arith.mulf %bitcast_convert_type3A_302, %sub3A_310 : vector<16xf32>
      %mul3A_312 = arith.mulf %mul3A_305, %mul3A_311 : vector<16xf32>
      %mul3A_313 = arith.mulf %mul3A_312, %mul3A_311 : vector<16xf32>
      %sub3A_314 = arith.constant 1.500000e+00 : f32
      %sub3A_315 = vector.broadcast %sub3A_314 : f32 to vector<16xf32>
      %sub3A_316 = arith.subf %sub3A_315, %mul3A_313 : vector<16xf32>
      %mul3A_317 = arith.mulf %mul3A_311, %sub3A_316 : vector<16xf32>
      %sub3A_318 = arith.subf %add3A_213, %mul3A_289 : vector<16xf32>
      %mul3A_319 = arith.mulf %mul3A_317, %get3A_4 : vector<16xf32>
      %mul3A_320 = arith.mulf %sub3A_318, %mul3A_319 : vector<16xf32>
      %add3A_321 = arith.addf %mul3A_320, %get3A_24 : vector<16xf32>
      %sub3A_322 = arith.subf %add3A_214, %mul3A_289 : vector<16xf32>
      %mul3A_323 = arith.mulf %mul3A_317, %get3A_9 : vector<16xf32>
      %mul3A_324 = arith.mulf %sub3A_322, %mul3A_323 : vector<16xf32>
      %add3A_325 = arith.addf %mul3A_324, %get3A_29 : vector<16xf32>
      %sub3A_326 = arith.subf %add3A_215, %mul3A_289 : vector<16xf32>
      %mul3A_327 = arith.mulf %mul3A_317, %get3A_14 : vector<16xf32>
      %mul3A_328 = arith.mulf %sub3A_326, %mul3A_327 : vector<16xf32>
      %add3A_329 = arith.addf %mul3A_328, %get3A_34 : vector<16xf32>
      %sub3A_330 = arith.subf %add3A_216, %mul3A_289 : vector<16xf32>
      %mul3A_331 = arith.mulf %mul3A_317, %get3A_19 : vector<16xf32>
      %mul3A_332 = arith.mulf %sub3A_330, %mul3A_331 : vector<16xf32>
      %add3A_333 = arith.addf %mul3A_332, %get3A_39 : vector<16xf32>
      %add3A_334 = arith.addf %get3A_168, %get3A_200 : vector<16xf32>
      %add3A_335 = arith.addf %get3A_172, %get3A_204 : vector<16xf32>
      %add3A_336 = arith.addf %get3A_176, %get3A_208 : vector<16xf32>
      %add3A_337 = arith.addf %get3A_180, %get3A_212 : vector<16xf32>
      %add3A_338 = arith.addf %add3A_334, %add3A_335 : vector<16xf32>
      %add3A_339 = arith.addf %add3A_336, %add3A_337 : vector<16xf32>
      %add3A_340 = arith.addf %add3A_338, %add3A_339 : vector<16xf32>
      %mul3A_341 = arith.mulf %add3A_334, %add3A_334 : vector<16xf32>
      %mul3A_342 = arith.mulf %add3A_335, %add3A_335 : vector<16xf32>
      %add3A_343 = arith.addf %mul3A_341, %mul3A_342 : vector<16xf32>
      %mul3A_344 = arith.mulf %add3A_336, %add3A_336 : vector<16xf32>
      %mul3A_345 = arith.mulf %add3A_337, %add3A_337 : vector<16xf32>
      %add3A_346 = arith.addf %mul3A_344, %mul3A_345 : vector<16xf32>
      %add3A_347 = arith.addf %add3A_343, %add3A_346 : vector<16xf32>
      %iota3A_348 = tpu.iota {dimensions = array<i32: 0>} : vector<16xi32>
      %xor3A_349 = arith.constant 8 : i32
      %xor3A_350 = vector.broadcast %xor3A_349 : i32 to vector<16xi32>
      %xor3A_351 = arith.xori %iota3A_348, %xor3A_350 : vector<16xi32>
      %broadcast_in_dim3A_352 = vector.shape_cast %xor3A_351 : vector<16xi32> to vector<16x1xi32>
      %gather3A_353 = vector.shape_cast %broadcast_in_dim3A_352 : vector<16x1xi32> to vector<16xi32>
      %gather3A_354 = tpu.dynamic_gather %add3A_340[%gather3A_353] in [0] : vector<16xf32>, vector<16xi32> -> vector<16xf32>
      %add3A_355 = arith.addf %add3A_340, %gather3A_354 : vector<16xf32>
      %iota3A_356 = tpu.iota {dimensions = array<i32: 0>} : vector<16xi32>
      %xor3A_357 = arith.constant 4 : i32
      %xor3A_358 = vector.broadcast %xor3A_357 : i32 to vector<16xi32>
      %xor3A_359 = arith.xori %iota3A_356, %xor3A_358 : vector<16xi32>
      %broadcast_in_dim3A_360 = vector.shape_cast %xor3A_359 : vector<16xi32> to vector<16x1xi32>
      %gather3A_361 = vector.shape_cast %broadcast_in_dim3A_360 : vector<16x1xi32> to vector<16xi32>
      %gather3A_362 = tpu.dynamic_gather %add3A_355[%gather3A_361] in [0] : vector<16xf32>, vector<16xi32> -> vector<16xf32>
      %add3A_363 = arith.addf %add3A_355, %gather3A_362 : vector<16xf32>
      %iota3A_364 = tpu.iota {dimensions = array<i32: 0>} : vector<16xi32>
      %xor3A_365 = arith.constant 2 : i32
      %xor3A_366 = vector.broadcast %xor3A_365 : i32 to vector<16xi32>
      %xor3A_367 = arith.xori %iota3A_364, %xor3A_366 : vector<16xi32>
      %broadcast_in_dim3A_368 = vector.shape_cast %xor3A_367 : vector<16xi32> to vector<16x1xi32>
      %gather3A_369 = vector.shape_cast %broadcast_in_dim3A_368 : vector<16x1xi32> to vector<16xi32>
      %gather3A_370 = tpu.dynamic_gather %add3A_363[%gather3A_369] in [0] : vector<16xf32>, vector<16xi32> -> vector<16xf32>
      %add3A_371 = arith.addf %add3A_363, %gather3A_370 : vector<16xf32>
      %iota3A_372 = tpu.iota {dimensions = array<i32: 0>} : vector<16xi32>
      %xor3A_373 = arith.constant 1 : i32
      %xor3A_374 = vector.broadcast %xor3A_373 : i32 to vector<16xi32>
      %xor3A_375 = arith.xori %iota3A_372, %xor3A_374 : vector<16xi32>
      %broadcast_in_dim3A_376 = vector.shape_cast %xor3A_375 : vector<16xi32> to vector<16x1xi32>
      %gather3A_377 = vector.shape_cast %broadcast_in_dim3A_376 : vector<16x1xi32> to vector<16xi32>
      %gather3A_378 = tpu.dynamic_gather %add3A_371[%gather3A_377] in [0] : vector<16xf32>, vector<16xi32> -> vector<16xf32>
      %add3A_379 = arith.addf %add3A_371, %gather3A_378 : vector<16xf32>
      %iota3A_380 = tpu.iota {dimensions = array<i32: 0>} : vector<16xi32>
      %xor3A_381 = arith.constant 8 : i32
      %xor3A_382 = vector.broadcast %xor3A_381 : i32 to vector<16xi32>
      %xor3A_383 = arith.xori %iota3A_380, %xor3A_382 : vector<16xi32>
      %broadcast_in_dim3A_384 = vector.shape_cast %xor3A_383 : vector<16xi32> to vector<16x1xi32>
      %gather3A_385 = vector.shape_cast %broadcast_in_dim3A_384 : vector<16x1xi32> to vector<16xi32>
      %gather3A_386 = tpu.dynamic_gather %add3A_347[%gather3A_385] in [0] : vector<16xf32>, vector<16xi32> -> vector<16xf32>
      %add3A_387 = arith.addf %add3A_347, %gather3A_386 : vector<16xf32>
      %iota3A_388 = tpu.iota {dimensions = array<i32: 0>} : vector<16xi32>
      %xor3A_389 = arith.constant 4 : i32
      %xor3A_390 = vector.broadcast %xor3A_389 : i32 to vector<16xi32>
      %xor3A_391 = arith.xori %iota3A_388, %xor3A_390 : vector<16xi32>
      %broadcast_in_dim3A_392 = vector.shape_cast %xor3A_391 : vector<16xi32> to vector<16x1xi32>
      %gather3A_393 = vector.shape_cast %broadcast_in_dim3A_392 : vector<16x1xi32> to vector<16xi32>
      %gather3A_394 = tpu.dynamic_gather %add3A_387[%gather3A_393] in [0] : vector<16xf32>, vector<16xi32> -> vector<16xf32>
      %add3A_395 = arith.addf %add3A_387, %gather3A_394 : vector<16xf32>
      %iota3A_396 = tpu.iota {dimensions = array<i32: 0>} : vector<16xi32>
      %xor3A_397 = arith.constant 2 : i32
      %xor3A_398 = vector.broadcast %xor3A_397 : i32 to vector<16xi32>
      %xor3A_399 = arith.xori %iota3A_396, %xor3A_398 : vector<16xi32>
      %broadcast_in_dim3A_400 = vector.shape_cast %xor3A_399 : vector<16xi32> to vector<16x1xi32>
      %gather3A_401 = vector.shape_cast %broadcast_in_dim3A_400 : vector<16x1xi32> to vector<16xi32>
      %gather3A_402 = tpu.dynamic_gather %add3A_395[%gather3A_401] in [0] : vector<16xf32>, vector<16xi32> -> vector<16xf32>
      %add3A_403 = arith.addf %add3A_395, %gather3A_402 : vector<16xf32>
      %iota3A_404 = tpu.iota {dimensions = array<i32: 0>} : vector<16xi32>
      %xor3A_405 = arith.constant 1 : i32
      %xor3A_406 = vector.broadcast %xor3A_405 : i32 to vector<16xi32>
      %xor3A_407 = arith.xori %iota3A_404, %xor3A_406 : vector<16xi32>
      %broadcast_in_dim3A_408 = vector.shape_cast %xor3A_407 : vector<16xi32> to vector<16x1xi32>
      %gather3A_409 = vector.shape_cast %broadcast_in_dim3A_408 : vector<16x1xi32> to vector<16xi32>
      %gather3A_410 = tpu.dynamic_gather %add3A_403[%gather3A_409] in [0] : vector<16xf32>, vector<16xi32> -> vector<16xf32>
      %add3A_411 = arith.addf %add3A_403, %gather3A_410 : vector<16xf32>
      %mul3A_412 = arith.constant 1.562500e-02 : f32
      %mul3A_413 = vector.broadcast %mul3A_412 : f32 to vector<16xf32>
      %mul3A_414 = arith.mulf %add3A_379, %mul3A_413 : vector<16xf32>
      %mul3A_415 = arith.constant 1.562500e-02 : f32
      %mul3A_416 = vector.broadcast %mul3A_415 : f32 to vector<16xf32>
      %mul3A_417 = arith.mulf %add3A_411, %mul3A_416 : vector<16xf32>
      %mul3A_418 = arith.mulf %mul3A_414, %mul3A_414 : vector<16xf32>
      %sub3A_419 = arith.subf %mul3A_417, %mul3A_418 : vector<16xf32>
      %add3A_420 = arith.constant 9.99999996E-13 : f32
      %add3A_421 = vector.broadcast %add3A_420 : f32 to vector<16xf32>
      %add3A_422 = arith.addf %sub3A_419, %add3A_421 : vector<16xf32>
      %bitcast_convert_type3A_423 = tpu.bitcast %add3A_422 : vector<16xf32> -> vector<16xi32>
      %shift_right_arithmetic3A_424 = arith.constant 1 : i32
      %shift_right_arithmetic3A_425 = vector.broadcast %shift_right_arithmetic3A_424 : i32 to vector<16xi32>
      %shift_right_arithmetic3A_426 = arith.shrsi %bitcast_convert_type3A_423, %shift_right_arithmetic3A_425 : vector<16xi32>
      %sub3A_427 = arith.constant 1597463007 : i32
      %sub3A_428 = vector.broadcast %sub3A_427 : i32 to vector<16xi32>
      %sub3A_429 = arith.subi %sub3A_428, %shift_right_arithmetic3A_426 : vector<16xi32>
      %bitcast_convert_type3A_430 = tpu.bitcast %sub3A_429 : vector<16xi32> -> vector<16xf32>
      %mul3A_431 = arith.constant 5.000000e-01 : f32
      %mul3A_432 = vector.broadcast %mul3A_431 : f32 to vector<16xf32>
      %mul3A_433 = arith.mulf %add3A_422, %mul3A_432 : vector<16xf32>
      %mul3A_434 = arith.mulf %mul3A_433, %bitcast_convert_type3A_430 : vector<16xf32>
      %mul3A_435 = arith.mulf %mul3A_434, %bitcast_convert_type3A_430 : vector<16xf32>
      %sub3A_436 = arith.constant 1.500000e+00 : f32
      %sub3A_437 = vector.broadcast %sub3A_436 : f32 to vector<16xf32>
      %sub3A_438 = arith.subf %sub3A_437, %mul3A_435 : vector<16xf32>
      %mul3A_439 = arith.mulf %bitcast_convert_type3A_430, %sub3A_438 : vector<16xf32>
      %mul3A_440 = arith.mulf %mul3A_433, %mul3A_439 : vector<16xf32>
      %mul3A_441 = arith.mulf %mul3A_440, %mul3A_439 : vector<16xf32>
      %sub3A_442 = arith.constant 1.500000e+00 : f32
      %sub3A_443 = vector.broadcast %sub3A_442 : f32 to vector<16xf32>
      %sub3A_444 = arith.subf %sub3A_443, %mul3A_441 : vector<16xf32>
      %mul3A_445 = arith.mulf %mul3A_439, %sub3A_444 : vector<16xf32>
      %sub3A_446 = arith.subf %add3A_334, %mul3A_414 : vector<16xf32>
      %mul3A_447 = arith.mulf %mul3A_445, %get3A_4 : vector<16xf32>
      %mul3A_448 = arith.mulf %sub3A_446, %mul3A_447 : vector<16xf32>
      %add3A_449 = arith.addf %mul3A_448, %get3A_24 : vector<16xf32>
      %sub3A_450 = arith.subf %add3A_335, %mul3A_414 : vector<16xf32>
      %mul3A_451 = arith.mulf %mul3A_445, %get3A_9 : vector<16xf32>
      %mul3A_452 = arith.mulf %sub3A_450, %mul3A_451 : vector<16xf32>
      %add3A_453 = arith.addf %mul3A_452, %get3A_29 : vector<16xf32>
      %sub3A_454 = arith.subf %add3A_336, %mul3A_414 : vector<16xf32>
      %mul3A_455 = arith.mulf %mul3A_445, %get3A_14 : vector<16xf32>
      %mul3A_456 = arith.mulf %sub3A_454, %mul3A_455 : vector<16xf32>
      %add3A_457 = arith.addf %mul3A_456, %get3A_34 : vector<16xf32>
      %sub3A_458 = arith.subf %add3A_337, %mul3A_414 : vector<16xf32>
      %mul3A_459 = arith.mulf %mul3A_445, %get3A_19 : vector<16xf32>
      %mul3A_460 = arith.mulf %sub3A_458, %mul3A_459 : vector<16xf32>
      %add3A_461 = arith.addf %mul3A_460, %get3A_39 : vector<16xf32>
      %swap3A = arith.index_cast %scan3A_139 : i32 to index
      %swap3A_462 = arith.constant 0 : index
      %swap3A_463 = tpu.vector_load %arg15[%swap3A, %swap3A_462] {strides = array<i32>} : memref<64x128xf32, #tpu.memory_space<vmem>>, vector<1x16xf32>,
      %swap3A_464 = vector.shape_cast %swap3A_463 : vector<1x16xf32> to vector<16xf32>
      %swap3A_465 = vector.shape_cast %add3A_321 : vector<16xf32> to vector<1x16xf32>
      tpu.vector_store %arg15[%swap3A, %swap3A_462], %swap3A_465 {strides = array<i32>} : memref<64x128xf32, #tpu.memory_space<vmem>>, vector<1x16xf32>,
      %swap3A_466 = arith.index_cast %scan3A_139 : i32 to index
      %swap3A_467 = arith.constant 64 : index
      %swap3A_468 = tpu.vector_load %arg15[%swap3A_466, %swap3A_467] {strides = array<i32>} : memref<64x128xf32, #tpu.memory_space<vmem>>, vector<1x16xf32>,
      %swap3A_469 = vector.shape_cast %swap3A_468 : vector<1x16xf32> to vector<16xf32>
      %swap3A_470 = vector.shape_cast %add3A_449 : vector<16xf32> to vector<1x16xf32>
      tpu.vector_store %arg15[%swap3A_466, %swap3A_467], %swap3A_470 {strides = array<i32>} : memref<64x128xf32, #tpu.memory_space<vmem>>, vector<1x16xf32>,
      %swap3A_471 = arith.index_cast %scan3A_139 : i32 to index
      %swap3A_472 = arith.constant 16 : index
      %swap3A_473 = tpu.vector_load %arg15[%swap3A_471, %swap3A_472] {strides = array<i32>} : memref<64x128xf32, #tpu.memory_space<vmem>>, vector<1x16xf32>,
      %swap3A_474 = vector.shape_cast %swap3A_473 : vector<1x16xf32> to vector<16xf32>
      %swap3A_475 = vector.shape_cast %add3A_325 : vector<16xf32> to vector<1x16xf32>
      tpu.vector_store %arg15[%swap3A_471, %swap3A_472], %swap3A_475 {strides = array<i32>} : memref<64x128xf32, #tpu.memory_space<vmem>>, vector<1x16xf32>,
      %swap3A_476 = arith.index_cast %scan3A_139 : i32 to index
      %swap3A_477 = arith.constant 80 : index
      %swap3A_478 = tpu.vector_load %arg15[%swap3A_476, %swap3A_477] {strides = array<i32>} : memref<64x128xf32, #tpu.memory_space<vmem>>, vector<1x16xf32>,
      %swap3A_479 = vector.shape_cast %swap3A_478 : vector<1x16xf32> to vector<16xf32>
      %swap3A_480 = vector.shape_cast %add3A_453 : vector<16xf32> to vector<1x16xf32>
      tpu.vector_store %arg15[%swap3A_476, %swap3A_477], %swap3A_480 {strides = array<i32>} : memref<64x128xf32, #tpu.memory_space<vmem>>, vector<1x16xf32>,
      %swap3A_481 = arith.index_cast %scan3A_139 : i32 to index
      %swap3A_482 = arith.constant 32 : index
      %swap3A_483 = tpu.vector_load %arg15[%swap3A_481, %swap3A_482] {strides = array<i32>} : memref<64x128xf32, #tpu.memory_space<vmem>>, vector<1x16xf32>,
      %swap3A_484 = vector.shape_cast %swap3A_483 : vector<1x16xf32> to vector<16xf32>
      %swap3A_485 = vector.shape_cast %add3A_329 : vector<16xf32> to vector<1x16xf32>
      tpu.vector_store %arg15[%swap3A_481, %swap3A_482], %swap3A_485 {strides = array<i32>} : memref<64x128xf32, #tpu.memory_space<vmem>>, vector<1x16xf32>,
      %swap3A_486 = arith.index_cast %scan3A_139 : i32 to index
      %swap3A_487 = arith.constant 96 : index
      %swap3A_488 = tpu.vector_load %arg15[%swap3A_486, %swap3A_487] {strides = array<i32>} : memref<64x128xf32, #tpu.memory_space<vmem>>, vector<1x16xf32>,
      %swap3A_489 = vector.shape_cast %swap3A_488 : vector<1x16xf32> to vector<16xf32>
      %swap3A_490 = vector.shape_cast %add3A_457 : vector<16xf32> to vector<1x16xf32>
      tpu.vector_store %arg15[%swap3A_486, %swap3A_487], %swap3A_490 {strides = array<i32>} : memref<64x128xf32, #tpu.memory_space<vmem>>, vector<1x16xf32>,
      %swap3A_491 = arith.index_cast %scan3A_139 : i32 to index
      %swap3A_492 = arith.constant 48 : index
      %swap3A_493 = tpu.vector_load %arg15[%swap3A_491, %swap3A_492] {strides = array<i32>} : memref<64x128xf32, #tpu.memory_space<vmem>>, vector<1x16xf32>,
      %swap3A_494 = vector.shape_cast %swap3A_493 : vector<1x16xf32> to vector<16xf32>
      %swap3A_495 = vector.shape_cast %add3A_333 : vector<16xf32> to vector<1x16xf32>
      tpu.vector_store %arg15[%swap3A_491, %swap3A_492], %swap3A_495 {strides = array<i32>} : memref<64x128xf32, #tpu.memory_space<vmem>>, vector<1x16xf32>,
      %swap3A_496 = arith.index_cast %scan3A_139 : i32 to index
      %swap3A_497 = arith.constant 112 : index
      %swap3A_498 = tpu.vector_load %arg15[%swap3A_496, %swap3A_497] {strides = array<i32>} : memref<64x128xf32, #tpu.memory_space<vmem>>, vector<1x16xf32>,
      %swap3A_499 = vector.shape_cast %swap3A_498 : vector<1x16xf32> to vector<16xf32>
      %swap3A_500 = vector.shape_cast %add3A_461 : vector<16xf32> to vector<1x16xf32>
      tpu.vector_store %arg15[%swap3A_496, %swap3A_497], %swap3A_500 {strides = array<i32>} : memref<64x128xf32, #tpu.memory_space<vmem>>, vector<1x16xf32>,
      %add3A_501 = arith.constant 1 : i32
      %add3A_502 = arith.addi %select_n3A_144, %add3A_501 : i32
      %eq3A_503 = arith.constant 200 : i32
      %eq3A_504 = arith.cmpi eq, %add3A_502, %eq3A_503 : i32
      %select_n3A_505 = arith.constant 0 : i32
      %select_n3A_506 = arith.select %eq3A_504, %select_n3A_505, %add3A_502 : i32
      %scan3A_507 = arith.constant 1 : i32
      %scan3A_508 = arith.addi %scan3A_139, %scan3A_507 : i32
      %add3A_509 = arith.constant 1 : i32
      %add3A_510 = arith.addi %select_n3A_506, %add3A_509 : i32
      %eq3A_511 = arith.constant 200 : i32
      %eq3A_512 = arith.cmpi eq, %add3A_510, %eq3A_511 : i32
      %select_n3A_513 = arith.constant 0 : i32
      %select_n3A_514 = arith.select %eq3A_512, %select_n3A_513, %add3A_510 : i32
      %mul3A_515 = arith.constant 2 : i32
      %mul3A_516 = arith.muli %mul3A_515, %scan3A_508 : i32
      %add3A_517 = arith.constant 1 : i32
      %add3A_518 = arith.addi %mul3A_516, %add3A_517 : i32
      %get3A_519 = arith.index_cast %mul3A_516 : i32 to index
      %get3A_520 = arith.constant 0 : index
      %get3A_521 = tpu.vector_load %arg11[%get3A_519, %get3A_520] {strides = array<i32>} : memref<128x64xf32, #tpu.memory_space<vmem>>, vector<1x16xf32>,
      %get3A_522 = vector.shape_cast %get3A_521 : vector<1x16xf32> to vector<16xf32>
      %get3A_523 = arith.index_cast %mul3A_516 : i32 to index
      %get3A_524 = arith.constant 16 : index
      %get3A_525 = tpu.vector_load %arg11[%get3A_523, %get3A_524] {strides = array<i32>} : memref<128x64xf32, #tpu.memory_space<vmem>>, vector<1x16xf32>,
      %get3A_526 = vector.shape_cast %get3A_525 : vector<1x16xf32> to vector<16xf32>
      %get3A_527 = arith.index_cast %mul3A_516 : i32 to index
      %get3A_528 = arith.constant 32 : index
      %get3A_529 = tpu.vector_load %arg11[%get3A_527, %get3A_528] {strides = array<i32>} : memref<128x64xf32, #tpu.memory_space<vmem>>, vector<1x16xf32>,
      %get3A_530 = vector.shape_cast %get3A_529 : vector<1x16xf32> to vector<16xf32>
      %get3A_531 = arith.index_cast %mul3A_516 : i32 to index
      %get3A_532 = arith.constant 48 : index
      %get3A_533 = tpu.vector_load %arg11[%get3A_531, %get3A_532] {strides = array<i32>} : memref<128x64xf32, #tpu.memory_space<vmem>>, vector<1x16xf32>,
      %get3A_534 = vector.shape_cast %get3A_533 : vector<1x16xf32> to vector<16xf32>
      %get3A_535 = arith.index_cast %add3A_518 : i32 to index
      %get3A_536 = arith.constant 0 : index
      %get3A_537 = tpu.vector_load %arg11[%get3A_535, %get3A_536] {strides = array<i32>} : memref<128x64xf32, #tpu.memory_space<vmem>>, vector<1x16xf32>,
      %get3A_538 = vector.shape_cast %get3A_537 : vector<1x16xf32> to vector<16xf32>
      %get3A_539 = arith.index_cast %add3A_518 : i32 to index
      %get3A_540 = arith.constant 16 : index
      %get3A_541 = tpu.vector_load %arg11[%get3A_539, %get3A_540] {strides = array<i32>} : memref<128x64xf32, #tpu.memory_space<vmem>>, vector<1x16xf32>,
      %get3A_542 = vector.shape_cast %get3A_541 : vector<1x16xf32> to vector<16xf32>
      %get3A_543 = arith.index_cast %add3A_518 : i32 to index
      %get3A_544 = arith.constant 32 : index
      %get3A_545 = tpu.vector_load %arg11[%get3A_543, %get3A_544] {strides = array<i32>} : memref<128x64xf32, #tpu.memory_space<vmem>>, vector<1x16xf32>,
      %get3A_546 = vector.shape_cast %get3A_545 : vector<1x16xf32> to vector<16xf32>
      %get3A_547 = arith.index_cast %add3A_518 : i32 to index
      %get3A_548 = arith.constant 48 : index
      %get3A_549 = tpu.vector_load %arg11[%get3A_547, %get3A_548] {strides = array<i32>} : memref<128x64xf32, #tpu.memory_space<vmem>>, vector<1x16xf32>,
      %get3A_550 = vector.shape_cast %get3A_549 : vector<1x16xf32> to vector<16xf32>
      %get3A_551 = arith.index_cast %select_n3A_506 : i32 to index
      %get3A_552 = arith.constant 0 : index
      %get3A_553 = tpu.vector_load %arg8[%get3A_551, %get3A_552] {strides = array<i32>} : memref<200x64xf32, #tpu.memory_space<vmem>>, vector<1x16xf32>,
      %get3A_554 = vector.shape_cast %get3A_553 : vector<1x16xf32> to vector<16xf32>
      %get3A_555 = arith.index_cast %select_n3A_506 : i32 to index
      %get3A_556 = arith.constant 16 : index
      %get3A_557 = tpu.vector_load %arg8[%get3A_555, %get3A_556] {strides = array<i32>} : memref<200x64xf32, #tpu.memory_space<vmem>>, vector<1x16xf32>,
      %get3A_558 = vector.shape_cast %get3A_557 : vector<1x16xf32> to vector<16xf32>
      %get3A_559 = arith.index_cast %select_n3A_506 : i32 to index
      %get3A_560 = arith.constant 32 : index
      %get3A_561 = tpu.vector_load %arg8[%get3A_559, %get3A_560] {strides = array<i32>} : memref<200x64xf32, #tpu.memory_space<vmem>>, vector<1x16xf32>,
      %get3A_562 = vector.shape_cast %get3A_561 : vector<1x16xf32> to vector<16xf32>
      %get3A_563 = arith.index_cast %select_n3A_506 : i32 to index
      %get3A_564 = arith.constant 48 : index
      %get3A_565 = tpu.vector_load %arg8[%get3A_563, %get3A_564] {strides = array<i32>} : memref<200x64xf32, #tpu.memory_space<vmem>>, vector<1x16xf32>,
      %get3A_566 = vector.shape_cast %get3A_565 : vector<1x16xf32> to vector<16xf32>
      %get3A_567 = arith.index_cast %select_n3A_514 : i32 to index
      %get3A_568 = arith.constant 0 : index
      %get3A_569 = tpu.vector_load %arg8[%get3A_567, %get3A_568] {strides = array<i32>} : memref<200x64xf32, #tpu.memory_space<vmem>>, vector<1x16xf32>,
      %get3A_570 = vector.shape_cast %get3A_569 : vector<1x16xf32> to vector<16xf32>
      %get3A_571 = arith.index_cast %select_n3A_514 : i32 to index
      %get3A_572 = arith.constant 16 : index
      %get3A_573 = tpu.vector_load %arg8[%get3A_571, %get3A_572] {strides = array<i32>} : memref<200x64xf32, #tpu.memory_space<vmem>>, vector<1x16xf32>,
      %get3A_574 = vector.shape_cast %get3A_573 : vector<1x16xf32> to vector<16xf32>
      %get3A_575 = arith.index_cast %select_n3A_514 : i32 to index
      %get3A_576 = arith.constant 32 : index
      %get3A_577 = tpu.vector_load %arg8[%get3A_575, %get3A_576] {strides = array<i32>} : memref<200x64xf32, #tpu.memory_space<vmem>>, vector<1x16xf32>,
      %get3A_578 = vector.shape_cast %get3A_577 : vector<1x16xf32> to vector<16xf32>
      %get3A_579 = arith.index_cast %select_n3A_514 : i32 to index
      %get3A_580 = arith.constant 48 : index
      %get3A_581 = tpu.vector_load %arg8[%get3A_579, %get3A_580] {strides = array<i32>} : memref<200x64xf32, #tpu.memory_space<vmem>>, vector<1x16xf32>,
      %get3A_582 = vector.shape_cast %get3A_581 : vector<1x16xf32> to vector<16xf32>
      %add3A_583 = arith.addf %get3A_522, %get3A_554 : vector<16xf32>
      %add3A_584 = arith.addf %get3A_526, %get3A_558 : vector<16xf32>
      %add3A_585 = arith.addf %get3A_530, %get3A_562 : vector<16xf32>
      %add3A_586 = arith.addf %get3A_534, %get3A_566 : vector<16xf32>
      %add3A_587 = arith.addf %add3A_583, %add3A_584 : vector<16xf32>
      %add3A_588 = arith.addf %add3A_585, %add3A_586 : vector<16xf32>
      %add3A_589 = arith.addf %add3A_587, %add3A_588 : vector<16xf32>
      %mul3A_590 = arith.mulf %add3A_583, %add3A_583 : vector<16xf32>
      %mul3A_591 = arith.mulf %add3A_584, %add3A_584 : vector<16xf32>
      %add3A_592 = arith.addf %mul3A_590, %mul3A_591 : vector<16xf32>
      %mul3A_593 = arith.mulf %add3A_585, %add3A_585 : vector<16xf32>
      %mul3A_594 = arith.mulf %add3A_586, %add3A_586 : vector<16xf32>
      %add3A_595 = arith.addf %mul3A_593, %mul3A_594 : vector<16xf32>
      %add3A_596 = arith.addf %add3A_592, %add3A_595 : vector<16xf32>
      %iota3A_597 = tpu.iota {dimensions = array<i32: 0>} : vector<16xi32>
      %xor3A_598 = arith.constant 8 : i32
      %xor3A_599 = vector.broadcast %xor3A_598 : i32 to vector<16xi32>
      %xor3A_600 = arith.xori %iota3A_597, %xor3A_599 : vector<16xi32>
      %broadcast_in_dim3A_601 = vector.shape_cast %xor3A_600 : vector<16xi32> to vector<16x1xi32>
      %gather3A_602 = vector.shape_cast %broadcast_in_dim3A_601 : vector<16x1xi32> to vector<16xi32>
      %gather3A_603 = tpu.dynamic_gather %add3A_589[%gather3A_602] in [0] : vector<16xf32>, vector<16xi32> -> vector<16xf32>
      %add3A_604 = arith.addf %add3A_589, %gather3A_603 : vector<16xf32>
      %iota3A_605 = tpu.iota {dimensions = array<i32: 0>} : vector<16xi32>
      %xor3A_606 = arith.constant 4 : i32
      %xor3A_607 = vector.broadcast %xor3A_606 : i32 to vector<16xi32>
      %xor3A_608 = arith.xori %iota3A_605, %xor3A_607 : vector<16xi32>
      %broadcast_in_dim3A_609 = vector.shape_cast %xor3A_608 : vector<16xi32> to vector<16x1xi32>
      %gather3A_610 = vector.shape_cast %broadcast_in_dim3A_609 : vector<16x1xi32> to vector<16xi32>
      %gather3A_611 = tpu.dynamic_gather %add3A_604[%gather3A_610] in [0] : vector<16xf32>, vector<16xi32> -> vector<16xf32>
      %add3A_612 = arith.addf %add3A_604, %gather3A_611 : vector<16xf32>
      %iota3A_613 = tpu.iota {dimensions = array<i32: 0>} : vector<16xi32>
      %xor3A_614 = arith.constant 2 : i32
      %xor3A_615 = vector.broadcast %xor3A_614 : i32 to vector<16xi32>
      %xor3A_616 = arith.xori %iota3A_613, %xor3A_615 : vector<16xi32>
      %broadcast_in_dim3A_617 = vector.shape_cast %xor3A_616 : vector<16xi32> to vector<16x1xi32>
      %gather3A_618 = vector.shape_cast %broadcast_in_dim3A_617 : vector<16x1xi32> to vector<16xi32>
      %gather3A_619 = tpu.dynamic_gather %add3A_612[%gather3A_618] in [0] : vector<16xf32>, vector<16xi32> -> vector<16xf32>
      %add3A_620 = arith.addf %add3A_612, %gather3A_619 : vector<16xf32>
      %iota3A_621 = tpu.iota {dimensions = array<i32: 0>} : vector<16xi32>
      %xor3A_622 = arith.constant 1 : i32
      %xor3A_623 = vector.broadcast %xor3A_622 : i32 to vector<16xi32>
      %xor3A_624 = arith.xori %iota3A_621, %xor3A_623 : vector<16xi32>
      %broadcast_in_dim3A_625 = vector.shape_cast %xor3A_624 : vector<16xi32> to vector<16x1xi32>
      %gather3A_626 = vector.shape_cast %broadcast_in_dim3A_625 : vector<16x1xi32> to vector<16xi32>
      %gather3A_627 = tpu.dynamic_gather %add3A_620[%gather3A_626] in [0] : vector<16xf32>, vector<16xi32> -> vector<16xf32>
      %add3A_628 = arith.addf %add3A_620, %gather3A_627 : vector<16xf32>
      %iota3A_629 = tpu.iota {dimensions = array<i32: 0>} : vector<16xi32>
      %xor3A_630 = arith.constant 8 : i32
      %xor3A_631 = vector.broadcast %xor3A_630 : i32 to vector<16xi32>
      %xor3A_632 = arith.xori %iota3A_629, %xor3A_631 : vector<16xi32>
      %broadcast_in_dim3A_633 = vector.shape_cast %xor3A_632 : vector<16xi32> to vector<16x1xi32>
      %gather3A_634 = vector.shape_cast %broadcast_in_dim3A_633 : vector<16x1xi32> to vector<16xi32>
      %gather3A_635 = tpu.dynamic_gather %add3A_596[%gather3A_634] in [0] : vector<16xf32>, vector<16xi32> -> vector<16xf32>
      %add3A_636 = arith.addf %add3A_596, %gather3A_635 : vector<16xf32>
      %iota3A_637 = tpu.iota {dimensions = array<i32: 0>} : vector<16xi32>
      %xor3A_638 = arith.constant 4 : i32
      %xor3A_639 = vector.broadcast %xor3A_638 : i32 to vector<16xi32>
      %xor3A_640 = arith.xori %iota3A_637, %xor3A_639 : vector<16xi32>
      %broadcast_in_dim3A_641 = vector.shape_cast %xor3A_640 : vector<16xi32> to vector<16x1xi32>
      %gather3A_642 = vector.shape_cast %broadcast_in_dim3A_641 : vector<16x1xi32> to vector<16xi32>
      %gather3A_643 = tpu.dynamic_gather %add3A_636[%gather3A_642] in [0] : vector<16xf32>, vector<16xi32> -> vector<16xf32>
      %add3A_644 = arith.addf %add3A_636, %gather3A_643 : vector<16xf32>
      %iota3A_645 = tpu.iota {dimensions = array<i32: 0>} : vector<16xi32>
      %xor3A_646 = arith.constant 2 : i32
      %xor3A_647 = vector.broadcast %xor3A_646 : i32 to vector<16xi32>
      %xor3A_648 = arith.xori %iota3A_645, %xor3A_647 : vector<16xi32>
      %broadcast_in_dim3A_649 = vector.shape_cast %xor3A_648 : vector<16xi32> to vector<16x1xi32>
      %gather3A_650 = vector.shape_cast %broadcast_in_dim3A_649 : vector<16x1xi32> to vector<16xi32>
      %gather3A_651 = tpu.dynamic_gather %add3A_644[%gather3A_650] in [0] : vector<16xf32>, vector<16xi32> -> vector<16xf32>
      %add3A_652 = arith.addf %add3A_644, %gather3A_651 : vector<16xf32>
      %iota3A_653 = tpu.iota {dimensions = array<i32: 0>} : vector<16xi32>
      %xor3A_654 = arith.constant 1 : i32
      %xor3A_655 = vector.broadcast %xor3A_654 : i32 to vector<16xi32>
      %xor3A_656 = arith.xori %iota3A_653, %xor3A_655 : vector<16xi32>
      %broadcast_in_dim3A_657 = vector.shape_cast %xor3A_656 : vector<16xi32> to vector<16x1xi32>
      %gather3A_658 = vector.shape_cast %broadcast_in_dim3A_657 : vector<16x1xi32> to vector<16xi32>
      %gather3A_659 = tpu.dynamic_gather %add3A_652[%gather3A_658] in [0] : vector<16xf32>, vector<16xi32> -> vector<16xf32>
      %add3A_660 = arith.addf %add3A_652, %gather3A_659 : vector<16xf32>
      %mul3A_661 = arith.constant 1.562500e-02 : f32
      %mul3A_662 = vector.broadcast %mul3A_661 : f32 to vector<16xf32>
      %mul3A_663 = arith.mulf %add3A_628, %mul3A_662 : vector<16xf32>
      %mul3A_664 = arith.constant 1.562500e-02 : f32
      %mul3A_665 = vector.broadcast %mul3A_664 : f32 to vector<16xf32>
      %mul3A_666 = arith.mulf %add3A_660, %mul3A_665 : vector<16xf32>
      %mul3A_667 = arith.mulf %mul3A_663, %mul3A_663 : vector<16xf32>
      %sub3A_668 = arith.subf %mul3A_666, %mul3A_667 : vector<16xf32>
      %add3A_669 = arith.constant 9.99999996E-13 : f32
      %add3A_670 = vector.broadcast %add3A_669 : f32 to vector<16xf32>
      %add3A_671 = arith.addf %sub3A_668, %add3A_670 : vector<16xf32>
      %bitcast_convert_type3A_672 = tpu.bitcast %add3A_671 : vector<16xf32> -> vector<16xi32>
      %shift_right_arithmetic3A_673 = arith.constant 1 : i32
      %shift_right_arithmetic3A_674 = vector.broadcast %shift_right_arithmetic3A_673 : i32 to vector<16xi32>
      %shift_right_arithmetic3A_675 = arith.shrsi %bitcast_convert_type3A_672, %shift_right_arithmetic3A_674 : vector<16xi32>
      %sub3A_676 = arith.constant 1597463007 : i32
      %sub3A_677 = vector.broadcast %sub3A_676 : i32 to vector<16xi32>
      %sub3A_678 = arith.subi %sub3A_677, %shift_right_arithmetic3A_675 : vector<16xi32>
      %bitcast_convert_type3A_679 = tpu.bitcast %sub3A_678 : vector<16xi32> -> vector<16xf32>
      %mul3A_680 = arith.constant 5.000000e-01 : f32
      %mul3A_681 = vector.broadcast %mul3A_680 : f32 to vector<16xf32>
      %mul3A_682 = arith.mulf %add3A_671, %mul3A_681 : vector<16xf32>
      %mul3A_683 = arith.mulf %mul3A_682, %bitcast_convert_type3A_679 : vector<16xf32>
      %mul3A_684 = arith.mulf %mul3A_683, %bitcast_convert_type3A_679 : vector<16xf32>
      %sub3A_685 = arith.constant 1.500000e+00 : f32
      %sub3A_686 = vector.broadcast %sub3A_685 : f32 to vector<16xf32>
      %sub3A_687 = arith.subf %sub3A_686, %mul3A_684 : vector<16xf32>
      %mul3A_688 = arith.mulf %bitcast_convert_type3A_679, %sub3A_687 : vector<16xf32>
      %mul3A_689 = arith.mulf %mul3A_682, %mul3A_688 : vector<16xf32>
      %mul3A_690 = arith.mulf %mul3A_689, %mul3A_688 : vector<16xf32>
      %sub3A_691 = arith.constant 1.500000e+00 : f32
      %sub3A_692 = vector.broadcast %sub3A_691 : f32 to vector<16xf32>
      %sub3A_693 = arith.subf %sub3A_692, %mul3A_690 : vector<16xf32>
      %mul3A_694 = arith.mulf %mul3A_688, %sub3A_693 : vector<16xf32>
      %sub3A_695 = arith.subf %add3A_583, %mul3A_663 : vector<16xf32>
      %mul3A_696 = arith.mulf %mul3A_694, %get3A_4 : vector<16xf32>
      %mul3A_697 = arith.mulf %sub3A_695, %mul3A_696 : vector<16xf32>
      %add3A_698 = arith.addf %mul3A_697, %get3A_24 : vector<16xf32>
      %sub3A_699 = arith.subf %add3A_584, %mul3A_663 : vector<16xf32>
      %mul3A_700 = arith.mulf %mul3A_694, %get3A_9 : vector<16xf32>
      %mul3A_701 = arith.mulf %sub3A_699, %mul3A_700 : vector<16xf32>
      %add3A_702 = arith.addf %mul3A_701, %get3A_29 : vector<16xf32>
      %sub3A_703 = arith.subf %add3A_585, %mul3A_663 : vector<16xf32>
      %mul3A_704 = arith.mulf %mul3A_694, %get3A_14 : vector<16xf32>
      %mul3A_705 = arith.mulf %sub3A_703, %mul3A_704 : vector<16xf32>
      %add3A_706 = arith.addf %mul3A_705, %get3A_34 : vector<16xf32>
      %sub3A_707 = arith.subf %add3A_586, %mul3A_663 : vector<16xf32>
      %mul3A_708 = arith.mulf %mul3A_694, %get3A_19 : vector<16xf32>
      %mul3A_709 = arith.mulf %sub3A_707, %mul3A_708 : vector<16xf32>
      %add3A_710 = arith.addf %mul3A_709, %get3A_39 : vector<16xf32>
      %add3A_711 = arith.addf %get3A_538, %get3A_570 : vector<16xf32>
      %add3A_712 = arith.addf %get3A_542, %get3A_574 : vector<16xf32>
      %add3A_713 = arith.addf %get3A_546, %get3A_578 : vector<16xf32>
      %add3A_714 = arith.addf %get3A_550, %get3A_582 : vector<16xf32>
      %add3A_715 = arith.addf %add3A_711, %add3A_712 : vector<16xf32>
      %add3A_716 = arith.addf %add3A_713, %add3A_714 : vector<16xf32>
      %add3A_717 = arith.addf %add3A_715, %add3A_716 : vector<16xf32>
      %mul3A_718 = arith.mulf %add3A_711, %add3A_711 : vector<16xf32>
      %mul3A_719 = arith.mulf %add3A_712, %add3A_712 : vector<16xf32>
      %add3A_720 = arith.addf %mul3A_718, %mul3A_719 : vector<16xf32>
      %mul3A_721 = arith.mulf %add3A_713, %add3A_713 : vector<16xf32>
      %mul3A_722 = arith.mulf %add3A_714, %add3A_714 : vector<16xf32>
      %add3A_723 = arith.addf %mul3A_721, %mul3A_722 : vector<16xf32>
      %add3A_724 = arith.addf %add3A_720, %add3A_723 : vector<16xf32>
      %iota3A_725 = tpu.iota {dimensions = array<i32: 0>} : vector<16xi32>
      %xor3A_726 = arith.constant 8 : i32
      %xor3A_727 = vector.broadcast %xor3A_726 : i32 to vector<16xi32>
      %xor3A_728 = arith.xori %iota3A_725, %xor3A_727 : vector<16xi32>
      %broadcast_in_dim3A_729 = vector.shape_cast %xor3A_728 : vector<16xi32> to vector<16x1xi32>
      %gather3A_730 = vector.shape_cast %broadcast_in_dim3A_729 : vector<16x1xi32> to vector<16xi32>
      %gather3A_731 = tpu.dynamic_gather %add3A_717[%gather3A_730] in [0] : vector<16xf32>, vector<16xi32> -> vector<16xf32>
      %add3A_732 = arith.addf %add3A_717, %gather3A_731 : vector<16xf32>
      %iota3A_733 = tpu.iota {dimensions = array<i32: 0>} : vector<16xi32>
      %xor3A_734 = arith.constant 4 : i32
      %xor3A_735 = vector.broadcast %xor3A_734 : i32 to vector<16xi32>
      %xor3A_736 = arith.xori %iota3A_733, %xor3A_735 : vector<16xi32>
      %broadcast_in_dim3A_737 = vector.shape_cast %xor3A_736 : vector<16xi32> to vector<16x1xi32>
      %gather3A_738 = vector.shape_cast %broadcast_in_dim3A_737 : vector<16x1xi32> to vector<16xi32>
      %gather3A_739 = tpu.dynamic_gather %add3A_732[%gather3A_738] in [0] : vector<16xf32>, vector<16xi32> -> vector<16xf32>
      %add3A_740 = arith.addf %add3A_732, %gather3A_739 : vector<16xf32>
      %iota3A_741 = tpu.iota {dimensions = array<i32: 0>} : vector<16xi32>
      %xor3A_742 = arith.constant 2 : i32
      %xor3A_743 = vector.broadcast %xor3A_742 : i32 to vector<16xi32>
      %xor3A_744 = arith.xori %iota3A_741, %xor3A_743 : vector<16xi32>
      %broadcast_in_dim3A_745 = vector.shape_cast %xor3A_744 : vector<16xi32> to vector<16x1xi32>
      %gather3A_746 = vector.shape_cast %broadcast_in_dim3A_745 : vector<16x1xi32> to vector<16xi32>
      %gather3A_747 = tpu.dynamic_gather %add3A_740[%gather3A_746] in [0] : vector<16xf32>, vector<16xi32> -> vector<16xf32>
      %add3A_748 = arith.addf %add3A_740, %gather3A_747 : vector<16xf32>
      %iota3A_749 = tpu.iota {dimensions = array<i32: 0>} : vector<16xi32>
      %xor3A_750 = arith.constant 1 : i32
      %xor3A_751 = vector.broadcast %xor3A_750 : i32 to vector<16xi32>
      %xor3A_752 = arith.xori %iota3A_749, %xor3A_751 : vector<16xi32>
      %broadcast_in_dim3A_753 = vector.shape_cast %xor3A_752 : vector<16xi32> to vector<16x1xi32>
      %gather3A_754 = vector.shape_cast %broadcast_in_dim3A_753 : vector<16x1xi32> to vector<16xi32>
      %gather3A_755 = tpu.dynamic_gather %add3A_748[%gather3A_754] in [0] : vector<16xf32>, vector<16xi32> -> vector<16xf32>
      %add3A_756 = arith.addf %add3A_748, %gather3A_755 : vector<16xf32>
      %iota3A_757 = tpu.iota {dimensions = array<i32: 0>} : vector<16xi32>
      %xor3A_758 = arith.constant 8 : i32
      %xor3A_759 = vector.broadcast %xor3A_758 : i32 to vector<16xi32>
      %xor3A_760 = arith.xori %iota3A_757, %xor3A_759 : vector<16xi32>
      %broadcast_in_dim3A_761 = vector.shape_cast %xor3A_760 : vector<16xi32> to vector<16x1xi32>
      %gather3A_762 = vector.shape_cast %broadcast_in_dim3A_761 : vector<16x1xi32> to vector<16xi32>
      %gather3A_763 = tpu.dynamic_gather %add3A_724[%gather3A_762] in [0] : vector<16xf32>, vector<16xi32> -> vector<16xf32>
      %add3A_764 = arith.addf %add3A_724, %gather3A_763 : vector<16xf32>
      %iota3A_765 = tpu.iota {dimensions = array<i32: 0>} : vector<16xi32>
      %xor3A_766 = arith.constant 4 : i32
      %xor3A_767 = vector.broadcast %xor3A_766 : i32 to vector<16xi32>
      %xor3A_768 = arith.xori %iota3A_765, %xor3A_767 : vector<16xi32>
      %broadcast_in_dim3A_769 = vector.shape_cast %xor3A_768 : vector<16xi32> to vector<16x1xi32>
      %gather3A_770 = vector.shape_cast %broadcast_in_dim3A_769 : vector<16x1xi32> to vector<16xi32>
      %gather3A_771 = tpu.dynamic_gather %add3A_764[%gather3A_770] in [0] : vector<16xf32>, vector<16xi32> -> vector<16xf32>
      %add3A_772 = arith.addf %add3A_764, %gather3A_771 : vector<16xf32>
      %iota3A_773 = tpu.iota {dimensions = array<i32: 0>} : vector<16xi32>
      %xor3A_774 = arith.constant 2 : i32
      %xor3A_775 = vector.broadcast %xor3A_774 : i32 to vector<16xi32>
      %xor3A_776 = arith.xori %iota3A_773, %xor3A_775 : vector<16xi32>
      %broadcast_in_dim3A_777 = vector.shape_cast %xor3A_776 : vector<16xi32> to vector<16x1xi32>
      %gather3A_778 = vector.shape_cast %broadcast_in_dim3A_777 : vector<16x1xi32> to vector<16xi32>
      %gather3A_779 = tpu.dynamic_gather %add3A_772[%gather3A_778] in [0] : vector<16xf32>, vector<16xi32> -> vector<16xf32>
      %add3A_780 = arith.addf %add3A_772, %gather3A_779 : vector<16xf32>
      %iota3A_781 = tpu.iota {dimensions = array<i32: 0>} : vector<16xi32>
      %xor3A_782 = arith.constant 1 : i32
      %xor3A_783 = vector.broadcast %xor3A_782 : i32 to vector<16xi32>
      %xor3A_784 = arith.xori %iota3A_781, %xor3A_783 : vector<16xi32>
      %broadcast_in_dim3A_785 = vector.shape_cast %xor3A_784 : vector<16xi32> to vector<16x1xi32>
      %gather3A_786 = vector.shape_cast %broadcast_in_dim3A_785 : vector<16x1xi32> to vector<16xi32>
      %gather3A_787 = tpu.dynamic_gather %add3A_780[%gather3A_786] in [0] : vector<16xf32>, vector<16xi32> -> vector<16xf32>
      %add3A_788 = arith.addf %add3A_780, %gather3A_787 : vector<16xf32>
      %mul3A_789 = arith.constant 1.562500e-02 : f32
      %mul3A_790 = vector.broadcast %mul3A_789 : f32 to vector<16xf32>
      %mul3A_791 = arith.mulf %add3A_756, %mul3A_790 : vector<16xf32>
      %mul3A_792 = arith.constant 1.562500e-02 : f32
      %mul3A_793 = vector.broadcast %mul3A_792 : f32 to vector<16xf32>
      %mul3A_794 = arith.mulf %add3A_788, %mul3A_793 : vector<16xf32>
      %mul3A_795 = arith.mulf %mul3A_791, %mul3A_791 : vector<16xf32>
      %sub3A_796 = arith.subf %mul3A_794, %mul3A_795 : vector<16xf32>
      %add3A_797 = arith.constant 9.99999996E-13 : f32
      %add3A_798 = vector.broadcast %add3A_797 : f32 to vector<16xf32>
      %add3A_799 = arith.addf %sub3A_796, %add3A_798 : vector<16xf32>
      %bitcast_convert_type3A_800 = tpu.bitcast %add3A_799 : vector<16xf32> -> vector<16xi32>
      %shift_right_arithmetic3A_801 = arith.constant 1 : i32
      %shift_right_arithmetic3A_802 = vector.broadcast %shift_right_arithmetic3A_801 : i32 to vector<16xi32>
      %shift_right_arithmetic3A_803 = arith.shrsi %bitcast_convert_type3A_800, %shift_right_arithmetic3A_802 : vector<16xi32>
      %sub3A_804 = arith.constant 1597463007 : i32
      %sub3A_805 = vector.broadcast %sub3A_804 : i32 to vector<16xi32>
      %sub3A_806 = arith.subi %sub3A_805, %shift_right_arithmetic3A_803 : vector<16xi32>
      %bitcast_convert_type3A_807 = tpu.bitcast %sub3A_806 : vector<16xi32> -> vector<16xf32>
      %mul3A_808 = arith.constant 5.000000e-01 : f32
      %mul3A_809 = vector.broadcast %mul3A_808 : f32 to vector<16xf32>
      %mul3A_810 = arith.mulf %add3A_799, %mul3A_809 : vector<16xf32>
      %mul3A_811 = arith.mulf %mul3A_810, %bitcast_convert_type3A_807 : vector<16xf32>
      %mul3A_812 = arith.mulf %mul3A_811, %bitcast_convert_type3A_807 : vector<16xf32>
      %sub3A_813 = arith.constant 1.500000e+00 : f32
      %sub3A_814 = vector.broadcast %sub3A_813 : f32 to vector<16xf32>
      %sub3A_815 = arith.subf %sub3A_814, %mul3A_812 : vector<16xf32>
      %mul3A_816 = arith.mulf %bitcast_convert_type3A_807, %sub3A_815 : vector<16xf32>
      %mul3A_817 = arith.mulf %mul3A_810, %mul3A_816 : vector<16xf32>
      %mul3A_818 = arith.mulf %mul3A_817, %mul3A_816 : vector<16xf32>
      %sub3A_819 = arith.constant 1.500000e+00 : f32
      %sub3A_820 = vector.broadcast %sub3A_819 : f32 to vector<16xf32>
      %sub3A_821 = arith.subf %sub3A_820, %mul3A_818 : vector<16xf32>
      %mul3A_822 = arith.mulf %mul3A_816, %sub3A_821 : vector<16xf32>
      %sub3A_823 = arith.subf %add3A_711, %mul3A_791 : vector<16xf32>
      %mul3A_824 = arith.mulf %mul3A_822, %get3A_4 : vector<16xf32>
      %mul3A_825 = arith.mulf %sub3A_823, %mul3A_824 : vector<16xf32>
      %add3A_826 = arith.addf %mul3A_825, %get3A_24 : vector<16xf32>
      %sub3A_827 = arith.subf %add3A_712, %mul3A_791 : vector<16xf32>
      %mul3A_828 = arith.mulf %mul3A_822, %get3A_9 : vector<16xf32>
      %mul3A_829 = arith.mulf %sub3A_827, %mul3A_828 : vector<16xf32>
      %add3A_830 = arith.addf %mul3A_829, %get3A_29 : vector<16xf32>
      %sub3A_831 = arith.subf %add3A_713, %mul3A_791 : vector<16xf32>
      %mul3A_832 = arith.mulf %mul3A_822, %get3A_14 : vector<16xf32>
      %mul3A_833 = arith.mulf %sub3A_831, %mul3A_832 : vector<16xf32>
      %add3A_834 = arith.addf %mul3A_833, %get3A_34 : vector<16xf32>
      %sub3A_835 = arith.subf %add3A_714, %mul3A_791 : vector<16xf32>
      %mul3A_836 = arith.mulf %mul3A_822, %get3A_19 : vector<16xf32>
      %mul3A_837 = arith.mulf %sub3A_835, %mul3A_836 : vector<16xf32>
      %add3A_838 = arith.addf %mul3A_837, %get3A_39 : vector<16xf32>
      %swap3A_839 = arith.index_cast %scan3A_508 : i32 to index
      %swap3A_840 = arith.constant 0 : index
      %swap3A_841 = tpu.vector_load %arg15[%swap3A_839, %swap3A_840] {strides = array<i32>} : memref<64x128xf32, #tpu.memory_space<vmem>>, vector<1x16xf32>,
      %swap3A_842 = vector.shape_cast %swap3A_841 : vector<1x16xf32> to vector<16xf32>
      %swap3A_843 = vector.shape_cast %add3A_698 : vector<16xf32> to vector<1x16xf32>
      tpu.vector_store %arg15[%swap3A_839, %swap3A_840], %swap3A_843 {strides = array<i32>} : memref<64x128xf32, #tpu.memory_space<vmem>>, vector<1x16xf32>,
      %swap3A_844 = arith.index_cast %scan3A_508 : i32 to index
      %swap3A_845 = arith.constant 64 : index
      %swap3A_846 = tpu.vector_load %arg15[%swap3A_844, %swap3A_845] {strides = array<i32>} : memref<64x128xf32, #tpu.memory_space<vmem>>, vector<1x16xf32>,
      %swap3A_847 = vector.shape_cast %swap3A_846 : vector<1x16xf32> to vector<16xf32>
      %swap3A_848 = vector.shape_cast %add3A_826 : vector<16xf32> to vector<1x16xf32>
      tpu.vector_store %arg15[%swap3A_844, %swap3A_845], %swap3A_848 {strides = array<i32>} : memref<64x128xf32, #tpu.memory_space<vmem>>, vector<1x16xf32>,
      %swap3A_849 = arith.index_cast %scan3A_508 : i32 to index
      %swap3A_850 = arith.constant 16 : index
      %swap3A_851 = tpu.vector_load %arg15[%swap3A_849, %swap3A_850] {strides = array<i32>} : memref<64x128xf32, #tpu.memory_space<vmem>>, vector<1x16xf32>,
      %swap3A_852 = vector.shape_cast %swap3A_851 : vector<1x16xf32> to vector<16xf32>
      %swap3A_853 = vector.shape_cast %add3A_702 : vector<16xf32> to vector<1x16xf32>
      tpu.vector_store %arg15[%swap3A_849, %swap3A_850], %swap3A_853 {strides = array<i32>} : memref<64x128xf32, #tpu.memory_space<vmem>>, vector<1x16xf32>,
      %swap3A_854 = arith.index_cast %scan3A_508 : i32 to index
      %swap3A_855 = arith.constant 80 : index
      %swap3A_856 = tpu.vector_load %arg15[%swap3A_854, %swap3A_855] {strides = array<i32>} : memref<64x128xf32, #tpu.memory_space<vmem>>, vector<1x16xf32>,
      %swap3A_857 = vector.shape_cast %swap3A_856 : vector<1x16xf32> to vector<16xf32>
      %swap3A_858 = vector.shape_cast %add3A_830 : vector<16xf32> to vector<1x16xf32>
      tpu.vector_store %arg15[%swap3A_854, %swap3A_855], %swap3A_858 {strides = array<i32>} : memref<64x128xf32, #tpu.memory_space<vmem>>, vector<1x16xf32>,
      %swap3A_859 = arith.index_cast %scan3A_508 : i32 to index
      %swap3A_860 = arith.constant 32 : index
      %swap3A_861 = tpu.vector_load %arg15[%swap3A_859, %swap3A_860] {strides = array<i32>} : memref<64x128xf32, #tpu.memory_space<vmem>>, vector<1x16xf32>,
      %swap3A_862 = vector.shape_cast %swap3A_861 : vector<1x16xf32> to vector<16xf32>
      %swap3A_863 = vector.shape_cast %add3A_706 : vector<16xf32> to vector<1x16xf32>
      tpu.vector_store %arg15[%swap3A_859, %swap3A_860], %swap3A_863 {strides = array<i32>} : memref<64x128xf32, #tpu.memory_space<vmem>>, vector<1x16xf32>,
      %swap3A_864 = arith.index_cast %scan3A_508 : i32 to index
      %swap3A_865 = arith.constant 96 : index
      %swap3A_866 = tpu.vector_load %arg15[%swap3A_864, %swap3A_865] {strides = array<i32>} : memref<64x128xf32, #tpu.memory_space<vmem>>, vector<1x16xf32>,
      %swap3A_867 = vector.shape_cast %swap3A_866 : vector<1x16xf32> to vector<16xf32>
      %swap3A_868 = vector.shape_cast %add3A_834 : vector<16xf32> to vector<1x16xf32>
      tpu.vector_store %arg15[%swap3A_864, %swap3A_865], %swap3A_868 {strides = array<i32>} : memref<64x128xf32, #tpu.memory_space<vmem>>, vector<1x16xf32>,
      %swap3A_869 = arith.index_cast %scan3A_508 : i32 to index
      %swap3A_870 = arith.constant 48 : index
      %swap3A_871 = tpu.vector_load %arg15[%swap3A_869, %swap3A_870] {strides = array<i32>} : memref<64x128xf32, #tpu.memory_space<vmem>>, vector<1x16xf32>,
      %swap3A_872 = vector.shape_cast %swap3A_871 : vector<1x16xf32> to vector<16xf32>
      %swap3A_873 = vector.shape_cast %add3A_710 : vector<16xf32> to vector<1x16xf32>
      tpu.vector_store %arg15[%swap3A_869, %swap3A_870], %swap3A_873 {strides = array<i32>} : memref<64x128xf32, #tpu.memory_space<vmem>>, vector<1x16xf32>,
      %swap3A_874 = arith.index_cast %scan3A_508 : i32 to index
      %swap3A_875 = arith.constant 112 : index
      %swap3A_876 = tpu.vector_load %arg15[%swap3A_874, %swap3A_875] {strides = array<i32>} : memref<64x128xf32, #tpu.memory_space<vmem>>, vector<1x16xf32>,
      %swap3A_877 = vector.shape_cast %swap3A_876 : vector<1x16xf32> to vector<16xf32>
      %swap3A_878 = vector.shape_cast %add3A_838 : vector<16xf32> to vector<1x16xf32>
      tpu.vector_store %arg15[%swap3A_874, %swap3A_875], %swap3A_878 {strides = array<i32>} : memref<64x128xf32, #tpu.memory_space<vmem>>, vector<1x16xf32>,
      %add3A_879 = arith.constant 1 : i32
      %add3A_880 = arith.addi %select_n3A_514, %add3A_879 : i32
      %eq3A_881 = arith.constant 200 : i32
      %eq3A_882 = arith.cmpi eq, %add3A_880, %eq3A_881 : i32
      %select_n3A_883 = arith.constant 0 : i32
      %select_n3A_884 = arith.select %eq3A_882, %select_n3A_883, %add3A_880 : i32
      scf.yield %select_n3A_884 : i32
    }
    %scan3A_116 = arith.constant 64 : i32
    %mul3A_117 = arith.constant 50 : i32
    %mul3A_118 = arith.muli %add3A, %mul3A_117 : i32
    %add3A_119 = arith.constant 49 : i32
    %add3A_120 = arith.addi %mul3A_118, %add3A_119 : i32
    %mul3A_121 = arith.constant 64 : i32
    %mul3A_122 = arith.muli %add3A_120, %mul3A_121 : i32
    %dma_start3A_123 = arith.constant 0 : i32
    %dma_start3A_124 = tpu.memref_slice %arg6[%mul3A_122, %dma_start3A_123] : memref<102400x128xf32, #tpu.memory_space<hbm>> -> memref<64x128xf32, #tpu.memory_space<hbm>>
    %dma_start3A_125 = arith.constant 0 : i32
    %dma_start3A_126 = tpu.memref_slice %arg6[%mul3A_122, %dma_start3A_125] : memref<102400x128xf32, #tpu.memory_space<hbm>> -> memref<64x128xf32, #tpu.memory_space<hbm>>
    tpu.enqueue_dma source(%arg15 : memref<64x128xf32, #tpu.memory_space<vmem>>) target(%dma_start3A_126 : memref<64x128xf32, #tpu.memory_space<hbm>>) target_semaphore(%arg21 : memref<!tpu.dma_semaphore, #tpu.memory_space<semaphore_mem>>)
    %dma_wait3A_127 = arith.constant 0 : i32
    %dma_wait3A_128 = arith.constant 0 : i32
    %dma_wait3A_129 = tpu.memref_slice %arg6[%dma_wait3A_127, %dma_wait3A_128] : memref<102400x128xf32, #tpu.memory_space<hbm>> -> memref<64x128xf32, #tpu.memory_space<hbm>>
    %dma_wait3A_130 = arith.constant 0 : i32
    %dma_wait3A_131 = arith.constant 0 : i32
    %dma_wait3A_132 = tpu.memref_slice %arg6[%dma_wait3A_130, %dma_wait3A_131] : memref<102400x128xf32, #tpu.memory_space<hbm>> -> memref<64x128xf32, #tpu.memory_space<hbm>>
    tpu.wait_dma2 semaphore(%arg20 : memref<!tpu.dma_semaphore, #tpu.memory_space<semaphore_mem>>) src(%arg14 : memref<64x128xf32, #tpu.memory_space<vmem>>) dst(%dma_wait3A_132 : memref<64x128xf32, #tpu.memory_space<hbm>>)
    %dma_wait3A_133 = arith.constant 0 : i32
    %dma_wait3A_134 = arith.constant 0 : i32
    %dma_wait3A_135 = tpu.memref_slice %arg6[%dma_wait3A_133, %dma_wait3A_134] : memref<102400x128xf32, #tpu.memory_space<hbm>> -> memref<64x128xf32, #tpu.memory_space<hbm>>
    %dma_wait3A_136 = arith.constant 0 : i32
    %dma_wait3A_137 = arith.constant 0 : i32
    %dma_wait3A_138 = tpu.memref_slice %arg6[%dma_wait3A_136, %dma_wait3A_137] : memref<102400x128xf32, #tpu.memory_space<hbm>> -> memref<64x128xf32, #tpu.memory_space<hbm>>
    tpu.wait_dma2 semaphore(%arg21 : memref<!tpu.dma_semaphore, #tpu.memory_space<semaphore_mem>>) src(%arg15 : memref<64x128xf32, #tpu.memory_space<vmem>>) dst(%dma_wait3A_138 : memref<64x128xf32, #tpu.memory_space<hbm>>)
    return
  }
}

</mosaic_0001>

<sc_bundles>
// kernel: kernel.3.cloned.1.call-start
scs
__scs_entry_jumppad:
0x0: {  	(pc) =	sbr.rel $0x88, $3  }
0x1: {  	(tag) =	ssettag $0x0;
	lr =	simm.s32 $0x1  }
0x2: {  	[smem:$0x3F9B] =	sst lr;
	_ =	strace $0xD0000000  }
0x3: {  	_ = 	snop  }
0x4: {  	_ = 	snop  }
0x5: {  	_ = 	snop  }
0x6: {  	_ = 	snop  }
0x7: {  	_ = 	snop  }
__scs_overlays_trampoline_lowered:
0x8: {  	[smem:$0x3FAA] =	sst s0  }
0x9: {  	[smem:$0x3FAB] =	sst s1  }
0xa: {  	[smem:$0x3FAC] =	sst s2  }
0xb: {  	[smem:$0x3FAD] =	sst s3  }
0xc: {  	[smem:$0x3FAE] =	sst s4  }
0xd: {  	[smem:$0x3FAF] =	sst s5  }
0xe: {  	[smem:$0x3FB0] =	sst s6  }
0xf: {  	[smem:$0x3FB1] =	sst s7  }
0x10: {  	[smem:$0x3FB2] =	sst s8  }
0x11: {  	[smem:$0x3FB3] =	sst s9;
	s0 =	simm.s32 @!p0 $0x0  }
0x12: {  	s1 =	sld [smem:$0x3F99];
	s0 =	simm.s32 @p0 $0x1  }
0x13: {  	[smem:$0x3FB4] =	sst s0;
	s0 =	simm.s32 @!p1 $0x0  }
0x14: {  	s2 =	sld [smem:$0x3F98];
	s0 =	simm.s32 @p1 $0x1  }
0x15: {  	[smem:$0x3FB5] =	sst s0;
	s0 =	simm.s32 @!p2 $0x0  }
0x16: {  	s3 =	sld [smem:$0x3FDB];
	s0 =	simm.s32 @p2 $0x1  }
0x17: {  	s4 =	simm.s32 $0x1BF5;
	[smem:$0x3FB7] =	sst s0  }
0x18: {  	s0 =	sld [smem:$0x3F9A];
	_ =	swait.ge [sflag:s4], $0x0  }
0x19: {  	s7 =	sld [smem:$0x3F9B]  }
0x1a: {  	s8 =	sadd.s32 $0xFFFFE003, lr  }
0x1b: {  	s9 =	sadd.s32 $0xFFFFFEF7, lr;
	s5 =	simm.s32 $0xFFFFFFFF;
	p2 =	slt.u32 s8, $0xFFFFF086  }
0x1c: {  	p1 =	slt.u32 s9, $0xF7A;
	s5 =	simm.s32 @!p2 $0x0  }
0x1d: {  	s5 =	simm.s32 @p1 $0x1;
	p0 =	seq.s32 s7, s2  }
0x1e: {  	s7 =	smul.u32 @!p0 $0xF7A, s2;
	p2 =	seq.s32 @!p0 s5, $0x0  }
0x1f: {  	s9 =	smul.u32 $0xF7A, s1;
	s8 =	simm.s32 @!p0 $0x1BF5;
	p2 =	por !p2, p0  }
0x20: {  	[sflag:s8] =	ssyncset.s32 @!p0 $0xFFFFF086;
	s6 =	sadd.s32 @!p0 s3, s7;
	s7 =	simm.s32 @!p0 $0x108  }
0x21: {  	s3 =	sadd.s32 s3, s9;
	s6 =	sadd.s32 @!p0 $0x88, s6;
	s7 =	simm.s32 @p2 $0x1082  }
0x22: {  	[simem:s7], [sflag:s8] =	dma.local @!p0 [hbm:s6], $0xF7A  }
0x23: {  	s9 =	sor.u32 $0xD0000000, s2;
	s6 =	simm.s32 $0x108;
	_ =	swait.ge @!p0 [sflag:s8], $0x0  }
0x24: {  	s3 =	sadd.s32 $0x88, s3;
	s6 =	simm.s32 @!p1 $0x1082;
	[sflag:s4] =	ssyncset.s32 $0xFFFFF086  }
0x25: {  	[simem:s6], [sflag:s4] =	dma.local [hbm:s3], $0xF7A  }
0x26: {  	[smem:$0x3F9B] =	sst s1;
	(tag) =	ssettag s2;
	_ =	strace s9  }
0x27: {  	s1 =	sld [smem:$0x3FAB]  }
0x28: {  	s2 =	sld [smem:$0x3FAC]  }
0x29: {  	s4 =	sld [smem:$0x3FAE]  }
0x2a: {  	p0 =	seq.s32 s5, $0x0;
	s5 =	sld [smem:$0x3FAF]  }
0x2b: {  	s6 =	sld [smem:$0x3FB0]  }
0x2c: {  	s7 =	sld [smem:$0x3FB1]  }
0x2d: {  	s3 =	simm.s32 $0x108;
	s8 =	sld [smem:$0x3FB2]  }
0x2e: {  	s3 =	simm.s32 @!p0 $0x1082;
	s9 =	sld [smem:$0x3FB3]  }
0x2f: {  	lr =	sadd.s32 s0, s3;
	s0 =	sld [smem:$0x3FAA]  }
0x30: {  	s3 =	sld [smem:$0x3FAD]  }
0x31: {  	[smem:$0x3FB6] =	sst s10  }
0x32: {  	s10 =	sld [smem:$0x3FB4];
	_ =	sdelay $0x3  }
0x33: {  	p0 =	seq.s32 s10, $0x1;
	s10 =	sld [smem:$0x3FB6];
	_ =	sdelay $0x3  }
0x34: {  	[smem:$0x3FB6] =	sst s10  }
0x35: {  	s10 =	sld [smem:$0x3FB5];
	_ =	sdelay $0x3  }
0x36: {  	p1 =	seq.s32 s10, $0x1;
	s10 =	sld [smem:$0x3FB6];
	_ =	sdelay $0x3  }
0x37: {  	[smem:$0x3FB6] =	sst s10  }
0x38: {  	s10 =	sld [smem:$0x3FB7]  }
0x39: {  	_ = 	snop;
	(pc) =	sbr.ind lr, $3  }
0x3a: {  	_ = 	snop  }
0x3b: {  	_ = 	snop  }
0x3c: {  	p2 =	seq.s32 s10, $0x1;
	s10 =	sld [smem:$0x3FB6]  }
0x3d: {  	_ =	shalt  }
0x3e: {  	_ =	shalt  }
0x3f: {  	_ =	shalt  }
0x40: {  	_ =	shalt  }
0x41: {  	_ =	shalt  }
0x42: {  	_ =	shalt  }
0x43: {  	_ =	shalt  }
0x44: {  	_ =	shalt  }
0x45: {  	_ =	shalt  }
0x46: {  	_ =	shalt  }
0x47: {  	_ =	shalt  }
0x48: {  	_ =	shalt  }
0x49: {  	_ =	shalt  }
0x4a: {  	_ =	shalt  }
0x4b: {  	_ =	shalt  }
0x4c: {  	_ =	shalt  }
0x4d: {  	_ =	shalt  }
0x4e: {  	_ =	shalt  }
0x4f: {  	_ =	shalt  }
0x50: {  	_ =	shalt  }
0x51: {  	_ =	shalt  }
0x52: {  	_ =	shalt  }
0x53: {  	_ =	shalt  }
0x54: {  	_ =	shalt  }
0x55: {  	_ =	shalt  }
0x56: {  	_ =	shalt  }
0x57: {  	_ =	shalt  }
0x58: {  	_ =	shalt  }
0x59: {  	_ =	shalt  }
0x5a: {  	_ =	shalt  }
0x5b: {  	_ =	shalt  }
0x5c: {  	_ =	shalt  }
0x5d: {  	_ =	shalt  }
0x5e: {  	_ =	shalt  }
0x5f: {  	_ =	shalt  }
0x60: {  	_ =	shalt  }
0x61: {  	_ =	shalt  }
0x62: {  	_ =	shalt  }
0x63: {  	_ =	shalt  }
0x64: {  	_ =	shalt  }
0x65: {  	_ =	shalt  }
0x66: {  	_ =	shalt  }
0x67: {  	_ =	shalt  }
0x68: {  	_ =	shalt  }
0x69: {  	_ =	shalt  }
0x6a: {  	_ =	shalt  }
0x6b: {  	_ =	shalt  }
0x6c: {  	_ =	shalt  }
0x6d: {  	_ =	shalt  }
0x6e: {  	_ =	shalt  }
0x6f: {  	_ =	shalt  }
0x70: {  	_ =	shalt  }
0x71: {  	_ =	shalt  }
0x72: {  	_ =	shalt  }
0x73: {  	_ =	shalt  }
0x74: {  	_ =	shalt  }
0x75: {  	_ =	shalt  }
0x76: {  	_ =	shalt  }
0x77: {  	_ =	shalt  }
0x78: {  	_ =	shalt  }
0x79: {  	_ =	shalt  }
0x7a: {  	_ =	shalt  }
0x7b: {  	_ =	shalt  }
0x7c: {  	_ =	shalt  }
0x7d: {  	_ =	shalt  }
0x7e: {  	_ =	shalt  }
0x7f: {  	_ =	shalt  }
0x80: {  	_ =	shalt  }
0x81: {  	_ =	shalt  }
0x82: {  	_ =	shalt  }
0x83: {  	_ =	shalt  }
0x84: {  	_ =	shalt  }
0x85: {  	_ =	shalt  }
0x86: {  	_ =	shalt  }
0x87: {  	_ =	shalt  }
.Lfunc_end0:
.L_simem_size_0:
called_computation.1_lowered:
.L_overlay_start_0:
0x88: {  	s2 =	sld [smem:$0x3FD9]  }
0x89: {  	s3 =	sld [smem:$0x3FFE];
	_ =	sdelay $0x1  }
0x8a: {  	s1 =	srdreg.scid  }
0x8b: {  	s0 =	sand.u32 $0x1, s1  }
0x8c: {  	s17 =	sshll.u32 s0, $0xA;
	s2 =	sadd.s32 s3, s2  }
0x8d: {  	s2 =	sadd.s32 s2, s17  }
0x8e: {  	[smem:$0x3FC2] =	sst s2  }
0x8f: {  	_ = 	snop  }
0x90: {  	s2 =	sld [smem:$0x3FD0];
	(tm) =	ssettm $0x1  }
0x91: {  	s18 =	sld [smem:$0x3FFB];
	_ =	sdelay $0x3  }
0x92: {  	_ =	strace s18  }
0x93: {  	s3 =	sld [smem:$0x3FFC];
	_ =	sdelay $0x3  }
0x94: {  	_ =	strace s3  }
0x95: {  	s3 =	sld [smem:$0x3FFD];
	_ =	sdelay $0x3  }
0x96: {  	_ =	strace s3  }
0x97: {  	_ =	strace $0x8FFFFFFF  }
0x98: {  	s19 =	sld [smem:$0x3FDB];
	_ =	sdelay $0x1  }
0x99: {  	s4 =	simm.s32 $_scs_section_size  }
0x9a: {  	s5 =	simm.s32 $_size__tile_overlayer_lowered;
	s6 =	simm.s32 $_tile_overlayer_lowered  }
0x9b: {  	s22 =	simm.s32 $0x1BFF;
	s21 =	sshll.u32 s6, $0x1;
	s3 =	sadd.s32 s4, s19  }
0x9c: {  	s7 =	simm.s32 $0x0;
	s20 =	sshll.u32 s5, $0x1;
	s5 =	sadd.s32 s21, s3  }
0x9d: {  	[timem:s7], [sflag:s22] =	dma.local [hbm:s5], s20  }
0x9e: {  	_ =	swait.ge [sflag:s22], s20  }
0x9f: {  	s4 =	ssub.s32 $0x0, s20;
	[sflag:s22] =	ssyncset.done $0x0  }
0xa0: {  	[sflag:s22] =	ssyncadd.s32 s4;
	_ =	sdelay $0x1  }
0xa1: {  	s23 =	simm.s32 $0x1B8B  }
0xa2: {  	_ =	swait.ge [sflag:s23], $0x1  }
0xa3: {  	[sflag:s23] =	ssyncset.done $0x0  }
0xa4: {  	s25 =	simm.s32 $0x1B8E;
	s24 =	sld [smem:$0x3FFE];
	[sflag:s23] =	ssyncadd.s32 $0xFFFFFFFF  }
0xa5: {  	s26 =	simm.s32 $execute0_lowered;
	[smem:$0x3FD2] =	sst s25  }
0xa6: {  	s5 =	sshll.u32 s26, $0x1;
	_ =	strace $0x80000046;
	[dreg:$0x1] =	wrdreg $0xFFFFFFFF  }
0xa7: {  	s28 =	simm.s32 $_size_execute0_lowered;
	s3 =	sadd.s32 s3, s5;
	[dreg:$0x0] =	wrdreg $0x0  }
0xa8: {  	s5 =	sshll.u32 s28, $0x1;
	[dreg:$0x2] =	wrdreg s3  }
0xa9: {  	[dreg:$0x3] =	wrdreg s5  }
0xaa: {  	[dreg:$0x4] =	wrdreg $0xC0  }
0xab: {  	_ =	task [dreg:s7], $0x5FFFF  }
0xac: {  	[dreg:$0x1] =	wrdreg $0xFFFFFFFF  }
0xad: {  	[dreg:$0x0] =	wrdreg $0x60  }
0xae: {  	[dreg:$0x2] =	wrdreg s24  }
0xaf: {  	[dreg:$0x3] =	wrdreg s2  }
0xb0: {  	[dreg:$0x4] =	wrdreg $0x9  }
0xb1: {  	_ =	task.clear_ibuf [dreg:s7], $0x5FFFF;
	_ =	strace $0x90000046  }
0xb2: {  	s29 =	simm.s32 $0x9;
	_ =	strace $0x80000048  }
0xb3: {  	_ =	swait.ge [sflag:s29], $0x1  }
0xb4: {  	[sflag:s29] =	ssyncadd.s32 $0xFFFFFFFF  }
0xb5: {  	_ =	strace $0x90000048  }
0xb6: {  	_ =	sfence  }
0xb7: {  	s30 =	sld [smem:$0x0];
	_ =	sdelay $0x2  }
0xb8: {  	s31 =	sshll.u32 s1, $0xD;
	s1 =	sshrl.u32 s1, $0x2  }
0xb9: {  	s3 =	sand.u32 $0x4000, s31;
	s1 =	sadd.s32 s1, s30  }
0xba: {  	s0 =	sor.u32 s3, s0;
	s1 =	sshll.u32 s1, $0x11  }
0xbb: {  	s0 =	sor.u32 s1, s0  }
0xbc: {  	s0 =	sadd.s32 $0x8F2B, s0  }
0xbd: {  	[sflag:s0] =	ssyncadd.remote.s32 $0x1  }
0xbe: {  	_ =	sfence.sel $0xFFFF  }
0xbf: {  	[dreg:$0x0] =	wrdreg $0xFFFFFFFF;
	(pc) =	sbr.abs _section_cstart, $3  }
0xc0: {  	[dreg:$0x1] =	wrdreg $0xFFFFFFFF  }
0xc1: {  	_ =	task.clear_ibuf [dreg:s7], $0x2FFFF;
	_ =	strace $0x9FFFFFFF  }
0xc2: {  	(tm) =	ssettm $0x7FFFFFFF  }
0xc3: {  	_ =	shalt  }
tec
execute0_lowered:
.L_overlay_start_1:
0x0: {  	(tag) =	ssettag $0x1  }
0x1: {  	s0 =	rddreg [dreg:$0x0]  }
0x2: {  	s2 =	rddreg [dreg:$0x1]  }
0x3: {  	s3 =	simm.s32 $0x0;
	s1 =	srdreg.scid;
	s4 =	stileid.u32  }
0x4: {  	v0 =	vimm.s32 $0xFEDCBA98;
	v1 =	vimm.s32 $0x76543210;
	s12 =	simm.s32 $0x7;
	s15 =	simm.s32 $0x80;
	s16 =	simm.s32 $0x4B80  }
0x5: {  	v2 =	vimm.s32 $0xBA98FEDC;
	v3 =	vimm.s32 $0x32107654;
	s17 =	simm.s32 $0x6B80;
	s20 =	simm.s32 $0x3;
	s21 =	simm.s32 $0xAB80  }
0x6: {  	v4 =	vimm.s32 $0xDCFE98BA;
	v5 =	vimm.s32 $0x54761032;
	s22 =	simm.s32 $0x1;
	s23 =	simm.s32 $0xCB80;
	s28 =	simm.s32 $0x6  }
0x7: {  	v6 =	vimm.s32 $0xEFCDAB89;
	v7 =	vimm.s32 $0x67452301;
	s29 =	simm.s32 $0x4;
	[smem:$0x7FF] =	sst s3;
	s1 =	sand.u32 $0x1, s1  }
0x8: {  	s4 =	sshll.u32 s4, $0x1;
	v0 =	vunpack.c.l.s4.s8 v0;
	s6 =	sadd.s32 $0xA00, s0;
	s24 =	sadd.s32 $0x800, s0;
	v1 =	vunpack.c.l.s4.s8 v1;
	v2 =	vunpack.c.l.s4.s8 v2  }
0x9: {  	v3 =	vunpack.c.l.s4.s8 v3;
	v4 =	vunpack.c.l.s4.s8 v4;
	v5 =	vunpack.c.l.s4.s8 v5;
	_ =	strace $0x80000047;
	s4 =	sor.u32 s1, s4;
	[dreg:$0x3] =	wrdreg s6  }
0xa: {  	s30 =	simm.s32 $0x0;
	v6 =	vunpack.c.l.s4.s8 v6;
	v7 =	vunpack.c.l.s4.s8 v7;
	[dreg:$0x4] =	wrdreg s24;
	s5 =	smul.u32 $0x320, s4;
	v0 =	vunpack.c.0.s8.s32 v0  }
0xb: {  	s6 =	sadd.s32 $0x7600, s0;
	s1 =	ssub.s32 $0x2, s1;
	s7 =	smul.u32 $0x64000, s4;
	v2 =	vunpack.c.0.s8.s32 v2;
	v3 =	vunpack.c.0.s8.s32 v3;
	v4 =	vunpack.c.0.s8.s32 v4  }
0xc: {  	s24 =	simm.s32 $0x2;
	s25 =	sshrl.u32 s1, $0x1;
	v5 =	vunpack.c.0.s8.s32 v5;
	v6 =	vunpack.c.0.s8.s32 v6;
	v7 =	vunpack.c.0.s8.s32 v7;
	s0 =	sadd.s32 s5, s0  }
0xd: {  	s8 =	smul.u32 $0x32, s4;
	v1 =	vunpack.c.0.s8.s32 v1;
	s26 =	sshrl.u32 s7, $0x3;
	v2 =	vcombine.low v3, v2;
	s0 =	sadd.s32 $0x1200, s0  }
0xe: {  	s1 =	ssub.s32 s1, s25;
	v3 =	vcombine.low v5, v4;
	v4 =	vcombine.low v7, v6;
	v0 =	vand.u32 $0xF, v0;
	[dreg:$0x5] =	wrdreg s0;
	s0 =	sadd.s32 s2, s26  }
0xf: {  	s25 =	simm.s32 $0xEB80;
	s11 =	smax.u32 s1, $0x1;
	v0 =	vcombine.low v0, v1;
	s31 =	sadd.s32 $0xC000, s0  }
0x10: {  	s26 =	simm.s32 $0x5;
	v1 =	vand.u32 $0xF, v2;
	v2 =	vand.u32 $0xF, v3;
	v3 =	vand.u32 $0xF, v4;
	s10 =	sadd.s32 $0xC400, s0;
	[dreg:$0x6] =	wrdreg s31  }
.LBB2_1:
0x11: {  	s0 =	rddreg [dreg:$0x5]  }
0x12: {  	[tilespmem:s3], [sflag:$0x7] =	stream.linear.gather [hbm4b:s0+s3], $0x1900, $0x38;
	[tilespmem:$0x10B80] =	vst v63  }
0x13: {  	_ =	swait.ge [sflag:s12], $0x1900  }
0x14: {  	[sflag:s12] =	ssyncset.done $0x0  }
0x15: {  	s1 =	simm.s32 $0x1900;
	s9 =	rddreg [dreg:$0x3];
	[sflag:s12] =	ssyncadd.s32 $0xFFFFE700  }
0x16: {  	[tilespmem:s1], [sflag:$0x7] =	stream.linear.gather [hbm4b:s9+s3], $0x3200, $0x38;
	[tilespmem:$0x10B80] =	vst v63  }
0x17: {  	_ =	swait.ge [sflag:s12], $0x3200  }
0x18: {  	[sflag:s12] =	ssyncset.done $0x0  }
0x19: {  	s14 =	simm.s32 $0x4B00;
	s13 =	rddreg [dreg:$0x4];
	[sflag:s12] =	ssyncadd.s32 $0xFFFFCE00  }
0x1a: {  	[tilespmem:s14], [sflag:$0x7] =	stream.linear.gather [hbm4b:s13+s3], $0x80, $0x38;
	[tilespmem:$0x10B80] =	vst v63  }
0x1b: {  	_ =	swait.ge [sflag:s12], $0x80  }
0x1c: {  	[sflag:s12] =	ssyncset.done $0x0  }
0x1d: {  	[sflag:s12] =	ssyncadd.s32 $0xFFFFFF80  }
0x1e: {  	v4 =	vld [tilespmem:$0x4B00]  }
0x1f: {  	v5 =	vld [tilespmem:$0x4B10]  }
0x20: {  	v6 =	vld [tilespmem:$0x4B20]  }
0x21: {  	v7 =	vld [tilespmem:$0x4B30]  }
0x22: {  	v8 =	vld [tilespmem:$0x4B40]  }
0x23: {  	v9 =	vld [tilespmem:$0x4B50]  }
0x24: {  	v10 =	vld [tilespmem:$0x4B60]  }
0x25: {  	v11 =	vld [tilespmem:$0x4B70];
	[tilespmem:s16], [sflag:$0x1] =	stream.indirect.gather [hbm4b:s6+s15], $0x40, s3, s15, $0xb8  }
0x26: {  	_ = 	snop  }
0x27: {  	[tilespmem:s17], [sflag:$0x2] =	stream.indirect.gather [hbm4b:s6+s15], $0x40, s15, s15, $0xb8;
	[tilespmem:$0x10B80] =	vst v63  }
0x28: {  	s18 =	simm.s32 $0x100;
	s19 =	simm.s32 $0x8B80;
	s31 =	simm.s32 $0x0  }
0x29: {  	[tilespmem:s19], [sflag:$0x3] =	stream.indirect.gather [hbm4b:s6+s15], $0x40, s18, s15, $0xb8;
	[tilespmem:$0x10B80] =	vst v63  }
.LBB2_2:
0x2a: {  	s13 =	sshll.u32 s31, $0x2;
	p0 =	seq.s32 s31, $0x0;
	s14 =	sshll.u32 s31, $0x9  }
0x2b: {  	s4 =	simm.s32 @!p0 $0x5;
	s0 =	sor.u32 @!p0 $0x3, s13;
	s5 =	sand.u32 $0xFE00, s14  }
0x2c: {  	_ =	swait.ge @!p0 [sflag:s4], $0x2000;
	s0 =	simm.s32 @p0 $0x3;
	s5 =	smul.u32 $0x147B, s5  }
0x2d: {  	[sflag:s4] =	ssyncset.done @!p0 $0x0;
	s1 =	sshll.u32 s0, $0x7  }
0x2e: {  	[sflag:s4] =	ssyncadd.s32 @!p0 $0xFFFFE000;
	s18 =	sand.u32 $0x3FFFFF80, s1;
	s19 =	sshrl.u32 s5, $0x14  }
0x2f: {  	[tilespmem:s21], [sflag:$0x4] =	stream.indirect.gather [hbm4b:s6+s15], $0x40, s18, s15, $0xb8;
	[tilespmem:$0x10B80] =	vst v63  }
0x30: {  	s4 =	smul.u32 $0xC8, s19  }
0x31: {  	s18 =	simm.s32 $0xFFFFFFFE;
	_ =	swait.ge [sflag:s22], $0x2000  }
0x32: {  	s19 =	simm.s32 $0xCC00;
	[sflag:s22] =	ssyncset.done $0x0;
	s4 =	ssub.s32 s14, s4  }
0x33: {  	[sflag:s22] =	ssyncadd.s32 $0xFFFFE000;
	s5 =	sand.u32 $0xFFF8, s4;
	s4 =	simm.s32 $0x4C00  }
.LBB2_3:
0x34: {  	v12 =	vld [tilespmem:s4+$0xFFFFFF80]  }
0x35: {  	v13 =	vld [tilespmem:s4+$0xFFFFFF90]  }
0x36: {  	v14 =	vld [tilespmem:s4+$0xFFFFFFA0]  }
0x37: {  	v15 =	vld [tilespmem:s4+$0xFFFFFFB0]  }
0x38: {  	v16 =	vld [tilespmem:s4+$0xFFFFFFC0]  }
0x39: {  	v17 =	vld [tilespmem:s4+$0xFFFFFFD0]  }
0x3a: {  	s7 =	sshll.u32 s5, $0x8;
	v22 =	vld [tilespmem:s4+$0xFFFFFFE0]  }
0x3b: {  	s5 =	sadd.s32 $0x1, s5;
	v23 =	vld [tilespmem:s4+$0xFFFFFFF0];
	s7 =	sshra.s32 s7, $0x2  }
0x3c: {  	p1 =	seq.s32 s5, $0xC8;
	v18 =	vld [tilespmem:s7+$0x1900]  }
0x3d: {  	v19 =	vld [tilespmem:s7+$0x1910];
	s5 =	simm.s32 @p1 $0x0  }
0x3e: {  	v20 =	vld [tilespmem:s7+$0x1920];
	s9 =	sshll.u32 s5, $0x8  }
0x3f: {  	v21 =	vld [tilespmem:s7+$0x1930];
	s7 =	sshra.s32 s9, $0x2  }
0x40: {  	v24 =	vld [tilespmem:s7+$0x1900]  }
0x41: {  	v25 =	vld [tilespmem:s7+$0x1910]  }
0x42: {  	v30 =	vld [tilespmem:s7+$0x1920]  }
0x43: {  	v31 =	vld [tilespmem:s7+$0x1930];
	v12 =	vadd.f32 v18, v12;
	v13 =	vadd.f32 v19, v13  }
0x44: {  	v14 =	vadd.f32 v20, v14;
	v15 =	vadd.f32 v21, v15  }
0x45: {  	v32 =	vadd.f32 v13, v12  }
0x46: {  	v21 =	vadd.f32 v15, v14;
	v26 =	vmul.f32 v12, v12;
	v27 =	vmul.f32 v13, v13  }
0x47: {  	v34 =	vmul.f32 v14, v14;
	v16 =	vadd.f32 v24, v16;
	v17 =	vadd.f32 v25, v17  }
0x48: {  	v35 =	vmul.f32 v15, v15;
	v18 =	vadd.f32 v30, v22;
	v19 =	vadd.f32 v31, v23  }
0x49: {  	v20 =	vadd.f32 v21, v32;
	v33 =	vadd.f32 v27, v26  }
0x4a: {  	v36 =	vadd.f32 v35, v34;
	v39 =	vmul.f32 v16, v16;
	v40 =	vmul.f32 v17, v17  }
0x4b: {  	v37 =	vadd.f32 v17, v16;
	v41 =	vmul.f32 v18, v18;
	v28 =	vmul.f32 v19, v19  }
0x4c: {  	v38 =	vadd.f32 v19, v18;
	v21 =	vadd.f32 v36, v33;
	v42 =	vperm.xlane v20, v0  }
0x4d: {  	v43 =	vadd.f32 v40, v39;
	v44 =	vadd.f32 v28, v41  }
0x4e: {  	v23 =	vadd.f32 v38, v37;
	v20 =	vadd.f32 v42, v20;
	v45 =	vperm.xlane v21, v0  }
0x4f: {  	v24 =	vadd.f32 v44, v43  }
0x50: {  	v46 =	vperm.xlane v23, v0;
	v47 =	vperm.xlane v20, v1;
	v21 =	vadd.f32 v45, v21  }
0x51: {  	v49 =	vperm.xlane v24, v0  }
0x52: {  	v48 =	vadd.f32 v46, v23;
	v20 =	vadd.f32 v47, v20;
	v50 =	vperm.xlane v21, v1  }
0x53: {  	v23 =	vadd.f32 v49, v24  }
0x54: {  	v51 =	vperm.xlane v48, v1;
	v52 =	vperm.xlane v20, v2;
	v21 =	vadd.f32 v50, v21  }
0x55: {  	v53 =	vperm.xlane v23, v1  }
0x56: {  	v22 =	vadd.f32 v51, v48;
	v20 =	vadd.f32 v52, v20;
	v54 =	vperm.xlane v21, v2  }
0x57: {  	v23 =	vadd.f32 v53, v23  }
0x58: {  	v26 =	vperm.xlane v22, v2;
	v55 =	vperm.xlane v20, v3;
	v21 =	vadd.f32 v54, v21  }
0x59: {  	v56 =	vperm.xlane v23, v2  }
0x5a: {  	v22 =	vadd.f32 v26, v22;
	v20 =	vadd.f32 v55, v20;
	v57 =	vperm.xlane v21, v3  }
0x5b: {  	v23 =	vadd.f32 v56, v23  }
0x5c: {  	v26 =	vperm.xlane v22, v3;
	v21 =	vadd.f32 v57, v21;
	v20 =	vmul.f32 $1.562500000e-02, v20  }
0x5d: {  	v24 =	vperm.xlane v23, v3  }
0x5e: {  	v22 =	vadd.f32 v26, v22;
	v21 =	vmul.f32 $1.562500000e-02, v21;
	v58 =	vmul.f32 v20, v20;
	_ =	sdelay $0x1  }
0x5f: {  	v23 =	vadd.f32 v24, v23;
	v22 =	vmul.f32 $1.562500000e-02, v22;
	v21 =	vsub.f32 v21, v58;
	_ =	sdelay $0x1  }
0x60: {  	v23 =	vmul.f32 $1.562500000e-02, v23;
	v59 =	vmul.f32 v22, v22;
	v21 =	vadd.f32 $9.999999960e-13, v21;
	_ =	sdelay $0x1  }
0x61: {  	v23 =	vsub.f32 v23, v59;
	v60 =	vshra.s32 v21, $0x1;
	v21 =	vmul.f32 $5.000000000e-01, v21  }
0x62: {  	v24 =	vsub.s32 $0x5F3759DF, v60  }
0x63: {  	v23 =	vadd.f32 $9.999999960e-13, v23;
	v61 =	vmul.f32 v24, v21;
	_ =	sdelay $0x1  }
0x64: {  	v62 =	vshra.s32 v23, $0x1;
	v23 =	vmul.f32 $5.000000000e-01, v23;
	v25 =	vmul.f32 v24, v61  }
0x65: {  	v26 =	vsub.s32 $0x5F3759DF, v62  }
0x66: {  	v63 =	vmul.f32 v26, v23;
	v25 =	vsub.f32 $1.500000000e+00, v25;
	_ =	sdelay $0x1  }
0x67: {  	v27 =	vmul.f32 v26, v63;
	v24 =	vmul.f32 v24, v25;
	_ =	sdelay $0x1  }
0x68: {  	v30 =	vsub.f32 $1.500000000e+00, v27;
	v21 =	vmul.f32 v24, v21;
	_ =	sdelay $0x1  }
0x69: {  	v25 =	vmul.f32 v26, v30;
	v21 =	vmul.f32 v21, v24;
	_ =	sdelay $0x1  }
0x6a: {  	v23 =	vmul.f32 v25, v23;
	v21 =	vsub.f32 $1.500000000e+00, v21  }
0x6b: {  	v12 =	vsub.f32 v12, v20  }
0x6c: {  	v13 =	vsub.f32 v13, v20;
	v23 =	vmul.f32 v23, v25;
	v21 =	vmul.f32 v21, v24  }
0x6d: {  	v14 =	vsub.f32 v14, v20;
	v15 =	vsub.f32 v15, v20  }
0x6e: {  	v16 =	vsub.f32 v16, v22;
	v23 =	vsub.f32 $1.500000000e+00, v23;
	v24 =	vmul.f32 v21, v4  }
0x6f: {  	v17 =	vsub.f32 v17, v22;
	v31 =	vmul.f32 v21, v5;
	v33 =	vmul.f32 v21, v6  }
0x70: {  	v18 =	vsub.f32 v18, v22;
	v23 =	vmul.f32 v23, v25;
	v12 =	vmul.f32 v24, v12  }
0x71: {  	v38 =	vsub.f32 v19, v22;
	v36 =	vmul.f32 v21, v7;
	v13 =	vmul.f32 v31, v13  }
0x72: {  	v14 =	vmul.f32 v33, v14;
	v32 =	vmul.f32 v23, v4;
	v12 =	vadd.f32 v12, v8  }
0x73: {  	v15 =	vmul.f32 v36, v15;
	v34 =	vmul.f32 v23, v5;
	v13 =	vadd.f32 v13, v9  }
0x74: {  	v35 =	vmul.f32 v23, v6;
	v14 =	vadd.f32 v14, v10;
	v16 =	vmul.f32 v32, v16;
	[tilespmem:s19+$0xFFFFFF80] =	vst v12  }
0x75: {  	v39 =	vmul.f32 v23, v7;
	v15 =	vadd.f32 v15, v11;
	v17 =	vmul.f32 v34, v17;
	[tilespmem:s19+$0xFFFFFF90] =	vst v13  }
0x76: {  	v37 =	vmul.f32 v35, v18;
	[tilespmem:s19+$0xFFFFFFA0] =	vst v14;
	v16 =	vadd.f32 v16, v8  }
0x77: {  	v40 =	vmul.f32 v39, v38;
	[tilespmem:s19+$0xFFFFFFB0] =	vst v15;
	v17 =	vadd.f32 v17, v9  }
0x78: {  	v12 =	vadd.f32 v37, v10;
	[tilespmem:s19+$0xFFFFFFC0] =	vst v16  }
0x79: {  	v13 =	vadd.f32 v40, v11;
	[tilespmem:s19+$0xFFFFFFD0] =	vst v17  }
0x7a: {  	[tilespmem:s19+$0xFFFFFFE0] =	vst v12  }
0x7b: {  	[tilespmem:s19+$0xFFFFFFF0] =	vst v13  }
0x7c: {  	v12 =	vld [tilespmem:s4+$0x0]  }
0x7d: {  	s5 =	sadd.s32 $0x1, s5;
	v13 =	vld [tilespmem:s4+$0x10]  }
0x7e: {  	p1 =	seq.s32 s5, $0xC8;
	v14 =	vld [tilespmem:s4+$0x20]  }
0x7f: {  	s5 =	simm.s32 @p1 $0x0;
	v15 =	vld [tilespmem:s4+$0x30]  }
0x80: {  	s9 =	sshll.u32 s5, $0x8;
	v16 =	vld [tilespmem:s4+$0x40]  }
0x81: {  	s7 =	sshra.s32 s9, $0x2;
	v17 =	vld [tilespmem:s4+$0x50]  }
0x82: {  	v41 =	vld [tilespmem:s7+$0x1900]  }
0x83: {  	s5 =	sadd.s32 $0x1, s5;
	v42 =	vld [tilespmem:s7+$0x1910]  }
0x84: {  	p1 =	seq.s32 s5, $0xC8;
	v43 =	vld [tilespmem:s7+$0x1920]  }
0x85: {  	s5 =	simm.s32 @p1 $0x0;
	v44 =	vld [tilespmem:s7+$0x1930]  }
0x86: {  	s9 =	sshll.u32 s5, $0x8;
	v45 =	vld [tilespmem:s4+$0x60]  }
0x87: {  	v46 =	vld [tilespmem:s4+$0x70];
	s7 =	sshra.s32 s9, $0x2  }
0x88: {  	v47 =	vld [tilespmem:s7+$0x1900]  }
0x89: {  	v48 =	vld [tilespmem:s7+$0x1910]  }
0x8a: {  	v49 =	vld [tilespmem:s7+$0x1920]  }
0x8b: {  	v50 =	vld [tilespmem:s7+$0x1930]  }
0x8c: {  	v12 =	vadd.f32 v41, v12  }
0x8d: {  	v13 =	vadd.f32 v42, v13;
	v14 =	vadd.f32 v43, v14  }
0x8e: {  	v15 =	vadd.f32 v44, v15;
	v16 =	vadd.f32 v47, v16  }
0x8f: {  	v17 =	vadd.f32 v48, v17;
	v18 =	vadd.f32 v49, v45  }
0x90: {  	v19 =	vadd.f32 v50, v46;
	v51 =	vadd.f32 v13, v12  }
0x91: {  	v21 =	vadd.f32 v15, v14;
	v52 =	vmul.f32 v12, v12;
	v53 =	vmul.f32 v13, v13  }
0x92: {  	v55 =	vmul.f32 v14, v14;
	v56 =	vmul.f32 v15, v15;
	v58 =	vadd.f32 v17, v16  }
0x93: {  	v59 =	vadd.f32 v19, v18;
	v60 =	vmul.f32 v16, v16;
	v20 =	vadd.f32 v21, v51  }
0x94: {  	v61 =	vmul.f32 v17, v17;
	v54 =	vadd.f32 v53, v52;
	v57 =	vadd.f32 v56, v55  }
0x95: {  	v62 =	vmul.f32 v18, v18;
	v63 =	vmul.f32 v19, v19  }
0x96: {  	v31 =	vadd.f32 v59, v58;
	v21 =	vadd.f32 v57, v54;
	v32 =	vperm.xlane v20, v0  }
0x97: {  	v33 =	vadd.f32 v61, v60;
	v34 =	vadd.f32 v63, v62  }
0x98: {  	v20 =	vadd.f32 v32, v20;
	v35 =	vperm.xlane v21, v0  }
0x99: {  	v24 =	vadd.f32 v34, v33;
	v36 =	vperm.xlane v31, v0  }
0x9a: {  	v37 =	vperm.xlane v20, v1;
	v21 =	vadd.f32 v35, v21  }
0x9b: {  	v22 =	vadd.f32 v36, v31;
	v38 =	vperm.xlane v24, v0  }
0x9c: {  	v20 =	vadd.f32 v37, v20;
	v39 =	vperm.xlane v21, v1  }
0x9d: {  	v40 =	vperm.xlane v22, v1;
	v23 =	vadd.f32 v38, v24  }
0x9e: {  	v41 =	vperm.xlane v20, v2;
	v21 =	vadd.f32 v39, v21  }
0x9f: {  	v22 =	vadd.f32 v40, v22;
	v42 =	vperm.xlane v23, v1  }
0xa0: {  	v20 =	vadd.f32 v41, v20;
	v43 =	vperm.xlane v21, v2  }
0xa1: {  	v26 =	vperm.xlane v22, v2;
	v23 =	vadd.f32 v42, v23  }
0xa2: {  	v44 =	vperm.xlane v20, v3;
	v21 =	vadd.f32 v43, v21  }
0xa3: {  	v22 =	vadd.f32 v26, v22;
	v45 =	vperm.xlane v23, v2  }
0xa4: {  	v20 =	vadd.f32 v44, v20;
	v46 =	vperm.xlane v21, v3  }
0xa5: {  	v26 =	vperm.xlane v22, v3;
	v23 =	vadd.f32 v45, v23  }
0xa6: {  	v21 =	vadd.f32 v46, v21;
	v20 =	vmul.f32 $1.562500000e-02, v20  }
0xa7: {  	v22 =	vadd.f32 v26, v22;
	v24 =	vperm.xlane v23, v3  }
0xa8: {  	v21 =	vmul.f32 $1.562500000e-02, v21;
	v47 =	vmul.f32 v20, v20  }
0xa9: {  	v23 =	vadd.f32 v24, v23;
	v22 =	vmul.f32 $1.562500000e-02, v22  }
0xaa: {  	v21 =	vsub.f32 v21, v47  }
0xab: {  	v23 =	vmul.f32 $1.562500000e-02, v23;
	v48 =	vmul.f32 v22, v22  }
0xac: {  	v21 =	vadd.f32 $9.999999960e-13, v21  }
0xad: {  	v23 =	vsub.f32 v23, v48  }
0xae: {  	v49 =	vshra.s32 v21, $0x1;
	v21 =	vmul.f32 $5.000000000e-01, v21  }
0xaf: {  	v23 =	vadd.f32 $9.999999960e-13, v23;
	v24 =	vsub.s32 $0x5F3759DF, v49  }
0xb0: {  	v50 =	vmul.f32 v24, v21  }
0xb1: {  	v51 =	vshra.s32 v23, $0x1;
	v23 =	vmul.f32 $5.000000000e-01, v23  }
0xb2: {  	v26 =	vsub.s32 $0x5F3759DF, v51;
	v25 =	vmul.f32 v24, v50  }
0xb3: {  	v52 =	vmul.f32 v26, v23  }
0xb4: {  	v25 =	vsub.f32 $1.500000000e+00, v25  }
0xb5: {  	v27 =	vmul.f32 v26, v52  }
0xb6: {  	v24 =	vmul.f32 v24, v25  }
0xb7: {  	v53 =	vsub.f32 $1.500000000e+00, v27  }
0xb8: {  	v21 =	vmul.f32 v24, v21  }
0xb9: {  	v25 =	vmul.f32 v26, v53  }
0xba: {  	v21 =	vmul.f32 v21, v24  }
0xbb: {  	v23 =	vmul.f32 v25, v23  }
0xbc: {  	v21 =	vsub.f32 $1.500000000e+00, v21  }
0xbd: {  	v23 =	vmul.f32 v23, v25  }
0xbe: {  	v12 =	vsub.f32 v12, v20;
	v13 =	vsub.f32 v13, v20;
	v21 =	vmul.f32 v21, v24  }
0xbf: {  	v14 =	vsub.f32 v14, v20;
	v23 =	vsub.f32 $1.500000000e+00, v23  }
0xc0: {  	v15 =	vsub.f32 v15, v20;
	v16 =	vsub.f32 v16, v22;
	v24 =	vmul.f32 v21, v4  }
0xc1: {  	v17 =	vsub.f32 v17, v22;
	v23 =	vmul.f32 v23, v25;
	v54 =	vmul.f32 v21, v5  }
0xc2: {  	v18 =	vsub.f32 v18, v22;
	v56 =	vmul.f32 v21, v6;
	v12 =	vmul.f32 v24, v12  }
0xc3: {  	v61 =	vsub.f32 v19, v22;
	v59 =	vmul.f32 v21, v7;
	v13 =	vmul.f32 v54, v13  }
0xc4: {  	v55 =	vmul.f32 v23, v4;
	v14 =	vmul.f32 v56, v14;
	v12 =	vadd.f32 v12, v8  }
0xc5: {  	v57 =	vmul.f32 v23, v5;
	v15 =	vmul.f32 v59, v15;
	v13 =	vadd.f32 v13, v9  }
0xc6: {  	v58 =	vmul.f32 v23, v6;
	v16 =	vmul.f32 v55, v16;
	v14 =	vadd.f32 v14, v10;
	[tilespmem:s19+$0x0] =	vst v12  }
0xc7: {  	s18 =	sadd.s32 $0x2, s18;
	v62 =	vmul.f32 v23, v7;
	v17 =	vmul.f32 v57, v17;
	v15 =	vadd.f32 v15, v11;
	[tilespmem:s19+$0x10] =	vst v13  }
0xc8: {  	p2 =	slt.u32 s18, $0x3E;
	v60 =	vmul.f32 v58, v18;
	v16 =	vadd.f32 v16, v8;
	[tilespmem:s19+$0x20] =	vst v14  }
.Ltmp0:
0xc9: {  	v63 =	vmul.f32 v62, v61;
	v17 =	vadd.f32 v17, v9;
	[tilespmem:s19+$0x30] =	vst v15;
	(pc) =	sbr.rel @p2 .LBB2_3-.Ltmp0, $4  }
0xca: {  	v12 =	vadd.f32 v60, v10;
	[tilespmem:s19+$0x40] =	vst v16  }
0xcb: {  	s5 =	sadd.s32 $0x1, s5;
	v13 =	vadd.f32 v63, v11;
	[tilespmem:s19+$0x50] =	vst v17  }
0xcc: {  	p1 =	seq.s32 s5, $0xC8;
	[tilespmem:s19+$0x60] =	vst v12  }
0xcd: {  	s5 =	simm.s32 @p1 $0x0;
	s4 =	sadd.s32 $0x100, s4;
	[tilespmem:s19+$0x70] =	vst v13;
	s19 =	sadd.s32 $0x100, s19  }
0xce: {  	s4 =	sadd.s32 s8, s13  }
0xcf: {  	s18 =	sor.u32 $0x1, s13;
	s4 =	sshll.u32 s4, $0xA  }
0xd0: {  	s5 =	sshll.u32 s18, $0x7;
	s4 =	sadd.s32 s2, s4  }
0xd1: {  	[hbm4b:s4+s3] =	stream.linear.scatter [tilespmem:s23], [sflag:$0x5], $0x2000, $0x38;
	[tilespmem:$0x10B80] =	vst v63  }
0xd2: {  	s7 =	smulhi.u32 $0x51EB851F, s5;
	s4 =	simm.s32 @!p0 $0x6  }
0xd3: {  	_ =	swait.ge @!p0 [sflag:s4], $0x2000  }
0xd4: {  	s14 =	sand.u32 $0x3FFFFE00, s14;
	s19 =	sshrl.u32 s7, $0x6;
	[sflag:s4] =	ssyncset.done @!p0 $0x0  }
0xd5: {  	s9 =	sadd.s32 $0x200, s14;
	[sflag:s4] =	ssyncadd.s32 @!p0 $0xFFFFE000;
	s4 =	smul.u32 $0xC8, s19  }
0xd6: {  	[tilespmem:s16], [sflag:$0x1] =	stream.indirect.gather [hbm4b:s6+s15], $0x40, s9, s15, $0xb8;
	[tilespmem:$0x10B80] =	vst v63  }
0xd7: {  	_ =	swait.ge [sflag:s24], $0x2000  }
0xd8: {  	s19 =	simm.s32 $0xFFFFFFFE;
	s7 =	ssub.s32 s5, s4;
	[sflag:s24] =	ssyncset.done $0x0  }
0xd9: {  	s4 =	simm.s32 $0xEC00;
	s5 =	simm.s32 $0x6C00;
	[sflag:s24] =	ssyncadd.s32 $0xFFFFE000  }
.LBB2_5:
0xda: {  	v12 =	vld [tilespmem:s5+$0xFFFFFF80]  }
0xdb: {  	v13 =	vld [tilespmem:s5+$0xFFFFFF90]  }
0xdc: {  	v14 =	vld [tilespmem:s5+$0xFFFFFFA0]  }
0xdd: {  	v15 =	vld [tilespmem:s5+$0xFFFFFFB0]  }
0xde: {  	v16 =	vld [tilespmem:s5+$0xFFFFFFC0]  }
0xdf: {  	s9 =	sshll.u32 s7, $0x8;
	v17 =	vld [tilespmem:s5+$0xFFFFFFD0]  }
0xe0: {  	v22 =	vld [tilespmem:s5+$0xFFFFFFE0];
	s9 =	sshra.s32 s9, $0x2  }
0xe1: {  	s7 =	sadd.s32 $0x1, s7;
	v18 =	vld [tilespmem:s9+$0x1900]  }
0xe2: {  	p0 =	seq.s32 s7, $0xC8;
	v19 =	vld [tilespmem:s9+$0x1910]  }
0xe3: {  	v20 =	vld [tilespmem:s9+$0x1920];
	s7 =	simm.s32 @p0 $0x0  }
0xe4: {  	v21 =	vld [tilespmem:s9+$0x1930];
	s9 =	sshll.u32 s7, $0x8  }
0xe5: {  	v23 =	vld [tilespmem:s5+$0xFFFFFFF0];
	s9 =	sshra.s32 s9, $0x2  }
0xe6: {  	v24 =	vld [tilespmem:s9+$0x1900]  }
0xe7: {  	v25 =	vld [tilespmem:s9+$0x1910]  }
0xe8: {  	v30 =	vld [tilespmem:s9+$0x1920]  }
0xe9: {  	v31 =	vld [tilespmem:s9+$0x1930];
	v12 =	vadd.f32 v18, v12;
	v13 =	vadd.f32 v19, v13  }
0xea: {  	v14 =	vadd.f32 v20, v14;
	v15 =	vadd.f32 v21, v15  }
0xeb: {  	v32 =	vadd.f32 v13, v12  }
0xec: {  	v21 =	vadd.f32 v15, v14;
	v26 =	vmul.f32 v12, v12;
	v27 =	vmul.f32 v13, v13  }
0xed: {  	v34 =	vmul.f32 v14, v14;
	v16 =	vadd.f32 v24, v16;
	v17 =	vadd.f32 v25, v17  }
0xee: {  	v35 =	vmul.f32 v15, v15;
	v18 =	vadd.f32 v30, v22;
	v19 =	vadd.f32 v31, v23  }
0xef: {  	v20 =	vadd.f32 v21, v32;
	v33 =	vadd.f32 v27, v26  }
0xf0: {  	v36 =	vadd.f32 v35, v34;
	v39 =	vmul.f32 v16, v16;
	v40 =	vmul.f32 v17, v17  }
0xf1: {  	v37 =	vadd.f32 v17, v16;
	v41 =	vmul.f32 v18, v18;
	v28 =	vmul.f32 v19, v19  }
0xf2: {  	v38 =	vadd.f32 v19, v18;
	v21 =	vadd.f32 v36, v33;
	v42 =	vperm.xlane v20, v0  }
0xf3: {  	v43 =	vadd.f32 v40, v39;
	v44 =	vadd.f32 v28, v41  }
0xf4: {  	v23 =	vadd.f32 v38, v37;
	v20 =	vadd.f32 v42, v20;
	v45 =	vperm.xlane v21, v0  }
0xf5: {  	v24 =	vadd.f32 v44, v43  }
0xf6: {  	v46 =	vperm.xlane v23, v0;
	v47 =	vperm.xlane v20, v1;
	v21 =	vadd.f32 v45, v21  }
0xf7: {  	v49 =	vperm.xlane v24, v0  }
0xf8: {  	v48 =	vadd.f32 v46, v23;
	v20 =	vadd.f32 v47, v20;
	v50 =	vperm.xlane v21, v1  }
0xf9: {  	v23 =	vadd.f32 v49, v24  }
0xfa: {  	v51 =	vperm.xlane v48, v1;
	v52 =	vperm.xlane v20, v2;
	v21 =	vadd.f32 v50, v21  }
0xfb: {  	v53 =	vperm.xlane v23, v1  }
0xfc: {  	v22 =	vadd.f32 v51, v48;
	v20 =	vadd.f32 v52, v20;
	v54 =	vperm.xlane v21, v2  }
0xfd: {  	v23 =	vadd.f32 v53, v23  }
0xfe: {  	v26 =	vperm.xlane v22, v2;
	v55 =	vperm.xlane v20, v3;
	v21 =	vadd.f32 v54, v21  }
0xff: {  	v56 =	vperm.xlane v23, v2  }
0x100: {  	v22 =	vadd.f32 v26, v22;
	v20 =	vadd.f32 v55, v20;
	v57 =	vperm.xlane v21, v3  }
0x101: {  	v23 =	vadd.f32 v56, v23  }
0x102: {  	v26 =	vperm.xlane v22, v3;
	v21 =	vadd.f32 v57, v21;
	v20 =	vmul.f32 $1.562500000e-02, v20  }
0x103: {  	v24 =	vperm.xlane v23, v3  }
0x104: {  	v22 =	vadd.f32 v26, v22;
	v21 =	vmul.f32 $1.562500000e-02, v21;
	v58 =	vmul.f32 v20, v20;
	_ =	sdelay $0x1  }
0x105: {  	v23 =	vadd.f32 v24, v23;
	v22 =	vmul.f32 $1.562500000e-02, v22;
	v21 =	vsub.f32 v21, v58;
	_ =	sdelay $0x1  }
0x106: {  	v23 =	vmul.f32 $1.562500000e-02, v23;
	v59 =	vmul.f32 v22, v22;
	v21 =	vadd.f32 $9.999999960e-13, v21;
	_ =	sdelay $0x1  }
0x107: {  	v23 =	vsub.f32 v23, v59;
	v60 =	vshra.s32 v21, $0x1;
	v21 =	vmul.f32 $5.000000000e-01, v21  }
0x108: {  	v24 =	vsub.s32 $0x5F3759DF, v60  }
0x109: {  	v23 =	vadd.f32 $9.999999960e-13, v23;
	v61 =	vmul.f32 v24, v21;
	_ =	sdelay $0x1  }
0x10a: {  	v62 =	vshra.s32 v23, $0x1;
	v23 =	vmul.f32 $5.000000000e-01, v23;
	v25 =	vmul.f32 v24, v61  }
0x10b: {  	v26 =	vsub.s32 $0x5F3759DF, v62  }
0x10c: {  	v63 =	vmul.f32 v26, v23;
	v25 =	vsub.f32 $1.500000000e+00, v25;
	_ =	sdelay $0x1  }
0x10d: {  	v27 =	vmul.f32 v26, v63;
	v24 =	vmul.f32 v24, v25;
	_ =	sdelay $0x1  }
0x10e: {  	v30 =	vsub.f32 $1.500000000e+00, v27;
	v21 =	vmul.f32 v24, v21;
	_ =	sdelay $0x1  }
0x10f: {  	v25 =	vmul.f32 v26, v30;
	v21 =	vmul.f32 v21, v24;
	_ =	sdelay $0x1  }
0x110: {  	v23 =	vmul.f32 v25, v23;
	v21 =	vsub.f32 $1.500000000e+00, v21  }
0x111: {  	v12 =	vsub.f32 v12, v20  }
0x112: {  	v13 =	vsub.f32 v13, v20;
	v23 =	vmul.f32 v23, v25;
	v21 =	vmul.f32 v21, v24  }
0x113: {  	v14 =	vsub.f32 v14, v20;
	v15 =	vsub.f32 v15, v20  }
0x114: {  	v16 =	vsub.f32 v16, v22;
	v23 =	vsub.f32 $1.500000000e+00, v23;
	v24 =	vmul.f32 v21, v4  }
0x115: {  	v17 =	vsub.f32 v17, v22;
	v31 =	vmul.f32 v21, v5;
	v33 =	vmul.f32 v21, v6  }
0x116: {  	v18 =	vsub.f32 v18, v22;
	v23 =	vmul.f32 v23, v25;
	v12 =	vmul.f32 v24, v12  }
0x117: {  	v38 =	vsub.f32 v19, v22;
	v36 =	vmul.f32 v21, v7;
	v13 =	vmul.f32 v31, v13  }
0x118: {  	v14 =	vmul.f32 v33, v14;
	v32 =	vmul.f32 v23, v4;
	v12 =	vadd.f32 v12, v8  }
0x119: {  	v15 =	vmul.f32 v36, v15;
	v34 =	vmul.f32 v23, v5;
	v13 =	vadd.f32 v13, v9  }
0x11a: {  	v35 =	vmul.f32 v23, v6;
	v14 =	vadd.f32 v14, v10;
	v16 =	vmul.f32 v32, v16;
	[tilespmem:s4+$0xFFFFFF80] =	vst v12  }
0x11b: {  	v39 =	vmul.f32 v23, v7;
	v15 =	vadd.f32 v15, v11;
	v17 =	vmul.f32 v34, v17;
	[tilespmem:s4+$0xFFFFFF90] =	vst v13  }
0x11c: {  	v37 =	vmul.f32 v35, v18;
	[tilespmem:s4+$0xFFFFFFA0] =	vst v14;
	v16 =	vadd.f32 v16, v8  }
0x11d: {  	v40 =	vmul.f32 v39, v38;
	[tilespmem:s4+$0xFFFFFFB0] =	vst v15;
	v17 =	vadd.f32 v17, v9  }
0x11e: {  	v12 =	vadd.f32 v37, v10;
	[tilespmem:s4+$0xFFFFFFC0] =	vst v16  }
0x11f: {  	v13 =	vadd.f32 v40, v11;
	[tilespmem:s4+$0xFFFFFFD0] =	vst v17  }
0x120: {  	[tilespmem:s4+$0xFFFFFFE0] =	vst v12  }
0x121: {  	[tilespmem:s4+$0xFFFFFFF0] =	vst v13  }
0x122: {  	v12 =	vld [tilespmem:s5+$0x0]  }
0x123: {  	s7 =	sadd.s32 $0x1, s7;
	v13 =	vld [tilespmem:s5+$0x10]  }
0x124: {  	p0 =	seq.s32 s7, $0xC8;
	v14 =	vld [tilespmem:s5+$0x20]  }
0x125: {  	s7 =	simm.s32 @p0 $0x0;
	v15 =	vld [tilespmem:s5+$0x30]  }
0x126: {  	s9 =	sshll.u32 s7, $0x8;
	v16 =	vld [tilespmem:s5+$0x40]  }
0x127: {  	s9 =	sshra.s32 s9, $0x2;
	v17 =	vld [tilespmem:s5+$0x50]  }
0x128: {  	v41 =	vld [tilespmem:s9+$0x1900]  }
0x129: {  	s7 =	sadd.s32 $0x1, s7;
	v42 =	vld [tilespmem:s9+$0x1910]  }
0x12a: {  	p0 =	seq.s32 s7, $0xC8;
	v43 =	vld [tilespmem:s9+$0x1920]  }
0x12b: {  	s7 =	simm.s32 @p0 $0x0;
	v44 =	vld [tilespmem:s9+$0x1930]  }
0x12c: {  	v45 =	vld [tilespmem:s5+$0x60];
	s9 =	sshll.u32 s7, $0x8  }
0x12d: {  	v46 =	vld [tilespmem:s5+$0x70];
	s9 =	sshra.s32 s9, $0x2  }
0x12e: {  	v47 =	vld [tilespmem:s9+$0x1900]  }
0x12f: {  	v48 =	vld [tilespmem:s9+$0x1910]  }
0x130: {  	v49 =	vld [tilespmem:s9+$0x1920]  }
0x131: {  	v50 =	vld [tilespmem:s9+$0x1930];
	v12 =	vadd.f32 v41, v12;
	v13 =	vadd.f32 v42, v13  }
0x132: {  	v14 =	vadd.f32 v43, v14;
	v15 =	vadd.f32 v44, v15  }
0x133: {  	v51 =	vadd.f32 v13, v12  }
0x134: {  	v21 =	vadd.f32 v15, v14;
	v52 =	vmul.f32 v12, v12;
	v53 =	vmul.f32 v13, v13  }
0x135: {  	v55 =	vmul.f32 v14, v14;
	v16 =	vadd.f32 v47, v16;
	v17 =	vadd.f32 v48, v17  }
0x136: {  	v56 =	vmul.f32 v15, v15;
	v18 =	vadd.f32 v49, v45;
	v19 =	vadd.f32 v50, v46  }
0x137: {  	v20 =	vadd.f32 v21, v51;
	v54 =	vadd.f32 v53, v52  }
0x138: {  	v57 =	vadd.f32 v56, v55;
	v58 =	vadd.f32 v17, v16  }
0x139: {  	v59 =	vadd.f32 v19, v18;
	v60 =	vmul.f32 v16, v16;
	v61 =	vmul.f32 v17, v17  }
0x13a: {  	v62 =	vmul.f32 v18, v18;
	v63 =	vmul.f32 v19, v19  }
0x13b: {  	v21 =	vadd.f32 v57, v54;
	v31 =	vadd.f32 v59, v58;
	v32 =	vperm.xlane v20, v0  }
0x13c: {  	v33 =	vadd.f32 v61, v60;
	v34 =	vadd.f32 v63, v62  }
0x13d: {  	v20 =	vadd.f32 v32, v20;
	v35 =	vperm.xlane v21, v0  }
0x13e: {  	v24 =	vadd.f32 v34, v33;
	v36 =	vperm.xlane v31, v0  }
0x13f: {  	v37 =	vperm.xlane v20, v1;
	v21 =	vadd.f32 v35, v21  }
0x140: {  	v22 =	vadd.f32 v36, v31;
	v38 =	vperm.xlane v24, v0  }
0x141: {  	v20 =	vadd.f32 v37, v20;
	v39 =	vperm.xlane v21, v1  }
0x142: {  	v40 =	vperm.xlane v22, v1;
	v23 =	vadd.f32 v38, v24  }
0x143: {  	v41 =	vperm.xlane v20, v2;
	v21 =	vadd.f32 v39, v21  }
0x144: {  	v22 =	vadd.f32 v40, v22;
	v42 =	vperm.xlane v23, v1  }
0x145: {  	v20 =	vadd.f32 v41, v20;
	v43 =	vperm.xlane v21, v2  }
0x146: {  	v26 =	vperm.xlane v22, v2;
	v23 =	vadd.f32 v42, v23  }
0x147: {  	v44 =	vperm.xlane v20, v3;
	v21 =	vadd.f32 v43, v21  }
0x148: {  	v22 =	vadd.f32 v26, v22;
	v45 =	vperm.xlane v23, v2  }
0x149: {  	v20 =	vadd.f32 v44, v20;
	v46 =	vperm.xlane v21, v3  }
0x14a: {  	v26 =	vperm.xlane v22, v3;
	v23 =	vadd.f32 v45, v23  }
0x14b: {  	v21 =	vadd.f32 v46, v21;
	v20 =	vmul.f32 $1.562500000e-02, v20  }
0x14c: {  	v22 =	vadd.f32 v26, v22;
	v24 =	vperm.xlane v23, v3  }
0x14d: {  	v21 =	vmul.f32 $1.562500000e-02, v21;
	v47 =	vmul.f32 v20, v20  }
0x14e: {  	v23 =	vadd.f32 v24, v23;
	v22 =	vmul.f32 $1.562500000e-02, v22  }
0x14f: {  	v21 =	vsub.f32 v21, v47  }
0x150: {  	v23 =	vmul.f32 $1.562500000e-02, v23;
	v48 =	vmul.f32 v22, v22  }
0x151: {  	v21 =	vadd.f32 $9.999999960e-13, v21  }
0x152: {  	v23 =	vsub.f32 v23, v48  }
0x153: {  	v49 =	vshra.s32 v21, $0x1;
	v21 =	vmul.f32 $5.000000000e-01, v21  }
0x154: {  	v23 =	vadd.f32 $9.999999960e-13, v23;
	v24 =	vsub.s32 $0x5F3759DF, v49  }
0x155: {  	v50 =	vmul.f32 v24, v21  }
0x156: {  	v51 =	vshra.s32 v23, $0x1;
	v23 =	vmul.f32 $5.000000000e-01, v23  }
0x157: {  	v26 =	vsub.s32 $0x5F3759DF, v51;
	v25 =	vmul.f32 v24, v50  }
0x158: {  	v52 =	vmul.f32 v26, v23  }
0x159: {  	v25 =	vsub.f32 $1.500000000e+00, v25  }
0x15a: {  	v27 =	vmul.f32 v26, v52  }
0x15b: {  	v24 =	vmul.f32 v24, v25  }
0x15c: {  	v53 =	vsub.f32 $1.500000000e+00, v27  }
0x15d: {  	v21 =	vmul.f32 v24, v21  }
0x15e: {  	v25 =	vmul.f32 v26, v53  }
0x15f: {  	v21 =	vmul.f32 v21, v24  }
0x160: {  	v23 =	vmul.f32 v25, v23  }
0x161: {  	v21 =	vsub.f32 $1.500000000e+00, v21  }
0x162: {  	v23 =	vmul.f32 v23, v25  }
0x163: {  	v12 =	vsub.f32 v12, v20;
	v13 =	vsub.f32 v13, v20;
	v21 =	vmul.f32 v21, v24  }
0x164: {  	v14 =	vsub.f32 v14, v20;
	v23 =	vsub.f32 $1.500000000e+00, v23  }
0x165: {  	v15 =	vsub.f32 v15, v20;
	v16 =	vsub.f32 v16, v22;
	v24 =	vmul.f32 v21, v4  }
0x166: {  	v17 =	vsub.f32 v17, v22;
	v54 =	vmul.f32 v21, v5;
	v23 =	vmul.f32 v23, v25  }
0x167: {  	v18 =	vsub.f32 v18, v22;
	v56 =	vmul.f32 v21, v6;
	v12 =	vmul.f32 v24, v12  }
0x168: {  	v61 =	vsub.f32 v19, v22;
	v59 =	vmul.f32 v21, v7;
	v13 =	vmul.f32 v54, v13  }
0x169: {  	v55 =	vmul.f32 v23, v4;
	v14 =	vmul.f32 v56, v14;
	v12 =	vadd.f32 v12, v8  }
0x16a: {  	v57 =	vmul.f32 v23, v5;
	v15 =	vmul.f32 v59, v15;
	v13 =	vadd.f32 v13, v9  }
0x16b: {  	v58 =	vmul.f32 v23, v6;
	v16 =	vmul.f32 v55, v16;
	v14 =	vadd.f32 v14, v10;
	[tilespmem:s4+$0x0] =	vst v12  }
0x16c: {  	s19 =	sadd.s32 $0x2, s19;
	v62 =	vmul.f32 v23, v7;
	v17 =	vmul.f32 v57, v17;
	v15 =	vadd.f32 v15, v11;
	[tilespmem:s4+$0x10] =	vst v13  }
0x16d: {  	p1 =	slt.u32 s19, $0x3E;
	v60 =	vmul.f32 v58, v18;
	v16 =	vadd.f32 v16, v8;
	[tilespmem:s4+$0x20] =	vst v14  }
.Ltmp1:
0x16e: {  	v63 =	vmul.f32 v62, v61;
	v17 =	vadd.f32 v17, v9;
	[tilespmem:s4+$0x30] =	vst v15;
	(pc) =	sbr.rel @p1 .LBB2_5-.Ltmp1, $4  }
0x16f: {  	v12 =	vadd.f32 v60, v10;
	[tilespmem:s4+$0x40] =	vst v16  }
0x170: {  	s7 =	sadd.s32 $0x1, s7;
	v13 =	vadd.f32 v63, v11;
	[tilespmem:s4+$0x50] =	vst v17  }
0x171: {  	p0 =	seq.s32 s7, $0xC8;
	[tilespmem:s4+$0x60] =	vst v12  }
0x172: {  	s5 =	sadd.s32 $0x100, s5;
	s7 =	simm.s32 @p0 $0x0;
	[tilespmem:s4+$0x70] =	vst v13;
	s4 =	sadd.s32 $0x100, s4  }
0x173: {  	s4 =	sadd.s32 s8, s18  }
0x174: {  	s4 =	sshll.u32 s4, $0xA  }
0x175: {  	s13 =	sor.u32 $0x2, s13;
	s4 =	sand.u32 $0x1FFFFC00, s4  }
0x176: {  	s18 =	sshll.u32 s13, $0x7;
	s4 =	sadd.s32 s2, s4  }
0x177: {  	[hbm4b:s4+s3] =	stream.linear.scatter [tilespmem:s25], [sflag:$0x6], $0x2000, $0x38;
	[tilespmem:$0x10B80] =	vst v63  }
0x178: {  	s7 =	smulhi.u32 $0x51EB851F, s18;
	_ =	swait.ge [sflag:s26], $0x2000  }
0x179: {  	[sflag:s26] =	ssyncset.done $0x0  }
0x17a: {  	s5 =	sadd.s32 $0x280, s14;
	s19 =	sshrl.u32 s7, $0x6;
	[sflag:s26] =	ssyncadd.s32 $0xFFFFE000  }
0x17b: {  	[tilespmem:s17], [sflag:$0x2] =	stream.indirect.gather [hbm4b:s6+s15], $0x40, s5, s15, $0xb8;
	[tilespmem:$0x10B80] =	vst v63  }
0x17c: {  	s5 =	smul.u32 $0xC8, s19  }
0x17d: {  	_ =	swait.ge [sflag:s20], $0x2000  }
0x17e: {  	s4 =	simm.s32 $0xCC00;
	[sflag:s20] =	ssyncset.done $0x0;
	s7 =	ssub.s32 s18, s5  }
0x17f: {  	s18 =	simm.s32 $0xFFFFFFFE;
	s5 =	simm.s32 $0x8C00;
	[sflag:s20] =	ssyncadd.s32 $0xFFFFE000  }
.LBB2_7:
0x180: {  	v12 =	vld [tilespmem:s5+$0xFFFFFF80]  }
0x181: {  	v13 =	vld [tilespmem:s5+$0xFFFFFF90]  }
0x182: {  	v14 =	vld [tilespmem:s5+$0xFFFFFFA0]  }
0x183: {  	v15 =	vld [tilespmem:s5+$0xFFFFFFB0]  }
0x184: {  	v16 =	vld [tilespmem:s5+$0xFFFFFFC0]  }
0x185: {  	v17 =	vld [tilespmem:s5+$0xFFFFFFD0]  }
0x186: {  	s9 =	sshll.u32 s7, $0x8;
	v22 =	vld [tilespmem:s5+$0xFFFFFFE0]  }
0x187: {  	s7 =	sadd.s32 $0x1, s7;
	v23 =	vld [tilespmem:s5+$0xFFFFFFF0];
	s9 =	sshra.s32 s9, $0x2  }
0x188: {  	p0 =	seq.s32 s7, $0xC8;
	v18 =	vld [tilespmem:s9+$0x1900]  }
0x189: {  	v19 =	vld [tilespmem:s9+$0x1910];
	s7 =	simm.s32 @p0 $0x0  }
0x18a: {  	v20 =	vld [tilespmem:s9+$0x1920];
	s19 =	sshll.u32 s7, $0x8  }
0x18b: {  	v21 =	vld [tilespmem:s9+$0x1930];
	s9 =	sshra.s32 s19, $0x2  }
0x18c: {  	v24 =	vld [tilespmem:s9+$0x1900]  }
0x18d: {  	v25 =	vld [tilespmem:s9+$0x1910]  }
0x18e: {  	v30 =	vld [tilespmem:s9+$0x1920]  }
0x18f: {  	v31 =	vld [tilespmem:s9+$0x1930];
	v12 =	vadd.f32 v18, v12;
	v13 =	vadd.f32 v19, v13  }
0x190: {  	v14 =	vadd.f32 v20, v14;
	v15 =	vadd.f32 v21, v15  }
0x191: {  	v32 =	vadd.f32 v13, v12  }
0x192: {  	v21 =	vadd.f32 v15, v14;
	v26 =	vmul.f32 v12, v12;
	v27 =	vmul.f32 v13, v13  }
0x193: {  	v34 =	vmul.f32 v14, v14;
	v16 =	vadd.f32 v24, v16;
	v17 =	vadd.f32 v25, v17  }
0x194: {  	v35 =	vmul.f32 v15, v15;
	v18 =	vadd.f32 v30, v22;
	v19 =	vadd.f32 v31, v23  }
0x195: {  	v20 =	vadd.f32 v21, v32;
	v33 =	vadd.f32 v27, v26  }
0x196: {  	v36 =	vadd.f32 v35, v34;
	v39 =	vmul.f32 v16, v16;
	v40 =	vmul.f32 v17, v17  }
0x197: {  	v37 =	vadd.f32 v17, v16;
	v41 =	vmul.f32 v18, v18;
	v28 =	vmul.f32 v19, v19  }
0x198: {  	v38 =	vadd.f32 v19, v18;
	v21 =	vadd.f32 v36, v33;
	v42 =	vperm.xlane v20, v0  }
0x199: {  	v43 =	vadd.f32 v40, v39;
	v44 =	vadd.f32 v28, v41  }
0x19a: {  	v23 =	vadd.f32 v38, v37;
	v20 =	vadd.f32 v42, v20;
	v45 =	vperm.xlane v21, v0  }
0x19b: {  	v24 =	vadd.f32 v44, v43  }
0x19c: {  	v46 =	vperm.xlane v23, v0;
	v47 =	vperm.xlane v20, v1;
	v21 =	vadd.f32 v45, v21  }
0x19d: {  	v49 =	vperm.xlane v24, v0  }
0x19e: {  	v48 =	vadd.f32 v46, v23;
	v20 =	vadd.f32 v47, v20;
	v50 =	vperm.xlane v21, v1  }
0x19f: {  	v23 =	vadd.f32 v49, v24  }
0x1a0: {  	v51 =	vperm.xlane v48, v1;
	v52 =	vperm.xlane v20, v2;
	v21 =	vadd.f32 v50, v21  }
0x1a1: {  	v53 =	vperm.xlane v23, v1  }
0x1a2: {  	v22 =	vadd.f32 v51, v48;
	v20 =	vadd.f32 v52, v20;
	v54 =	vperm.xlane v21, v2  }
0x1a3: {  	v23 =	vadd.f32 v53, v23  }
0x1a4: {  	v26 =	vperm.xlane v22, v2;
	v55 =	vperm.xlane v20, v3;
	v21 =	vadd.f32 v54, v21  }
0x1a5: {  	v56 =	vperm.xlane v23, v2  }
0x1a6: {  	v22 =	vadd.f32 v26, v22;
	v20 =	vadd.f32 v55, v20;
	v57 =	vperm.xlane v21, v3  }
0x1a7: {  	v23 =	vadd.f32 v56, v23  }
0x1a8: {  	v26 =	vperm.xlane v22, v3;
	v21 =	vadd.f32 v57, v21;
	v20 =	vmul.f32 $1.562500000e-02, v20  }
0x1a9: {  	v24 =	vperm.xlane v23, v3  }
0x1aa: {  	v22 =	vadd.f32 v26, v22;
	v21 =	vmul.f32 $1.562500000e-02, v21;
	v58 =	vmul.f32 v20, v20;
	_ =	sdelay $0x1  }
0x1ab: {  	v23 =	vadd.f32 v24, v23;
	v22 =	vmul.f32 $1.562500000e-02, v22;
	v21 =	vsub.f32 v21, v58;
	_ =	sdelay $0x1  }
0x1ac: {  	v23 =	vmul.f32 $1.562500000e-02, v23;
	v59 =	vmul.f32 v22, v22;
	v21 =	vadd.f32 $9.999999960e-13, v21;
	_ =	sdelay $0x1  }
0x1ad: {  	v23 =	vsub.f32 v23, v59;
	v60 =	vshra.s32 v21, $0x1;
	v21 =	vmul.f32 $5.000000000e-01, v21  }
0x1ae: {  	v24 =	vsub.s32 $0x5F3759DF, v60  }
0x1af: {  	v23 =	vadd.f32 $9.999999960e-13, v23;
	v61 =	vmul.f32 v24, v21;
	_ =	sdelay $0x1  }
0x1b0: {  	v62 =	vshra.s32 v23, $0x1;
	v23 =	vmul.f32 $5.000000000e-01, v23;
	v25 =	vmul.f32 v24, v61  }
0x1b1: {  	v26 =	vsub.s32 $0x5F3759DF, v62  }
0x1b2: {  	v63 =	vmul.f32 v26, v23;
	v25 =	vsub.f32 $1.500000000e+00, v25;
	_ =	sdelay $0x1  }
0x1b3: {  	v27 =	vmul.f32 v26, v63;
	v24 =	vmul.f32 v24, v25;
	_ =	sdelay $0x1  }
0x1b4: {  	v30 =	vsub.f32 $1.500000000e+00, v27;
	v21 =	vmul.f32 v24, v21;
	_ =	sdelay $0x1  }
0x1b5: {  	v25 =	vmul.f32 v26, v30;
	v21 =	vmul.f32 v21, v24;
	_ =	sdelay $0x1  }
0x1b6: {  	v23 =	vmul.f32 v25, v23;
	v21 =	vsub.f32 $1.500000000e+00, v21  }
0x1b7: {  	v12 =	vsub.f32 v12, v20  }
0x1b8: {  	v13 =	vsub.f32 v13, v20;
	v23 =	vmul.f32 v23, v25;
	v21 =	vmul.f32 v21, v24  }
0x1b9: {  	v14 =	vsub.f32 v14, v20;
	v15 =	vsub.f32 v15, v20  }
0x1ba: {  	v16 =	vsub.f32 v16, v22;
	v23 =	vsub.f32 $1.500000000e+00, v23;
	v24 =	vmul.f32 v21, v4  }
0x1bb: {  	v17 =	vsub.f32 v17, v22;
	v31 =	vmul.f32 v21, v5;
	v33 =	vmul.f32 v21, v6  }
0x1bc: {  	v18 =	vsub.f32 v18, v22;
	v23 =	vmul.f32 v23, v25;
	v12 =	vmul.f32 v24, v12  }
0x1bd: {  	v38 =	vsub.f32 v19, v22;
	v36 =	vmul.f32 v21, v7;
	v13 =	vmul.f32 v31, v13  }
0x1be: {  	v14 =	vmul.f32 v33, v14;
	v32 =	vmul.f32 v23, v4;
	v12 =	vadd.f32 v12, v8  }
0x1bf: {  	v15 =	vmul.f32 v36, v15;
	v34 =	vmul.f32 v23, v5;
	v13 =	vadd.f32 v13, v9  }
0x1c0: {  	v35 =	vmul.f32 v23, v6;
	v14 =	vadd.f32 v14, v10;
	v16 =	vmul.f32 v32, v16;
	[tilespmem:s4+$0xFFFFFF80] =	vst v12  }
0x1c1: {  	v39 =	vmul.f32 v23, v7;
	v15 =	vadd.f32 v15, v11;
	v17 =	vmul.f32 v34, v17;
	[tilespmem:s4+$0xFFFFFF90] =	vst v13  }
0x1c2: {  	v37 =	vmul.f32 v35, v18;
	[tilespmem:s4+$0xFFFFFFA0] =	vst v14;
	v16 =	vadd.f32 v16, v8  }
0x1c3: {  	v40 =	vmul.f32 v39, v38;
	[tilespmem:s4+$0xFFFFFFB0] =	vst v15;
	v17 =	vadd.f32 v17, v9  }
0x1c4: {  	v12 =	vadd.f32 v37, v10;
	[tilespmem:s4+$0xFFFFFFC0] =	vst v16  }
0x1c5: {  	v13 =	vadd.f32 v40, v11;
	[tilespmem:s4+$0xFFFFFFD0] =	vst v17  }
0x1c6: {  	[tilespmem:s4+$0xFFFFFFE0] =	vst v12  }
0x1c7: {  	[tilespmem:s4+$0xFFFFFFF0] =	vst v13  }
0x1c8: {  	v12 =	vld [tilespmem:s5+$0x0]  }
0x1c9: {  	s7 =	sadd.s32 $0x1, s7;
	v13 =	vld [tilespmem:s5+$0x10]  }
0x1ca: {  	p0 =	seq.s32 s7, $0xC8;
	v14 =	vld [tilespmem:s5+$0x20]  }
0x1cb: {  	s7 =	simm.s32 @p0 $0x0;
	v15 =	vld [tilespmem:s5+$0x30]  }
0x1cc: {  	s19 =	sshll.u32 s7, $0x8;
	v16 =	vld [tilespmem:s5+$0x40]  }
0x1cd: {  	s9 =	sshra.s32 s19, $0x2;
	v17 =	vld [tilespmem:s5+$0x50]  }
0x1ce: {  	v41 =	vld [tilespmem:s9+$0x1900]  }
0x1cf: {  	s7 =	sadd.s32 $0x1, s7;
	v42 =	vld [tilespmem:s9+$0x1910]  }
0x1d0: {  	p0 =	seq.s32 s7, $0xC8;
	v43 =	vld [tilespmem:s9+$0x1920]  }
0x1d1: {  	s7 =	simm.s32 @p0 $0x0;
	v44 =	vld [tilespmem:s9+$0x1930]  }
0x1d2: {  	s19 =	sshll.u32 s7, $0x8;
	v45 =	vld [tilespmem:s5+$0x60]  }
0x1d3: {  	v46 =	vld [tilespmem:s5+$0x70];
	s9 =	sshra.s32 s19, $0x2  }
0x1d4: {  	v47 =	vld [tilespmem:s9+$0x1900]  }
0x1d5: {  	v48 =	vld [tilespmem:s9+$0x1910]  }
0x1d6: {  	v49 =	vld [tilespmem:s9+$0x1920]  }
0x1d7: {  	v50 =	vld [tilespmem:s9+$0x1930]  }
0x1d8: {  	v12 =	vadd.f32 v41, v12  }
0x1d9: {  	v13 =	vadd.f32 v42, v13;
	v14 =	vadd.f32 v43, v14  }
0x1da: {  	v15 =	vadd.f32 v44, v15;
	v16 =	vadd.f32 v47, v16  }
0x1db: {  	v17 =	vadd.f32 v48, v17;
	v18 =	vadd.f32 v49, v45  }
0x1dc: {  	v19 =	vadd.f32 v50, v46;
	v51 =	vadd.f32 v13, v12  }
0x1dd: {  	v21 =	vadd.f32 v15, v14;
	v52 =	vmul.f32 v12, v12;
	v53 =	vmul.f32 v13, v13  }
0x1de: {  	v55 =	vmul.f32 v14, v14;
	v56 =	vmul.f32 v15, v15;
	v58 =	vadd.f32 v17, v16  }
0x1df: {  	v59 =	vadd.f32 v19, v18;
	v60 =	vmul.f32 v16, v16;
	v20 =	vadd.f32 v21, v51  }
0x1e0: {  	v61 =	vmul.f32 v17, v17;
	v54 =	vadd.f32 v53, v52;
	v57 =	vadd.f32 v56, v55  }
0x1e1: {  	v62 =	vmul.f32 v18, v18;
	v63 =	vmul.f32 v19, v19  }
0x1e2: {  	v31 =	vadd.f32 v59, v58;
	v21 =	vadd.f32 v57, v54;
	v32 =	vperm.xlane v20, v0  }
0x1e3: {  	v33 =	vadd.f32 v61, v60;
	v34 =	vadd.f32 v63, v62  }
0x1e4: {  	v20 =	vadd.f32 v32, v20;
	v35 =	vperm.xlane v21, v0  }
0x1e5: {  	v24 =	vadd.f32 v34, v33;
	v36 =	vperm.xlane v31, v0  }
0x1e6: {  	v37 =	vperm.xlane v20, v1;
	v21 =	vadd.f32 v35, v21  }
0x1e7: {  	v22 =	vadd.f32 v36, v31;
	v38 =	vperm.xlane v24, v0  }
0x1e8: {  	v20 =	vadd.f32 v37, v20;
	v39 =	vperm.xlane v21, v1  }
0x1e9: {  	v40 =	vperm.xlane v22, v1;
	v23 =	vadd.f32 v38, v24  }
0x1ea: {  	v41 =	vperm.xlane v20, v2;
	v21 =	vadd.f32 v39, v21  }
0x1eb: {  	v22 =	vadd.f32 v40, v22;
	v42 =	vperm.xlane v23, v1  }
0x1ec: {  	v20 =	vadd.f32 v41, v20;
	v43 =	vperm.xlane v21, v2  }
0x1ed: {  	v26 =	vperm.xlane v22, v2;
	v23 =	vadd.f32 v42, v23  }
0x1ee: {  	v44 =	vperm.xlane v20, v3;
	v21 =	vadd.f32 v43, v21  }
0x1ef: {  	v22 =	vadd.f32 v26, v22;
	v45 =	vperm.xlane v23, v2  }
0x1f0: {  	v20 =	vadd.f32 v44, v20;
	v46 =	vperm.xlane v21, v3  }
0x1f1: {  	v26 =	vperm.xlane v22, v3;
	v23 =	vadd.f32 v45, v23  }
0x1f2: {  	v21 =	vadd.f32 v46, v21;
	v20 =	vmul.f32 $1.562500000e-02, v20  }
0x1f3: {  	v22 =	vadd.f32 v26, v22;
	v24 =	vperm.xlane v23, v3  }
0x1f4: {  	v21 =	vmul.f32 $1.562500000e-02, v21;
	v47 =	vmul.f32 v20, v20  }
0x1f5: {  	v23 =	vadd.f32 v24, v23;
	v22 =	vmul.f32 $1.562500000e-02, v22  }
0x1f6: {  	v21 =	vsub.f32 v21, v47  }
0x1f7: {  	v23 =	vmul.f32 $1.562500000e-02, v23;
	v48 =	vmul.f32 v22, v22  }
0x1f8: {  	v21 =	vadd.f32 $9.999999960e-13, v21  }
0x1f9: {  	v23 =	vsub.f32 v23, v48  }
0x1fa: {  	v49 =	vshra.s32 v21, $0x1;
	v21 =	vmul.f32 $5.000000000e-01, v21  }
0x1fb: {  	v23 =	vadd.f32 $9.999999960e-13, v23;
	v24 =	vsub.s32 $0x5F3759DF, v49  }
0x1fc: {  	v50 =	vmul.f32 v24, v21  }
0x1fd: {  	v51 =	vshra.s32 v23, $0x1;
	v23 =	vmul.f32 $5.000000000e-01, v23  }
0x1fe: {  	v26 =	vsub.s32 $0x5F3759DF, v51;
	v25 =	vmul.f32 v24, v50  }
0x1ff: {  	v52 =	vmul.f32 v26, v23  }
0x200: {  	v25 =	vsub.f32 $1.500000000e+00, v25  }
0x201: {  	v27 =	vmul.f32 v26, v52  }
0x202: {  	v24 =	vmul.f32 v24, v25  }
0x203: {  	v53 =	vsub.f32 $1.500000000e+00, v27  }
0x204: {  	v21 =	vmul.f32 v24, v21  }
0x205: {  	v25 =	vmul.f32 v26, v53  }
0x206: {  	v21 =	vmul.f32 v21, v24  }
0x207: {  	v23 =	vmul.f32 v25, v23  }
0x208: {  	v21 =	vsub.f32 $1.500000000e+00, v21  }
0x209: {  	v23 =	vmul.f32 v23, v25  }
0x20a: {  	v12 =	vsub.f32 v12, v20;
	v13 =	vsub.f32 v13, v20;
	v21 =	vmul.f32 v21, v24  }
0x20b: {  	v14 =	vsub.f32 v14, v20;
	v23 =	vsub.f32 $1.500000000e+00, v23  }
0x20c: {  	v15 =	vsub.f32 v15, v20;
	v16 =	vsub.f32 v16, v22;
	v24 =	vmul.f32 v21, v4  }
0x20d: {  	v17 =	vsub.f32 v17, v22;
	v23 =	vmul.f32 v23, v25;
	v54 =	vmul.f32 v21, v5  }
0x20e: {  	v18 =	vsub.f32 v18, v22;
	v56 =	vmul.f32 v21, v6;
	v12 =	vmul.f32 v24, v12  }
0x20f: {  	v61 =	vsub.f32 v19, v22;
	v59 =	vmul.f32 v21, v7;
	v13 =	vmul.f32 v54, v13  }
0x210: {  	v55 =	vmul.f32 v23, v4;
	v14 =	vmul.f32 v56, v14;
	v12 =	vadd.f32 v12, v8  }
0x211: {  	v57 =	vmul.f32 v23, v5;
	v15 =	vmul.f32 v59, v15;
	v13 =	vadd.f32 v13, v9  }
0x212: {  	v58 =	vmul.f32 v23, v6;
	v16 =	vmul.f32 v55, v16;
	v14 =	vadd.f32 v14, v10;
	[tilespmem:s4+$0x0] =	vst v12  }
0x213: {  	s18 =	sadd.s32 $0x2, s18;
	v62 =	vmul.f32 v23, v7;
	v17 =	vmul.f32 v57, v17;
	v15 =	vadd.f32 v15, v11;
	[tilespmem:s4+$0x10] =	vst v13  }
0x214: {  	p1 =	slt.u32 s18, $0x3E;
	v60 =	vmul.f32 v58, v18;
	v16 =	vadd.f32 v16, v8;
	[tilespmem:s4+$0x20] =	vst v14  }
.Ltmp2:
0x215: {  	v63 =	vmul.f32 v62, v61;
	v17 =	vadd.f32 v17, v9;
	[tilespmem:s4+$0x30] =	vst v15;
	(pc) =	sbr.rel @p1 .LBB2_7-.Ltmp2, $4  }
0x216: {  	v12 =	vadd.f32 v60, v10;
	[tilespmem:s4+$0x40] =	vst v16  }
0x217: {  	s7 =	sadd.s32 $0x1, s7;
	v13 =	vadd.f32 v63, v11;
	[tilespmem:s4+$0x50] =	vst v17  }
0x218: {  	p0 =	seq.s32 s7, $0xC8;
	[tilespmem:s4+$0x60] =	vst v12  }
0x219: {  	s7 =	simm.s32 @p0 $0x0;
	s5 =	sadd.s32 $0x100, s5;
	[tilespmem:s4+$0x70] =	vst v13;
	s4 =	sadd.s32 $0x100, s4  }
0x21a: {  	s4 =	sadd.s32 s8, s13  }
0x21b: {  	s4 =	sshll.u32 s4, $0xA  }
0x21c: {  	s4 =	sand.u32 $0x1FFFF800, s4  }
0x21d: {  	s4 =	sadd.s32 s2, s4  }
0x21e: {  	[hbm4b:s4+s3] =	stream.linear.scatter [tilespmem:s23], [sflag:$0x5], $0x2000, $0x38;
	[tilespmem:$0x10B80] =	vst v63  }
0x21f: {  	p0 =	seq.s32 s31, $0xB;
	s9 =	smulhi.u32 $0x51EB851F, s1;
	_ =	swait.ge [sflag:s28], $0x2000  }
0x220: {  	s5 =	simm.s32 @!p0 $0x80;
	s7 =	simm.s32 @!p0 $0x8B80;
	[sflag:s28] =	ssyncset.done $0x0  }
0x221: {  	s19 =	sshrl.u32 s9, $0x6;
	s4 =	sadd.s32 @!p0 $0x300, s14;
	[sflag:s28] =	ssyncadd.s32 $0xFFFFE000  }
0x222: {  	[tilespmem:s7], [sflag:$0x3] =	stream.indirect.gather @!p0 [hbm4b:s6+s5], $0x40, s4, s5, $0xb8;
	[tilespmem:$0x10B80] =	vst v63  }
0x223: {  	s4 =	smul.u32 $0xC8, s19  }
0x224: {  	_ =	swait.ge [sflag:s29], $0x2000  }
0x225: {  	s5 =	simm.s32 $0xAC00;
	[sflag:s29] =	ssyncset.done $0x0;
	s7 =	ssub.s32 s1, s4  }
0x226: {  	s1 =	simm.s32 $0xFFFFFFFE;
	s4 =	simm.s32 $0xEC00;
	[sflag:s29] =	ssyncadd.s32 $0xFFFFE000  }
.LBB2_9:
0x227: {  	v12 =	vld [tilespmem:s5+$0xFFFFFF80]  }
0x228: {  	v13 =	vld [tilespmem:s5+$0xFFFFFF90]  }
0x229: {  	v14 =	vld [tilespmem:s5+$0xFFFFFFA0]  }
0x22a: {  	v15 =	vld [tilespmem:s5+$0xFFFFFFB0]  }
0x22b: {  	v16 =	vld [tilespmem:s5+$0xFFFFFFC0]  }
0x22c: {  	v17 =	vld [tilespmem:s5+$0xFFFFFFD0]  }
0x22d: {  	s9 =	sshll.u32 s7, $0x8;
	v22 =	vld [tilespmem:s5+$0xFFFFFFE0]  }
0x22e: {  	s7 =	sadd.s32 $0x1, s7;
	v23 =	vld [tilespmem:s5+$0xFFFFFFF0];
	s9 =	sshra.s32 s9, $0x2  }
0x22f: {  	p0 =	seq.s32 s7, $0xC8;
	v18 =	vld [tilespmem:s9+$0x1900]  }
0x230: {  	v19 =	vld [tilespmem:s9+$0x1910];
	s7 =	simm.s32 @p0 $0x0  }
0x231: {  	v20 =	vld [tilespmem:s9+$0x1920];
	s14 =	sshll.u32 s7, $0x8  }
0x232: {  	v21 =	vld [tilespmem:s9+$0x1930];
	s9 =	sshra.s32 s14, $0x2  }
0x233: {  	v24 =	vld [tilespmem:s9+$0x1900]  }
0x234: {  	v25 =	vld [tilespmem:s9+$0x1910]  }
0x235: {  	v30 =	vld [tilespmem:s9+$0x1920]  }
0x236: {  	v31 =	vld [tilespmem:s9+$0x1930];
	v12 =	vadd.f32 v18, v12;
	v13 =	vadd.f32 v19, v13  }
0x237: {  	v14 =	vadd.f32 v20, v14;
	v15 =	vadd.f32 v21, v15  }
0x238: {  	v32 =	vadd.f32 v13, v12  }
0x239: {  	v21 =	vadd.f32 v15, v14;
	v26 =	vmul.f32 v12, v12;
	v27 =	vmul.f32 v13, v13  }
0x23a: {  	v34 =	vmul.f32 v14, v14;
	v16 =	vadd.f32 v24, v16;
	v17 =	vadd.f32 v25, v17  }
0x23b: {  	v35 =	vmul.f32 v15, v15;
	v18 =	vadd.f32 v30, v22;
	v19 =	vadd.f32 v31, v23  }
0x23c: {  	v20 =	vadd.f32 v21, v32;
	v33 =	vadd.f32 v27, v26  }
0x23d: {  	v36 =	vadd.f32 v35, v34;
	v39 =	vmul.f32 v16, v16;
	v40 =	vmul.f32 v17, v17  }
0x23e: {  	v37 =	vadd.f32 v17, v16;
	v41 =	vmul.f32 v18, v18;
	v28 =	vmul.f32 v19, v19  }
0x23f: {  	v38 =	vadd.f32 v19, v18;
	v21 =	vadd.f32 v36, v33;
	v42 =	vperm.xlane v20, v0  }
0x240: {  	v43 =	vadd.f32 v40, v39;
	v44 =	vadd.f32 v28, v41  }
0x241: {  	v23 =	vadd.f32 v38, v37;
	v20 =	vadd.f32 v42, v20;
	v45 =	vperm.xlane v21, v0  }
0x242: {  	v24 =	vadd.f32 v44, v43  }
0x243: {  	v46 =	vperm.xlane v23, v0;
	v47 =	vperm.xlane v20, v1;
	v21 =	vadd.f32 v45, v21  }
0x244: {  	v49 =	vperm.xlane v24, v0  }
0x245: {  	v48 =	vadd.f32 v46, v23;
	v20 =	vadd.f32 v47, v20;
	v50 =	vperm.xlane v21, v1  }
0x246: {  	v23 =	vadd.f32 v49, v24  }
0x247: {  	v51 =	vperm.xlane v48, v1;
	v52 =	vperm.xlane v20, v2;
	v21 =	vadd.f32 v50, v21  }
0x248: {  	v53 =	vperm.xlane v23, v1  }
0x249: {  	v22 =	vadd.f32 v51, v48;
	v20 =	vadd.f32 v52, v20;
	v54 =	vperm.xlane v21, v2  }
0x24a: {  	v23 =	vadd.f32 v53, v23  }
0x24b: {  	v26 =	vperm.xlane v22, v2;
	v55 =	vperm.xlane v20, v3;
	v21 =	vadd.f32 v54, v21  }
0x24c: {  	v56 =	vperm.xlane v23, v2  }
0x24d: {  	v22 =	vadd.f32 v26, v22;
	v20 =	vadd.f32 v55, v20;
	v57 =	vperm.xlane v21, v3  }
0x24e: {  	v23 =	vadd.f32 v56, v23  }
0x24f: {  	v26 =	vperm.xlane v22, v3;
	v21 =	vadd.f32 v57, v21;
	v20 =	vmul.f32 $1.562500000e-02, v20  }
0x250: {  	v24 =	vperm.xlane v23, v3  }
0x251: {  	v22 =	vadd.f32 v26, v22;
	v21 =	vmul.f32 $1.562500000e-02, v21;
	v58 =	vmul.f32 v20, v20;
	_ =	sdelay $0x1  }
0x252: {  	v23 =	vadd.f32 v24, v23;
	v22 =	vmul.f32 $1.562500000e-02, v22;
	v21 =	vsub.f32 v21, v58;
	_ =	sdelay $0x1  }
0x253: {  	v23 =	vmul.f32 $1.562500000e-02, v23;
	v59 =	vmul.f32 v22, v22;
	v21 =	vadd.f32 $9.999999960e-13, v21;
	_ =	sdelay $0x1  }
0x254: {  	v23 =	vsub.f32 v23, v59;
	v60 =	vshra.s32 v21, $0x1;
	v21 =	vmul.f32 $5.000000000e-01, v21  }
0x255: {  	v24 =	vsub.s32 $0x5F3759DF, v60  }
0x256: {  	v23 =	vadd.f32 $9.999999960e-13, v23;
	v61 =	vmul.f32 v24, v21;
	_ =	sdelay $0x1  }
0x257: {  	v62 =	vshra.s32 v23, $0x1;
	v23 =	vmul.f32 $5.000000000e-01, v23;
	v25 =	vmul.f32 v24, v61  }
0x258: {  	v26 =	vsub.s32 $0x5F3759DF, v62  }
0x259: {  	v63 =	vmul.f32 v26, v23;
	v25 =	vsub.f32 $1.500000000e+00, v25;
	_ =	sdelay $0x1  }
0x25a: {  	v27 =	vmul.f32 v26, v63;
	v24 =	vmul.f32 v24, v25;
	_ =	sdelay $0x1  }
0x25b: {  	v30 =	vsub.f32 $1.500000000e+00, v27;
	v21 =	vmul.f32 v24, v21;
	_ =	sdelay $0x1  }
0x25c: {  	v25 =	vmul.f32 v26, v30;
	v21 =	vmul.f32 v21, v24;
	_ =	sdelay $0x1  }
0x25d: {  	v23 =	vmul.f32 v25, v23;
	v21 =	vsub.f32 $1.500000000e+00, v21  }
0x25e: {  	v12 =	vsub.f32 v12, v20  }
0x25f: {  	v13 =	vsub.f32 v13, v20;
	v23 =	vmul.f32 v23, v25;
	v21 =	vmul.f32 v21, v24  }
0x260: {  	v14 =	vsub.f32 v14, v20;
	v15 =	vsub.f32 v15, v20  }
0x261: {  	v16 =	vsub.f32 v16, v22;
	v23 =	vsub.f32 $1.500000000e+00, v23;
	v24 =	vmul.f32 v21, v4  }
0x262: {  	v17 =	vsub.f32 v17, v22;
	v31 =	vmul.f32 v21, v5;
	v33 =	vmul.f32 v21, v6  }
0x263: {  	v18 =	vsub.f32 v18, v22;
	v23 =	vmul.f32 v23, v25;
	v12 =	vmul.f32 v24, v12  }
0x264: {  	v38 =	vsub.f32 v19, v22;
	v36 =	vmul.f32 v21, v7;
	v13 =	vmul.f32 v31, v13  }
0x265: {  	v14 =	vmul.f32 v33, v14;
	v32 =	vmul.f32 v23, v4;
	v12 =	vadd.f32 v12, v8  }
0x266: {  	v15 =	vmul.f32 v36, v15;
	v34 =	vmul.f32 v23, v5;
	v13 =	vadd.f32 v13, v9  }
0x267: {  	v35 =	vmul.f32 v23, v6;
	v14 =	vadd.f32 v14, v10;
	v16 =	vmul.f32 v32, v16;
	[tilespmem:s4+$0xFFFFFF80] =	vst v12  }
0x268: {  	v39 =	vmul.f32 v23, v7;
	v15 =	vadd.f32 v15, v11;
	v17 =	vmul.f32 v34, v17;
	[tilespmem:s4+$0xFFFFFF90] =	vst v13  }
0x269: {  	v37 =	vmul.f32 v35, v18;
	[tilespmem:s4+$0xFFFFFFA0] =	vst v14;
	v16 =	vadd.f32 v16, v8  }
0x26a: {  	v40 =	vmul.f32 v39, v38;
	[tilespmem:s4+$0xFFFFFFB0] =	vst v15;
	v17 =	vadd.f32 v17, v9  }
0x26b: {  	v12 =	vadd.f32 v37, v10;
	[tilespmem:s4+$0xFFFFFFC0] =	vst v16  }
0x26c: {  	v13 =	vadd.f32 v40, v11;
	[tilespmem:s4+$0xFFFFFFD0] =	vst v17  }
0x26d: {  	[tilespmem:s4+$0xFFFFFFE0] =	vst v12  }
0x26e: {  	[tilespmem:s4+$0xFFFFFFF0] =	vst v13  }
0x26f: {  	v12 =	vld [tilespmem:s5+$0x0]  }
0x270: {  	s7 =	sadd.s32 $0x1, s7;
	v13 =	vld [tilespmem:s5+$0x10]  }
0x271: {  	p0 =	seq.s32 s7, $0xC8;
	v14 =	vld [tilespmem:s5+$0x20]  }
0x272: {  	s7 =	simm.s32 @p0 $0x0;
	v15 =	vld [tilespmem:s5+$0x30]  }
0x273: {  	s18 =	sshll.u32 s7, $0x8;
	v16 =	vld [tilespmem:s5+$0x40]  }
0x274: {  	s9 =	sshra.s32 s18, $0x2;
	v17 =	vld [tilespmem:s5+$0x50]  }
0x275: {  	v41 =	vld [tilespmem:s9+$0x1900]  }
0x276: {  	s7 =	sadd.s32 $0x1, s7;
	v42 =	vld [tilespmem:s9+$0x1910]  }
0x277: {  	p0 =	seq.s32 s7, $0xC8;
	v43 =	vld [tilespmem:s9+$0x1920]  }
0x278: {  	s7 =	simm.s32 @p0 $0x0;
	v44 =	vld [tilespmem:s9+$0x1930]  }
0x279: {  	s19 =	sshll.u32 s7, $0x8;
	v45 =	vld [tilespmem:s5+$0x60]  }
0x27a: {  	v46 =	vld [tilespmem:s5+$0x70];
	s9 =	sshra.s32 s19, $0x2  }
0x27b: {  	v47 =	vld [tilespmem:s9+$0x1900]  }
0x27c: {  	v48 =	vld [tilespmem:s9+$0x1910]  }
0x27d: {  	v49 =	vld [tilespmem:s9+$0x1920]  }
0x27e: {  	v50 =	vld [tilespmem:s9+$0x1930]  }
0x27f: {  	v12 =	vadd.f32 v41, v12  }
0x280: {  	v13 =	vadd.f32 v42, v13;
	v14 =	vadd.f32 v43, v14  }
0x281: {  	v15 =	vadd.f32 v44, v15;
	v16 =	vadd.f32 v47, v16  }
0x282: {  	v17 =	vadd.f32 v48, v17;
	v18 =	vadd.f32 v49, v45  }
0x283: {  	v19 =	vadd.f32 v50, v46;
	v51 =	vadd.f32 v13, v12  }
0x284: {  	v21 =	vadd.f32 v15, v14;
	v52 =	vmul.f32 v12, v12;
	v53 =	vmul.f32 v13, v13  }
0x285: {  	v55 =	vmul.f32 v14, v14;
	v56 =	vmul.f32 v15, v15;
	v58 =	vadd.f32 v17, v16  }
0x286: {  	v59 =	vadd.f32 v19, v18;
	v60 =	vmul.f32 v16, v16;
	v20 =	vadd.f32 v21, v51  }
0x287: {  	v61 =	vmul.f32 v17, v17;
	v54 =	vadd.f32 v53, v52;
	v57 =	vadd.f32 v56, v55  }
0x288: {  	v62 =	vmul.f32 v18, v18;
	v63 =	vmul.f32 v19, v19  }
0x289: {  	v31 =	vadd.f32 v59, v58;
	v21 =	vadd.f32 v57, v54;
	v32 =	vperm.xlane v20, v0  }
0x28a: {  	v33 =	vadd.f32 v61, v60;
	v34 =	vadd.f32 v63, v62  }
0x28b: {  	v20 =	vadd.f32 v32, v20;
	v35 =	vperm.xlane v21, v0  }
0x28c: {  	v24 =	vadd.f32 v34, v33;
	v36 =	vperm.xlane v31, v0  }
0x28d: {  	v37 =	vperm.xlane v20, v1;
	v21 =	vadd.f32 v35, v21  }
0x28e: {  	v22 =	vadd.f32 v36, v31;
	v38 =	vperm.xlane v24, v0  }
0x28f: {  	v20 =	vadd.f32 v37, v20;
	v39 =	vperm.xlane v21, v1  }
0x290: {  	v40 =	vperm.xlane v22, v1;
	v23 =	vadd.f32 v38, v24  }
0x291: {  	v41 =	vperm.xlane v20, v2;
	v21 =	vadd.f32 v39, v21  }
0x292: {  	v22 =	vadd.f32 v40, v22;
	v42 =	vperm.xlane v23, v1  }
0x293: {  	v20 =	vadd.f32 v41, v20;
	v43 =	vperm.xlane v21, v2  }
0x294: {  	v26 =	vperm.xlane v22, v2;
	v23 =	vadd.f32 v42, v23  }
0x295: {  	v44 =	vperm.xlane v20, v3;
	v21 =	vadd.f32 v43, v21  }
0x296: {  	v22 =	vadd.f32 v26, v22;
	v45 =	vperm.xlane v23, v2  }
0x297: {  	v20 =	vadd.f32 v44, v20;
	v46 =	vperm.xlane v21, v3  }
0x298: {  	v26 =	vperm.xlane v22, v3;
	v23 =	vadd.f32 v45, v23  }
0x299: {  	v21 =	vadd.f32 v46, v21;
	v20 =	vmul.f32 $1.562500000e-02, v20  }
0x29a: {  	v22 =	vadd.f32 v26, v22;
	v24 =	vperm.xlane v23, v3  }
0x29b: {  	v21 =	vmul.f32 $1.562500000e-02, v21;
	v47 =	vmul.f32 v20, v20  }
0x29c: {  	v23 =	vadd.f32 v24, v23;
	v22 =	vmul.f32 $1.562500000e-02, v22  }
0x29d: {  	v21 =	vsub.f32 v21, v47  }
0x29e: {  	v23 =	vmul.f32 $1.562500000e-02, v23;
	v48 =	vmul.f32 v22, v22  }
0x29f: {  	v21 =	vadd.f32 $9.999999960e-13, v21  }
0x2a0: {  	v23 =	vsub.f32 v23, v48  }
0x2a1: {  	v49 =	vshra.s32 v21, $0x1;
	v21 =	vmul.f32 $5.000000000e-01, v21  }
0x2a2: {  	v23 =	vadd.f32 $9.999999960e-13, v23;
	v24 =	vsub.s32 $0x5F3759DF, v49  }
0x2a3: {  	v50 =	vmul.f32 v24, v21  }
0x2a4: {  	v51 =	vshra.s32 v23, $0x1;
	v23 =	vmul.f32 $5.000000000e-01, v23  }
0x2a5: {  	v26 =	vsub.s32 $0x5F3759DF, v51;
	v25 =	vmul.f32 v24, v50  }
0x2a6: {  	v52 =	vmul.f32 v26, v23  }
0x2a7: {  	v25 =	vsub.f32 $1.500000000e+00, v25  }
0x2a8: {  	v27 =	vmul.f32 v26, v52  }
0x2a9: {  	v24 =	vmul.f32 v24, v25  }
0x2aa: {  	v53 =	vsub.f32 $1.500000000e+00, v27  }
0x2ab: {  	v21 =	vmul.f32 v24, v21  }
0x2ac: {  	v25 =	vmul.f32 v26, v53  }
0x2ad: {  	v21 =	vmul.f32 v21, v24  }
0x2ae: {  	v23 =	vmul.f32 v25, v23  }
0x2af: {  	v21 =	vsub.f32 $1.500000000e+00, v21  }
0x2b0: {  	v23 =	vmul.f32 v23, v25  }
0x2b1: {  	v12 =	vsub.f32 v12, v20;
	v13 =	vsub.f32 v13, v20;
	v21 =	vmul.f32 v21, v24  }
0x2b2: {  	v14 =	vsub.f32 v14, v20;
	v23 =	vsub.f32 $1.500000000e+00, v23  }
0x2b3: {  	v15 =	vsub.f32 v15, v20;
	v16 =	vsub.f32 v16, v22;
	v24 =	vmul.f32 v21, v4  }
0x2b4: {  	v17 =	vsub.f32 v17, v22;
	v23 =	vmul.f32 v23, v25;
	v54 =	vmul.f32 v21, v5  }
0x2b5: {  	v18 =	vsub.f32 v18, v22;
	v56 =	vmul.f32 v21, v6;
	v12 =	vmul.f32 v24, v12  }
0x2b6: {  	v61 =	vsub.f32 v19, v22;
	v59 =	vmul.f32 v21, v7;
	v13 =	vmul.f32 v54, v13  }
0x2b7: {  	v55 =	vmul.f32 v23, v4;
	v14 =	vmul.f32 v56, v14;
	v12 =	vadd.f32 v12, v8  }
0x2b8: {  	v57 =	vmul.f32 v23, v5;
	v15 =	vmul.f32 v59, v15;
	v13 =	vadd.f32 v13, v9  }
0x2b9: {  	v58 =	vmul.f32 v23, v6;
	v16 =	vmul.f32 v55, v16;
	v14 =	vadd.f32 v14, v10;
	[tilespmem:s4+$0x0] =	vst v12  }
0x2ba: {  	s1 =	sadd.s32 $0x2, s1;
	v62 =	vmul.f32 v23, v7;
	v17 =	vmul.f32 v57, v17;
	v15 =	vadd.f32 v15, v11;
	[tilespmem:s4+$0x10] =	vst v13  }
0x2bb: {  	p1 =	slt.u32 s1, $0x3E;
	v60 =	vmul.f32 v58, v18;
	v16 =	vadd.f32 v16, v8;
	[tilespmem:s4+$0x20] =	vst v14  }
.Ltmp3:
0x2bc: {  	v63 =	vmul.f32 v62, v61;
	v17 =	vadd.f32 v17, v9;
	[tilespmem:s4+$0x30] =	vst v15;
	(pc) =	sbr.rel @p1 .LBB2_9-.Ltmp3, $4  }
0x2bd: {  	v12 =	vadd.f32 v60, v10;
	[tilespmem:s4+$0x40] =	vst v16  }
0x2be: {  	s7 =	sadd.s32 $0x1, s7;
	v13 =	vadd.f32 v63, v11;
	[tilespmem:s4+$0x50] =	vst v17  }
0x2bf: {  	p0 =	seq.s32 s7, $0xC8;
	[tilespmem:s4+$0x60] =	vst v12  }
0x2c0: {  	s7 =	simm.s32 @p0 $0x0;
	s5 =	sadd.s32 $0x100, s5;
	[tilespmem:s4+$0x70] =	vst v13;
	s4 =	sadd.s32 $0x100, s4  }
0x2c1: {  	s31 =	sadd.s32 $0x1, s31  }
0x2c2: {  	p0 =	sne.s32 s31, $0xC  }
.Ltmp4:
0x2c3: {  	s0 =	sadd.s32 s8, s0;
	(pc) =	sbr.rel @p0 .LBB2_2-.Ltmp4, $4  }
0x2c4: {  	s0 =	sshll.u32 s0, $0xA  }
0x2c5: {  	s0 =	sand.u32 $0x1FFFFC00, s0  }
0x2c6: {  	s0 =	sadd.s32 s2, s0  }
0x2c7: {  	[hbm4b:s0+s3] =	stream.linear.scatter [tilespmem:s25], [sflag:$0x6], $0x2000, $0x38;
	[tilespmem:$0x10B80] =	vst v63  }
0x2c8: {  	_ =	swait.ge [sflag:s26], $0x2000  }
0x2c9: {  	[sflag:s26] =	ssyncset.done $0x0  }
0x2ca: {  	[sflag:s26] =	ssyncadd.s32 $0xFFFFE000  }
0x2cb: {  	_ =	swait.ge [sflag:s22], $0x2000  }
0x2cc: {  	s5 =	simm.s32 $0x90;
	s0 =	simm.s32 $0xFFFFFFFE;
	[sflag:s22] =	ssyncset.done $0x0  }
0x2cd: {  	s1 =	simm.s32 $0xCC00;
	s4 =	simm.s32 $0x4C00;
	[sflag:s22] =	ssyncadd.s32 $0xFFFFE000  }
.LBB2_12:
0x2ce: {  	v12 =	vld [tilespmem:s4+$0xFFFFFF80]  }
0x2cf: {  	v13 =	vld [tilespmem:s4+$0xFFFFFF90]  }
0x2d0: {  	v14 =	vld [tilespmem:s4+$0xFFFFFFA0]  }
0x2d1: {  	v15 =	vld [tilespmem:s4+$0xFFFFFFB0]  }
0x2d2: {  	v16 =	vld [tilespmem:s4+$0xFFFFFFC0]  }
0x2d3: {  	v17 =	vld [tilespmem:s4+$0xFFFFFFD0]  }
0x2d4: {  	s7 =	sshll.u32 s5, $0x8;
	v22 =	vld [tilespmem:s4+$0xFFFFFFE0]  }
0x2d5: {  	s5 =	sadd.s32 $0x1, s5;
	v23 =	vld [tilespmem:s4+$0xFFFFFFF0];
	s7 =	sshra.s32 s7, $0x2  }
0x2d6: {  	p0 =	seq.s32 s5, $0xC8;
	v18 =	vld [tilespmem:s7+$0x1900]  }
0x2d7: {  	v19 =	vld [tilespmem:s7+$0x1910];
	s5 =	simm.s32 @p0 $0x0  }
0x2d8: {  	v20 =	vld [tilespmem:s7+$0x1920];
	s18 =	sshll.u32 s5, $0x8  }
0x2d9: {  	v21 =	vld [tilespmem:s7+$0x1930];
	s7 =	sshra.s32 s18, $0x2  }
0x2da: {  	v24 =	vld [tilespmem:s7+$0x1900]  }
0x2db: {  	v25 =	vld [tilespmem:s7+$0x1910]  }
0x2dc: {  	v30 =	vld [tilespmem:s7+$0x1920]  }
0x2dd: {  	v31 =	vld [tilespmem:s7+$0x1930];
	v12 =	vadd.f32 v18, v12;
	v13 =	vadd.f32 v19, v13  }
0x2de: {  	v14 =	vadd.f32 v20, v14;
	v15 =	vadd.f32 v21, v15  }
0x2df: {  	v32 =	vadd.f32 v13, v12  }
0x2e0: {  	v21 =	vadd.f32 v15, v14;
	v26 =	vmul.f32 v12, v12;
	v27 =	vmul.f32 v13, v13  }
0x2e1: {  	v34 =	vmul.f32 v14, v14;
	v16 =	vadd.f32 v24, v16;
	v17 =	vadd.f32 v25, v17  }
0x2e2: {  	v35 =	vmul.f32 v15, v15;
	v18 =	vadd.f32 v30, v22;
	v19 =	vadd.f32 v31, v23  }
0x2e3: {  	v20 =	vadd.f32 v21, v32;
	v33 =	vadd.f32 v27, v26  }
0x2e4: {  	v36 =	vadd.f32 v35, v34;
	v39 =	vmul.f32 v16, v16;
	v40 =	vmul.f32 v17, v17  }
0x2e5: {  	v37 =	vadd.f32 v17, v16;
	v41 =	vmul.f32 v18, v18;
	v28 =	vmul.f32 v19, v19  }
0x2e6: {  	v38 =	vadd.f32 v19, v18;
	v21 =	vadd.f32 v36, v33;
	v42 =	vperm.xlane v20, v0  }
0x2e7: {  	v43 =	vadd.f32 v40, v39;
	v44 =	vadd.f32 v28, v41  }
0x2e8: {  	v23 =	vadd.f32 v38, v37;
	v20 =	vadd.f32 v42, v20;
	v45 =	vperm.xlane v21, v0  }
0x2e9: {  	v24 =	vadd.f32 v44, v43  }
0x2ea: {  	v46 =	vperm.xlane v23, v0;
	v47 =	vperm.xlane v20, v1;
	v21 =	vadd.f32 v45, v21  }
0x2eb: {  	v49 =	vperm.xlane v24, v0  }
0x2ec: {  	v48 =	vadd.f32 v46, v23;
	v20 =	vadd.f32 v47, v20;
	v50 =	vperm.xlane v21, v1  }
0x2ed: {  	v23 =	vadd.f32 v49, v24  }
0x2ee: {  	v51 =	vperm.xlane v48, v1;
	v52 =	vperm.xlane v20, v2;
	v21 =	vadd.f32 v50, v21  }
0x2ef: {  	v53 =	vperm.xlane v23, v1  }
0x2f0: {  	v22 =	vadd.f32 v51, v48;
	v20 =	vadd.f32 v52, v20;
	v54 =	vperm.xlane v21, v2  }
0x2f1: {  	v23 =	vadd.f32 v53, v23  }
0x2f2: {  	v26 =	vperm.xlane v22, v2;
	v55 =	vperm.xlane v20, v3;
	v21 =	vadd.f32 v54, v21  }
0x2f3: {  	v56 =	vperm.xlane v23, v2  }
0x2f4: {  	v22 =	vadd.f32 v26, v22;
	v20 =	vadd.f32 v55, v20;
	v57 =	vperm.xlane v21, v3  }
0x2f5: {  	v23 =	vadd.f32 v56, v23  }
0x2f6: {  	v26 =	vperm.xlane v22, v3;
	v21 =	vadd.f32 v57, v21;
	v20 =	vmul.f32 $1.562500000e-02, v20  }
0x2f7: {  	v24 =	vperm.xlane v23, v3  }
0x2f8: {  	v22 =	vadd.f32 v26, v22;
	v21 =	vmul.f32 $1.562500000e-02, v21;
	v58 =	vmul.f32 v20, v20;
	_ =	sdelay $0x1  }
0x2f9: {  	v23 =	vadd.f32 v24, v23;
	v22 =	vmul.f32 $1.562500000e-02, v22;
	v21 =	vsub.f32 v21, v58;
	_ =	sdelay $0x1  }
0x2fa: {  	v23 =	vmul.f32 $1.562500000e-02, v23;
	v59 =	vmul.f32 v22, v22;
	v21 =	vadd.f32 $9.999999960e-13, v21;
	_ =	sdelay $0x1  }
0x2fb: {  	v23 =	vsub.f32 v23, v59;
	v60 =	vshra.s32 v21, $0x1;
	v21 =	vmul.f32 $5.000000000e-01, v21  }
0x2fc: {  	v24 =	vsub.s32 $0x5F3759DF, v60  }
0x2fd: {  	v23 =	vadd.f32 $9.999999960e-13, v23;
	v61 =	vmul.f32 v24, v21;
	_ =	sdelay $0x1  }
0x2fe: {  	v62 =	vshra.s32 v23, $0x1;
	v23 =	vmul.f32 $5.000000000e-01, v23;
	v25 =	vmul.f32 v24, v61  }
0x2ff: {  	v26 =	vsub.s32 $0x5F3759DF, v62  }
0x300: {  	v63 =	vmul.f32 v26, v23;
	v25 =	vsub.f32 $1.500000000e+00, v25;
	_ =	sdelay $0x1  }
0x301: {  	v27 =	vmul.f32 v26, v63;
	v24 =	vmul.f32 v24, v25;
	_ =	sdelay $0x1  }
0x302: {  	v30 =	vsub.f32 $1.500000000e+00, v27;
	v21 =	vmul.f32 v24, v21;
	_ =	sdelay $0x1  }
0x303: {  	v25 =	vmul.f32 v26, v30;
	v21 =	vmul.f32 v21, v24;
	_ =	sdelay $0x1  }
0x304: {  	v23 =	vmul.f32 v25, v23;
	v21 =	vsub.f32 $1.500000000e+00, v21  }
0x305: {  	v12 =	vsub.f32 v12, v20  }
0x306: {  	v13 =	vsub.f32 v13, v20;
	v23 =	vmul.f32 v23, v25;
	v21 =	vmul.f32 v21, v24  }
0x307: {  	v14 =	vsub.f32 v14, v20;
	v15 =	vsub.f32 v15, v20  }
0x308: {  	v16 =	vsub.f32 v16, v22;
	v23 =	vsub.f32 $1.500000000e+00, v23;
	v24 =	vmul.f32 v21, v4  }
0x309: {  	v17 =	vsub.f32 v17, v22;
	v31 =	vmul.f32 v21, v5;
	v33 =	vmul.f32 v21, v6  }
0x30a: {  	v18 =	vsub.f32 v18, v22;
	v23 =	vmul.f32 v23, v25;
	v12 =	vmul.f32 v24, v12  }
0x30b: {  	v38 =	vsub.f32 v19, v22;
	v36 =	vmul.f32 v21, v7;
	v13 =	vmul.f32 v31, v13  }
0x30c: {  	v14 =	vmul.f32 v33, v14;
	v32 =	vmul.f32 v23, v4;
	v12 =	vadd.f32 v12, v8  }
0x30d: {  	v15 =	vmul.f32 v36, v15;
	v34 =	vmul.f32 v23, v5;
	v13 =	vadd.f32 v13, v9  }
0x30e: {  	v35 =	vmul.f32 v23, v6;
	v14 =	vadd.f32 v14, v10;
	v16 =	vmul.f32 v32, v16;
	[tilespmem:s1+$0xFFFFFF80] =	vst v12  }
0x30f: {  	v39 =	vmul.f32 v23, v7;
	v15 =	vadd.f32 v15, v11;
	v17 =	vmul.f32 v34, v17;
	[tilespmem:s1+$0xFFFFFF90] =	vst v13  }
0x310: {  	v37 =	vmul.f32 v35, v18;
	[tilespmem:s1+$0xFFFFFFA0] =	vst v14;
	v16 =	vadd.f32 v16, v8  }
0x311: {  	v40 =	vmul.f32 v39, v38;
	[tilespmem:s1+$0xFFFFFFB0] =	vst v15;
	v17 =	vadd.f32 v17, v9  }
0x312: {  	v12 =	vadd.f32 v37, v10;
	[tilespmem:s1+$0xFFFFFFC0] =	vst v16  }
0x313: {  	v13 =	vadd.f32 v40, v11;
	[tilespmem:s1+$0xFFFFFFD0] =	vst v17  }
0x314: {  	[tilespmem:s1+$0xFFFFFFE0] =	vst v12  }
0x315: {  	[tilespmem:s1+$0xFFFFFFF0] =	vst v13  }
0x316: {  	v12 =	vld [tilespmem:s4+$0x0]  }
0x317: {  	s5 =	sadd.s32 $0x1, s5;
	v13 =	vld [tilespmem:s4+$0x10]  }
0x318: {  	p0 =	seq.s32 s5, $0xC8;
	v14 =	vld [tilespmem:s4+$0x20]  }
0x319: {  	s5 =	simm.s32 @p0 $0x0;
	v15 =	vld [tilespmem:s4+$0x30]  }
0x31a: {  	s19 =	sshll.u32 s5, $0x8;
	v16 =	vld [tilespmem:s4+$0x40]  }
0x31b: {  	s7 =	sshra.s32 s19, $0x2;
	v17 =	vld [tilespmem:s4+$0x50]  }
0x31c: {  	v41 =	vld [tilespmem:s7+$0x1900]  }
0x31d: {  	s5 =	sadd.s32 $0x1, s5;
	v42 =	vld [tilespmem:s7+$0x1910]  }
0x31e: {  	p0 =	seq.s32 s5, $0xC8;
	v43 =	vld [tilespmem:s7+$0x1920]  }
0x31f: {  	s5 =	simm.s32 @p0 $0x0;
	v44 =	vld [tilespmem:s7+$0x1930]  }
0x320: {  	s31 =	sshll.u32 s5, $0x8;
	v45 =	vld [tilespmem:s4+$0x60]  }
0x321: {  	v46 =	vld [tilespmem:s4+$0x70];
	s7 =	sshra.s32 s31, $0x2  }
0x322: {  	v47 =	vld [tilespmem:s7+$0x1900]  }
0x323: {  	v48 =	vld [tilespmem:s7+$0x1910]  }
0x324: {  	v49 =	vld [tilespmem:s7+$0x1920]  }
0x325: {  	v50 =	vld [tilespmem:s7+$0x1930]  }
0x326: {  	v12 =	vadd.f32 v41, v12  }
0x327: {  	v13 =	vadd.f32 v42, v13;
	v14 =	vadd.f32 v43, v14  }
0x328: {  	v15 =	vadd.f32 v44, v15;
	v16 =	vadd.f32 v47, v16  }
0x329: {  	v17 =	vadd.f32 v48, v17;
	v18 =	vadd.f32 v49, v45  }
0x32a: {  	v19 =	vadd.f32 v50, v46;
	v51 =	vadd.f32 v13, v12  }
0x32b: {  	v21 =	vadd.f32 v15, v14;
	v52 =	vmul.f32 v12, v12;
	v53 =	vmul.f32 v13, v13  }
0x32c: {  	v55 =	vmul.f32 v14, v14;
	v56 =	vmul.f32 v15, v15;
	v58 =	vadd.f32 v17, v16  }
0x32d: {  	v59 =	vadd.f32 v19, v18;
	v60 =	vmul.f32 v16, v16;
	v20 =	vadd.f32 v21, v51  }
0x32e: {  	v61 =	vmul.f32 v17, v17;
	v54 =	vadd.f32 v53, v52;
	v57 =	vadd.f32 v56, v55  }
0x32f: {  	v62 =	vmul.f32 v18, v18;
	v63 =	vmul.f32 v19, v19  }
0x330: {  	v31 =	vadd.f32 v59, v58;
	v21 =	vadd.f32 v57, v54;
	v32 =	vperm.xlane v20, v0  }
0x331: {  	v33 =	vadd.f32 v61, v60;
	v34 =	vadd.f32 v63, v62  }
0x332: {  	v20 =	vadd.f32 v32, v20;
	v35 =	vperm.xlane v21, v0  }
0x333: {  	v24 =	vadd.f32 v34, v33;
	v36 =	vperm.xlane v31, v0  }
0x334: {  	v37 =	vperm.xlane v20, v1;
	v21 =	vadd.f32 v35, v21  }
0x335: {  	v22 =	vadd.f32 v36, v31;
	v38 =	vperm.xlane v24, v0  }
0x336: {  	v20 =	vadd.f32 v37, v20;
	v39 =	vperm.xlane v21, v1  }
0x337: {  	v40 =	vperm.xlane v22, v1;
	v23 =	vadd.f32 v38, v24  }
0x338: {  	v41 =	vperm.xlane v20, v2;
	v21 =	vadd.f32 v39, v21  }
0x339: {  	v22 =	vadd.f32 v40, v22;
	v42 =	vperm.xlane v23, v1  }
0x33a: {  	v20 =	vadd.f32 v41, v20;
	v43 =	vperm.xlane v21, v2  }
0x33b: {  	v26 =	vperm.xlane v22, v2;
	v23 =	vadd.f32 v42, v23  }
0x33c: {  	v44 =	vperm.xlane v20, v3;
	v21 =	vadd.f32 v43, v21  }
0x33d: {  	v22 =	vadd.f32 v26, v22;
	v45 =	vperm.xlane v23, v2  }
0x33e: {  	v20 =	vadd.f32 v44, v20;
	v46 =	vperm.xlane v21, v3  }
0x33f: {  	v26 =	vperm.xlane v22, v3;
	v23 =	vadd.f32 v45, v23  }
0x340: {  	v21 =	vadd.f32 v46, v21;
	v20 =	vmul.f32 $1.562500000e-02, v20  }
0x341: {  	v22 =	vadd.f32 v26, v22;
	v24 =	vperm.xlane v23, v3  }
0x342: {  	v21 =	vmul.f32 $1.562500000e-02, v21;
	v47 =	vmul.f32 v20, v20  }
0x343: {  	v23 =	vadd.f32 v24, v23;
	v22 =	vmul.f32 $1.562500000e-02, v22  }
0x344: {  	v21 =	vsub.f32 v21, v47  }
0x345: {  	v23 =	vmul.f32 $1.562500000e-02, v23;
	v48 =	vmul.f32 v22, v22  }
0x346: {  	v21 =	vadd.f32 $9.999999960e-13, v21  }
0x347: {  	v23 =	vsub.f32 v23, v48  }
0x348: {  	v49 =	vshra.s32 v21, $0x1;
	v21 =	vmul.f32 $5.000000000e-01, v21  }
0x349: {  	v23 =	vadd.f32 $9.999999960e-13, v23;
	v24 =	vsub.s32 $0x5F3759DF, v49  }
0x34a: {  	v50 =	vmul.f32 v24, v21  }
0x34b: {  	v51 =	vshra.s32 v23, $0x1;
	v23 =	vmul.f32 $5.000000000e-01, v23  }
0x34c: {  	v26 =	vsub.s32 $0x5F3759DF, v51;
	v25 =	vmul.f32 v24, v50  }
0x34d: {  	v52 =	vmul.f32 v26, v23  }
0x34e: {  	v25 =	vsub.f32 $1.500000000e+00, v25  }
0x34f: {  	v27 =	vmul.f32 v26, v52  }
0x350: {  	v24 =	vmul.f32 v24, v25  }
0x351: {  	v53 =	vsub.f32 $1.500000000e+00, v27  }
0x352: {  	v21 =	vmul.f32 v24, v21  }
0x353: {  	v25 =	vmul.f32 v26, v53  }
0x354: {  	v21 =	vmul.f32 v21, v24  }
0x355: {  	v23 =	vmul.f32 v25, v23  }
0x356: {  	v21 =	vsub.f32 $1.500000000e+00, v21  }
0x357: {  	v23 =	vmul.f32 v23, v25  }
0x358: {  	v12 =	vsub.f32 v12, v20;
	v13 =	vsub.f32 v13, v20;
	v21 =	vmul.f32 v21, v24  }
0x359: {  	v14 =	vsub.f32 v14, v20;
	v23 =	vsub.f32 $1.500000000e+00, v23  }
0x35a: {  	v15 =	vsub.f32 v15, v20;
	v16 =	vsub.f32 v16, v22;
	v24 =	vmul.f32 v21, v4  }
0x35b: {  	v17 =	vsub.f32 v17, v22;
	v23 =	vmul.f32 v23, v25;
	v54 =	vmul.f32 v21, v5  }
0x35c: {  	v18 =	vsub.f32 v18, v22;
	v56 =	vmul.f32 v21, v6;
	v12 =	vmul.f32 v24, v12  }
0x35d: {  	v61 =	vsub.f32 v19, v22;
	v59 =	vmul.f32 v21, v7;
	v13 =	vmul.f32 v54, v13  }
0x35e: {  	v55 =	vmul.f32 v23, v4;
	v14 =	vmul.f32 v56, v14;
	v12 =	vadd.f32 v12, v8  }
0x35f: {  	v57 =	vmul.f32 v23, v5;
	v15 =	vmul.f32 v59, v15;
	v13 =	vadd.f32 v13, v9  }
0x360: {  	v58 =	vmul.f32 v23, v6;
	v16 =	vmul.f32 v55, v16;
	v14 =	vadd.f32 v14, v10;
	[tilespmem:s1+$0x0] =	vst v12  }
0x361: {  	s0 =	sadd.s32 $0x2, s0;
	v62 =	vmul.f32 v23, v7;
	v17 =	vmul.f32 v57, v17;
	v15 =	vadd.f32 v15, v11;
	[tilespmem:s1+$0x10] =	vst v13  }
0x362: {  	p1 =	slt.u32 s0, $0x3E;
	v60 =	vmul.f32 v58, v18;
	v16 =	vadd.f32 v16, v8;
	[tilespmem:s1+$0x20] =	vst v14  }
.Ltmp5:
0x363: {  	v63 =	vmul.f32 v62, v61;
	v17 =	vadd.f32 v17, v9;
	[tilespmem:s1+$0x30] =	vst v15;
	(pc) =	sbr.rel @p1 .LBB2_12-.Ltmp5, $4  }
0x364: {  	v12 =	vadd.f32 v60, v10;
	[tilespmem:s1+$0x40] =	vst v16  }
0x365: {  	s5 =	sadd.s32 $0x1, s5;
	v13 =	vadd.f32 v63, v11;
	[tilespmem:s1+$0x50] =	vst v17  }
0x366: {  	p0 =	seq.s32 s5, $0xC8;
	[tilespmem:s1+$0x60] =	vst v12  }
0x367: {  	s5 =	simm.s32 @p0 $0x0;
	s4 =	sadd.s32 $0x100, s4;
	[tilespmem:s1+$0x70] =	vst v13;
	s1 =	sadd.s32 $0x100, s1  }
0x368: {  	s0 =	rddreg [dreg:$0x6]  }
0x369: {  	[hbm4b:s0+s3] =	stream.linear.scatter [tilespmem:s23], [sflag:$0x5], $0x2000, $0x38;
	[tilespmem:$0x10B80] =	vst v63  }
0x36a: {  	_ =	swait.ge [sflag:s28], $0x2000  }
0x36b: {  	[sflag:s28] =	ssyncset.done $0x0  }
0x36c: {  	[sflag:s28] =	ssyncadd.s32 $0xFFFFE000  }
0x36d: {  	_ =	swait.ge [sflag:s24], $0x2000  }
0x36e: {  	s5 =	simm.s32 $0x48;
	s1 =	simm.s32 $0xEC00;
	[sflag:s24] =	ssyncset.done $0x0  }
0x36f: {  	s4 =	simm.s32 $0x6C00;
	s0 =	simm.s32 $0xFFFFFFFE;
	[sflag:s24] =	ssyncadd.s32 $0xFFFFE000  }
.LBB2_14:
0x370: {  	v12 =	vld [tilespmem:s4+$0xFFFFFF80]  }
0x371: {  	v13 =	vld [tilespmem:s4+$0xFFFFFF90]  }
0x372: {  	v14 =	vld [tilespmem:s4+$0xFFFFFFA0]  }
0x373: {  	v15 =	vld [tilespmem:s4+$0xFFFFFFB0]  }
0x374: {  	v16 =	vld [tilespmem:s4+$0xFFFFFFC0]  }
0x375: {  	v17 =	vld [tilespmem:s4+$0xFFFFFFD0]  }
0x376: {  	s7 =	sshll.u32 s5, $0x8;
	v22 =	vld [tilespmem:s4+$0xFFFFFFE0]  }
0x377: {  	s5 =	sadd.s32 $0x1, s5;
	v23 =	vld [tilespmem:s4+$0xFFFFFFF0];
	s7 =	sshra.s32 s7, $0x2  }
0x378: {  	p0 =	seq.s32 s5, $0xC8;
	v18 =	vld [tilespmem:s7+$0x1900]  }
0x379: {  	v19 =	vld [tilespmem:s7+$0x1910];
	s5 =	simm.s32 @p0 $0x0  }
0x37a: {  	v20 =	vld [tilespmem:s7+$0x1920];
	s18 =	sshll.u32 s5, $0x8  }
0x37b: {  	v21 =	vld [tilespmem:s7+$0x1930];
	s7 =	sshra.s32 s18, $0x2  }
0x37c: {  	v24 =	vld [tilespmem:s7+$0x1900]  }
0x37d: {  	v25 =	vld [tilespmem:s7+$0x1910]  }
0x37e: {  	v30 =	vld [tilespmem:s7+$0x1920]  }
0x37f: {  	v31 =	vld [tilespmem:s7+$0x1930];
	v12 =	vadd.f32 v18, v12;
	v13 =	vadd.f32 v19, v13  }
0x380: {  	v14 =	vadd.f32 v20, v14;
	v15 =	vadd.f32 v21, v15  }
0x381: {  	v32 =	vadd.f32 v13, v12  }
0x382: {  	v21 =	vadd.f32 v15, v14;
	v26 =	vmul.f32 v12, v12;
	v27 =	vmul.f32 v13, v13  }
0x383: {  	v34 =	vmul.f32 v14, v14;
	v16 =	vadd.f32 v24, v16;
	v17 =	vadd.f32 v25, v17  }
0x384: {  	v35 =	vmul.f32 v15, v15;
	v18 =	vadd.f32 v30, v22;
	v19 =	vadd.f32 v31, v23  }
0x385: {  	v20 =	vadd.f32 v21, v32;
	v33 =	vadd.f32 v27, v26  }
0x386: {  	v36 =	vadd.f32 v35, v34;
	v39 =	vmul.f32 v16, v16;
	v40 =	vmul.f32 v17, v17  }
0x387: {  	v37 =	vadd.f32 v17, v16;
	v41 =	vmul.f32 v18, v18;
	v28 =	vmul.f32 v19, v19  }
0x388: {  	v38 =	vadd.f32 v19, v18;
	v21 =	vadd.f32 v36, v33;
	v42 =	vperm.xlane v20, v0  }
0x389: {  	v43 =	vadd.f32 v40, v39;
	v44 =	vadd.f32 v28, v41  }
0x38a: {  	v23 =	vadd.f32 v38, v37;
	v20 =	vadd.f32 v42, v20;
	v45 =	vperm.xlane v21, v0  }
0x38b: {  	v24 =	vadd.f32 v44, v43  }
0x38c: {  	v46 =	vperm.xlane v23, v0;
	v47 =	vperm.xlane v20, v1;
	v21 =	vadd.f32 v45, v21  }
0x38d: {  	v49 =	vperm.xlane v24, v0  }
0x38e: {  	v48 =	vadd.f32 v46, v23;
	v20 =	vadd.f32 v47, v20;
	v50 =	vperm.xlane v21, v1  }
0x38f: {  	v23 =	vadd.f32 v49, v24  }
0x390: {  	v51 =	vperm.xlane v48, v1;
	v52 =	vperm.xlane v20, v2;
	v21 =	vadd.f32 v50, v21  }
0x391: {  	v53 =	vperm.xlane v23, v1  }
0x392: {  	v22 =	vadd.f32 v51, v48;
	v20 =	vadd.f32 v52, v20;
	v54 =	vperm.xlane v21, v2  }
0x393: {  	v23 =	vadd.f32 v53, v23  }
0x394: {  	v26 =	vperm.xlane v22, v2;
	v55 =	vperm.xlane v20, v3;
	v21 =	vadd.f32 v54, v21  }
0x395: {  	v56 =	vperm.xlane v23, v2  }
0x396: {  	v22 =	vadd.f32 v26, v22;
	v20 =	vadd.f32 v55, v20;
	v57 =	vperm.xlane v21, v3  }
0x397: {  	v23 =	vadd.f32 v56, v23  }
0x398: {  	v26 =	vperm.xlane v22, v3;
	v21 =	vadd.f32 v57, v21;
	v20 =	vmul.f32 $1.562500000e-02, v20  }
0x399: {  	v24 =	vperm.xlane v23, v3  }
0x39a: {  	v22 =	vadd.f32 v26, v22;
	v21 =	vmul.f32 $1.562500000e-02, v21;
	v58 =	vmul.f32 v20, v20;
	_ =	sdelay $0x1  }
0x39b: {  	v23 =	vadd.f32 v24, v23;
	v22 =	vmul.f32 $1.562500000e-02, v22;
	v21 =	vsub.f32 v21, v58;
	_ =	sdelay $0x1  }
0x39c: {  	v23 =	vmul.f32 $1.562500000e-02, v23;
	v59 =	vmul.f32 v22, v22;
	v21 =	vadd.f32 $9.999999960e-13, v21;
	_ =	sdelay $0x1  }
0x39d: {  	v23 =	vsub.f32 v23, v59;
	v60 =	vshra.s32 v21, $0x1;
	v21 =	vmul.f32 $5.000000000e-01, v21  }
0x39e: {  	v24 =	vsub.s32 $0x5F3759DF, v60  }
0x39f: {  	v23 =	vadd.f32 $9.999999960e-13, v23;
	v61 =	vmul.f32 v24, v21;
	_ =	sdelay $0x1  }
0x3a0: {  	v62 =	vshra.s32 v23, $0x1;
	v23 =	vmul.f32 $5.000000000e-01, v23;
	v25 =	vmul.f32 v24, v61  }
0x3a1: {  	v26 =	vsub.s32 $0x5F3759DF, v62  }
0x3a2: {  	v63 =	vmul.f32 v26, v23;
	v25 =	vsub.f32 $1.500000000e+00, v25;
	_ =	sdelay $0x1  }
0x3a3: {  	v27 =	vmul.f32 v26, v63;
	v24 =	vmul.f32 v24, v25;
	_ =	sdelay $0x1  }
0x3a4: {  	v30 =	vsub.f32 $1.500000000e+00, v27;
	v21 =	vmul.f32 v24, v21;
	_ =	sdelay $0x1  }
0x3a5: {  	v25 =	vmul.f32 v26, v30;
	v21 =	vmul.f32 v21, v24;
	_ =	sdelay $0x1  }
0x3a6: {  	v23 =	vmul.f32 v25, v23;
	v21 =	vsub.f32 $1.500000000e+00, v21  }
0x3a7: {  	v12 =	vsub.f32 v12, v20  }
0x3a8: {  	v13 =	vsub.f32 v13, v20;
	v23 =	vmul.f32 v23, v25;
	v21 =	vmul.f32 v21, v24  }
0x3a9: {  	v14 =	vsub.f32 v14, v20;
	v15 =	vsub.f32 v15, v20  }
0x3aa: {  	v16 =	vsub.f32 v16, v22;
	v23 =	vsub.f32 $1.500000000e+00, v23;
	v24 =	vmul.f32 v21, v4  }
0x3ab: {  	v17 =	vsub.f32 v17, v22;
	v31 =	vmul.f32 v21, v5;
	v33 =	vmul.f32 v21, v6  }
0x3ac: {  	v18 =	vsub.f32 v18, v22;
	v23 =	vmul.f32 v23, v25;
	v12 =	vmul.f32 v24, v12  }
0x3ad: {  	v38 =	vsub.f32 v19, v22;
	v36 =	vmul.f32 v21, v7;
	v13 =	vmul.f32 v31, v13  }
0x3ae: {  	v14 =	vmul.f32 v33, v14;
	v32 =	vmul.f32 v23, v4;
	v12 =	vadd.f32 v12, v8  }
0x3af: {  	v15 =	vmul.f32 v36, v15;
	v34 =	vmul.f32 v23, v5;
	v13 =	vadd.f32 v13, v9  }
0x3b0: {  	v35 =	vmul.f32 v23, v6;
	v14 =	vadd.f32 v14, v10;
	v16 =	vmul.f32 v32, v16;
	[tilespmem:s1+$0xFFFFFF80] =	vst v12  }
0x3b1: {  	v39 =	vmul.f32 v23, v7;
	v15 =	vadd.f32 v15, v11;
	v17 =	vmul.f32 v34, v17;
	[tilespmem:s1+$0xFFFFFF90] =	vst v13  }
0x3b2: {  	v37 =	vmul.f32 v35, v18;
	[tilespmem:s1+$0xFFFFFFA0] =	vst v14;
	v16 =	vadd.f32 v16, v8  }
0x3b3: {  	v40 =	vmul.f32 v39, v38;
	[tilespmem:s1+$0xFFFFFFB0] =	vst v15;
	v17 =	vadd.f32 v17, v9  }
0x3b4: {  	v12 =	vadd.f32 v37, v10;
	[tilespmem:s1+$0xFFFFFFC0] =	vst v16  }
0x3b5: {  	v13 =	vadd.f32 v40, v11;
	[tilespmem:s1+$0xFFFFFFD0] =	vst v17  }
0x3b6: {  	[tilespmem:s1+$0xFFFFFFE0] =	vst v12  }
0x3b7: {  	[tilespmem:s1+$0xFFFFFFF0] =	vst v13  }
0x3b8: {  	v12 =	vld [tilespmem:s4+$0x0]  }
0x3b9: {  	s5 =	sadd.s32 $0x1, s5;
	v13 =	vld [tilespmem:s4+$0x10]  }
0x3ba: {  	p0 =	seq.s32 s5, $0xC8;
	v14 =	vld [tilespmem:s4+$0x20]  }
0x3bb: {  	s5 =	simm.s32 @p0 $0x0;
	v15 =	vld [tilespmem:s4+$0x30]  }
0x3bc: {  	s19 =	sshll.u32 s5, $0x8;
	v16 =	vld [tilespmem:s4+$0x40]  }
0x3bd: {  	s7 =	sshra.s32 s19, $0x2;
	v17 =	vld [tilespmem:s4+$0x50]  }
0x3be: {  	v41 =	vld [tilespmem:s7+$0x1900]  }
0x3bf: {  	s5 =	sadd.s32 $0x1, s5;
	v42 =	vld [tilespmem:s7+$0x1910]  }
0x3c0: {  	p0 =	seq.s32 s5, $0xC8;
	v43 =	vld [tilespmem:s7+$0x1920]  }
0x3c1: {  	s5 =	simm.s32 @p0 $0x0;
	v44 =	vld [tilespmem:s7+$0x1930]  }
0x3c2: {  	s31 =	sshll.u32 s5, $0x8;
	v45 =	vld [tilespmem:s4+$0x60]  }
0x3c3: {  	v46 =	vld [tilespmem:s4+$0x70];
	s7 =	sshra.s32 s31, $0x2  }
0x3c4: {  	v47 =	vld [tilespmem:s7+$0x1900]  }
0x3c5: {  	v48 =	vld [tilespmem:s7+$0x1910]  }
0x3c6: {  	v49 =	vld [tilespmem:s7+$0x1920]  }
0x3c7: {  	v50 =	vld [tilespmem:s7+$0x1930]  }
0x3c8: {  	v12 =	vadd.f32 v41, v12  }
0x3c9: {  	v13 =	vadd.f32 v42, v13;
	v14 =	vadd.f32 v43, v14  }
0x3ca: {  	v15 =	vadd.f32 v44, v15;
	v16 =	vadd.f32 v47, v16  }
0x3cb: {  	v17 =	vadd.f32 v48, v17;
	v18 =	vadd.f32 v49, v45  }
0x3cc: {  	v19 =	vadd.f32 v50, v46;
	v51 =	vadd.f32 v13, v12  }
0x3cd: {  	v21 =	vadd.f32 v15, v14;
	v52 =	vmul.f32 v12, v12;
	v53 =	vmul.f32 v13, v13  }
0x3ce: {  	v55 =	vmul.f32 v14, v14;
	v56 =	vmul.f32 v15, v15;
	v58 =	vadd.f32 v17, v16  }
0x3cf: {  	v59 =	vadd.f32 v19, v18;
	v60 =	vmul.f32 v16, v16;
	v20 =	vadd.f32 v21, v51  }
0x3d0: {  	v61 =	vmul.f32 v17, v17;
	v54 =	vadd.f32 v53, v52;
	v57 =	vadd.f32 v56, v55  }
0x3d1: {  	v62 =	vmul.f32 v18, v18;
	v63 =	vmul.f32 v19, v19  }
0x3d2: {  	v31 =	vadd.f32 v59, v58;
	v21 =	vadd.f32 v57, v54;
	v32 =	vperm.xlane v20, v0  }
0x3d3: {  	v33 =	vadd.f32 v61, v60;
	v34 =	vadd.f32 v63, v62  }
0x3d4: {  	v20 =	vadd.f32 v32, v20;
	v35 =	vperm.xlane v21, v0  }
0x3d5: {  	v24 =	vadd.f32 v34, v33;
	v36 =	vperm.xlane v31, v0  }
0x3d6: {  	v37 =	vperm.xlane v20, v1;
	v21 =	vadd.f32 v35, v21  }
0x3d7: {  	v22 =	vadd.f32 v36, v31;
	v38 =	vperm.xlane v24, v0  }
0x3d8: {  	v20 =	vadd.f32 v37, v20;
	v39 =	vperm.xlane v21, v1  }
0x3d9: {  	v40 =	vperm.xlane v22, v1;
	v23 =	vadd.f32 v38, v24  }
0x3da: {  	v41 =	vperm.xlane v20, v2;
	v21 =	vadd.f32 v39, v21  }
0x3db: {  	v22 =	vadd.f32 v40, v22;
	v42 =	vperm.xlane v23, v1  }
0x3dc: {  	v20 =	vadd.f32 v41, v20;
	v43 =	vperm.xlane v21, v2  }
0x3dd: {  	v26 =	vperm.xlane v22, v2;
	v23 =	vadd.f32 v42, v23  }
0x3de: {  	v44 =	vperm.xlane v20, v3;
	v21 =	vadd.f32 v43, v21  }
0x3df: {  	v22 =	vadd.f32 v26, v22;
	v45 =	vperm.xlane v23, v2  }
0x3e0: {  	v20 =	vadd.f32 v44, v20;
	v46 =	vperm.xlane v21, v3  }
0x3e1: {  	v26 =	vperm.xlane v22, v3;
	v23 =	vadd.f32 v45, v23  }
0x3e2: {  	v21 =	vadd.f32 v46, v21;
	v20 =	vmul.f32 $1.562500000e-02, v20  }
0x3e3: {  	v22 =	vadd.f32 v26, v22;
	v24 =	vperm.xlane v23, v3  }
0x3e4: {  	v21 =	vmul.f32 $1.562500000e-02, v21;
	v47 =	vmul.f32 v20, v20  }
0x3e5: {  	v23 =	vadd.f32 v24, v23;
	v22 =	vmul.f32 $1.562500000e-02, v22  }
0x3e6: {  	v21 =	vsub.f32 v21, v47  }
0x3e7: {  	v23 =	vmul.f32 $1.562500000e-02, v23;
	v48 =	vmul.f32 v22, v22  }
0x3e8: {  	v21 =	vadd.f32 $9.999999960e-13, v21  }
0x3e9: {  	v23 =	vsub.f32 v23, v48  }
0x3ea: {  	v49 =	vshra.s32 v21, $0x1;
	v21 =	vmul.f32 $5.000000000e-01, v21  }
0x3eb: {  	v23 =	vadd.f32 $9.999999960e-13, v23;
	v24 =	vsub.s32 $0x5F3759DF, v49  }
0x3ec: {  	v50 =	vmul.f32 v24, v21  }
0x3ed: {  	v51 =	vshra.s32 v23, $0x1;
	v23 =	vmul.f32 $5.000000000e-01, v23  }
0x3ee: {  	v26 =	vsub.s32 $0x5F3759DF, v51;
	v25 =	vmul.f32 v24, v50  }
0x3ef: {  	v52 =	vmul.f32 v26, v23  }
0x3f0: {  	v25 =	vsub.f32 $1.500000000e+00, v25  }
0x3f1: {  	v27 =	vmul.f32 v26, v52  }
0x3f2: {  	v24 =	vmul.f32 v24, v25  }
0x3f3: {  	v53 =	vsub.f32 $1.500000000e+00, v27  }
0x3f4: {  	v21 =	vmul.f32 v24, v21  }
0x3f5: {  	v25 =	vmul.f32 v26, v53  }
0x3f6: {  	v21 =	vmul.f32 v21, v24  }
0x3f7: {  	v23 =	vmul.f32 v25, v23  }
0x3f8: {  	v21 =	vsub.f32 $1.500000000e+00, v21  }
0x3f9: {  	v23 =	vmul.f32 v23, v25  }
0x3fa: {  	v12 =	vsub.f32 v12, v20;
	v13 =	vsub.f32 v13, v20;
	v21 =	vmul.f32 v21, v24  }
0x3fb: {  	v14 =	vsub.f32 v14, v20;
	v23 =	vsub.f32 $1.500000000e+00, v23  }
0x3fc: {  	v15 =	vsub.f32 v15, v20;
	v16 =	vsub.f32 v16, v22;
	v24 =	vmul.f32 v21, v4  }
0x3fd: {  	v17 =	vsub.f32 v17, v22;
	v23 =	vmul.f32 v23, v25;
	v54 =	vmul.f32 v21, v5  }
0x3fe: {  	v18 =	vsub.f32 v18, v22;
	v56 =	vmul.f32 v21, v6;
	v12 =	vmul.f32 v24, v12  }
0x3ff: {  	v61 =	vsub.f32 v19, v22;
	v59 =	vmul.f32 v21, v7;
	v13 =	vmul.f32 v54, v13  }
0x400: {  	v55 =	vmul.f32 v23, v4;
	v14 =	vmul.f32 v56, v14;
	v12 =	vadd.f32 v12, v8  }
0x401: {  	v57 =	vmul.f32 v23, v5;
	v15 =	vmul.f32 v59, v15;
	v13 =	vadd.f32 v13, v9  }
0x402: {  	v58 =	vmul.f32 v23, v6;
	v16 =	vmul.f32 v55, v16;
	v14 =	vadd.f32 v14, v10;
	[tilespmem:s1+$0x0] =	vst v12  }
0x403: {  	s0 =	sadd.s32 $0x2, s0;
	v62 =	vmul.f32 v23, v7;
	v17 =	vmul.f32 v57, v17;
	v15 =	vadd.f32 v15, v11;
	[tilespmem:s1+$0x10] =	vst v13  }
0x404: {  	p1 =	slt.u32 s0, $0x3E;
	v60 =	vmul.f32 v58, v18;
	v16 =	vadd.f32 v16, v8;
	[tilespmem:s1+$0x20] =	vst v14  }
.Ltmp6:
0x405: {  	v63 =	vmul.f32 v62, v61;
	v17 =	vadd.f32 v17, v9;
	[tilespmem:s1+$0x30] =	vst v15;
	(pc) =	sbr.rel @p1 .LBB2_14-.Ltmp6, $4  }
0x406: {  	v12 =	vadd.f32 v60, v10;
	[tilespmem:s1+$0x40] =	vst v16  }
0x407: {  	s5 =	sadd.s32 $0x1, s5;
	v13 =	vadd.f32 v63, v11;
	[tilespmem:s1+$0x50] =	vst v17  }
0x408: {  	p0 =	seq.s32 s5, $0xC8;
	[tilespmem:s1+$0x60] =	vst v12  }
0x409: {  	s5 =	simm.s32 @p0 $0x0;
	s4 =	sadd.s32 $0x100, s4;
	[tilespmem:s1+$0x70] =	vst v13;
	s1 =	sadd.s32 $0x100, s1  }
0x40a: {  	[hbm4b:s10+s3] =	stream.linear.scatter [tilespmem:s25], [sflag:$0x6], $0x2000, $0x38;
	[tilespmem:$0x10B80] =	vst v63  }
0x40b: {  	s30 =	sadd.s32 $0x1, s30  }
0x40c: {  	_ =	swait.ge [sflag:s26], $0x2000;
	p0 =	sne.s32 s30, s11  }
.Ltmp7:
0x40d: {  	[sflag:s26] =	ssyncset.done $0x0;
	(pc) =	sbr.rel @p0 .LBB2_1-.Ltmp7, $4  }
0x40e: {  	[sflag:s26] =	ssyncadd.s32 $0xFFFFE000  }
0x40f: {  	_ =	swait.ge [sflag:s28], $0x2000  }
0x410: {  	[sflag:s28] =	ssyncset.done $0x0  }
0x411: {  	[sflag:s28] =	ssyncadd.s32 $0xFFFFE000  }
0x412: {  	_ =	sfence.sel $0x180000  }
0x413: {  	[bflag:$0x0] =	sbarrier.arrive $0xFFFF  }
0x414: {  	_ =	strace $0x90000047  }
0x415: {  	s0 =	stileid.u32;
	[bflag:$0x2] =	sbarrier.arrive $0xFFFF  }
0x416: {  	p0 =	sne.s32 s0, $0x0;
	s0 =	rddreg [dreg:$0x2]  }
0x417: {  	s0 =	sadd.s32 @!p0 $0x100000, s0  }
0x418: {  	[sflag:s0] =	ssyncadd.tile.s32 @!p0 $0x1;
	_ =	shalt  }
.Lfunc_end2:
_tile_overlayer_lowered:
.L_overlay_start_2:
0x419: {  	(tag) =	ssettag $0x2  }
0x41a: {  	s0 =	rddreg [dreg:$0x0];
	s2 =	stileid.u32  }
0x41b: {  	s1 =	rddreg [dreg:$0x1];
	p0 =	sne.s32 s2, $0x0  }
0x41c: {  	s3 =	rddreg [dreg:$0x2];
	[bflag:$0x3] =	sbarrier.arrive $0xFFFF;
	s2 =	simm.s32 @!p0 $0x1C07  }
0x41d: {  	[timem:s3], [sflag:s2] =	dma.local @!p0 [hbm:s0], s1  }
0x41e: {  	s0 =	simm.s32 @!p0 $0x7  }
0x41f: {  	_ =	swait.ge @!p0 [sflag:s0], s1  }
0x420: {  	s1 =	ssub.s32 @!p0 $0x0, s1;
	[sflag:s0] =	ssyncset.done @!p0 $0x0  }
0x421: {  	[sflag:s0] =	ssyncadd.s32 @!p0 s1  }
0x422: {  	[bflag:$0x3] =	sbarrier.arrive $0xFFFF  }
0x423: {  	_ =	shalt  }

// kernel: sparse-core-data-format-call.cloned.1.call-start
scs
called_computation_lowered:
.L_overlay_start_0:
0x0: {  	s2 =	sld [smem:$0x3FD9]  }
0x1: {  	s3 =	sld [smem:$0x3FFE];
	_ =	sdelay $0x1  }
0x2: {  	s1 =	srdreg.scid  }
0x3: {  	s0 =	sand.u32 $0x1, s1  }
0x4: {  	s18 =	sshll.u32 s0, $0xA;
	s2 =	sadd.s32 s3, s2  }
0x5: {  	s2 =	sadd.s32 s2, s18  }
0x6: {  	[smem:$0x3FC2] =	sst s2  }
0x7: {  	_ = 	snop  }
0x8: {  	s2 =	sld [smem:$0x3FD0];
	(tm) =	ssettm $0x1  }
0x9: {  	s19 =	sld [smem:$0x3FFB];
	_ =	sdelay $0x3  }
0xa: {  	_ =	strace s19  }
0xb: {  	s3 =	sld [smem:$0x3FFC];
	_ =	sdelay $0x3  }
0xc: {  	_ =	strace s3  }
0xd: {  	s3 =	sld [smem:$0x3FFD];
	_ =	sdelay $0x3  }
0xe: {  	_ =	strace s3  }
0xf: {  	_ =	strace $0x8FFFFFFF  }
0x10: {  	s20 =	sld [smem:$0x3FDB];
	_ =	sdelay $0x1  }
0x11: {  	s4 =	simm.s32 $_scs_section_size  }
0x12: {  	s5 =	simm.s32 $_size__tile_overlayer_lowered;
	s6 =	simm.s32 $_tile_overlayer_lowered  }
0x13: {  	s23 =	simm.s32 $0x1BFF;
	s22 =	sshll.u32 s6, $0x1;
	s3 =	sadd.s32 s4, s20  }
0x14: {  	s7 =	simm.s32 $0x0;
	s21 =	sshll.u32 s5, $0x1;
	s5 =	sadd.s32 s22, s3  }
0x15: {  	[timem:s7], [sflag:s23] =	dma.local [hbm:s5], s21  }
0x16: {  	_ =	swait.ge [sflag:s23], s21  }
0x17: {  	s4 =	ssub.s32 $0x0, s21;
	[sflag:s23] =	ssyncset.done $0x0  }
0x18: {  	[sflag:s23] =	ssyncadd.s32 s4;
	_ =	sdelay $0x1  }
0x19: {  	s24 =	simm.s32 $0x1B8B  }
0x1a: {  	_ =	swait.ge [sflag:s24], $0x1  }
0x1b: {  	[sflag:s24] =	ssyncset.done $0x0  }
0x1c: {  	s26 =	simm.s32 $0x1B8E;
	s25 =	sld [smem:$0x3FFE];
	[sflag:s24] =	ssyncadd.s32 $0xFFFFFFFF  }
0x1d: {  	s27 =	simm.s32 $execute0_lowered;
	[smem:$0x3FD2] =	sst s26  }
0x1e: {  	s5 =	sshll.u32 s27, $0x1;
	_ =	strace $0x80000049;
	[dreg:$0x1] =	wrdreg $0xFFFFFFFF  }
0x1f: {  	s28 =	simm.s32 $_size_execute0_lowered;
	s3 =	sadd.s32 s3, s5;
	[dreg:$0x0] =	wrdreg $0x0  }
0x20: {  	s5 =	sshll.u32 s28, $0x1;
	[dreg:$0x2] =	wrdreg s3  }
0x21: {  	[dreg:$0x3] =	wrdreg s5  }
0x22: {  	[dreg:$0x4] =	wrdreg $0xC0  }
0x23: {  	_ =	task [dreg:s7], $0x5FFFF  }
0x24: {  	[dreg:$0x1] =	wrdreg $0xFFFFFFFF  }
0x25: {  	[dreg:$0x0] =	wrdreg $0x60  }
0x26: {  	[dreg:$0x2] =	wrdreg s25  }
0x27: {  	[dreg:$0x3] =	wrdreg s2  }
0x28: {  	[dreg:$0x4] =	wrdreg $0x9  }
0x29: {  	_ =	task.clear_ibuf [dreg:s7], $0x5FFFF;
	_ =	strace $0x90000049  }
0x2a: {  	s29 =	simm.s32 $0x9;
	_ =	strace $0x8000004B  }
0x2b: {  	_ =	swait.ge [sflag:s29], $0x1  }
0x2c: {  	[sflag:s29] =	ssyncadd.s32 $0xFFFFFFFF  }
0x2d: {  	_ =	strace $0x9000004B  }
0x2e: {  	_ =	sfence  }
0x2f: {  	s30 =	sld [smem:$0x0];
	_ =	sdelay $0x2  }
0x30: {  	s31 =	sshll.u32 s1, $0xD;
	s1 =	sshrl.u32 s1, $0x2  }
0x31: {  	s3 =	sand.u32 $0x4000, s31;
	s1 =	sadd.s32 s1, s30  }
0x32: {  	s0 =	sor.u32 s3, s0;
	s1 =	sshll.u32 s1, $0x11  }
0x33: {  	s0 =	sor.u32 s1, s0  }
0x34: {  	s0 =	sadd.s32 $0x8F2B, s0  }
0x35: {  	[sflag:s0] =	ssyncadd.remote.s32 $0x1  }
0x36: {  	_ =	sfence.sel $0xFFFF  }
0x37: {  	[dreg:$0x0] =	wrdreg $0xFFFFFFFF;
	(pc) =	sbr.abs _section_cstart, $3  }
0x38: {  	[dreg:$0x1] =	wrdreg $0xFFFFFFFF  }
0x39: {  	_ =	task.clear_ibuf [dreg:s7], $0x2FFFF;
	_ =	strace $0x9FFFFFFF  }
0x3a: {  	(tm) =	ssettm $0x7FFFFFFF  }
0x3b: {  	_ =	shalt  }
tec
execute0_lowered:
.L_overlay_start_1:
0x0: {  	(tag) =	ssettag $0x1  }
0x1: {  	s0 =	stileid.u32;
	s6 =	rddreg [dreg:$0x0]  }
0x2: {  	s2 =	rddreg [dreg:$0x1];
	s5 =	srdreg.scid  }
0x3: {  	s31 =	simm.s32 $0x2;
	s13 =	simm.s32 $0x0;
	s1 =	sshll.u32 s0, $0x7  }
0x4: {  	s14 =	simm.s32 $0x0;
	s12 =	simm.s32 $0x0;
	s3 =	sand.u32 $0x380, s1  }
0x5: {  	s5 =	sshll.u32 s5, $0x4;
	s6 =	sadd.s32 $0x800, s6;
	s4 =	ssub.s32 $0x400, s3  }
0x6: {  	s1 =	rddreg [dreg:$0x2];
	_ =	strace $0x8000004A;
	s7 =	sand.u32 $0x380, s4  }
0x7: {  	s5 =	sand.u32 $0x10, s5;
	p0 =	sne.s32 s7, $0x0;
	s7 =	simm.s32 $0x1  }
.Ltmp0:
0x8: {  	s8 =	sshrl.u32 s4, $0xA;
	s7 =	simm.s32 @!p0 $0x0;
	(pc) =	sbr.rel .LBB1_1-.Ltmp0, $4  }
0x9: {  	s9 =	sor.u32 s0, s5;
	s4 =	simm.s32 $0x1;
	s30 =	sadd.s32 s7, s8  }
0xa: {  	s11 =	smov.u32 s3;
	[sflag:s4] =	ssyncpa.u1 $0x0;
	s5 =	smul.u32 $0x32, s30  }
0xb: {  	[sflag:s31] =	ssyncpa.u1 $0x0;
	p0 =	por $0x0, $0x0;
	s7 =	sshrl.u32 s9, $0x3  }
0xc: {  	s9 =	simm.s32 $0x2000;
	s10 =	smov.u32 s7;
	s8 =	sor.u32 $0x1, s5  }
.LBB1_4:
0xd: {  	s17 =	sand.u32 $0x1F80, s14;
	s13 =	sshll.u32 s13, $0xD  }
0xe: {  	[tilespmem:s16+$0x810 ss:$0x81] =	vst.msk $0xffff, v2;
	s18 =	sshrl.u32 s14, $0x3;
	s31 =	sand.u32 $0x7, s14;
	s17 =	sadd.s32 s2, s17  }
0xf: {  	[tilespmem:s16+$0x1020 ss:$0x81] =	vst.msk $0xffff, v0;
	s18 =	sand.u32 $0xF, s18;
	s14 =	sshll.u32 s31, $0x12;
	s13 =	sadd.s32 s13, s17  }
0x10: {  	[tilespmem:s16+$0x0 ss:$0x81] =	vst.msk $0xffff, v1;
	s14 =	sor.u32 $0x400, s14;
	s13 =	sadd.s32 s18, s13  }
0x11: {  	[hbm4b:s13+s14] =	stream.strided.scatter [tilespmem:s15], [sflag:$0x2], $0x2000, s9, s14, $0x20;
	[tilespmem:$0x8080] =	vst v63  }
.LBB1_5:
0x12: {  	s15 =	sadd.s32 $0x4, s10  }
0x13: {  	s13 =	sadd.s32 $0x400, s11;
	s17 =	smov.u32 s11;
	p2 =	sgt.s32 s15, $0xC7  }
0x14: {  	s17 =	smov.u32 @p2 s13  }
0x15: {  	s15 =	smov.u32 @p2 s7;
	p2 =	sgt.s32 s17, $0x3FF  }
0x16: {  	s17 =	smov.u32 @p2 s3;
	p2 =	sne.s32 s12, s8  }
.Ltmp1:
0x17: {  	p1 =	slt.u32 s12, $0x2;
	(pc) =	sbr.rel @!p2 .LBB1_6-.Ltmp1, $4  }
0x18: {  	s16 =	simm.s32 @!p1 $0x2  }
0x19: {  	s14 =	smov.u32 s11;
	p0 =	por !p0, !p0;
	_ =	swait.ge @!p1 [sflag:s16], $0x2000  }
0x1a: {  	s13 =	smov.u32 s10;
	[sflag:s16] =	ssyncset.done @!p1 $0x0;
	s10 =	smov.u32 s15  }
0x1b: {  	s12 =	sadd.s32 $0x1, s12;
	[sflag:s16] =	ssyncadd.s32 @!p1 $0xFFFFE000;
	s11 =	smov.u32 s17  }
.LBB1_1:
0x1c: {  	p1 =	sge.u32 s12, s5  }
0x1d: {  	s15 =	sand.u32 @!p1 $0x1FFFFFF, s10  }
0x1e: {  	s16 =	smulhi.u32 @!p1 $0x147AE15, s15;
	_ =	sdelay $0x1  }
0x1f: {  	s16 =	smul.u32 @!p1 $0xC8, s16  }
0x20: {  	s17 =	sxor.u32 @!p1 $0xFFFFFFFF, s12;
	s18 =	smul.u32 @!p1 $0xC80, s11  }
0x21: {  	s31 =	sadd.s32 $0xFFFFFFFF, s12;
	s17 =	sshll.u32 @!p1 s17, $0xD;
	s15 =	ssub.s32 @!p1 s15, s16  }
0x22: {  	s16 =	sand.u32 @!p1 $0x2000, s17;
	s17 =	sadd.s32 @!p1 s6, s18;
	s15 =	sshll.u32 @!p1 s15, $0x4  }
0x23: {  	s18 =	simm.s32 @!p1 $0x6400;
	s15 =	sadd.s32 @!p1 s15, s17;
	s17 =	simm.s32 @!p1 $0x40  }
0x24: {  	[tilespmem:s16], [sflag:$0x1] =	stream.strided.gather @!p1 [hbm4b:s15+s17], $0x2000, s18, s17, $0x38;
	[tilespmem:$0x8080] =	vst v63  }
0x25: {  	p1 =	sge.u32 s31, s5  }
.Ltmp2:
0x26: {  	_ = 	snop;
	(pc) =	sbr.rel @p1 .LBB1_5-.Ltmp2, $1  }
0x27: {  	_ =	sdelay $0x3  }
0x28: {  	s15 =	simm.s32 $0x1  }
0x29: {  	_ =	swait.ge [sflag:s4], $0x2000;
	s15 =	simm.s32 @!p0 $0x0  }
0x2a: {  	[sflag:s4] =	ssyncset.done $0x0;
	s16 =	sshll.u32 s15, $0xD  }
0x2b: {  	[sflag:s4] =	ssyncadd.s32 $0xFFFFE000;
	s19 =	sor.u32 $0x20, s16  }
0x2c: {  	s15 =	smul.u32 $0x8100, s15;
	v3 =	vld [tilespmem:s19+$0x10]  }
0x2d: {  	s30 =	sand.u32 $0x1, s12;
	v2 =	vld [tilespmem:s19+$0xFFFFFFF0]  }
0x2e: {  	s16 =	smul.u32 $0x8100, s30;
	s15 =	sshrl.u32 s15, $0x2;
	v0 =	vld [tilespmem:s19+$0x0]  }
0x2f: {  	v1 =	vld [tilespmem:s19+$0xFFFFFFE0];
	s17 =	sor.u32 $0x4000, s15  }
0x30: {  	s31 =	sshrl.u32 s16, $0x2;
	s16 =	sadd.s32 $0x0, s17  }
0x31: {  	s18 =	simm.s32 $0x4;
	s19 =	sadd.s32 $0x40, s19;
	s15 =	sor.u32 $0x4000, s31;
	[tilespmem:s16+$0x1830 ss:$0x81] =	vst.msk $0xffff, v3  }
.LBB1_3:
0x32: {  	v3 =	vld [tilespmem:s19+$0x10];
	p1 =	sne.s32 s18, $0x1FC;
	[tilespmem:s16+$0x810 ss:$0x81] =	vst.msk $0xffff, v2;
	s20 =	smov.u32 s18;
	s18 =	sadd.s32 $0x4, s18  }
.Ltmp3:
0x33: {  	v2 =	vld [tilespmem:s19+$0xFFFFFFF0];
	[tilespmem:s16+$0x1020 ss:$0x81] =	vst.msk $0xffff, v0;
	(pc) =	sbr.rel @p1 .LBB1_3-.Ltmp3, $4  }
0x34: {  	v0 =	vld [tilespmem:s19+$0x0];
	[tilespmem:s16+$0x0 ss:$0x81] =	vst.msk $0xffff, v1  }
0x35: {  	s16 =	sshra.s32 s20, $0x2;
	v1 =	vld [tilespmem:s19+$0xFFFFFFE0]  }
0x36: {  	s16 =	sadd.s32 s16, s17  }
0x37: {  	s19 =	sadd.s32 $0x40, s19;
	[tilespmem:s16+$0x1830 ss:$0x81] =	vst.msk $0xffff, v3  }
.Ltmp4:
0x38: {  	_ = 	snop;
	(pc) =	sbr.rel .LBB1_4-.Ltmp4, $1  }
0x39: {  	_ =	sdelay $0x3  }
.LBB1_6:
0x3a: {  	_ =	sfence.sel $0x180000  }
0x3b: {  	s2 =	simm.s32 $0x1;
	[bflag:$0x0] =	sbarrier.arrive $0xFFFF  }
0x3c: {  	s31 =	simm.s32 $0x2;
	[sflag:s2] =	ssyncpa.u1 $0x1  }
0x3d: {  	[sflag:s31] =	ssyncpa.u1 $0x1  }
0x3e: {  	p0 =	sne.s32 s0, $0x0;
	_ =	strace $0x9000004A  }
0x3f: {  	s0 =	sadd.s32 @!p0 $0x100000, s1;
	[bflag:$0x2] =	sbarrier.arrive $0xFFFF  }
0x40: {  	[sflag:s0] =	ssyncadd.tile.s32 @!p0 $0x1;
	_ =	shalt  }
.Lfunc_end1:
_tile_overlayer_lowered:
.L_overlay_start_2:
0x41: {  	(tag) =	ssettag $0x2  }
0x42: {  	s0 =	rddreg [dreg:$0x0];
	s2 =	stileid.u32  }
0x43: {  	s1 =	rddreg [dreg:$0x1];
	p0 =	sne.s32 s2, $0x0  }
0x44: {  	s3 =	rddreg [dreg:$0x2];
	[bflag:$0x3] =	sbarrier.arrive $0xFFFF;
	s2 =	simm.s32 @!p0 $0x1C01  }
0x45: {  	[timem:s3], [sflag:s2] =	dma.local @!p0 [hbm:s0], s1  }
0x46: {  	s0 =	simm.s32 @!p0 $0x1  }
0x47: {  	_ =	swait.ge @!p0 [sflag:s0], s1  }
0x48: {  	s1 =	ssub.s32 @!p0 $0x0, s1;
	[sflag:s0] =	ssyncset.done @!p0 $0x0  }
0x49: {  	[sflag:s0] =	ssyncadd.s32 @!p0 s1  }
0x4a: {  	[bflag:$0x3] =	sbarrier.arrive $0xFFFF  }
0x4b: {  	_ =	shalt  }

</sc_bundles>
